<compile_context>
chip_gen: v7x
topology: tpu7x:2x2x1
jax: 0.10.2.dev20260603
libtpu: 0.0.44.dev20260713+nightly
codegen_flags: <defaults>
</compile_context>

<pallas_src>
import functools

import jax
import jax.numpy as jnp
from jax import lax
from jax.experimental import pallas as pl
from jax.experimental.pallas import tpu as pltpu
from jax.experimental.pallas import tpu_sc as plsc

N = 10000
E = 320000
IN_DIM = 128
HID = 64

NC = 2
NS = 16
NW = NC * NS
EPT = E // NW
CW = 125
CR = 80
EPTP = CR * CW
ACC_ROWS = N + 16
RPT = N // NS
ZROWS = 125
DEG_W = 16
NB = 8

BLK = 2000
GRID = N // BLK


def _fill_vmem(ref, rows, width, value):
    def row(i, _):
        def col(j, _):
            ref[i, pl.ds(j * 16, 16)] = jnp.full((16,), value, jnp.float32)
            return 0
        return lax.fori_loop(0, width // 16, col, 0)
    lax.fori_loop(0, rows, row, 0)


def _init_acc(zbuf_v, acc_sh, sid, width):
    _fill_vmem(zbuf_v, ZROWS, width, 0.0)
    for k in range(RPT // ZROWS):
        pltpu.sync_copy(zbuf_v, acc_sh.at[pl.ds(sid * RPT + k * ZROWS, ZROWS)])


def _sc_degree(dst3d):
    mesh = plsc.VectorSubcoreMesh(core_axis_name="c", subcore_axis_name="s")

    @functools.partial(
        pl.kernel,
        mesh=mesh,
        out_type=jax.ShapeDtypeStruct((NW, RPT, DEG_W), jnp.float32),
        compiler_params=pltpu.CompilerParams(use_tc_tiling_on_sc=False),
        scratch_types=[
            pltpu.VMEM((CR, CW), jnp.int32),
            pltpu.VMEM((CW, DEG_W), jnp.float32),
            pltpu.VMEM((ZROWS, DEG_W), jnp.float32),
            pltpu.VMEM_SHARED((ACC_ROWS, DEG_W), jnp.float32),
            pltpu.SemaphoreType.DMA,
            pltpu.SemaphoreType.DMA,
        ],
    )
    def k(dst_hbm, out_hbm, dst_v, ones_v, zbuf_v, acc_sh, sem, isem):
        cid = lax.axis_index("c")
        sid = lax.axis_index("s")
        wid = cid * NS + sid

        pltpu.async_copy(dst_hbm.at[wid], dst_v, isem)
        _fill_vmem(ones_v, CW, DEG_W, 1.0)
        _init_acc(zbuf_v, acc_sh, sid, DEG_W)
        pltpu.make_async_copy(dst_hbm.at[wid], dst_v, isem).wait()
        plsc.subcore_barrier()

        def body(j, _):
            pltpu.async_copy(ones_v, acc_sh.at[dst_v.at[j]], sem, add=True)

            @pl.when(j >= 8)
            def _():
                pltpu.make_async_copy(ones_v, acc_sh.at[dst_v.at[j]],
                                      sem).wait()
            return 0
        lax.fori_loop(0, CR, body, 0)
        for j in range(8):
            pltpu.make_async_copy(ones_v, acc_sh.at[dst_v.at[j]], sem).wait()

        plsc.subcore_barrier()
        pltpu.sync_copy(acc_sh.at[pl.ds(sid * RPT, RPT)], out_hbm.at[wid])

    return k(dst3d)


def _sc_scatter(src3d, dst3d, y):
    mesh = plsc.VectorSubcoreMesh(core_axis_name="c", subcore_axis_name="s")

    @functools.partial(
        pl.kernel,
        mesh=mesh,
        out_type=jax.ShapeDtypeStruct((NW, RPT, HID), jnp.float32),
        compiler_params=pltpu.CompilerParams(use_tc_tiling_on_sc=False),
        scratch_types=[
            pltpu.VMEM((CR, CW), jnp.int32),
            pltpu.VMEM((CR, CW), jnp.int32),
        ]
        + [pltpu.VMEM((CW, HID), jnp.float32) for _ in range(NB)]
        + [pltpu.VMEM_SHARED((ACC_ROWS, HID), jnp.float32)]
        + [pltpu.SemaphoreType.DMA for _ in range(2 * NB + 1)],
    )
    def k(src_hbm, dst_hbm, y_hbm, out_hbm, src_v, dst_v, *rest):
        rows = rest[:NB]
        acc_sh = rest[NB]
        gsem = rest[NB + 1:NB + 1 + NB]
        ssem = rest[NB + 1 + NB:NB + 1 + 2 * NB]
        isem = rest[NB + 1 + 2 * NB]

        cid = lax.axis_index("c")
        sid = lax.axis_index("s")
        wid = cid * NS + sid

        pltpu.async_copy(src_hbm.at[wid], src_v, isem)
        pltpu.async_copy(dst_hbm.at[wid], dst_v, isem)
        _fill_vmem(rows[NB - 1], ZROWS, HID, 0.0)
        pltpu.make_async_copy(src_hbm.at[wid], src_v, isem).wait()
        pltpu.make_async_copy(dst_hbm.at[wid], dst_v, isem).wait()

        for b in range(NB - 1):
            pltpu.async_copy(y_hbm.at[src_v.at[b]], rows[b], gsem[b])
        for kk in range(RPT // ZROWS):
            pltpu.sync_copy(rows[NB - 1],
                            acc_sh.at[pl.ds(sid * RPT + kk * ZROWS, ZROWS)])
        pltpu.async_copy(y_hbm.at[src_v.at[NB - 1]], rows[NB - 1],
                         gsem[NB - 1])
        plsc.subcore_barrier()

        n_outer = CR // NB

        def outer(i, _):
            base = i * NB
            for b in range(NB):
                j = base + b
                pltpu.make_async_copy(y_hbm.at[src_v.at[j]], rows[b],
                                      gsem[b]).wait()
                pltpu.async_copy(rows[b], acc_sh.at[dst_v.at[j]], ssem[b],
                                 add=True)
            for b in range(NB):
                j = base + b

                @pl.when(i < n_outer - 1)
                def _():
                    pltpu.make_async_copy(rows[b], acc_sh.at[dst_v.at[j]],
                                          ssem[b]).wait()
                    pltpu.async_copy(y_hbm.at[src_v.at[j + NB]], rows[b],
                                     gsem[b])
            return 0

        lax.fori_loop(0, n_outer, outer, 0)
        for b in range(NB):
            j = CR - NB + b
            pltpu.make_async_copy(rows[b], acc_sh.at[dst_v.at[j]],
                                  ssem[b]).wait()

        plsc.subcore_barrier()
        pltpu.sync_copy(acc_sh.at[pl.ds(sid * RPT, RPT)], out_hbm.at[wid])

    return k(src3d, dst3d, y)


def _dis_block(d0_ref, d1_ref):
    deg = d0_ref[:, 0:1] + d1_ref[:, 0:1] + 1.0
    return lax.rsqrt(deg)


def _tc_first(x, W0, degparts):
    def body(x_ref, w_ref, d0_ref, d1_ref, y_ref):
        dis = _dis_block(d0_ref, d1_ref)
        xw = jnp.dot(x_ref[...], w_ref[...], preferred_element_type=jnp.float32)
        y_ref[...] = xw * dis

    return pl.pallas_call(
        body,
        grid=(GRID,),
        in_specs=[
            pl.BlockSpec((BLK, IN_DIM), lambda i: (i, 0)),
            pl.BlockSpec((IN_DIM, HID), lambda i: (0, 0)),
            pl.BlockSpec((BLK, DEG_W), lambda i: (i, 0)),
            pl.BlockSpec((BLK, DEG_W), lambda i: (i + GRID, 0)),
        ],
        out_specs=pl.BlockSpec((BLK, HID), lambda i: (i, 0)),
        out_shape=jax.ShapeDtypeStruct((N, HID), jnp.float32),
    )(x, W0, degparts, degparts)


def _tc_mid(zp, y, degparts, b, Wn):
    def body(z0_ref, z1_ref, y_ref, d0_ref, d1_ref, b_ref, w_ref, o_ref):
        dis = _dis_block(d0_ref, d1_ref)
        z = z0_ref[...] + z1_ref[...] + y_ref[...]
        h = jnp.maximum(z * dis + b_ref[...], 0.0)
        o_ref[...] = jnp.dot(h, w_ref[...], preferred_element_type=jnp.float32) * dis

    return pl.pallas_call(
        body,
        grid=(GRID,),
        in_specs=[
            pl.BlockSpec((BLK, HID), lambda i: (i, 0)),
            pl.BlockSpec((BLK, HID), lambda i: (i + GRID, 0)),
            pl.BlockSpec((BLK, HID), lambda i: (i, 0)),
            pl.BlockSpec((BLK, DEG_W), lambda i: (i, 0)),
            pl.BlockSpec((BLK, DEG_W), lambda i: (i + GRID, 0)),
            pl.BlockSpec((1, HID), lambda i: (0, 0)),
            pl.BlockSpec((HID, HID), lambda i: (0, 0)),
        ],
        out_specs=pl.BlockSpec((BLK, HID), lambda i: (i, 0)),
        out_shape=jax.ShapeDtypeStruct((N, HID), jnp.float32),
    )(zp, zp, y, degparts, degparts, b, Wn)


def _tc_final(zp, y, degparts, b):
    def body(z0_ref, z1_ref, y_ref, d0_ref, d1_ref, b_ref, o_ref):
        dis = _dis_block(d0_ref, d1_ref)
        z = z0_ref[...] + z1_ref[...] + y_ref[...]
        o_ref[...] = z * dis + b_ref[...]

    return pl.pallas_call(
        body,
        grid=(GRID,),
        in_specs=[
            pl.BlockSpec((BLK, HID), lambda i: (i, 0)),
            pl.BlockSpec((BLK, HID), lambda i: (i + GRID, 0)),
            pl.BlockSpec((BLK, HID), lambda i: (i, 0)),
            pl.BlockSpec((BLK, DEG_W), lambda i: (i, 0)),
            pl.BlockSpec((BLK, DEG_W), lambda i: (i + GRID, 0)),
            pl.BlockSpec((1, HID), lambda i: (0, 0)),
        ],
        out_specs=pl.BlockSpec((BLK, HID), lambda i: (i, 0)),
        out_shape=jax.ShapeDtypeStruct((N, HID), jnp.float32),
    )(zp, zp, y, degparts, degparts, b)


def kernel(x, edge_index, W0, b0, W1, b1, W2, b2):
    ei = edge_index.astype(jnp.int32)
    if EPTP > EPT:
        pad_src = jnp.zeros((NW, EPTP - EPT), jnp.int32)
        pad_dst = jnp.broadcast_to(
            N + (jnp.arange(EPTP - EPT, dtype=jnp.int32) % 16),
            (NW, EPTP - EPT))
        src3d = jnp.concatenate([ei[0].reshape(NW, EPT), pad_src], 1)
        dst3d = jnp.concatenate([ei[1].reshape(NW, EPT), pad_dst], 1)
    else:
        src3d, dst3d = ei[0], ei[1]
    src3d = src3d.reshape(NW, CR, CW)
    dst3d = dst3d.reshape(NW, CR, CW)

    degparts = _sc_degree(dst3d).reshape(NW * RPT, DEG_W)
    y = _tc_first(x, W0, degparts)
    zp = _sc_scatter(src3d, dst3d, y).reshape(NW * RPT, HID)
    y = _tc_mid(zp, y, degparts, b0.reshape(1, -1), W1)
    zp = _sc_scatter(src3d, dst3d, y).reshape(NW * RPT, HID)
    y = _tc_mid(zp, y, degparts, b1.reshape(1, -1), W2)
    zp = _sc_scatter(src3d, dst3d, y).reshape(NW * RPT, HID)
    out = _tc_final(zp, y, degparts, b2.reshape(1, -1))
    return out

# --- scband reference (transcript-rebuilt; emitter-appended) ---
"""Pipeline reference for scband-gcnencoder-27212912787783 (READ-ONLY COPY).

The authoritative reference and input builder live on the scoring server;
editing this copy changes nothing except your own understanding.
"""

import jax, jax.numpy as jnp
import numpy as np

N_NODES = 10000
N_EDGES = 320000
IN_DIM = 128
HID = 64
OUT = 64


def gcn_conv(x, src, dst, W, b, num_nodes):
    # x: [N, d_in], src/dst: [E+N] (self-loops already appended)
    deg = jnp.zeros((num_nodes,), dtype=x.dtype).at[dst].add(1.0)
    deg_inv_sqrt = jax.lax.rsqrt(deg)  # deg >= 1 due to self-loops
    norm = deg_inv_sqrt[src] * deg_inv_sqrt[dst]
    xw = x @ W
    msg = xw[src] * norm[:, None]
    out = jnp.zeros((num_nodes, W.shape[1]), dtype=xw.dtype).at[dst].add(msg)
    return out + b


def setup_inputs(seed: int = 0) -> dict:
    key = jax.random.key(seed)
    k_x, k_e, k0, k1, k2 = jax.random.split(key, 5)
    x = jax.random.normal(k_x, (N_NODES, IN_DIM), dtype=jnp.float32)
    edge_index = jax.random.randint(k_e, (2, N_EDGES), 0, N_NODES, dtype=jnp.int64)
    W0 = jax.random.normal(k0, (IN_DIM, HID), dtype=jnp.float32) * (1.0 / np.sqrt(IN_DIM))
    b0 = jnp.zeros((HID,), dtype=jnp.float32)
    W1 = jax.random.normal(k1, (HID, HID), dtype=jnp.float32) * (1.0 / np.sqrt(HID))
    b1 = jnp.zeros((HID,), dtype=jnp.float32)
    W2 = jax.random.normal(k2, (HID, OUT), dtype=jnp.float32) * (1.0 / np.sqrt(HID))
    b2 = jnp.zeros((OUT,), dtype=jnp.float32)
    return {"x": x, "edge_index": edge_index, "W0": W0, "b0": b0, "W1": W1, "b1": b1, "W2": W2, "b2": b2}


def reference(x, edge_index, W0, b0, W1, b1, W2, b2):
    num_nodes = x.shape[0]
    loop = jnp.arange(num_nodes, dtype=edge_index.dtype)
    src = jnp.concatenate([edge_index[0], loop])
    dst = jnp.concatenate([edge_index[1], loop])
    h = gcn_conv(x, src, dst, W0, b0, num_nodes)
    h = jax.nn.relu(h)
    h = gcn_conv(h, src, dst, W1, b1, num_nodes)
    h = jax.nn.relu(h)
    h = gcn_conv(h, src, dst, W2, b2, num_nodes)
    return h

if __name__ == "__main__":
    import jax
    _d = setup_inputs()
    print(jax.jit(kernel)(*tuple(_d.values())))

</pallas_src>

<mosaic_0001>
#map = affine_map<(d0, d1) -> (0, 0, 0)>
module attributes {stable_mosaic.version = 14 : i64} {
  func.func @k(%arg0: i32, %arg1: i32, %arg2: memref<32x80x125xi32, #tpu.memory_space<hbm>>, %arg3: memref<32x625x16xf32, #tpu.memory_space<hbm>>, %arg4: memref<80x125xi32, #tpu.memory_space<vmem>>, %arg5: memref<125x16xf32, #tpu.memory_space<vmem>>, %arg6: memref<125x16xf32, #tpu.memory_space<vmem>>, %arg7: memref<10016x16xf32, #tpu.memory_space<vmem_shared>>, %arg8: memref<!tpu.dma_semaphore, #tpu.memory_space<semaphore_mem>>, %arg9: memref<!tpu.dma_semaphore, #tpu.memory_space<semaphore_mem>>) attributes {dimension_semantics = [#tpu.dimension_semantics<core_parallel>, #tpu.dimension_semantics<subcore_parallel>], iteration_bounds = array<i64: 2, 16>, scalar_prefetch = 0 : i64, scratch_operands = 6 : i64, tpu.core_type = #tpu.core_type<sc_vector_subcore>, window_params = [{transform_indices = #map}, {transform_indices = #map}]} {
    %mul3A = arith.constant 16 : i32
    %mul3A_0 = arith.muli %arg0, %mul3A : i32
    %add3A = arith.addi %mul3A_0, %arg1 : i32
    %dma_start3A = arith.constant 0 : i32
    %dma_start3A_1 = arith.constant 0 : i32
    %dma_start3A_2 = tpu.memref_slice %arg2[%add3A, %dma_start3A, %dma_start3A_1] : memref<32x80x125xi32, #tpu.memory_space<hbm>> -> memref<1x80x125xi32, #tpu.memory_space<hbm>>
    %dma_start3A_3 = tpu.memref_squeeze %dma_start3A_2 : memref<1x80x125xi32, #tpu.memory_space<hbm>> -> memref<80x125xi32, #tpu.memory_space<hbm>>
    %dma_start3A_4 = arith.constant 0 : i32
    %dma_start3A_5 = arith.constant 0 : i32
    %dma_start3A_6 = tpu.memref_slice %arg2[%add3A, %dma_start3A_4, %dma_start3A_5] : memref<32x80x125xi32, #tpu.memory_space<hbm>> -> memref<1x80x125xi32, #tpu.memory_space<hbm>>
    %dma_start3A_7 = tpu.memref_squeeze %dma_start3A_6 : memref<1x80x125xi32, #tpu.memory_space<hbm>> -> memref<80x125xi32, #tpu.memory_space<hbm>>
    tpu.enqueue_dma source(%dma_start3A_7 : memref<80x125xi32, #tpu.memory_space<hbm>>) target(%arg4 : memref<80x125xi32, #tpu.memory_space<vmem>>) target_semaphore(%arg9 : memref<!tpu.dma_semaphore, #tpu.memory_space<semaphore_mem>>)
    %scan3A = arith.constant 0 : i32
    %scan3A_8 = arith.constant 0 : i32
    %scan3A_9 = arith.constant 125 : i32
    %scan3A_10 = arith.addi %scan3A_8, %scan3A_9 : i32
    %scan3A_11 = arith.constant 1 : i32
    %scan3A_12 = scf.for %scan3A_114 = %scan3A_8 to %scan3A_10 step %scan3A_11 iter_args(%scan3A_115 = %scan3A) -> (i32)  : i32 {
      %scan3A_116 = arith.constant 0 : i32
      %scan3A_117 = arith.constant 0 : i32
      %broadcast_in_dim3A = arith.constant 1.000000e+00 : f32
      %broadcast_in_dim3A_118 = vector.broadcast %broadcast_in_dim3A : f32 to vector<16xf32>
      %mul3A_119 = arith.constant 16 : i32
      %mul3A_120 = arith.muli %scan3A_117, %mul3A_119 : i32
      %swap3A = arith.index_cast %scan3A_114 : i32 to index
      %swap3A_121 = arith.index_cast %mul3A_120 : i32 to index
      %swap3A_122 = tpu.vector_load %arg5[%swap3A, %swap3A_121] {strides = array<i32>} : memref<125x16xf32, #tpu.memory_space<vmem>>, vector<1x16xf32>,
      %swap3A_123 = vector.shape_cast %swap3A_122 : vector<1x16xf32> to vector<16xf32>
      %swap3A_124 = vector.shape_cast %broadcast_in_dim3A_118 : vector<16xf32> to vector<1x16xf32>
      tpu.vector_store %arg5[%swap3A, %swap3A_121], %swap3A_124 {strides = array<i32>} : memref<125x16xf32, #tpu.memory_space<vmem>>, vector<1x16xf32>,
      %scan3A_125 = arith.constant 0 : i32
      %scan3A_126 = arith.constant 1 : i32
      scf.yield %scan3A_125 : i32
    }
    %scan3A_13 = arith.constant 125 : i32
    %scan3A_14 = arith.constant 0 : i32
    %scan3A_15 = arith.constant 0 : i32
    %scan3A_16 = arith.constant 125 : i32
    %scan3A_17 = arith.addi %scan3A_15, %scan3A_16 : i32
    %scan3A_18 = arith.constant 1 : i32
    %scan3A_19 = scf.for %scan3A_114 = %scan3A_15 to %scan3A_17 step %scan3A_18 iter_args(%scan3A_115 = %scan3A_14) -> (i32)  : i32 {
      %scan3A_116 = arith.constant 0 : i32
      %scan3A_117 = arith.constant 0 : i32
      %broadcast_in_dim3A = arith.constant 0.000000e+00 : f32
      %broadcast_in_dim3A_118 = vector.broadcast %broadcast_in_dim3A : f32 to vector<16xf32>
      %mul3A_119 = arith.constant 16 : i32
      %mul3A_120 = arith.muli %scan3A_117, %mul3A_119 : i32
      %swap3A = arith.index_cast %scan3A_114 : i32 to index
      %swap3A_121 = arith.index_cast %mul3A_120 : i32 to index
      %swap3A_122 = tpu.vector_load %arg6[%swap3A, %swap3A_121] {strides = array<i32>} : memref<125x16xf32, #tpu.memory_space<vmem>>, vector<1x16xf32>,
      %swap3A_123 = vector.shape_cast %swap3A_122 : vector<1x16xf32> to vector<16xf32>
      %swap3A_124 = vector.shape_cast %broadcast_in_dim3A_118 : vector<16xf32> to vector<1x16xf32>
      tpu.vector_store %arg6[%swap3A, %swap3A_121], %swap3A_124 {strides = array<i32>} : memref<125x16xf32, #tpu.memory_space<vmem>>, vector<1x16xf32>,
      %scan3A_125 = arith.constant 0 : i32
      %scan3A_126 = arith.constant 1 : i32
      scf.yield %scan3A_125 : i32
    }
    %scan3A_20 = arith.constant 125 : i32
    %mul3A_21 = arith.constant 625 : i32
    %mul3A_22 = arith.muli %arg1, %mul3A_21 : i32
    %add3A_23 = arith.constant 0 : i32
    %add3A_24 = arith.addi %mul3A_22, %add3A_23 : i32
    "tpu.region"() ({
      %run_scoped3A = tpu.sem_alloc : memref<!tpu.dma_semaphore, #tpu.memory_space<semaphore_mem>>
      %dma_start3A_114 = arith.constant 0 : i32
      %dma_start3A_115 = tpu.memref_slice %arg7[%add3A_24, %dma_start3A_114] : memref<10016x16xf32, #tpu.memory_space<vmem_shared>> -> memref<125x16xf32, #tpu.memory_space<vmem_shared>>
      %dma_start3A_116 = arith.constant 0 : i32
      %dma_start3A_117 = tpu.memref_slice %arg7[%add3A_24, %dma_start3A_116] : memref<10016x16xf32, #tpu.memory_space<vmem_shared>> -> memref<125x16xf32, #tpu.memory_space<vmem_shared>>
      tpu.enqueue_dma source(%arg6 : memref<125x16xf32, #tpu.memory_space<vmem>>) target(%dma_start3A_117 : memref<125x16xf32, #tpu.memory_space<vmem_shared>>) target_semaphore(%run_scoped3A : memref<!tpu.dma_semaphore, #tpu.memory_space<semaphore_mem>>)
      %dma_wait3A_118 = arith.constant 0 : i32
      %dma_wait3A_119 = tpu.memref_slice %arg7[%add3A_24, %dma_wait3A_118] : memref<10016x16xf32, #tpu.memory_space<vmem_shared>> -> memref<125x16xf32, #tpu.memory_space<vmem_shared>>
      %dma_wait3A_120 = arith.constant 0 : i32
      %dma_wait3A_121 = tpu.memref_slice %arg7[%add3A_24, %dma_wait3A_120] : memref<10016x16xf32, #tpu.memory_space<vmem_shared>> -> memref<125x16xf32, #tpu.memory_space<vmem_shared>>
      tpu.wait_dma2 semaphore(%run_scoped3A : memref<!tpu.dma_semaphore, #tpu.memory_space<semaphore_mem>>) src(%arg6 : memref<125x16xf32, #tpu.memory_space<vmem>>) dst(%dma_wait3A_121 : memref<125x16xf32, #tpu.memory_space<vmem_shared>>)
      tpu.yield
    }) : () -> ()
    %mul3A_25 = arith.constant 625 : i32
    %mul3A_26 = arith.muli %arg1, %mul3A_25 : i32
    %add3A_27 = arith.constant 125 : i32
    %add3A_28 = arith.addi %mul3A_26, %add3A_27 : i32
    "tpu.region"() ({
      %run_scoped3A = tpu.sem_alloc : memref<!tpu.dma_semaphore, #tpu.memory_space<semaphore_mem>>
      %dma_start3A_114 = arith.constant 0 : i32
      %dma_start3A_115 = tpu.memref_slice %arg7[%add3A_28, %dma_start3A_114] : memref<10016x16xf32, #tpu.memory_space<vmem_shared>> -> memref<125x16xf32, #tpu.memory_space<vmem_shared>>
      %dma_start3A_116 = arith.constant 0 : i32
      %dma_start3A_117 = tpu.memref_slice %arg7[%add3A_28, %dma_start3A_116] : memref<10016x16xf32, #tpu.memory_space<vmem_shared>> -> memref<125x16xf32, #tpu.memory_space<vmem_shared>>
      tpu.enqueue_dma source(%arg6 : memref<125x16xf32, #tpu.memory_space<vmem>>) target(%dma_start3A_117 : memref<125x16xf32, #tpu.memory_space<vmem_shared>>) target_semaphore(%run_scoped3A : memref<!tpu.dma_semaphore, #tpu.memory_space<semaphore_mem>>)
      %dma_wait3A_118 = arith.constant 0 : i32
      %dma_wait3A_119 = tpu.memref_slice %arg7[%add3A_28, %dma_wait3A_118] : memref<10016x16xf32, #tpu.memory_space<vmem_shared>> -> memref<125x16xf32, #tpu.memory_space<vmem_shared>>
      %dma_wait3A_120 = arith.constant 0 : i32
      %dma_wait3A_121 = tpu.memref_slice %arg7[%add3A_28, %dma_wait3A_120] : memref<10016x16xf32, #tpu.memory_space<vmem_shared>> -> memref<125x16xf32, #tpu.memory_space<vmem_shared>>
      tpu.wait_dma2 semaphore(%run_scoped3A : memref<!tpu.dma_semaphore, #tpu.memory_space<semaphore_mem>>) src(%arg6 : memref<125x16xf32, #tpu.memory_space<vmem>>) dst(%dma_wait3A_121 : memref<125x16xf32, #tpu.memory_space<vmem_shared>>)
      tpu.yield
    }) : () -> ()
    %mul3A_29 = arith.constant 625 : i32
    %mul3A_30 = arith.muli %arg1, %mul3A_29 : i32
    %add3A_31 = arith.constant 250 : i32
    %add3A_32 = arith.addi %mul3A_30, %add3A_31 : i32
    "tpu.region"() ({
      %run_scoped3A = tpu.sem_alloc : memref<!tpu.dma_semaphore, #tpu.memory_space<semaphore_mem>>
      %dma_start3A_114 = arith.constant 0 : i32
      %dma_start3A_115 = tpu.memref_slice %arg7[%add3A_32, %dma_start3A_114] : memref<10016x16xf32, #tpu.memory_space<vmem_shared>> -> memref<125x16xf32, #tpu.memory_space<vmem_shared>>
      %dma_start3A_116 = arith.constant 0 : i32
      %dma_start3A_117 = tpu.memref_slice %arg7[%add3A_32, %dma_start3A_116] : memref<10016x16xf32, #tpu.memory_space<vmem_shared>> -> memref<125x16xf32, #tpu.memory_space<vmem_shared>>
      tpu.enqueue_dma source(%arg6 : memref<125x16xf32, #tpu.memory_space<vmem>>) target(%dma_start3A_117 : memref<125x16xf32, #tpu.memory_space<vmem_shared>>) target_semaphore(%run_scoped3A : memref<!tpu.dma_semaphore, #tpu.memory_space<semaphore_mem>>)
      %dma_wait3A_118 = arith.constant 0 : i32
      %dma_wait3A_119 = tpu.memref_slice %arg7[%add3A_32, %dma_wait3A_118] : memref<10016x16xf32, #tpu.memory_space<vmem_shared>> -> memref<125x16xf32, #tpu.memory_space<vmem_shared>>
      %dma_wait3A_120 = arith.constant 0 : i32
      %dma_wait3A_121 = tpu.memref_slice %arg7[%add3A_32, %dma_wait3A_120] : memref<10016x16xf32, #tpu.memory_space<vmem_shared>> -> memref<125x16xf32, #tpu.memory_space<vmem_shared>>
      tpu.wait_dma2 semaphore(%run_scoped3A : memref<!tpu.dma_semaphore, #tpu.memory_space<semaphore_mem>>) src(%arg6 : memref<125x16xf32, #tpu.memory_space<vmem>>) dst(%dma_wait3A_121 : memref<125x16xf32, #tpu.memory_space<vmem_shared>>)
      tpu.yield
    }) : () -> ()
    %mul3A_33 = arith.constant 625 : i32
    %mul3A_34 = arith.muli %arg1, %mul3A_33 : i32
    %add3A_35 = arith.constant 375 : i32
    %add3A_36 = arith.addi %mul3A_34, %add3A_35 : i32
    "tpu.region"() ({
      %run_scoped3A = tpu.sem_alloc : memref<!tpu.dma_semaphore, #tpu.memory_space<semaphore_mem>>
      %dma_start3A_114 = arith.constant 0 : i32
      %dma_start3A_115 = tpu.memref_slice %arg7[%add3A_36, %dma_start3A_114] : memref<10016x16xf32, #tpu.memory_space<vmem_shared>> -> memref<125x16xf32, #tpu.memory_space<vmem_shared>>
      %dma_start3A_116 = arith.constant 0 : i32
      %dma_start3A_117 = tpu.memref_slice %arg7[%add3A_36, %dma_start3A_116] : memref<10016x16xf32, #tpu.memory_space<vmem_shared>> -> memref<125x16xf32, #tpu.memory_space<vmem_shared>>
      tpu.enqueue_dma source(%arg6 : memref<125x16xf32, #tpu.memory_space<vmem>>) target(%dma_start3A_117 : memref<125x16xf32, #tpu.memory_space<vmem_shared>>) target_semaphore(%run_scoped3A : memref<!tpu.dma_semaphore, #tpu.memory_space<semaphore_mem>>)
      %dma_wait3A_118 = arith.constant 0 : i32
      %dma_wait3A_119 = tpu.memref_slice %arg7[%add3A_36, %dma_wait3A_118] : memref<10016x16xf32, #tpu.memory_space<vmem_shared>> -> memref<125x16xf32, #tpu.memory_space<vmem_shared>>
      %dma_wait3A_120 = arith.constant 0 : i32
      %dma_wait3A_121 = tpu.memref_slice %arg7[%add3A_36, %dma_wait3A_120] : memref<10016x16xf32, #tpu.memory_space<vmem_shared>> -> memref<125x16xf32, #tpu.memory_space<vmem_shared>>
      tpu.wait_dma2 semaphore(%run_scoped3A : memref<!tpu.dma_semaphore, #tpu.memory_space<semaphore_mem>>) src(%arg6 : memref<125x16xf32, #tpu.memory_space<vmem>>) dst(%dma_wait3A_121 : memref<125x16xf32, #tpu.memory_space<vmem_shared>>)
      tpu.yield
    }) : () -> ()
    %mul3A_37 = arith.constant 625 : i32
    %mul3A_38 = arith.muli %arg1, %mul3A_37 : i32
    %add3A_39 = arith.constant 500 : i32
    %add3A_40 = arith.addi %mul3A_38, %add3A_39 : i32
    "tpu.region"() ({
      %run_scoped3A = tpu.sem_alloc : memref<!tpu.dma_semaphore, #tpu.memory_space<semaphore_mem>>
      %dma_start3A_114 = arith.constant 0 : i32
      %dma_start3A_115 = tpu.memref_slice %arg7[%add3A_40, %dma_start3A_114] : memref<10016x16xf32, #tpu.memory_space<vmem_shared>> -> memref<125x16xf32, #tpu.memory_space<vmem_shared>>
      %dma_start3A_116 = arith.constant 0 : i32
      %dma_start3A_117 = tpu.memref_slice %arg7[%add3A_40, %dma_start3A_116] : memref<10016x16xf32, #tpu.memory_space<vmem_shared>> -> memref<125x16xf32, #tpu.memory_space<vmem_shared>>
      tpu.enqueue_dma source(%arg6 : memref<125x16xf32, #tpu.memory_space<vmem>>) target(%dma_start3A_117 : memref<125x16xf32, #tpu.memory_space<vmem_shared>>) target_semaphore(%run_scoped3A : memref<!tpu.dma_semaphore, #tpu.memory_space<semaphore_mem>>)
      %dma_wait3A_118 = arith.constant 0 : i32
      %dma_wait3A_119 = tpu.memref_slice %arg7[%add3A_40, %dma_wait3A_118] : memref<10016x16xf32, #tpu.memory_space<vmem_shared>> -> memref<125x16xf32, #tpu.memory_space<vmem_shared>>
      %dma_wait3A_120 = arith.constant 0 : i32
      %dma_wait3A_121 = tpu.memref_slice %arg7[%add3A_40, %dma_wait3A_120] : memref<10016x16xf32, #tpu.memory_space<vmem_shared>> -> memref<125x16xf32, #tpu.memory_space<vmem_shared>>
      tpu.wait_dma2 semaphore(%run_scoped3A : memref<!tpu.dma_semaphore, #tpu.memory_space<semaphore_mem>>) src(%arg6 : memref<125x16xf32, #tpu.memory_space<vmem>>) dst(%dma_wait3A_121 : memref<125x16xf32, #tpu.memory_space<vmem_shared>>)
      tpu.yield
    }) : () -> ()
    %dma_wait3A = arith.constant 0 : i32
    %dma_wait3A_41 = arith.constant 0 : i32
    %dma_wait3A_42 = tpu.memref_slice %arg2[%add3A, %dma_wait3A, %dma_wait3A_41] : memref<32x80x125xi32, #tpu.memory_space<hbm>> -> memref<1x80x125xi32, #tpu.memory_space<hbm>>
    %dma_wait3A_43 = tpu.memref_squeeze %dma_wait3A_42 : memref<1x80x125xi32, #tpu.memory_space<hbm>> -> memref<80x125xi32, #tpu.memory_space<hbm>>
    %dma_wait3A_44 = arith.constant 0 : i32
    %dma_wait3A_45 = arith.constant 0 : i32
    %dma_wait3A_46 = tpu.memref_slice %arg2[%add3A, %dma_wait3A_44, %dma_wait3A_45] : memref<32x80x125xi32, #tpu.memory_space<hbm>> -> memref<1x80x125xi32, #tpu.memory_space<hbm>>
    %dma_wait3A_47 = tpu.memref_squeeze %dma_wait3A_46 : memref<1x80x125xi32, #tpu.memory_space<hbm>> -> memref<80x125xi32, #tpu.memory_space<hbm>>
    tpu.wait_dma2 semaphore(%arg9 : memref<!tpu.dma_semaphore, #tpu.memory_space<semaphore_mem>>) src(%dma_wait3A_47 : memref<80x125xi32, #tpu.memory_space<hbm>>) dst(%arg4 : memref<80x125xi32, #tpu.memory_space<vmem>>)
    %barrier3A = arith.constant 0 : index
    tpu.barrier barrier_id(%barrier3A)
    %scan3A_48 = arith.constant 0 : i32
    %scan3A_49 = arith.constant 0 : i32
    %scan3A_50 = arith.constant 80 : i32
    %scan3A_51 = arith.addi %scan3A_49, %scan3A_50 : i32
    %scan3A_52 = arith.constant 1 : i32
    %scan3A_53 = scf.for %scan3A_114 = %scan3A_49 to %scan3A_51 step %scan3A_52 iter_args(%scan3A_115 = %scan3A_48) -> (i32)  : i32 {
      %dma_start3A_116 = arith.constant 0 : i32
      %dma_start3A_117 = tpu.memref_slice %arg4[%scan3A_114, %dma_start3A_116] : memref<80x125xi32, #tpu.memory_space<vmem>> -> memref<1x125xi32, #tpu.memory_space<vmem>>
      %dma_start3A_118 = tpu.memref_squeeze %dma_start3A_117 : memref<1x125xi32, #tpu.memory_space<vmem>> -> memref<125xi32, #tpu.memory_space<vmem>>
      %dma_start3A_119 = arith.constant 0 : i32
      %dma_start3A_120 = arith.constant 0 : i32
      %dma_start3A_121 = tpu.memref_slice %arg7[%dma_start3A_119, %dma_start3A_120] : memref<10016x16xf32, #tpu.memory_space<vmem_shared>> -> memref<10016x16xf32, #tpu.memory_space<vmem_shared>>
      tpu.enqueue_indirect_dma source(%arg5 : memref<125x16xf32, #tpu.memory_space<vmem>>) target(%dma_start3A_121 : memref<10016x16xf32, #tpu.memory_space<vmem_shared>>) offsets(%dma_start3A_118 : memref<125xi32, #tpu.memory_space<vmem>>) semaphore(%arg8 : memref<!tpu.dma_semaphore, #tpu.memory_space<semaphore_mem>>) {add = true}
      %ge3A = arith.constant 8 : i32
      %ge3A_122 = arith.cmpi sge, %scan3A_114, %ge3A : i32
      %convert_element_type3A = arith.extui %ge3A_122 : i1 to i32
      %cond3A = arith.constant 0 : i32
      %cond3A_123 = arith.cmpi ne, %convert_element_type3A, %cond3A : i32
      scf.if %cond3A_123 {
        %dma_wait3A_125 = arith.constant 0 : i32
        %dma_wait3A_126 = tpu.memref_slice %arg4[%scan3A_114, %dma_wait3A_125] : memref<80x125xi32, #tpu.memory_space<vmem>> -> memref<1x125xi32, #tpu.memory_space<vmem>>
        %dma_wait3A_127 = tpu.memref_squeeze %dma_wait3A_126 : memref<1x125xi32, #tpu.memory_space<vmem>> -> memref<125xi32, #tpu.memory_space<vmem>>
        %dma_wait3A_128 = arith.constant 0 : i32
        %dma_wait3A_129 = arith.constant 0 : i32
        %dma_wait3A_130 = tpu.memref_slice %arg7[%dma_wait3A_128, %dma_wait3A_129] : memref<10016x16xf32, #tpu.memory_space<vmem_shared>> -> memref<10016x16xf32, #tpu.memory_space<vmem_shared>>
        tpu.wait_indirect_dma semaphore(%arg8 : memref<!tpu.dma_semaphore, #tpu.memory_space<semaphore_mem>>) src(%arg5 : memref<125x16xf32, #tpu.memory_space<vmem>>) dst(%dma_wait3A_130 : memref<10016x16xf32, #tpu.memory_space<vmem_shared>>)
      } else {
      }
      %scan3A_124 = arith.constant 0 : i32
      scf.yield %scan3A_124 : i32
    }
    %scan3A_54 = arith.constant 80 : i32
    %dma_wait3A_55 = arith.constant 0 : i32
    %dma_wait3A_56 = arith.constant 0 : i32
    %dma_wait3A_57 = tpu.memref_slice %arg4[%dma_wait3A_55, %dma_wait3A_56] : memref<80x125xi32, #tpu.memory_space<vmem>> -> memref<1x125xi32, #tpu.memory_space<vmem>>
    %dma_wait3A_58 = tpu.memref_squeeze %dma_wait3A_57 : memref<1x125xi32, #tpu.memory_space<vmem>> -> memref<125xi32, #tpu.memory_space<vmem>>
    %dma_wait3A_59 = arith.constant 0 : i32
    %dma_wait3A_60 = arith.constant 0 : i32
    %dma_wait3A_61 = tpu.memref_slice %arg7[%dma_wait3A_59, %dma_wait3A_60] : memref<10016x16xf32, #tpu.memory_space<vmem_shared>> -> memref<10016x16xf32, #tpu.memory_space<vmem_shared>>
    tpu.wait_indirect_dma semaphore(%arg8 : memref<!tpu.dma_semaphore, #tpu.memory_space<semaphore_mem>>) src(%arg5 : memref<125x16xf32, #tpu.memory_space<vmem>>) dst(%dma_wait3A_61 : memref<10016x16xf32, #tpu.memory_space<vmem_shared>>)
    %dma_wait3A_62 = arith.constant 1 : i32
    %dma_wait3A_63 = arith.constant 0 : i32
    %dma_wait3A_64 = tpu.memref_slice %arg4[%dma_wait3A_62, %dma_wait3A_63] : memref<80x125xi32, #tpu.memory_space<vmem>> -> memref<1x125xi32, #tpu.memory_space<vmem>>
    %dma_wait3A_65 = tpu.memref_squeeze %dma_wait3A_64 : memref<1x125xi32, #tpu.memory_space<vmem>> -> memref<125xi32, #tpu.memory_space<vmem>>
    %dma_wait3A_66 = arith.constant 0 : i32
    %dma_wait3A_67 = arith.constant 0 : i32
    %dma_wait3A_68 = tpu.memref_slice %arg7[%dma_wait3A_66, %dma_wait3A_67] : memref<10016x16xf32, #tpu.memory_space<vmem_shared>> -> memref<10016x16xf32, #tpu.memory_space<vmem_shared>>
    tpu.wait_indirect_dma semaphore(%arg8 : memref<!tpu.dma_semaphore, #tpu.memory_space<semaphore_mem>>) src(%arg5 : memref<125x16xf32, #tpu.memory_space<vmem>>) dst(%dma_wait3A_68 : memref<10016x16xf32, #tpu.memory_space<vmem_shared>>)
    %dma_wait3A_69 = arith.constant 2 : i32
    %dma_wait3A_70 = arith.constant 0 : i32
    %dma_wait3A_71 = tpu.memref_slice %arg4[%dma_wait3A_69, %dma_wait3A_70] : memref<80x125xi32, #tpu.memory_space<vmem>> -> memref<1x125xi32, #tpu.memory_space<vmem>>
    %dma_wait3A_72 = tpu.memref_squeeze %dma_wait3A_71 : memref<1x125xi32, #tpu.memory_space<vmem>> -> memref<125xi32, #tpu.memory_space<vmem>>
    %dma_wait3A_73 = arith.constant 0 : i32
    %dma_wait3A_74 = arith.constant 0 : i32
    %dma_wait3A_75 = tpu.memref_slice %arg7[%dma_wait3A_73, %dma_wait3A_74] : memref<10016x16xf32, #tpu.memory_space<vmem_shared>> -> memref<10016x16xf32, #tpu.memory_space<vmem_shared>>
    tpu.wait_indirect_dma semaphore(%arg8 : memref<!tpu.dma_semaphore, #tpu.memory_space<semaphore_mem>>) src(%arg5 : memref<125x16xf32, #tpu.memory_space<vmem>>) dst(%dma_wait3A_75 : memref<10016x16xf32, #tpu.memory_space<vmem_shared>>)
    %dma_wait3A_76 = arith.constant 3 : i32
    %dma_wait3A_77 = arith.constant 0 : i32
    %dma_wait3A_78 = tpu.memref_slice %arg4[%dma_wait3A_76, %dma_wait3A_77] : memref<80x125xi32, #tpu.memory_space<vmem>> -> memref<1x125xi32, #tpu.memory_space<vmem>>
    %dma_wait3A_79 = tpu.memref_squeeze %dma_wait3A_78 : memref<1x125xi32, #tpu.memory_space<vmem>> -> memref<125xi32, #tpu.memory_space<vmem>>
    %dma_wait3A_80 = arith.constant 0 : i32
    %dma_wait3A_81 = arith.constant 0 : i32
    %dma_wait3A_82 = tpu.memref_slice %arg7[%dma_wait3A_80, %dma_wait3A_81] : memref<10016x16xf32, #tpu.memory_space<vmem_shared>> -> memref<10016x16xf32, #tpu.memory_space<vmem_shared>>
    tpu.wait_indirect_dma semaphore(%arg8 : memref<!tpu.dma_semaphore, #tpu.memory_space<semaphore_mem>>) src(%arg5 : memref<125x16xf32, #tpu.memory_space<vmem>>) dst(%dma_wait3A_82 : memref<10016x16xf32, #tpu.memory_space<vmem_shared>>)
    %dma_wait3A_83 = arith.constant 4 : i32
    %dma_wait3A_84 = arith.constant 0 : i32
    %dma_wait3A_85 = tpu.memref_slice %arg4[%dma_wait3A_83, %dma_wait3A_84] : memref<80x125xi32, #tpu.memory_space<vmem>> -> memref<1x125xi32, #tpu.memory_space<vmem>>
    %dma_wait3A_86 = tpu.memref_squeeze %dma_wait3A_85 : memref<1x125xi32, #tpu.memory_space<vmem>> -> memref<125xi32, #tpu.memory_space<vmem>>
    %dma_wait3A_87 = arith.constant 0 : i32
    %dma_wait3A_88 = arith.constant 0 : i32
    %dma_wait3A_89 = tpu.memref_slice %arg7[%dma_wait3A_87, %dma_wait3A_88] : memref<10016x16xf32, #tpu.memory_space<vmem_shared>> -> memref<10016x16xf32, #tpu.memory_space<vmem_shared>>
    tpu.wait_indirect_dma semaphore(%arg8 : memref<!tpu.dma_semaphore, #tpu.memory_space<semaphore_mem>>) src(%arg5 : memref<125x16xf32, #tpu.memory_space<vmem>>) dst(%dma_wait3A_89 : memref<10016x16xf32, #tpu.memory_space<vmem_shared>>)
    %dma_wait3A_90 = arith.constant 5 : i32
    %dma_wait3A_91 = arith.constant 0 : i32
    %dma_wait3A_92 = tpu.memref_slice %arg4[%dma_wait3A_90, %dma_wait3A_91] : memref<80x125xi32, #tpu.memory_space<vmem>> -> memref<1x125xi32, #tpu.memory_space<vmem>>
    %dma_wait3A_93 = tpu.memref_squeeze %dma_wait3A_92 : memref<1x125xi32, #tpu.memory_space<vmem>> -> memref<125xi32, #tpu.memory_space<vmem>>
    %dma_wait3A_94 = arith.constant 0 : i32
    %dma_wait3A_95 = arith.constant 0 : i32
    %dma_wait3A_96 = tpu.memref_slice %arg7[%dma_wait3A_94, %dma_wait3A_95] : memref<10016x16xf32, #tpu.memory_space<vmem_shared>> -> memref<10016x16xf32, #tpu.memory_space<vmem_shared>>
    tpu.wait_indirect_dma semaphore(%arg8 : memref<!tpu.dma_semaphore, #tpu.memory_space<semaphore_mem>>) src(%arg5 : memref<125x16xf32, #tpu.memory_space<vmem>>) dst(%dma_wait3A_96 : memref<10016x16xf32, #tpu.memory_space<vmem_shared>>)
    %dma_wait3A_97 = arith.constant 6 : i32
    %dma_wait3A_98 = arith.constant 0 : i32
    %dma_wait3A_99 = tpu.memref_slice %arg4[%dma_wait3A_97, %dma_wait3A_98] : memref<80x125xi32, #tpu.memory_space<vmem>> -> memref<1x125xi32, #tpu.memory_space<vmem>>
    %dma_wait3A_100 = tpu.memref_squeeze %dma_wait3A_99 : memref<1x125xi32, #tpu.memory_space<vmem>> -> memref<125xi32, #tpu.memory_space<vmem>>
    %dma_wait3A_101 = arith.constant 0 : i32
    %dma_wait3A_102 = arith.constant 0 : i32
    %dma_wait3A_103 = tpu.memref_slice %arg7[%dma_wait3A_101, %dma_wait3A_102] : memref<10016x16xf32, #tpu.memory_space<vmem_shared>> -> memref<10016x16xf32, #tpu.memory_space<vmem_shared>>
    tpu.wait_indirect_dma semaphore(%arg8 : memref<!tpu.dma_semaphore, #tpu.memory_space<semaphore_mem>>) src(%arg5 : memref<125x16xf32, #tpu.memory_space<vmem>>) dst(%dma_wait3A_103 : memref<10016x16xf32, #tpu.memory_space<vmem_shared>>)
    %dma_wait3A_104 = arith.constant 7 : i32
    %dma_wait3A_105 = arith.constant 0 : i32
    %dma_wait3A_106 = tpu.memref_slice %arg4[%dma_wait3A_104, %dma_wait3A_105] : memref<80x125xi32, #tpu.memory_space<vmem>> -> memref<1x125xi32, #tpu.memory_space<vmem>>
    %dma_wait3A_107 = tpu.memref_squeeze %dma_wait3A_106 : memref<1x125xi32, #tpu.memory_space<vmem>> -> memref<125xi32, #tpu.memory_space<vmem>>
    %dma_wait3A_108 = arith.constant 0 : i32
    %dma_wait3A_109 = arith.constant 0 : i32
    %dma_wait3A_110 = tpu.memref_slice %arg7[%dma_wait3A_108, %dma_wait3A_109] : memref<10016x16xf32, #tpu.memory_space<vmem_shared>> -> memref<10016x16xf32, #tpu.memory_space<vmem_shared>>
    tpu.wait_indirect_dma semaphore(%arg8 : memref<!tpu.dma_semaphore, #tpu.memory_space<semaphore_mem>>) src(%arg5 : memref<125x16xf32, #tpu.memory_space<vmem>>) dst(%dma_wait3A_110 : memref<10016x16xf32, #tpu.memory_space<vmem_shared>>)
    %barrier3A_111 = arith.constant 0 : index
    tpu.barrier barrier_id(%barrier3A_111)
    %mul3A_112 = arith.constant 625 : i32
    %mul3A_113 = arith.muli %arg1, %mul3A_112 : i32
    "tpu.region"() ({
      %run_scoped3A = tpu.sem_alloc : memref<!tpu.dma_semaphore, #tpu.memory_space<semaphore_mem>>
      %dma_start3A_114 = arith.constant 0 : i32
      %dma_start3A_115 = arith.constant 0 : i32
      %dma_start3A_116 = tpu.memref_slice %arg3[%add3A, %dma_start3A_114, %dma_start3A_115] : memref<32x625x16xf32, #tpu.memory_space<hbm>> -> memref<1x625x16xf32, #tpu.memory_space<hbm>>
      %dma_start3A_117 = tpu.memref_squeeze %dma_start3A_116 : memref<1x625x16xf32, #tpu.memory_space<hbm>> -> memref<625x16xf32, #tpu.memory_space<hbm>>
      %dma_start3A_118 = arith.constant 0 : i32
      %dma_start3A_119 = tpu.memref_slice %arg7[%mul3A_113, %dma_start3A_118] : memref<10016x16xf32, #tpu.memory_space<vmem_shared>> -> memref<625x16xf32, #tpu.memory_space<vmem_shared>>
      tpu.enqueue_dma source(%dma_start3A_119 : memref<625x16xf32, #tpu.memory_space<vmem_shared>>) target(%dma_start3A_117 : memref<625x16xf32, #tpu.memory_space<hbm>>) target_semaphore(%run_scoped3A : memref<!tpu.dma_semaphore, #tpu.memory_space<semaphore_mem>>)
      %dma_wait3A_120 = arith.constant 0 : i32
      %dma_wait3A_121 = arith.constant 0 : i32
      %dma_wait3A_122 = tpu.memref_slice %arg3[%add3A, %dma_wait3A_120, %dma_wait3A_121] : memref<32x625x16xf32, #tpu.memory_space<hbm>> -> memref<1x625x16xf32, #tpu.memory_space<hbm>>
      %dma_wait3A_123 = tpu.memref_squeeze %dma_wait3A_122 : memref<1x625x16xf32, #tpu.memory_space<hbm>> -> memref<625x16xf32, #tpu.memory_space<hbm>>
      %dma_wait3A_124 = arith.constant 0 : i32
      %dma_wait3A_125 = tpu.memref_slice %arg7[%mul3A_113, %dma_wait3A_124] : memref<10016x16xf32, #tpu.memory_space<vmem_shared>> -> memref<625x16xf32, #tpu.memory_space<vmem_shared>>
      tpu.wait_dma2 semaphore(%run_scoped3A : memref<!tpu.dma_semaphore, #tpu.memory_space<semaphore_mem>>) src(%dma_wait3A_125 : memref<625x16xf32, #tpu.memory_space<vmem_shared>>) dst(%dma_wait3A_123 : memref<625x16xf32, #tpu.memory_space<hbm>>)
      tpu.yield
    }) : () -> ()
    return
  }
}

#map = affine_map<(d0, d1) -> (0, 0, 0)>
#map1 = affine_map<(d0, d1) -> (0, 0)>
module attributes {stable_mosaic.version = 14 : i64} {
  func.func @k(%arg0: i32, %arg1: i32, %arg2: memref<32x80x125xi32, #tpu.memory_space<hbm>>, %arg3: memref<32x80x125xi32, #tpu.memory_space<hbm>>, %arg4: memref<10000x64xf32, #tpu.memory_space<hbm>>, %arg5: memref<32x625x64xf32, #tpu.memory_space<hbm>>, %arg6: memref<80x125xi32, #tpu.memory_space<vmem>>, %arg7: memref<80x125xi32, #tpu.memory_space<vmem>>, %arg8: memref<125x64xf32, #tpu.memory_space<vmem>>, %arg9: memref<125x64xf32, #tpu.memory_space<vmem>>, %arg10: memref<125x64xf32, #tpu.memory_space<vmem>>, %arg11: memref<125x64xf32, #tpu.memory_space<vmem>>, %arg12: memref<125x64xf32, #tpu.memory_space<vmem>>, %arg13: memref<125x64xf32, #tpu.memory_space<vmem>>, %arg14: memref<125x64xf32, #tpu.memory_space<vmem>>, %arg15: memref<125x64xf32, #tpu.memory_space<vmem>>, %arg16: memref<10016x64xf32, #tpu.memory_space<vmem_shared>>, %arg17: memref<!tpu.dma_semaphore, #tpu.memory_space<semaphore_mem>>, %arg18: memref<!tpu.dma_semaphore, #tpu.memory_space<semaphore_mem>>, %arg19: memref<!tpu.dma_semaphore, #tpu.memory_space<semaphore_mem>>, %arg20: memref<!tpu.dma_semaphore, #tpu.memory_space<semaphore_mem>>, %arg21: memref<!tpu.dma_semaphore, #tpu.memory_space<semaphore_mem>>, %arg22: memref<!tpu.dma_semaphore, #tpu.memory_space<semaphore_mem>>, %arg23: memref<!tpu.dma_semaphore, #tpu.memory_space<semaphore_mem>>, %arg24: memref<!tpu.dma_semaphore, #tpu.memory_space<semaphore_mem>>, %arg25: memref<!tpu.dma_semaphore, #tpu.memory_space<semaphore_mem>>, %arg26: memref<!tpu.dma_semaphore, #tpu.memory_space<semaphore_mem>>, %arg27: memref<!tpu.dma_semaphore, #tpu.memory_space<semaphore_mem>>, %arg28: memref<!tpu.dma_semaphore, #tpu.memory_space<semaphore_mem>>, %arg29: memref<!tpu.dma_semaphore, #tpu.memory_space<semaphore_mem>>, %arg30: memref<!tpu.dma_semaphore, #tpu.memory_space<semaphore_mem>>, %arg31: memref<!tpu.dma_semaphore, #tpu.memory_space<semaphore_mem>>, %arg32: memref<!tpu.dma_semaphore, #tpu.memory_space<semaphore_mem>>, %arg33: memref<!tpu.dma_semaphore, #tpu.memory_space<semaphore_mem>>) attributes {dimension_semantics = [#tpu.dimension_semantics<core_parallel>, #tpu.dimension_semantics<subcore_parallel>], iteration_bounds = array<i64: 2, 16>, scalar_prefetch = 0 : i64, scratch_operands = 28 : i64, tpu.core_type = #tpu.core_type<sc_vector_subcore>, window_params = [{transform_indices = #map}, {transform_indices = #map}, {transform_indices = #map1}, {transform_indices = #map}]} {
    %mul3A = arith.constant 16 : i32
    %mul3A_0 = arith.muli %arg0, %mul3A : i32
    %add3A = arith.addi %mul3A_0, %arg1 : i32
    %dma_start3A = arith.constant 0 : i32
    %dma_start3A_1 = arith.constant 0 : i32
    %dma_start3A_2 = tpu.memref_slice %arg2[%add3A, %dma_start3A, %dma_start3A_1] : memref<32x80x125xi32, #tpu.memory_space<hbm>> -> memref<1x80x125xi32, #tpu.memory_space<hbm>>
    %dma_start3A_3 = tpu.memref_squeeze %dma_start3A_2 : memref<1x80x125xi32, #tpu.memory_space<hbm>> -> memref<80x125xi32, #tpu.memory_space<hbm>>
    %dma_start3A_4 = arith.constant 0 : i32
    %dma_start3A_5 = arith.constant 0 : i32
    %dma_start3A_6 = tpu.memref_slice %arg2[%add3A, %dma_start3A_4, %dma_start3A_5] : memref<32x80x125xi32, #tpu.memory_space<hbm>> -> memref<1x80x125xi32, #tpu.memory_space<hbm>>
    %dma_start3A_7 = tpu.memref_squeeze %dma_start3A_6 : memref<1x80x125xi32, #tpu.memory_space<hbm>> -> memref<80x125xi32, #tpu.memory_space<hbm>>
    tpu.enqueue_dma source(%dma_start3A_7 : memref<80x125xi32, #tpu.memory_space<hbm>>) target(%arg6 : memref<80x125xi32, #tpu.memory_space<vmem>>) target_semaphore(%arg33 : memref<!tpu.dma_semaphore, #tpu.memory_space<semaphore_mem>>)
    %dma_start3A_8 = arith.constant 0 : i32
    %dma_start3A_9 = arith.constant 0 : i32
    %dma_start3A_10 = tpu.memref_slice %arg3[%add3A, %dma_start3A_8, %dma_start3A_9] : memref<32x80x125xi32, #tpu.memory_space<hbm>> -> memref<1x80x125xi32, #tpu.memory_space<hbm>>
    %dma_start3A_11 = tpu.memref_squeeze %dma_start3A_10 : memref<1x80x125xi32, #tpu.memory_space<hbm>> -> memref<80x125xi32, #tpu.memory_space<hbm>>
    %dma_start3A_12 = arith.constant 0 : i32
    %dma_start3A_13 = arith.constant 0 : i32
    %dma_start3A_14 = tpu.memref_slice %arg3[%add3A, %dma_start3A_12, %dma_start3A_13] : memref<32x80x125xi32, #tpu.memory_space<hbm>> -> memref<1x80x125xi32, #tpu.memory_space<hbm>>
    %dma_start3A_15 = tpu.memref_squeeze %dma_start3A_14 : memref<1x80x125xi32, #tpu.memory_space<hbm>> -> memref<80x125xi32, #tpu.memory_space<hbm>>
    tpu.enqueue_dma source(%dma_start3A_15 : memref<80x125xi32, #tpu.memory_space<hbm>>) target(%arg7 : memref<80x125xi32, #tpu.memory_space<vmem>>) target_semaphore(%arg33 : memref<!tpu.dma_semaphore, #tpu.memory_space<semaphore_mem>>)
    %scan3A = arith.constant 0 : i32
    %scan3A_16 = arith.constant 0 : i32
    %scan3A_17 = arith.constant 125 : i32
    %scan3A_18 = arith.addi %scan3A_16, %scan3A_17 : i32
    %scan3A_19 = arith.constant 1 : i32
    %scan3A_20 = scf.for %scan3A_179 = %scan3A_16 to %scan3A_18 step %scan3A_19 iter_args(%scan3A_180 = %scan3A) -> (i32)  : i32 {
      %scan3A_181 = arith.constant 0 : i32
      %scan3A_182 = arith.constant 0 : i32
      %scan3A_183 = arith.constant 4 : i32
      %scan3A_184 = arith.addi %scan3A_182, %scan3A_183 : i32
      %scan3A_185 = arith.constant 1 : i32
      %scan3A_186 = scf.for %scan3A_188 = %scan3A_182 to %scan3A_184 step %scan3A_185 iter_args(%scan3A_189 = %scan3A_181) -> (i32)  : i32 {
        %broadcast_in_dim3A = arith.constant 0.000000e+00 : f32
        %broadcast_in_dim3A_190 = vector.broadcast %broadcast_in_dim3A : f32 to vector<16xf32>
        %mul3A_191 = arith.constant 16 : i32
        %mul3A_192 = arith.muli %scan3A_188, %mul3A_191 : i32
        %swap3A = arith.index_cast %scan3A_179 : i32 to index
        %swap3A_193 = arith.index_cast %mul3A_192 : i32 to index
        %swap3A_194 = tpu.vector_load %arg15[%swap3A, %swap3A_193] {strides = array<i32>} : memref<125x64xf32, #tpu.memory_space<vmem>>, vector<1x16xf32>,
        %swap3A_195 = vector.shape_cast %swap3A_194 : vector<1x16xf32> to vector<16xf32>
        %swap3A_196 = vector.shape_cast %broadcast_in_dim3A_190 : vector<16xf32> to vector<1x16xf32>
        tpu.vector_store %arg15[%swap3A, %swap3A_193], %swap3A_196 {strides = array<i32>} : memref<125x64xf32, #tpu.memory_space<vmem>>, vector<1x16xf32>,
        %scan3A_197 = arith.constant 0 : i32
        scf.yield %scan3A_197 : i32
      }
      %scan3A_187 = arith.constant 4 : i32
      scf.yield %scan3A_186 : i32
    }
    %scan3A_21 = arith.constant 125 : i32
    %dma_wait3A = arith.constant 0 : i32
    %dma_wait3A_22 = arith.constant 0 : i32
    %dma_wait3A_23 = tpu.memref_slice %arg2[%add3A, %dma_wait3A, %dma_wait3A_22] : memref<32x80x125xi32, #tpu.memory_space<hbm>> -> memref<1x80x125xi32, #tpu.memory_space<hbm>>
    %dma_wait3A_24 = tpu.memref_squeeze %dma_wait3A_23 : memref<1x80x125xi32, #tpu.memory_space<hbm>> -> memref<80x125xi32, #tpu.memory_space<hbm>>
    %dma_wait3A_25 = arith.constant 0 : i32
    %dma_wait3A_26 = arith.constant 0 : i32
    %dma_wait3A_27 = tpu.memref_slice %arg2[%add3A, %dma_wait3A_25, %dma_wait3A_26] : memref<32x80x125xi32, #tpu.memory_space<hbm>> -> memref<1x80x125xi32, #tpu.memory_space<hbm>>
    %dma_wait3A_28 = tpu.memref_squeeze %dma_wait3A_27 : memref<1x80x125xi32, #tpu.memory_space<hbm>> -> memref<80x125xi32, #tpu.memory_space<hbm>>
    tpu.wait_dma2 semaphore(%arg33 : memref<!tpu.dma_semaphore, #tpu.memory_space<semaphore_mem>>) src(%dma_wait3A_28 : memref<80x125xi32, #tpu.memory_space<hbm>>) dst(%arg6 : memref<80x125xi32, #tpu.memory_space<vmem>>)
    %dma_wait3A_29 = arith.constant 0 : i32
    %dma_wait3A_30 = arith.constant 0 : i32
    %dma_wait3A_31 = tpu.memref_slice %arg3[%add3A, %dma_wait3A_29, %dma_wait3A_30] : memref<32x80x125xi32, #tpu.memory_space<hbm>> -> memref<1x80x125xi32, #tpu.memory_space<hbm>>
    %dma_wait3A_32 = tpu.memref_squeeze %dma_wait3A_31 : memref<1x80x125xi32, #tpu.memory_space<hbm>> -> memref<80x125xi32, #tpu.memory_space<hbm>>
    %dma_wait3A_33 = arith.constant 0 : i32
    %dma_wait3A_34 = arith.constant 0 : i32
    %dma_wait3A_35 = tpu.memref_slice %arg3[%add3A, %dma_wait3A_33, %dma_wait3A_34] : memref<32x80x125xi32, #tpu.memory_space<hbm>> -> memref<1x80x125xi32, #tpu.memory_space<hbm>>
    %dma_wait3A_36 = tpu.memref_squeeze %dma_wait3A_35 : memref<1x80x125xi32, #tpu.memory_space<hbm>> -> memref<80x125xi32, #tpu.memory_space<hbm>>
    tpu.wait_dma2 semaphore(%arg33 : memref<!tpu.dma_semaphore, #tpu.memory_space<semaphore_mem>>) src(%dma_wait3A_36 : memref<80x125xi32, #tpu.memory_space<hbm>>) dst(%arg7 : memref<80x125xi32, #tpu.memory_space<vmem>>)
    %dma_start3A_37 = arith.constant 0 : i32
    %dma_start3A_38 = arith.constant 0 : i32
    %dma_start3A_39 = tpu.memref_slice %arg6[%dma_start3A_37, %dma_start3A_38] : memref<80x125xi32, #tpu.memory_space<vmem>> -> memref<1x125xi32, #tpu.memory_space<vmem>>
    %dma_start3A_40 = tpu.memref_squeeze %dma_start3A_39 : memref<1x125xi32, #tpu.memory_space<vmem>> -> memref<125xi32, #tpu.memory_space<vmem>>
    %dma_start3A_41 = arith.constant 0 : i32
    %dma_start3A_42 = arith.constant 0 : i32
    %dma_start3A_43 = tpu.memref_slice %arg4[%dma_start3A_41, %dma_start3A_42] : memref<10000x64xf32, #tpu.memory_space<hbm>> -> memref<10000x64xf32, #tpu.memory_space<hbm>>
    tpu.enqueue_indirect_dma source(%dma_start3A_43 : memref<10000x64xf32, #tpu.memory_space<hbm>>) target(%arg8 : memref<125x64xf32, #tpu.memory_space<vmem>>) offsets(%dma_start3A_40 : memref<125xi32, #tpu.memory_space<vmem>>) semaphore(%arg17 : memref<!tpu.dma_semaphore, #tpu.memory_space<semaphore_mem>>)
    %dma_start3A_44 = arith.constant 1 : i32
    %dma_start3A_45 = arith.constant 0 : i32
    %dma_start3A_46 = tpu.memref_slice %arg6[%dma_start3A_44, %dma_start3A_45] : memref<80x125xi32, #tpu.memory_space<vmem>> -> memref<1x125xi32, #tpu.memory_space<vmem>>
    %dma_start3A_47 = tpu.memref_squeeze %dma_start3A_46 : memref<1x125xi32, #tpu.memory_space<vmem>> -> memref<125xi32, #tpu.memory_space<vmem>>
    %dma_start3A_48 = arith.constant 0 : i32
    %dma_start3A_49 = arith.constant 0 : i32
    %dma_start3A_50 = tpu.memref_slice %arg4[%dma_start3A_48, %dma_start3A_49] : memref<10000x64xf32, #tpu.memory_space<hbm>> -> memref<10000x64xf32, #tpu.memory_space<hbm>>
    tpu.enqueue_indirect_dma source(%dma_start3A_50 : memref<10000x64xf32, #tpu.memory_space<hbm>>) target(%arg9 : memref<125x64xf32, #tpu.memory_space<vmem>>) offsets(%dma_start3A_47 : memref<125xi32, #tpu.memory_space<vmem>>) semaphore(%arg18 : memref<!tpu.dma_semaphore, #tpu.memory_space<semaphore_mem>>)
    %dma_start3A_51 = arith.constant 2 : i32
    %dma_start3A_52 = arith.constant 0 : i32
    %dma_start3A_53 = tpu.memref_slice %arg6[%dma_start3A_51, %dma_start3A_52] : memref<80x125xi32, #tpu.memory_space<vmem>> -> memref<1x125xi32, #tpu.memory_space<vmem>>
    %dma_start3A_54 = tpu.memref_squeeze %dma_start3A_53 : memref<1x125xi32, #tpu.memory_space<vmem>> -> memref<125xi32, #tpu.memory_space<vmem>>
    %dma_start3A_55 = arith.constant 0 : i32
    %dma_start3A_56 = arith.constant 0 : i32
    %dma_start3A_57 = tpu.memref_slice %arg4[%dma_start3A_55, %dma_start3A_56] : memref<10000x64xf32, #tpu.memory_space<hbm>> -> memref<10000x64xf32, #tpu.memory_space<hbm>>
    tpu.enqueue_indirect_dma source(%dma_start3A_57 : memref<10000x64xf32, #tpu.memory_space<hbm>>) target(%arg10 : memref<125x64xf32, #tpu.memory_space<vmem>>) offsets(%dma_start3A_54 : memref<125xi32, #tpu.memory_space<vmem>>) semaphore(%arg19 : memref<!tpu.dma_semaphore, #tpu.memory_space<semaphore_mem>>)
    %dma_start3A_58 = arith.constant 3 : i32
    %dma_start3A_59 = arith.constant 0 : i32
    %dma_start3A_60 = tpu.memref_slice %arg6[%dma_start3A_58, %dma_start3A_59] : memref<80x125xi32, #tpu.memory_space<vmem>> -> memref<1x125xi32, #tpu.memory_space<vmem>>
    %dma_start3A_61 = tpu.memref_squeeze %dma_start3A_60 : memref<1x125xi32, #tpu.memory_space<vmem>> -> memref<125xi32, #tpu.memory_space<vmem>>
    %dma_start3A_62 = arith.constant 0 : i32
    %dma_start3A_63 = arith.constant 0 : i32
    %dma_start3A_64 = tpu.memref_slice %arg4[%dma_start3A_62, %dma_start3A_63] : memref<10000x64xf32, #tpu.memory_space<hbm>> -> memref<10000x64xf32, #tpu.memory_space<hbm>>
    tpu.enqueue_indirect_dma source(%dma_start3A_64 : memref<10000x64xf32, #tpu.memory_space<hbm>>) target(%arg11 : memref<125x64xf32, #tpu.memory_space<vmem>>) offsets(%dma_start3A_61 : memref<125xi32, #tpu.memory_space<vmem>>) semaphore(%arg20 : memref<!tpu.dma_semaphore, #tpu.memory_space<semaphore_mem>>)
    %dma_start3A_65 = arith.constant 4 : i32
    %dma_start3A_66 = arith.constant 0 : i32
    %dma_start3A_67 = tpu.memref_slice %arg6[%dma_start3A_65, %dma_start3A_66] : memref<80x125xi32, #tpu.memory_space<vmem>> -> memref<1x125xi32, #tpu.memory_space<vmem>>
    %dma_start3A_68 = tpu.memref_squeeze %dma_start3A_67 : memref<1x125xi32, #tpu.memory_space<vmem>> -> memref<125xi32, #tpu.memory_space<vmem>>
    %dma_start3A_69 = arith.constant 0 : i32
    %dma_start3A_70 = arith.constant 0 : i32
    %dma_start3A_71 = tpu.memref_slice %arg4[%dma_start3A_69, %dma_start3A_70] : memref<10000x64xf32, #tpu.memory_space<hbm>> -> memref<10000x64xf32, #tpu.memory_space<hbm>>
    tpu.enqueue_indirect_dma source(%dma_start3A_71 : memref<10000x64xf32, #tpu.memory_space<hbm>>) target(%arg12 : memref<125x64xf32, #tpu.memory_space<vmem>>) offsets(%dma_start3A_68 : memref<125xi32, #tpu.memory_space<vmem>>) semaphore(%arg21 : memref<!tpu.dma_semaphore, #tpu.memory_space<semaphore_mem>>)
    %dma_start3A_72 = arith.constant 5 : i32
    %dma_start3A_73 = arith.constant 0 : i32
    %dma_start3A_74 = tpu.memref_slice %arg6[%dma_start3A_72, %dma_start3A_73] : memref<80x125xi32, #tpu.memory_space<vmem>> -> memref<1x125xi32, #tpu.memory_space<vmem>>
    %dma_start3A_75 = tpu.memref_squeeze %dma_start3A_74 : memref<1x125xi32, #tpu.memory_space<vmem>> -> memref<125xi32, #tpu.memory_space<vmem>>
    %dma_start3A_76 = arith.constant 0 : i32
    %dma_start3A_77 = arith.constant 0 : i32
    %dma_start3A_78 = tpu.memref_slice %arg4[%dma_start3A_76, %dma_start3A_77] : memref<10000x64xf32, #tpu.memory_space<hbm>> -> memref<10000x64xf32, #tpu.memory_space<hbm>>
    tpu.enqueue_indirect_dma source(%dma_start3A_78 : memref<10000x64xf32, #tpu.memory_space<hbm>>) target(%arg13 : memref<125x64xf32, #tpu.memory_space<vmem>>) offsets(%dma_start3A_75 : memref<125xi32, #tpu.memory_space<vmem>>) semaphore(%arg22 : memref<!tpu.dma_semaphore, #tpu.memory_space<semaphore_mem>>)
    %dma_start3A_79 = arith.constant 6 : i32
    %dma_start3A_80 = arith.constant 0 : i32
    %dma_start3A_81 = tpu.memref_slice %arg6[%dma_start3A_79, %dma_start3A_80] : memref<80x125xi32, #tpu.memory_space<vmem>> -> memref<1x125xi32, #tpu.memory_space<vmem>>
    %dma_start3A_82 = tpu.memref_squeeze %dma_start3A_81 : memref<1x125xi32, #tpu.memory_space<vmem>> -> memref<125xi32, #tpu.memory_space<vmem>>
    %dma_start3A_83 = arith.constant 0 : i32
    %dma_start3A_84 = arith.constant 0 : i32
    %dma_start3A_85 = tpu.memref_slice %arg4[%dma_start3A_83, %dma_start3A_84] : memref<10000x64xf32, #tpu.memory_space<hbm>> -> memref<10000x64xf32, #tpu.memory_space<hbm>>
    tpu.enqueue_indirect_dma source(%dma_start3A_85 : memref<10000x64xf32, #tpu.memory_space<hbm>>) target(%arg14 : memref<125x64xf32, #tpu.memory_space<vmem>>) offsets(%dma_start3A_82 : memref<125xi32, #tpu.memory_space<vmem>>) semaphore(%arg23 : memref<!tpu.dma_semaphore, #tpu.memory_space<semaphore_mem>>)
    %mul3A_86 = arith.constant 625 : i32
    %mul3A_87 = arith.muli %arg1, %mul3A_86 : i32
    %add3A_88 = arith.constant 0 : i32
    %add3A_89 = arith.addi %mul3A_87, %add3A_88 : i32
    "tpu.region"() ({
      %run_scoped3A = tpu.sem_alloc : memref<!tpu.dma_semaphore, #tpu.memory_space<semaphore_mem>>
      %dma_start3A_179 = arith.constant 0 : i32
      %dma_start3A_180 = tpu.memref_slice %arg16[%add3A_89, %dma_start3A_179] : memref<10016x64xf32, #tpu.memory_space<vmem_shared>> -> memref<125x64xf32, #tpu.memory_space<vmem_shared>>
      %dma_start3A_181 = arith.constant 0 : i32
      %dma_start3A_182 = tpu.memref_slice %arg16[%add3A_89, %dma_start3A_181] : memref<10016x64xf32, #tpu.memory_space<vmem_shared>> -> memref<125x64xf32, #tpu.memory_space<vmem_shared>>
      tpu.enqueue_dma source(%arg15 : memref<125x64xf32, #tpu.memory_space<vmem>>) target(%dma_start3A_182 : memref<125x64xf32, #tpu.memory_space<vmem_shared>>) target_semaphore(%run_scoped3A : memref<!tpu.dma_semaphore, #tpu.memory_space<semaphore_mem>>)
      %dma_wait3A_183 = arith.constant 0 : i32
      %dma_wait3A_184 = tpu.memref_slice %arg16[%add3A_89, %dma_wait3A_183] : memref<10016x64xf32, #tpu.memory_space<vmem_shared>> -> memref<125x64xf32, #tpu.memory_space<vmem_shared>>
      %dma_wait3A_185 = arith.constant 0 : i32
      %dma_wait3A_186 = tpu.memref_slice %arg16[%add3A_89, %dma_wait3A_185] : memref<10016x64xf32, #tpu.memory_space<vmem_shared>> -> memref<125x64xf32, #tpu.memory_space<vmem_shared>>
      tpu.wait_dma2 semaphore(%run_scoped3A : memref<!tpu.dma_semaphore, #tpu.memory_space<semaphore_mem>>) src(%arg15 : memref<125x64xf32, #tpu.memory_space<vmem>>) dst(%dma_wait3A_186 : memref<125x64xf32, #tpu.memory_space<vmem_shared>>)
      tpu.yield
    }) : () -> ()
    %mul3A_90 = arith.constant 625 : i32
    %mul3A_91 = arith.muli %arg1, %mul3A_90 : i32
    %add3A_92 = arith.constant 125 : i32
    %add3A_93 = arith.addi %mul3A_91, %add3A_92 : i32
    "tpu.region"() ({
      %run_scoped3A = tpu.sem_alloc : memref<!tpu.dma_semaphore, #tpu.memory_space<semaphore_mem>>
      %dma_start3A_179 = arith.constant 0 : i32
      %dma_start3A_180 = tpu.memref_slice %arg16[%add3A_93, %dma_start3A_179] : memref<10016x64xf32, #tpu.memory_space<vmem_shared>> -> memref<125x64xf32, #tpu.memory_space<vmem_shared>>
      %dma_start3A_181 = arith.constant 0 : i32
      %dma_start3A_182 = tpu.memref_slice %arg16[%add3A_93, %dma_start3A_181] : memref<10016x64xf32, #tpu.memory_space<vmem_shared>> -> memref<125x64xf32, #tpu.memory_space<vmem_shared>>
      tpu.enqueue_dma source(%arg15 : memref<125x64xf32, #tpu.memory_space<vmem>>) target(%dma_start3A_182 : memref<125x64xf32, #tpu.memory_space<vmem_shared>>) target_semaphore(%run_scoped3A : memref<!tpu.dma_semaphore, #tpu.memory_space<semaphore_mem>>)
      %dma_wait3A_183 = arith.constant 0 : i32
      %dma_wait3A_184 = tpu.memref_slice %arg16[%add3A_93, %dma_wait3A_183] : memref<10016x64xf32, #tpu.memory_space<vmem_shared>> -> memref<125x64xf32, #tpu.memory_space<vmem_shared>>
      %dma_wait3A_185 = arith.constant 0 : i32
      %dma_wait3A_186 = tpu.memref_slice %arg16[%add3A_93, %dma_wait3A_185] : memref<10016x64xf32, #tpu.memory_space<vmem_shared>> -> memref<125x64xf32, #tpu.memory_space<vmem_shared>>
      tpu.wait_dma2 semaphore(%run_scoped3A : memref<!tpu.dma_semaphore, #tpu.memory_space<semaphore_mem>>) src(%arg15 : memref<125x64xf32, #tpu.memory_space<vmem>>) dst(%dma_wait3A_186 : memref<125x64xf32, #tpu.memory_space<vmem_shared>>)
      tpu.yield
    }) : () -> ()
    %mul3A_94 = arith.constant 625 : i32
    %mul3A_95 = arith.muli %arg1, %mul3A_94 : i32
    %add3A_96 = arith.constant 250 : i32
    %add3A_97 = arith.addi %mul3A_95, %add3A_96 : i32
    "tpu.region"() ({
      %run_scoped3A = tpu.sem_alloc : memref<!tpu.dma_semaphore, #tpu.memory_space<semaphore_mem>>
      %dma_start3A_179 = arith.constant 0 : i32
      %dma_start3A_180 = tpu.memref_slice %arg16[%add3A_97, %dma_start3A_179] : memref<10016x64xf32, #tpu.memory_space<vmem_shared>> -> memref<125x64xf32, #tpu.memory_space<vmem_shared>>
      %dma_start3A_181 = arith.constant 0 : i32
      %dma_start3A_182 = tpu.memref_slice %arg16[%add3A_97, %dma_start3A_181] : memref<10016x64xf32, #tpu.memory_space<vmem_shared>> -> memref<125x64xf32, #tpu.memory_space<vmem_shared>>
      tpu.enqueue_dma source(%arg15 : memref<125x64xf32, #tpu.memory_space<vmem>>) target(%dma_start3A_182 : memref<125x64xf32, #tpu.memory_space<vmem_shared>>) target_semaphore(%run_scoped3A : memref<!tpu.dma_semaphore, #tpu.memory_space<semaphore_mem>>)
      %dma_wait3A_183 = arith.constant 0 : i32
      %dma_wait3A_184 = tpu.memref_slice %arg16[%add3A_97, %dma_wait3A_183] : memref<10016x64xf32, #tpu.memory_space<vmem_shared>> -> memref<125x64xf32, #tpu.memory_space<vmem_shared>>
      %dma_wait3A_185 = arith.constant 0 : i32
      %dma_wait3A_186 = tpu.memref_slice %arg16[%add3A_97, %dma_wait3A_185] : memref<10016x64xf32, #tpu.memory_space<vmem_shared>> -> memref<125x64xf32, #tpu.memory_space<vmem_shared>>
      tpu.wait_dma2 semaphore(%run_scoped3A : memref<!tpu.dma_semaphore, #tpu.memory_space<semaphore_mem>>) src(%arg15 : memref<125x64xf32, #tpu.memory_space<vmem>>) dst(%dma_wait3A_186 : memref<125x64xf32, #tpu.memory_space<vmem_shared>>)
      tpu.yield
    }) : () -> ()
    %mul3A_98 = arith.constant 625 : i32
    %mul3A_99 = arith.muli %arg1, %mul3A_98 : i32
    %add3A_100 = arith.constant 375 : i32
    %add3A_101 = arith.addi %mul3A_99, %add3A_100 : i32
    "tpu.region"() ({
      %run_scoped3A = tpu.sem_alloc : memref<!tpu.dma_semaphore, #tpu.memory_space<semaphore_mem>>
      %dma_start3A_179 = arith.constant 0 : i32
      %dma_start3A_180 = tpu.memref_slice %arg16[%add3A_101, %dma_start3A_179] : memref<10016x64xf32, #tpu.memory_space<vmem_shared>> -> memref<125x64xf32, #tpu.memory_space<vmem_shared>>
      %dma_start3A_181 = arith.constant 0 : i32
      %dma_start3A_182 = tpu.memref_slice %arg16[%add3A_101, %dma_start3A_181] : memref<10016x64xf32, #tpu.memory_space<vmem_shared>> -> memref<125x64xf32, #tpu.memory_space<vmem_shared>>
      tpu.enqueue_dma source(%arg15 : memref<125x64xf32, #tpu.memory_space<vmem>>) target(%dma_start3A_182 : memref<125x64xf32, #tpu.memory_space<vmem_shared>>) target_semaphore(%run_scoped3A : memref<!tpu.dma_semaphore, #tpu.memory_space<semaphore_mem>>)
      %dma_wait3A_183 = arith.constant 0 : i32
      %dma_wait3A_184 = tpu.memref_slice %arg16[%add3A_101, %dma_wait3A_183] : memref<10016x64xf32, #tpu.memory_space<vmem_shared>> -> memref<125x64xf32, #tpu.memory_space<vmem_shared>>
      %dma_wait3A_185 = arith.constant 0 : i32
      %dma_wait3A_186 = tpu.memref_slice %arg16[%add3A_101, %dma_wait3A_185] : memref<10016x64xf32, #tpu.memory_space<vmem_shared>> -> memref<125x64xf32, #tpu.memory_space<vmem_shared>>
      tpu.wait_dma2 semaphore(%run_scoped3A : memref<!tpu.dma_semaphore, #tpu.memory_space<semaphore_mem>>) src(%arg15 : memref<125x64xf32, #tpu.memory_space<vmem>>) dst(%dma_wait3A_186 : memref<125x64xf32, #tpu.memory_space<vmem_shared>>)
      tpu.yield
    }) : () -> ()
    %mul3A_102 = arith.constant 625 : i32
    %mul3A_103 = arith.muli %arg1, %mul3A_102 : i32
    %add3A_104 = arith.constant 500 : i32
    %add3A_105 = arith.addi %mul3A_103, %add3A_104 : i32
    "tpu.region"() ({
      %run_scoped3A = tpu.sem_alloc : memref<!tpu.dma_semaphore, #tpu.memory_space<semaphore_mem>>
      %dma_start3A_179 = arith.constant 0 : i32
      %dma_start3A_180 = tpu.memref_slice %arg16[%add3A_105, %dma_start3A_179] : memref<10016x64xf32, #tpu.memory_space<vmem_shared>> -> memref<125x64xf32, #tpu.memory_space<vmem_shared>>
      %dma_start3A_181 = arith.constant 0 : i32
      %dma_start3A_182 = tpu.memref_slice %arg16[%add3A_105, %dma_start3A_181] : memref<10016x64xf32, #tpu.memory_space<vmem_shared>> -> memref<125x64xf32, #tpu.memory_space<vmem_shared>>
      tpu.enqueue_dma source(%arg15 : memref<125x64xf32, #tpu.memory_space<vmem>>) target(%dma_start3A_182 : memref<125x64xf32, #tpu.memory_space<vmem_shared>>) target_semaphore(%run_scoped3A : memref<!tpu.dma_semaphore, #tpu.memory_space<semaphore_mem>>)
      %dma_wait3A_183 = arith.constant 0 : i32
      %dma_wait3A_184 = tpu.memref_slice %arg16[%add3A_105, %dma_wait3A_183] : memref<10016x64xf32, #tpu.memory_space<vmem_shared>> -> memref<125x64xf32, #tpu.memory_space<vmem_shared>>
      %dma_wait3A_185 = arith.constant 0 : i32
      %dma_wait3A_186 = tpu.memref_slice %arg16[%add3A_105, %dma_wait3A_185] : memref<10016x64xf32, #tpu.memory_space<vmem_shared>> -> memref<125x64xf32, #tpu.memory_space<vmem_shared>>
      tpu.wait_dma2 semaphore(%run_scoped3A : memref<!tpu.dma_semaphore, #tpu.memory_space<semaphore_mem>>) src(%arg15 : memref<125x64xf32, #tpu.memory_space<vmem>>) dst(%dma_wait3A_186 : memref<125x64xf32, #tpu.memory_space<vmem_shared>>)
      tpu.yield
    }) : () -> ()
    %dma_start3A_106 = arith.constant 7 : i32
    %dma_start3A_107 = arith.constant 0 : i32
    %dma_start3A_108 = tpu.memref_slice %arg6[%dma_start3A_106, %dma_start3A_107] : memref<80x125xi32, #tpu.memory_space<vmem>> -> memref<1x125xi32, #tpu.memory_space<vmem>>
    %dma_start3A_109 = tpu.memref_squeeze %dma_start3A_108 : memref<1x125xi32, #tpu.memory_space<vmem>> -> memref<125xi32, #tpu.memory_space<vmem>>
    %dma_start3A_110 = arith.constant 0 : i32
    %dma_start3A_111 = arith.constant 0 : i32
    %dma_start3A_112 = tpu.memref_slice %arg4[%dma_start3A_110, %dma_start3A_111] : memref<10000x64xf32, #tpu.memory_space<hbm>> -> memref<10000x64xf32, #tpu.memory_space<hbm>>
    tpu.enqueue_indirect_dma source(%dma_start3A_112 : memref<10000x64xf32, #tpu.memory_space<hbm>>) target(%arg15 : memref<125x64xf32, #tpu.memory_space<vmem>>) offsets(%dma_start3A_109 : memref<125xi32, #tpu.memory_space<vmem>>) semaphore(%arg24 : memref<!tpu.dma_semaphore, #tpu.memory_space<semaphore_mem>>)
    %barrier3A = arith.constant 0 : index
    tpu.barrier barrier_id(%barrier3A)
    %scan3A_113 = arith.constant 0 : i32
    %scan3A_114 = arith.constant 0 : i32
    %scan3A_115 = arith.constant 10 : i32
    %scan3A_116 = arith.addi %scan3A_114, %scan3A_115 : i32
    %scan3A_117 = arith.constant 1 : i32
    %scan3A_118 = scf.for %scan3A_179 = %scan3A_114 to %scan3A_116 step %scan3A_117 iter_args(%scan3A_180 = %scan3A_113) -> (i32)  : i32 {
      %mul3A_181 = arith.constant 8 : i32
      %mul3A_182 = arith.muli %scan3A_179, %mul3A_181 : i32
      %add3A_183 = arith.constant 0 : i32
      %add3A_184 = arith.addi %mul3A_182, %add3A_183 : i32
      %dma_wait3A_185 = arith.constant 0 : i32
      %dma_wait3A_186 = tpu.memref_slice %arg6[%add3A_184, %dma_wait3A_185] : memref<80x125xi32, #tpu.memory_space<vmem>> -> memref<1x125xi32, #tpu.memory_space<vmem>>
      %dma_wait3A_187 = tpu.memref_squeeze %dma_wait3A_186 : memref<1x125xi32, #tpu.memory_space<vmem>> -> memref<125xi32, #tpu.memory_space<vmem>>
      %dma_wait3A_188 = arith.constant 0 : i32
      %dma_wait3A_189 = arith.constant 0 : i32
      %dma_wait3A_190 = tpu.memref_slice %arg4[%dma_wait3A_188, %dma_wait3A_189] : memref<10000x64xf32, #tpu.memory_space<hbm>> -> memref<10000x64xf32, #tpu.memory_space<hbm>>
      tpu.wait_indirect_dma semaphore(%arg17 : memref<!tpu.dma_semaphore, #tpu.memory_space<semaphore_mem>>) src(%dma_wait3A_190 : memref<10000x64xf32, #tpu.memory_space<hbm>>) dst(%arg8 : memref<125x64xf32, #tpu.memory_space<vmem>>)
      %dma_start3A_191 = arith.constant 0 : i32
      %dma_start3A_192 = tpu.memref_slice %arg7[%add3A_184, %dma_start3A_191] : memref<80x125xi32, #tpu.memory_space<vmem>> -> memref<1x125xi32, #tpu.memory_space<vmem>>
      %dma_start3A_193 = tpu.memref_squeeze %dma_start3A_192 : memref<1x125xi32, #tpu.memory_space<vmem>> -> memref<125xi32, #tpu.memory_space<vmem>>
      %dma_start3A_194 = arith.constant 0 : i32
      %dma_start3A_195 = arith.constant 0 : i32
      %dma_start3A_196 = tpu.memref_slice %arg16[%dma_start3A_194, %dma_start3A_195] : memref<10016x64xf32, #tpu.memory_space<vmem_shared>> -> memref<10016x64xf32, #tpu.memory_space<vmem_shared>>
      tpu.enqueue_indirect_dma source(%arg8 : memref<125x64xf32, #tpu.memory_space<vmem>>) target(%dma_start3A_196 : memref<10016x64xf32, #tpu.memory_space<vmem_shared>>) offsets(%dma_start3A_193 : memref<125xi32, #tpu.memory_space<vmem>>) semaphore(%arg25 : memref<!tpu.dma_semaphore, #tpu.memory_space<semaphore_mem>>) {add = true}
      %add3A_197 = arith.constant 1 : i32
      %add3A_198 = arith.addi %mul3A_182, %add3A_197 : i32
      %dma_wait3A_199 = arith.constant 0 : i32
      %dma_wait3A_200 = tpu.memref_slice %arg6[%add3A_198, %dma_wait3A_199] : memref<80x125xi32, #tpu.memory_space<vmem>> -> memref<1x125xi32, #tpu.memory_space<vmem>>
      %dma_wait3A_201 = tpu.memref_squeeze %dma_wait3A_200 : memref<1x125xi32, #tpu.memory_space<vmem>> -> memref<125xi32, #tpu.memory_space<vmem>>
      %dma_wait3A_202 = arith.constant 0 : i32
      %dma_wait3A_203 = arith.constant 0 : i32
      %dma_wait3A_204 = tpu.memref_slice %arg4[%dma_wait3A_202, %dma_wait3A_203] : memref<10000x64xf32, #tpu.memory_space<hbm>> -> memref<10000x64xf32, #tpu.memory_space<hbm>>
      tpu.wait_indirect_dma semaphore(%arg18 : memref<!tpu.dma_semaphore, #tpu.memory_space<semaphore_mem>>) src(%dma_wait3A_204 : memref<10000x64xf32, #tpu.memory_space<hbm>>) dst(%arg9 : memref<125x64xf32, #tpu.memory_space<vmem>>)
      %dma_start3A_205 = arith.constant 0 : i32
      %dma_start3A_206 = tpu.memref_slice %arg7[%add3A_198, %dma_start3A_205] : memref<80x125xi32, #tpu.memory_space<vmem>> -> memref<1x125xi32, #tpu.memory_space<vmem>>
      %dma_start3A_207 = tpu.memref_squeeze %dma_start3A_206 : memref<1x125xi32, #tpu.memory_space<vmem>> -> memref<125xi32, #tpu.memory_space<vmem>>
      %dma_start3A_208 = arith.constant 0 : i32
      %dma_start3A_209 = arith.constant 0 : i32
      %dma_start3A_210 = tpu.memref_slice %arg16[%dma_start3A_208, %dma_start3A_209] : memref<10016x64xf32, #tpu.memory_space<vmem_shared>> -> memref<10016x64xf32, #tpu.memory_space<vmem_shared>>
      tpu.enqueue_indirect_dma source(%arg9 : memref<125x64xf32, #tpu.memory_space<vmem>>) target(%dma_start3A_210 : memref<10016x64xf32, #tpu.memory_space<vmem_shared>>) offsets(%dma_start3A_207 : memref<125xi32, #tpu.memory_space<vmem>>) semaphore(%arg26 : memref<!tpu.dma_semaphore, #tpu.memory_space<semaphore_mem>>) {add = true}
      %add3A_211 = arith.constant 2 : i32
      %add3A_212 = arith.addi %mul3A_182, %add3A_211 : i32
      %dma_wait3A_213 = arith.constant 0 : i32
      %dma_wait3A_214 = tpu.memref_slice %arg6[%add3A_212, %dma_wait3A_213] : memref<80x125xi32, #tpu.memory_space<vmem>> -> memref<1x125xi32, #tpu.memory_space<vmem>>
      %dma_wait3A_215 = tpu.memref_squeeze %dma_wait3A_214 : memref<1x125xi32, #tpu.memory_space<vmem>> -> memref<125xi32, #tpu.memory_space<vmem>>
      %dma_wait3A_216 = arith.constant 0 : i32
      %dma_wait3A_217 = arith.constant 0 : i32
      %dma_wait3A_218 = tpu.memref_slice %arg4[%dma_wait3A_216, %dma_wait3A_217] : memref<10000x64xf32, #tpu.memory_space<hbm>> -> memref<10000x64xf32, #tpu.memory_space<hbm>>
      tpu.wait_indirect_dma semaphore(%arg19 : memref<!tpu.dma_semaphore, #tpu.memory_space<semaphore_mem>>) src(%dma_wait3A_218 : memref<10000x64xf32, #tpu.memory_space<hbm>>) dst(%arg10 : memref<125x64xf32, #tpu.memory_space<vmem>>)
      %dma_start3A_219 = arith.constant 0 : i32
      %dma_start3A_220 = tpu.memref_slice %arg7[%add3A_212, %dma_start3A_219] : memref<80x125xi32, #tpu.memory_space<vmem>> -> memref<1x125xi32, #tpu.memory_space<vmem>>
      %dma_start3A_221 = tpu.memref_squeeze %dma_start3A_220 : memref<1x125xi32, #tpu.memory_space<vmem>> -> memref<125xi32, #tpu.memory_space<vmem>>
      %dma_start3A_222 = arith.constant 0 : i32
      %dma_start3A_223 = arith.constant 0 : i32
      %dma_start3A_224 = tpu.memref_slice %arg16[%dma_start3A_222, %dma_start3A_223] : memref<10016x64xf32, #tpu.memory_space<vmem_shared>> -> memref<10016x64xf32, #tpu.memory_space<vmem_shared>>
      tpu.enqueue_indirect_dma source(%arg10 : memref<125x64xf32, #tpu.memory_space<vmem>>) target(%dma_start3A_224 : memref<10016x64xf32, #tpu.memory_space<vmem_shared>>) offsets(%dma_start3A_221 : memref<125xi32, #tpu.memory_space<vmem>>) semaphore(%arg27 : memref<!tpu.dma_semaphore, #tpu.memory_space<semaphore_mem>>) {add = true}
      %add3A_225 = arith.constant 3 : i32
      %add3A_226 = arith.addi %mul3A_182, %add3A_225 : i32
      %dma_wait3A_227 = arith.constant 0 : i32
      %dma_wait3A_228 = tpu.memref_slice %arg6[%add3A_226, %dma_wait3A_227] : memref<80x125xi32, #tpu.memory_space<vmem>> -> memref<1x125xi32, #tpu.memory_space<vmem>>
      %dma_wait3A_229 = tpu.memref_squeeze %dma_wait3A_228 : memref<1x125xi32, #tpu.memory_space<vmem>> -> memref<125xi32, #tpu.memory_space<vmem>>
      %dma_wait3A_230 = arith.constant 0 : i32
      %dma_wait3A_231 = arith.constant 0 : i32
      %dma_wait3A_232 = tpu.memref_slice %arg4[%dma_wait3A_230, %dma_wait3A_231] : memref<10000x64xf32, #tpu.memory_space<hbm>> -> memref<10000x64xf32, #tpu.memory_space<hbm>>
      tpu.wait_indirect_dma semaphore(%arg20 : memref<!tpu.dma_semaphore, #tpu.memory_space<semaphore_mem>>) src(%dma_wait3A_232 : memref<10000x64xf32, #tpu.memory_space<hbm>>) dst(%arg11 : memref<125x64xf32, #tpu.memory_space<vmem>>)
      %dma_start3A_233 = arith.constant 0 : i32
      %dma_start3A_234 = tpu.memref_slice %arg7[%add3A_226, %dma_start3A_233] : memref<80x125xi32, #tpu.memory_space<vmem>> -> memref<1x125xi32, #tpu.memory_space<vmem>>
      %dma_start3A_235 = tpu.memref_squeeze %dma_start3A_234 : memref<1x125xi32, #tpu.memory_space<vmem>> -> memref<125xi32, #tpu.memory_space<vmem>>
      %dma_start3A_236 = arith.constant 0 : i32
      %dma_start3A_237 = arith.constant 0 : i32
      %dma_start3A_238 = tpu.memref_slice %arg16[%dma_start3A_236, %dma_start3A_237] : memref<10016x64xf32, #tpu.memory_space<vmem_shared>> -> memref<10016x64xf32, #tpu.memory_space<vmem_shared>>
      tpu.enqueue_indirect_dma source(%arg11 : memref<125x64xf32, #tpu.memory_space<vmem>>) target(%dma_start3A_238 : memref<10016x64xf32, #tpu.memory_space<vmem_shared>>) offsets(%dma_start3A_235 : memref<125xi32, #tpu.memory_space<vmem>>) semaphore(%arg28 : memref<!tpu.dma_semaphore, #tpu.memory_space<semaphore_mem>>) {add = true}
      %add3A_239 = arith.constant 4 : i32
      %add3A_240 = arith.addi %mul3A_182, %add3A_239 : i32
      %dma_wait3A_241 = arith.constant 0 : i32
      %dma_wait3A_242 = tpu.memref_slice %arg6[%add3A_240, %dma_wait3A_241] : memref<80x125xi32, #tpu.memory_space<vmem>> -> memref<1x125xi32, #tpu.memory_space<vmem>>
      %dma_wait3A_243 = tpu.memref_squeeze %dma_wait3A_242 : memref<1x125xi32, #tpu.memory_space<vmem>> -> memref<125xi32, #tpu.memory_space<vmem>>
      %dma_wait3A_244 = arith.constant 0 : i32
      %dma_wait3A_245 = arith.constant 0 : i32
      %dma_wait3A_246 = tpu.memref_slice %arg4[%dma_wait3A_244, %dma_wait3A_245] : memref<10000x64xf32, #tpu.memory_space<hbm>> -> memref<10000x64xf32, #tpu.memory_space<hbm>>
      tpu.wait_indirect_dma semaphore(%arg21 : memref<!tpu.dma_semaphore, #tpu.memory_space<semaphore_mem>>) src(%dma_wait3A_246 : memref<10000x64xf32, #tpu.memory_space<hbm>>) dst(%arg12 : memref<125x64xf32, #tpu.memory_space<vmem>>)
      %dma_start3A_247 = arith.constant 0 : i32
      %dma_start3A_248 = tpu.memref_slice %arg7[%add3A_240, %dma_start3A_247] : memref<80x125xi32, #tpu.memory_space<vmem>> -> memref<1x125xi32, #tpu.memory_space<vmem>>
      %dma_start3A_249 = tpu.memref_squeeze %dma_start3A_248 : memref<1x125xi32, #tpu.memory_space<vmem>> -> memref<125xi32, #tpu.memory_space<vmem>>
      %dma_start3A_250 = arith.constant 0 : i32
      %dma_start3A_251 = arith.constant 0 : i32
      %dma_start3A_252 = tpu.memref_slice %arg16[%dma_start3A_250, %dma_start3A_251] : memref<10016x64xf32, #tpu.memory_space<vmem_shared>> -> memref<10016x64xf32, #tpu.memory_space<vmem_shared>>
      tpu.enqueue_indirect_dma source(%arg12 : memref<125x64xf32, #tpu.memory_space<vmem>>) target(%dma_start3A_252 : memref<10016x64xf32, #tpu.memory_space<vmem_shared>>) offsets(%dma_start3A_249 : memref<125xi32, #tpu.memory_space<vmem>>) semaphore(%arg29 : memref<!tpu.dma_semaphore, #tpu.memory_space<semaphore_mem>>) {add = true}
      %add3A_253 = arith.constant 5 : i32
      %add3A_254 = arith.addi %mul3A_182, %add3A_253 : i32
      %dma_wait3A_255 = arith.constant 0 : i32
      %dma_wait3A_256 = tpu.memref_slice %arg6[%add3A_254, %dma_wait3A_255] : memref<80x125xi32, #tpu.memory_space<vmem>> -> memref<1x125xi32, #tpu.memory_space<vmem>>
      %dma_wait3A_257 = tpu.memref_squeeze %dma_wait3A_256 : memref<1x125xi32, #tpu.memory_space<vmem>> -> memref<125xi32, #tpu.memory_space<vmem>>
      %dma_wait3A_258 = arith.constant 0 : i32
      %dma_wait3A_259 = arith.constant 0 : i32
      %dma_wait3A_260 = tpu.memref_slice %arg4[%dma_wait3A_258, %dma_wait3A_259] : memref<10000x64xf32, #tpu.memory_space<hbm>> -> memref<10000x64xf32, #tpu.memory_space<hbm>>
      tpu.wait_indirect_dma semaphore(%arg22 : memref<!tpu.dma_semaphore, #tpu.memory_space<semaphore_mem>>) src(%dma_wait3A_260 : memref<10000x64xf32, #tpu.memory_space<hbm>>) dst(%arg13 : memref<125x64xf32, #tpu.memory_space<vmem>>)
      %dma_start3A_261 = arith.constant 0 : i32
      %dma_start3A_262 = tpu.memref_slice %arg7[%add3A_254, %dma_start3A_261] : memref<80x125xi32, #tpu.memory_space<vmem>> -> memref<1x125xi32, #tpu.memory_space<vmem>>
      %dma_start3A_263 = tpu.memref_squeeze %dma_start3A_262 : memref<1x125xi32, #tpu.memory_space<vmem>> -> memref<125xi32, #tpu.memory_space<vmem>>
      %dma_start3A_264 = arith.constant 0 : i32
      %dma_start3A_265 = arith.constant 0 : i32
      %dma_start3A_266 = tpu.memref_slice %arg16[%dma_start3A_264, %dma_start3A_265] : memref<10016x64xf32, #tpu.memory_space<vmem_shared>> -> memref<10016x64xf32, #tpu.memory_space<vmem_shared>>
      tpu.enqueue_indirect_dma source(%arg13 : memref<125x64xf32, #tpu.memory_space<vmem>>) target(%dma_start3A_266 : memref<10016x64xf32, #tpu.memory_space<vmem_shared>>) offsets(%dma_start3A_263 : memref<125xi32, #tpu.memory_space<vmem>>) semaphore(%arg30 : memref<!tpu.dma_semaphore, #tpu.memory_space<semaphore_mem>>) {add = true}
      %add3A_267 = arith.constant 6 : i32
      %add3A_268 = arith.addi %mul3A_182, %add3A_267 : i32
      %dma_wait3A_269 = arith.constant 0 : i32
      %dma_wait3A_270 = tpu.memref_slice %arg6[%add3A_268, %dma_wait3A_269] : memref<80x125xi32, #tpu.memory_space<vmem>> -> memref<1x125xi32, #tpu.memory_space<vmem>>
      %dma_wait3A_271 = tpu.memref_squeeze %dma_wait3A_270 : memref<1x125xi32, #tpu.memory_space<vmem>> -> memref<125xi32, #tpu.memory_space<vmem>>
      %dma_wait3A_272 = arith.constant 0 : i32
      %dma_wait3A_273 = arith.constant 0 : i32
      %dma_wait3A_274 = tpu.memref_slice %arg4[%dma_wait3A_272, %dma_wait3A_273] : memref<10000x64xf32, #tpu.memory_space<hbm>> -> memref<10000x64xf32, #tpu.memory_space<hbm>>
      tpu.wait_indirect_dma semaphore(%arg23 : memref<!tpu.dma_semaphore, #tpu.memory_space<semaphore_mem>>) src(%dma_wait3A_274 : memref<10000x64xf32, #tpu.memory_space<hbm>>) dst(%arg14 : memref<125x64xf32, #tpu.memory_space<vmem>>)
      %dma_start3A_275 = arith.constant 0 : i32
      %dma_start3A_276 = tpu.memref_slice %arg7[%add3A_268, %dma_start3A_275] : memref<80x125xi32, #tpu.memory_space<vmem>> -> memref<1x125xi32, #tpu.memory_space<vmem>>
      %dma_start3A_277 = tpu.memref_squeeze %dma_start3A_276 : memref<1x125xi32, #tpu.memory_space<vmem>> -> memref<125xi32, #tpu.memory_space<vmem>>
      %dma_start3A_278 = arith.constant 0 : i32
      %dma_start3A_279 = arith.constant 0 : i32
      %dma_start3A_280 = tpu.memref_slice %arg16[%dma_start3A_278, %dma_start3A_279] : memref<10016x64xf32, #tpu.memory_space<vmem_shared>> -> memref<10016x64xf32, #tpu.memory_space<vmem_shared>>
      tpu.enqueue_indirect_dma source(%arg14 : memref<125x64xf32, #tpu.memory_space<vmem>>) target(%dma_start3A_280 : memref<10016x64xf32, #tpu.memory_space<vmem_shared>>) offsets(%dma_start3A_277 : memref<125xi32, #tpu.memory_space<vmem>>) semaphore(%arg31 : memref<!tpu.dma_semaphore, #tpu.memory_space<semaphore_mem>>) {add = true}
      %add3A_281 = arith.constant 7 : i32
      %add3A_282 = arith.addi %mul3A_182, %add3A_281 : i32
      %dma_wait3A_283 = arith.constant 0 : i32
      %dma_wait3A_284 = tpu.memref_slice %arg6[%add3A_282, %dma_wait3A_283] : memref<80x125xi32, #tpu.memory_space<vmem>> -> memref<1x125xi32, #tpu.memory_space<vmem>>
      %dma_wait3A_285 = tpu.memref_squeeze %dma_wait3A_284 : memref<1x125xi32, #tpu.memory_space<vmem>> -> memref<125xi32, #tpu.memory_space<vmem>>
      %dma_wait3A_286 = arith.constant 0 : i32
      %dma_wait3A_287 = arith.constant 0 : i32
      %dma_wait3A_288 = tpu.memref_slice %arg4[%dma_wait3A_286, %dma_wait3A_287] : memref<10000x64xf32, #tpu.memory_space<hbm>> -> memref<10000x64xf32, #tpu.memory_space<hbm>>
      tpu.wait_indirect_dma semaphore(%arg24 : memref<!tpu.dma_semaphore, #tpu.memory_space<semaphore_mem>>) src(%dma_wait3A_288 : memref<10000x64xf32, #tpu.memory_space<hbm>>) dst(%arg15 : memref<125x64xf32, #tpu.memory_space<vmem>>)
      %dma_start3A_289 = arith.constant 0 : i32
      %dma_start3A_290 = tpu.memref_slice %arg7[%add3A_282, %dma_start3A_289] : memref<80x125xi32, #tpu.memory_space<vmem>> -> memref<1x125xi32, #tpu.memory_space<vmem>>
      %dma_start3A_291 = tpu.memref_squeeze %dma_start3A_290 : memref<1x125xi32, #tpu.memory_space<vmem>> -> memref<125xi32, #tpu.memory_space<vmem>>
      %dma_start3A_292 = arith.constant 0 : i32
      %dma_start3A_293 = arith.constant 0 : i32
      %dma_start3A_294 = tpu.memref_slice %arg16[%dma_start3A_292, %dma_start3A_293] : memref<10016x64xf32, #tpu.memory_space<vmem_shared>> -> memref<10016x64xf32, #tpu.memory_space<vmem_shared>>
      tpu.enqueue_indirect_dma source(%arg15 : memref<125x64xf32, #tpu.memory_space<vmem>>) target(%dma_start3A_294 : memref<10016x64xf32, #tpu.memory_space<vmem_shared>>) offsets(%dma_start3A_291 : memref<125xi32, #tpu.memory_space<vmem>>) semaphore(%arg32 : memref<!tpu.dma_semaphore, #tpu.memory_space<semaphore_mem>>) {add = true}
      %add3A_295 = arith.constant 0 : i32
      %add3A_296 = arith.addi %mul3A_182, %add3A_295 : i32
      %lt3A = arith.constant 9 : i32
      %lt3A_297 = arith.cmpi slt, %scan3A_179, %lt3A : i32
      %convert_element_type3A = arith.extui %lt3A_297 : i1 to i32
      %cond3A = arith.constant 0 : i32
      %cond3A_298 = arith.cmpi ne, %convert_element_type3A, %cond3A : i32
      scf.if %cond3A_298 {
        %dma_wait3A_349 = arith.constant 0 : i32
        %dma_wait3A_350 = tpu.memref_slice %arg7[%add3A_296, %dma_wait3A_349] : memref<80x125xi32, #tpu.memory_space<vmem>> -> memref<1x125xi32, #tpu.memory_space<vmem>>
        %dma_wait3A_351 = tpu.memref_squeeze %dma_wait3A_350 : memref<1x125xi32, #tpu.memory_space<vmem>> -> memref<125xi32, #tpu.memory_space<vmem>>
        %dma_wait3A_352 = arith.constant 0 : i32
        %dma_wait3A_353 = arith.constant 0 : i32
        %dma_wait3A_354 = tpu.memref_slice %arg16[%dma_wait3A_352, %dma_wait3A_353] : memref<10016x64xf32, #tpu.memory_space<vmem_shared>> -> memref<10016x64xf32, #tpu.memory_space<vmem_shared>>
        tpu.wait_indirect_dma semaphore(%arg25 : memref<!tpu.dma_semaphore, #tpu.memory_space<semaphore_mem>>) src(%arg8 : memref<125x64xf32, #tpu.memory_space<vmem>>) dst(%dma_wait3A_354 : memref<10016x64xf32, #tpu.memory_space<vmem_shared>>)
        %add3A_355 = arith.constant 8 : i32
        %add3A_356 = arith.addi %add3A_296, %add3A_355 : i32
        %dma_start3A_357 = arith.constant 0 : i32
        %dma_start3A_358 = tpu.memref_slice %arg6[%add3A_356, %dma_start3A_357] : memref<80x125xi32, #tpu.memory_space<vmem>> -> memref<1x125xi32, #tpu.memory_space<vmem>>
        %dma_start3A_359 = tpu.memref_squeeze %dma_start3A_358 : memref<1x125xi32, #tpu.memory_space<vmem>> -> memref<125xi32, #tpu.memory_space<vmem>>
        %dma_start3A_360 = arith.constant 0 : i32
        %dma_start3A_361 = arith.constant 0 : i32
        %dma_start3A_362 = tpu.memref_slice %arg4[%dma_start3A_360, %dma_start3A_361] : memref<10000x64xf32, #tpu.memory_space<hbm>> -> memref<10000x64xf32, #tpu.memory_space<hbm>>
        tpu.enqueue_indirect_dma source(%dma_start3A_362 : memref<10000x64xf32, #tpu.memory_space<hbm>>) target(%arg8 : memref<125x64xf32, #tpu.memory_space<vmem>>) offsets(%dma_start3A_359 : memref<125xi32, #tpu.memory_space<vmem>>) semaphore(%arg17 : memref<!tpu.dma_semaphore, #tpu.memory_space<semaphore_mem>>)
      } else {
      }
      %add3A_299 = arith.constant 1 : i32
      %add3A_300 = arith.addi %mul3A_182, %add3A_299 : i32
      %lt3A_301 = arith.constant 9 : i32
      %lt3A_302 = arith.cmpi slt, %scan3A_179, %lt3A_301 : i32
      %convert_element_type3A_303 = arith.extui %lt3A_302 : i1 to i32
      %cond3A_304 = arith.constant 0 : i32
      %cond3A_305 = arith.cmpi ne, %convert_element_type3A_303, %cond3A_304 : i32
      scf.if %cond3A_305 {
        %dma_wait3A_349 = arith.constant 0 : i32
        %dma_wait3A_350 = tpu.memref_slice %arg7[%add3A_300, %dma_wait3A_349] : memref<80x125xi32, #tpu.memory_space<vmem>> -> memref<1x125xi32, #tpu.memory_space<vmem>>
        %dma_wait3A_351 = tpu.memref_squeeze %dma_wait3A_350 : memref<1x125xi32, #tpu.memory_space<vmem>> -> memref<125xi32, #tpu.memory_space<vmem>>
        %dma_wait3A_352 = arith.constant 0 : i32
        %dma_wait3A_353 = arith.constant 0 : i32
        %dma_wait3A_354 = tpu.memref_slice %arg16[%dma_wait3A_352, %dma_wait3A_353] : memref<10016x64xf32, #tpu.memory_space<vmem_shared>> -> memref<10016x64xf32, #tpu.memory_space<vmem_shared>>
        tpu.wait_indirect_dma semaphore(%arg26 : memref<!tpu.dma_semaphore, #tpu.memory_space<semaphore_mem>>) src(%arg9 : memref<125x64xf32, #tpu.memory_space<vmem>>) dst(%dma_wait3A_354 : memref<10016x64xf32, #tpu.memory_space<vmem_shared>>)
        %add3A_355 = arith.constant 8 : i32
        %add3A_356 = arith.addi %add3A_300, %add3A_355 : i32
        %dma_start3A_357 = arith.constant 0 : i32
        %dma_start3A_358 = tpu.memref_slice %arg6[%add3A_356, %dma_start3A_357] : memref<80x125xi32, #tpu.memory_space<vmem>> -> memref<1x125xi32, #tpu.memory_space<vmem>>
        %dma_start3A_359 = tpu.memref_squeeze %dma_start3A_358 : memref<1x125xi32, #tpu.memory_space<vmem>> -> memref<125xi32, #tpu.memory_space<vmem>>
        %dma_start3A_360 = arith.constant 0 : i32
        %dma_start3A_361 = arith.constant 0 : i32
        %dma_start3A_362 = tpu.memref_slice %arg4[%dma_start3A_360, %dma_start3A_361] : memref<10000x64xf32, #tpu.memory_space<hbm>> -> memref<10000x64xf32, #tpu.memory_space<hbm>>
        tpu.enqueue_indirect_dma source(%dma_start3A_362 : memref<10000x64xf32, #tpu.memory_space<hbm>>) target(%arg9 : memref<125x64xf32, #tpu.memory_space<vmem>>) offsets(%dma_start3A_359 : memref<125xi32, #tpu.memory_space<vmem>>) semaphore(%arg18 : memref<!tpu.dma_semaphore, #tpu.memory_space<semaphore_mem>>)
      } else {
      }
      %add3A_306 = arith.constant 2 : i32
      %add3A_307 = arith.addi %mul3A_182, %add3A_306 : i32
      %lt3A_308 = arith.constant 9 : i32
      %lt3A_309 = arith.cmpi slt, %scan3A_179, %lt3A_308 : i32
      %convert_element_type3A_310 = arith.extui %lt3A_309 : i1 to i32
      %cond3A_311 = arith.constant 0 : i32
      %cond3A_312 = arith.cmpi ne, %convert_element_type3A_310, %cond3A_311 : i32
      scf.if %cond3A_312 {
        %dma_wait3A_349 = arith.constant 0 : i32
        %dma_wait3A_350 = tpu.memref_slice %arg7[%add3A_307, %dma_wait3A_349] : memref<80x125xi32, #tpu.memory_space<vmem>> -> memref<1x125xi32, #tpu.memory_space<vmem>>
        %dma_wait3A_351 = tpu.memref_squeeze %dma_wait3A_350 : memref<1x125xi32, #tpu.memory_space<vmem>> -> memref<125xi32, #tpu.memory_space<vmem>>
        %dma_wait3A_352 = arith.constant 0 : i32
        %dma_wait3A_353 = arith.constant 0 : i32
        %dma_wait3A_354 = tpu.memref_slice %arg16[%dma_wait3A_352, %dma_wait3A_353] : memref<10016x64xf32, #tpu.memory_space<vmem_shared>> -> memref<10016x64xf32, #tpu.memory_space<vmem_shared>>
        tpu.wait_indirect_dma semaphore(%arg27 : memref<!tpu.dma_semaphore, #tpu.memory_space<semaphore_mem>>) src(%arg10 : memref<125x64xf32, #tpu.memory_space<vmem>>) dst(%dma_wait3A_354 : memref<10016x64xf32, #tpu.memory_space<vmem_shared>>)
        %add3A_355 = arith.constant 8 : i32
        %add3A_356 = arith.addi %add3A_307, %add3A_355 : i32
        %dma_start3A_357 = arith.constant 0 : i32
        %dma_start3A_358 = tpu.memref_slice %arg6[%add3A_356, %dma_start3A_357] : memref<80x125xi32, #tpu.memory_space<vmem>> -> memref<1x125xi32, #tpu.memory_space<vmem>>
        %dma_start3A_359 = tpu.memref_squeeze %dma_start3A_358 : memref<1x125xi32, #tpu.memory_space<vmem>> -> memref<125xi32, #tpu.memory_space<vmem>>
        %dma_start3A_360 = arith.constant 0 : i32
        %dma_start3A_361 = arith.constant 0 : i32
        %dma_start3A_362 = tpu.memref_slice %arg4[%dma_start3A_360, %dma_start3A_361] : memref<10000x64xf32, #tpu.memory_space<hbm>> -> memref<10000x64xf32, #tpu.memory_space<hbm>>
        tpu.enqueue_indirect_dma source(%dma_start3A_362 : memref<10000x64xf32, #tpu.memory_space<hbm>>) target(%arg10 : memref<125x64xf32, #tpu.memory_space<vmem>>) offsets(%dma_start3A_359 : memref<125xi32, #tpu.memory_space<vmem>>) semaphore(%arg19 : memref<!tpu.dma_semaphore, #tpu.memory_space<semaphore_mem>>)
      } else {
      }
      %add3A_313 = arith.constant 3 : i32
      %add3A_314 = arith.addi %mul3A_182, %add3A_313 : i32
      %lt3A_315 = arith.constant 9 : i32
      %lt3A_316 = arith.cmpi slt, %scan3A_179, %lt3A_315 : i32
      %convert_element_type3A_317 = arith.extui %lt3A_316 : i1 to i32
      %cond3A_318 = arith.constant 0 : i32
      %cond3A_319 = arith.cmpi ne, %convert_element_type3A_317, %cond3A_318 : i32
      scf.if %cond3A_319 {
        %dma_wait3A_349 = arith.constant 0 : i32
        %dma_wait3A_350 = tpu.memref_slice %arg7[%add3A_314, %dma_wait3A_349] : memref<80x125xi32, #tpu.memory_space<vmem>> -> memref<1x125xi32, #tpu.memory_space<vmem>>
        %dma_wait3A_351 = tpu.memref_squeeze %dma_wait3A_350 : memref<1x125xi32, #tpu.memory_space<vmem>> -> memref<125xi32, #tpu.memory_space<vmem>>
        %dma_wait3A_352 = arith.constant 0 : i32
        %dma_wait3A_353 = arith.constant 0 : i32
        %dma_wait3A_354 = tpu.memref_slice %arg16[%dma_wait3A_352, %dma_wait3A_353] : memref<10016x64xf32, #tpu.memory_space<vmem_shared>> -> memref<10016x64xf32, #tpu.memory_space<vmem_shared>>
        tpu.wait_indirect_dma semaphore(%arg28 : memref<!tpu.dma_semaphore, #tpu.memory_space<semaphore_mem>>) src(%arg11 : memref<125x64xf32, #tpu.memory_space<vmem>>) dst(%dma_wait3A_354 : memref<10016x64xf32, #tpu.memory_space<vmem_shared>>)
        %add3A_355 = arith.constant 8 : i32
        %add3A_356 = arith.addi %add3A_314, %add3A_355 : i32
        %dma_start3A_357 = arith.constant 0 : i32
        %dma_start3A_358 = tpu.memref_slice %arg6[%add3A_356, %dma_start3A_357] : memref<80x125xi32, #tpu.memory_space<vmem>> -> memref<1x125xi32, #tpu.memory_space<vmem>>
        %dma_start3A_359 = tpu.memref_squeeze %dma_start3A_358 : memref<1x125xi32, #tpu.memory_space<vmem>> -> memref<125xi32, #tpu.memory_space<vmem>>
        %dma_start3A_360 = arith.constant 0 : i32
        %dma_start3A_361 = arith.constant 0 : i32
        %dma_start3A_362 = tpu.memref_slice %arg4[%dma_start3A_360, %dma_start3A_361] : memref<10000x64xf32, #tpu.memory_space<hbm>> -> memref<10000x64xf32, #tpu.memory_space<hbm>>
        tpu.enqueue_indirect_dma source(%dma_start3A_362 : memref<10000x64xf32, #tpu.memory_space<hbm>>) target(%arg11 : memref<125x64xf32, #tpu.memory_space<vmem>>) offsets(%dma_start3A_359 : memref<125xi32, #tpu.memory_space<vmem>>) semaphore(%arg20 : memref<!tpu.dma_semaphore, #tpu.memory_space<semaphore_mem>>)
      } else {
      }
      %add3A_320 = arith.constant 4 : i32
      %add3A_321 = arith.addi %mul3A_182, %add3A_320 : i32
      %lt3A_322 = arith.constant 9 : i32
      %lt3A_323 = arith.cmpi slt, %scan3A_179, %lt3A_322 : i32
      %convert_element_type3A_324 = arith.extui %lt3A_323 : i1 to i32
      %cond3A_325 = arith.constant 0 : i32
      %cond3A_326 = arith.cmpi ne, %convert_element_type3A_324, %cond3A_325 : i32
      scf.if %cond3A_326 {
        %dma_wait3A_349 = arith.constant 0 : i32
        %dma_wait3A_350 = tpu.memref_slice %arg7[%add3A_321, %dma_wait3A_349] : memref<80x125xi32, #tpu.memory_space<vmem>> -> memref<1x125xi32, #tpu.memory_space<vmem>>
        %dma_wait3A_351 = tpu.memref_squeeze %dma_wait3A_350 : memref<1x125xi32, #tpu.memory_space<vmem>> -> memref<125xi32, #tpu.memory_space<vmem>>
        %dma_wait3A_352 = arith.constant 0 : i32
        %dma_wait3A_353 = arith.constant 0 : i32
        %dma_wait3A_354 = tpu.memref_slice %arg16[%dma_wait3A_352, %dma_wait3A_353] : memref<10016x64xf32, #tpu.memory_space<vmem_shared>> -> memref<10016x64xf32, #tpu.memory_space<vmem_shared>>
        tpu.wait_indirect_dma semaphore(%arg29 : memref<!tpu.dma_semaphore, #tpu.memory_space<semaphore_mem>>) src(%arg12 : memref<125x64xf32, #tpu.memory_space<vmem>>) dst(%dma_wait3A_354 : memref<10016x64xf32, #tpu.memory_space<vmem_shared>>)
        %add3A_355 = arith.constant 8 : i32
        %add3A_356 = arith.addi %add3A_321, %add3A_355 : i32
        %dma_start3A_357 = arith.constant 0 : i32
        %dma_start3A_358 = tpu.memref_slice %arg6[%add3A_356, %dma_start3A_357] : memref<80x125xi32, #tpu.memory_space<vmem>> -> memref<1x125xi32, #tpu.memory_space<vmem>>
        %dma_start3A_359 = tpu.memref_squeeze %dma_start3A_358 : memref<1x125xi32, #tpu.memory_space<vmem>> -> memref<125xi32, #tpu.memory_space<vmem>>
        %dma_start3A_360 = arith.constant 0 : i32
        %dma_start3A_361 = arith.constant 0 : i32
        %dma_start3A_362 = tpu.memref_slice %arg4[%dma_start3A_360, %dma_start3A_361] : memref<10000x64xf32, #tpu.memory_space<hbm>> -> memref<10000x64xf32, #tpu.memory_space<hbm>>
        tpu.enqueue_indirect_dma source(%dma_start3A_362 : memref<10000x64xf32, #tpu.memory_space<hbm>>) target(%arg12 : memref<125x64xf32, #tpu.memory_space<vmem>>) offsets(%dma_start3A_359 : memref<125xi32, #tpu.memory_space<vmem>>) semaphore(%arg21 : memref<!tpu.dma_semaphore, #tpu.memory_space<semaphore_mem>>)
      } else {
      }
      %add3A_327 = arith.constant 5 : i32
      %add3A_328 = arith.addi %mul3A_182, %add3A_327 : i32
      %lt3A_329 = arith.constant 9 : i32
      %lt3A_330 = arith.cmpi slt, %scan3A_179, %lt3A_329 : i32
      %convert_element_type3A_331 = arith.extui %lt3A_330 : i1 to i32
      %cond3A_332 = arith.constant 0 : i32
      %cond3A_333 = arith.cmpi ne, %convert_element_type3A_331, %cond3A_332 : i32
      scf.if %cond3A_333 {
        %dma_wait3A_349 = arith.constant 0 : i32
        %dma_wait3A_350 = tpu.memref_slice %arg7[%add3A_328, %dma_wait3A_349] : memref<80x125xi32, #tpu.memory_space<vmem>> -> memref<1x125xi32, #tpu.memory_space<vmem>>
        %dma_wait3A_351 = tpu.memref_squeeze %dma_wait3A_350 : memref<1x125xi32, #tpu.memory_space<vmem>> -> memref<125xi32, #tpu.memory_space<vmem>>
        %dma_wait3A_352 = arith.constant 0 : i32
        %dma_wait3A_353 = arith.constant 0 : i32
        %dma_wait3A_354 = tpu.memref_slice %arg16[%dma_wait3A_352, %dma_wait3A_353] : memref<10016x64xf32, #tpu.memory_space<vmem_shared>> -> memref<10016x64xf32, #tpu.memory_space<vmem_shared>>
        tpu.wait_indirect_dma semaphore(%arg30 : memref<!tpu.dma_semaphore, #tpu.memory_space<semaphore_mem>>) src(%arg13 : memref<125x64xf32, #tpu.memory_space<vmem>>) dst(%dma_wait3A_354 : memref<10016x64xf32, #tpu.memory_space<vmem_shared>>)
        %add3A_355 = arith.constant 8 : i32
        %add3A_356 = arith.addi %add3A_328, %add3A_355 : i32
        %dma_start3A_357 = arith.constant 0 : i32
        %dma_start3A_358 = tpu.memref_slice %arg6[%add3A_356, %dma_start3A_357] : memref<80x125xi32, #tpu.memory_space<vmem>> -> memref<1x125xi32, #tpu.memory_space<vmem>>
        %dma_start3A_359 = tpu.memref_squeeze %dma_start3A_358 : memref<1x125xi32, #tpu.memory_space<vmem>> -> memref<125xi32, #tpu.memory_space<vmem>>
        %dma_start3A_360 = arith.constant 0 : i32
        %dma_start3A_361 = arith.constant 0 : i32
        %dma_start3A_362 = tpu.memref_slice %arg4[%dma_start3A_360, %dma_start3A_361] : memref<10000x64xf32, #tpu.memory_space<hbm>> -> memref<10000x64xf32, #tpu.memory_space<hbm>>
        tpu.enqueue_indirect_dma source(%dma_start3A_362 : memref<10000x64xf32, #tpu.memory_space<hbm>>) target(%arg13 : memref<125x64xf32, #tpu.memory_space<vmem>>) offsets(%dma_start3A_359 : memref<125xi32, #tpu.memory_space<vmem>>) semaphore(%arg22 : memref<!tpu.dma_semaphore, #tpu.memory_space<semaphore_mem>>)
      } else {
      }
      %add3A_334 = arith.constant 6 : i32
      %add3A_335 = arith.addi %mul3A_182, %add3A_334 : i32
      %lt3A_336 = arith.constant 9 : i32
      %lt3A_337 = arith.cmpi slt, %scan3A_179, %lt3A_336 : i32
      %convert_element_type3A_338 = arith.extui %lt3A_337 : i1 to i32
      %cond3A_339 = arith.constant 0 : i32
      %cond3A_340 = arith.cmpi ne, %convert_element_type3A_338, %cond3A_339 : i32
      scf.if %cond3A_340 {
        %dma_wait3A_349 = arith.constant 0 : i32
        %dma_wait3A_350 = tpu.memref_slice %arg7[%add3A_335, %dma_wait3A_349] : memref<80x125xi32, #tpu.memory_space<vmem>> -> memref<1x125xi32, #tpu.memory_space<vmem>>
        %dma_wait3A_351 = tpu.memref_squeeze %dma_wait3A_350 : memref<1x125xi32, #tpu.memory_space<vmem>> -> memref<125xi32, #tpu.memory_space<vmem>>
        %dma_wait3A_352 = arith.constant 0 : i32
        %dma_wait3A_353 = arith.constant 0 : i32
        %dma_wait3A_354 = tpu.memref_slice %arg16[%dma_wait3A_352, %dma_wait3A_353] : memref<10016x64xf32, #tpu.memory_space<vmem_shared>> -> memref<10016x64xf32, #tpu.memory_space<vmem_shared>>
        tpu.wait_indirect_dma semaphore(%arg31 : memref<!tpu.dma_semaphore, #tpu.memory_space<semaphore_mem>>) src(%arg14 : memref<125x64xf32, #tpu.memory_space<vmem>>) dst(%dma_wait3A_354 : memref<10016x64xf32, #tpu.memory_space<vmem_shared>>)
        %add3A_355 = arith.constant 8 : i32
        %add3A_356 = arith.addi %add3A_335, %add3A_355 : i32
        %dma_start3A_357 = arith.constant 0 : i32
        %dma_start3A_358 = tpu.memref_slice %arg6[%add3A_356, %dma_start3A_357] : memref<80x125xi32, #tpu.memory_space<vmem>> -> memref<1x125xi32, #tpu.memory_space<vmem>>
        %dma_start3A_359 = tpu.memref_squeeze %dma_start3A_358 : memref<1x125xi32, #tpu.memory_space<vmem>> -> memref<125xi32, #tpu.memory_space<vmem>>
        %dma_start3A_360 = arith.constant 0 : i32
        %dma_start3A_361 = arith.constant 0 : i32
        %dma_start3A_362 = tpu.memref_slice %arg4[%dma_start3A_360, %dma_start3A_361] : memref<10000x64xf32, #tpu.memory_space<hbm>> -> memref<10000x64xf32, #tpu.memory_space<hbm>>
        tpu.enqueue_indirect_dma source(%dma_start3A_362 : memref<10000x64xf32, #tpu.memory_space<hbm>>) target(%arg14 : memref<125x64xf32, #tpu.memory_space<vmem>>) offsets(%dma_start3A_359 : memref<125xi32, #tpu.memory_space<vmem>>) semaphore(%arg23 : memref<!tpu.dma_semaphore, #tpu.memory_space<semaphore_mem>>)
      } else {
      }
      %add3A_341 = arith.constant 7 : i32
      %add3A_342 = arith.addi %mul3A_182, %add3A_341 : i32
      %lt3A_343 = arith.constant 9 : i32
      %lt3A_344 = arith.cmpi slt, %scan3A_179, %lt3A_343 : i32
      %convert_element_type3A_345 = arith.extui %lt3A_344 : i1 to i32
      %cond3A_346 = arith.constant 0 : i32
      %cond3A_347 = arith.cmpi ne, %convert_element_type3A_345, %cond3A_346 : i32
      scf.if %cond3A_347 {
        %dma_wait3A_349 = arith.constant 0 : i32
        %dma_wait3A_350 = tpu.memref_slice %arg7[%add3A_342, %dma_wait3A_349] : memref<80x125xi32, #tpu.memory_space<vmem>> -> memref<1x125xi32, #tpu.memory_space<vmem>>
        %dma_wait3A_351 = tpu.memref_squeeze %dma_wait3A_350 : memref<1x125xi32, #tpu.memory_space<vmem>> -> memref<125xi32, #tpu.memory_space<vmem>>
        %dma_wait3A_352 = arith.constant 0 : i32
        %dma_wait3A_353 = arith.constant 0 : i32
        %dma_wait3A_354 = tpu.memref_slice %arg16[%dma_wait3A_352, %dma_wait3A_353] : memref<10016x64xf32, #tpu.memory_space<vmem_shared>> -> memref<10016x64xf32, #tpu.memory_space<vmem_shared>>
        tpu.wait_indirect_dma semaphore(%arg32 : memref<!tpu.dma_semaphore, #tpu.memory_space<semaphore_mem>>) src(%arg15 : memref<125x64xf32, #tpu.memory_space<vmem>>) dst(%dma_wait3A_354 : memref<10016x64xf32, #tpu.memory_space<vmem_shared>>)
        %add3A_355 = arith.constant 8 : i32
        %add3A_356 = arith.addi %add3A_342, %add3A_355 : i32
        %dma_start3A_357 = arith.constant 0 : i32
        %dma_start3A_358 = tpu.memref_slice %arg6[%add3A_356, %dma_start3A_357] : memref<80x125xi32, #tpu.memory_space<vmem>> -> memref<1x125xi32, #tpu.memory_space<vmem>>
        %dma_start3A_359 = tpu.memref_squeeze %dma_start3A_358 : memref<1x125xi32, #tpu.memory_space<vmem>> -> memref<125xi32, #tpu.memory_space<vmem>>
        %dma_start3A_360 = arith.constant 0 : i32
        %dma_start3A_361 = arith.constant 0 : i32
        %dma_start3A_362 = tpu.memref_slice %arg4[%dma_start3A_360, %dma_start3A_361] : memref<10000x64xf32, #tpu.memory_space<hbm>> -> memref<10000x64xf32, #tpu.memory_space<hbm>>
        tpu.enqueue_indirect_dma source(%dma_start3A_362 : memref<10000x64xf32, #tpu.memory_space<hbm>>) target(%arg15 : memref<125x64xf32, #tpu.memory_space<vmem>>) offsets(%dma_start3A_359 : memref<125xi32, #tpu.memory_space<vmem>>) semaphore(%arg24 : memref<!tpu.dma_semaphore, #tpu.memory_space<semaphore_mem>>)
      } else {
      }
      %scan3A_348 = arith.constant 0 : i32
      scf.yield %scan3A_348 : i32
    }
    %scan3A_119 = arith.constant 10 : i32
    %dma_wait3A_120 = arith.constant 72 : i32
    %dma_wait3A_121 = arith.constant 0 : i32
    %dma_wait3A_122 = tpu.memref_slice %arg7[%dma_wait3A_120, %dma_wait3A_121] : memref<80x125xi32, #tpu.memory_space<vmem>> -> memref<1x125xi32, #tpu.memory_space<vmem>>
    %dma_wait3A_123 = tpu.memref_squeeze %dma_wait3A_122 : memref<1x125xi32, #tpu.memory_space<vmem>> -> memref<125xi32, #tpu.memory_space<vmem>>
    %dma_wait3A_124 = arith.constant 0 : i32
    %dma_wait3A_125 = arith.constant 0 : i32
    %dma_wait3A_126 = tpu.memref_slice %arg16[%dma_wait3A_124, %dma_wait3A_125] : memref<10016x64xf32, #tpu.memory_space<vmem_shared>> -> memref<10016x64xf32, #tpu.memory_space<vmem_shared>>
    tpu.wait_indirect_dma semaphore(%arg25 : memref<!tpu.dma_semaphore, #tpu.memory_space<semaphore_mem>>) src(%arg8 : memref<125x64xf32, #tpu.memory_space<vmem>>) dst(%dma_wait3A_126 : memref<10016x64xf32, #tpu.memory_space<vmem_shared>>)
    %dma_wait3A_127 = arith.constant 73 : i32
    %dma_wait3A_128 = arith.constant 0 : i32
    %dma_wait3A_129 = tpu.memref_slice %arg7[%dma_wait3A_127, %dma_wait3A_128] : memref<80x125xi32, #tpu.memory_space<vmem>> -> memref<1x125xi32, #tpu.memory_space<vmem>>
    %dma_wait3A_130 = tpu.memref_squeeze %dma_wait3A_129 : memref<1x125xi32, #tpu.memory_space<vmem>> -> memref<125xi32, #tpu.memory_space<vmem>>
    %dma_wait3A_131 = arith.constant 0 : i32
    %dma_wait3A_132 = arith.constant 0 : i32
    %dma_wait3A_133 = tpu.memref_slice %arg16[%dma_wait3A_131, %dma_wait3A_132] : memref<10016x64xf32, #tpu.memory_space<vmem_shared>> -> memref<10016x64xf32, #tpu.memory_space<vmem_shared>>
    tpu.wait_indirect_dma semaphore(%arg26 : memref<!tpu.dma_semaphore, #tpu.memory_space<semaphore_mem>>) src(%arg9 : memref<125x64xf32, #tpu.memory_space<vmem>>) dst(%dma_wait3A_133 : memref<10016x64xf32, #tpu.memory_space<vmem_shared>>)
    %dma_wait3A_134 = arith.constant 74 : i32
    %dma_wait3A_135 = arith.constant 0 : i32
    %dma_wait3A_136 = tpu.memref_slice %arg7[%dma_wait3A_134, %dma_wait3A_135] : memref<80x125xi32, #tpu.memory_space<vmem>> -> memref<1x125xi32, #tpu.memory_space<vmem>>
    %dma_wait3A_137 = tpu.memref_squeeze %dma_wait3A_136 : memref<1x125xi32, #tpu.memory_space<vmem>> -> memref<125xi32, #tpu.memory_space<vmem>>
    %dma_wait3A_138 = arith.constant 0 : i32
    %dma_wait3A_139 = arith.constant 0 : i32
    %dma_wait3A_140 = tpu.memref_slice %arg16[%dma_wait3A_138, %dma_wait3A_139] : memref<10016x64xf32, #tpu.memory_space<vmem_shared>> -> memref<10016x64xf32, #tpu.memory_space<vmem_shared>>
    tpu.wait_indirect_dma semaphore(%arg27 : memref<!tpu.dma_semaphore, #tpu.memory_space<semaphore_mem>>) src(%arg10 : memref<125x64xf32, #tpu.memory_space<vmem>>) dst(%dma_wait3A_140 : memref<10016x64xf32, #tpu.memory_space<vmem_shared>>)
    %dma_wait3A_141 = arith.constant 75 : i32
    %dma_wait3A_142 = arith.constant 0 : i32
    %dma_wait3A_143 = tpu.memref_slice %arg7[%dma_wait3A_141, %dma_wait3A_142] : memref<80x125xi32, #tpu.memory_space<vmem>> -> memref<1x125xi32, #tpu.memory_space<vmem>>
    %dma_wait3A_144 = tpu.memref_squeeze %dma_wait3A_143 : memref<1x125xi32, #tpu.memory_space<vmem>> -> memref<125xi32, #tpu.memory_space<vmem>>
    %dma_wait3A_145 = arith.constant 0 : i32
    %dma_wait3A_146 = arith.constant 0 : i32
    %dma_wait3A_147 = tpu.memref_slice %arg16[%dma_wait3A_145, %dma_wait3A_146] : memref<10016x64xf32, #tpu.memory_space<vmem_shared>> -> memref<10016x64xf32, #tpu.memory_space<vmem_shared>>
    tpu.wait_indirect_dma semaphore(%arg28 : memref<!tpu.dma_semaphore, #tpu.memory_space<semaphore_mem>>) src(%arg11 : memref<125x64xf32, #tpu.memory_space<vmem>>) dst(%dma_wait3A_147 : memref<10016x64xf32, #tpu.memory_space<vmem_shared>>)
    %dma_wait3A_148 = arith.constant 76 : i32
    %dma_wait3A_149 = arith.constant 0 : i32
    %dma_wait3A_150 = tpu.memref_slice %arg7[%dma_wait3A_148, %dma_wait3A_149] : memref<80x125xi32, #tpu.memory_space<vmem>> -> memref<1x125xi32, #tpu.memory_space<vmem>>
    %dma_wait3A_151 = tpu.memref_squeeze %dma_wait3A_150 : memref<1x125xi32, #tpu.memory_space<vmem>> -> memref<125xi32, #tpu.memory_space<vmem>>
    %dma_wait3A_152 = arith.constant 0 : i32
    %dma_wait3A_153 = arith.constant 0 : i32
    %dma_wait3A_154 = tpu.memref_slice %arg16[%dma_wait3A_152, %dma_wait3A_153] : memref<10016x64xf32, #tpu.memory_space<vmem_shared>> -> memref<10016x64xf32, #tpu.memory_space<vmem_shared>>
    tpu.wait_indirect_dma semaphore(%arg29 : memref<!tpu.dma_semaphore, #tpu.memory_space<semaphore_mem>>) src(%arg12 : memref<125x64xf32, #tpu.memory_space<vmem>>) dst(%dma_wait3A_154 : memref<10016x64xf32, #tpu.memory_space<vmem_shared>>)
    %dma_wait3A_155 = arith.constant 77 : i32
    %dma_wait3A_156 = arith.constant 0 : i32
    %dma_wait3A_157 = tpu.memref_slice %arg7[%dma_wait3A_155, %dma_wait3A_156] : memref<80x125xi32, #tpu.memory_space<vmem>> -> memref<1x125xi32, #tpu.memory_space<vmem>>
    %dma_wait3A_158 = tpu.memref_squeeze %dma_wait3A_157 : memref<1x125xi32, #tpu.memory_space<vmem>> -> memref<125xi32, #tpu.memory_space<vmem>>
    %dma_wait3A_159 = arith.constant 0 : i32
    %dma_wait3A_160 = arith.constant 0 : i32
    %dma_wait3A_161 = tpu.memref_slice %arg16[%dma_wait3A_159, %dma_wait3A_160] : memref<10016x64xf32, #tpu.memory_space<vmem_shared>> -> memref<10016x64xf32, #tpu.memory_space<vmem_shared>>
    tpu.wait_indirect_dma semaphore(%arg30 : memref<!tpu.dma_semaphore, #tpu.memory_space<semaphore_mem>>) src(%arg13 : memref<125x64xf32, #tpu.memory_space<vmem>>) dst(%dma_wait3A_161 : memref<10016x64xf32, #tpu.memory_space<vmem_shared>>)
    %dma_wait3A_162 = arith.constant 78 : i32
    %dma_wait3A_163 = arith.constant 0 : i32
    %dma_wait3A_164 = tpu.memref_slice %arg7[%dma_wait3A_162, %dma_wait3A_163] : memref<80x125xi32, #tpu.memory_space<vmem>> -> memref<1x125xi32, #tpu.memory_space<vmem>>
    %dma_wait3A_165 = tpu.memref_squeeze %dma_wait3A_164 : memref<1x125xi32, #tpu.memory_space<vmem>> -> memref<125xi32, #tpu.memory_space<vmem>>
    %dma_wait3A_166 = arith.constant 0 : i32
    %dma_wait3A_167 = arith.constant 0 : i32
    %dma_wait3A_168 = tpu.memref_slice %arg16[%dma_wait3A_166, %dma_wait3A_167] : memref<10016x64xf32, #tpu.memory_space<vmem_shared>> -> memref<10016x64xf32, #tpu.memory_space<vmem_shared>>
    tpu.wait_indirect_dma semaphore(%arg31 : memref<!tpu.dma_semaphore, #tpu.memory_space<semaphore_mem>>) src(%arg14 : memref<125x64xf32, #tpu.memory_space<vmem>>) dst(%dma_wait3A_168 : memref<10016x64xf32, #tpu.memory_space<vmem_shared>>)
    %dma_wait3A_169 = arith.constant 79 : i32
    %dma_wait3A_170 = arith.constant 0 : i32
    %dma_wait3A_171 = tpu.memref_slice %arg7[%dma_wait3A_169, %dma_wait3A_170] : memref<80x125xi32, #tpu.memory_space<vmem>> -> memref<1x125xi32, #tpu.memory_space<vmem>>
    %dma_wait3A_172 = tpu.memref_squeeze %dma_wait3A_171 : memref<1x125xi32, #tpu.memory_space<vmem>> -> memref<125xi32, #tpu.memory_space<vmem>>
    %dma_wait3A_173 = arith.constant 0 : i32
    %dma_wait3A_174 = arith.constant 0 : i32
    %dma_wait3A_175 = tpu.memref_slice %arg16[%dma_wait3A_173, %dma_wait3A_174] : memref<10016x64xf32, #tpu.memory_space<vmem_shared>> -> memref<10016x64xf32, #tpu.memory_space<vmem_shared>>
    tpu.wait_indirect_dma semaphore(%arg32 : memref<!tpu.dma_semaphore, #tpu.memory_space<semaphore_mem>>) src(%arg15 : memref<125x64xf32, #tpu.memory_space<vmem>>) dst(%dma_wait3A_175 : memref<10016x64xf32, #tpu.memory_space<vmem_shared>>)
    %barrier3A_176 = arith.constant 0 : index
    tpu.barrier barrier_id(%barrier3A_176)
    %mul3A_177 = arith.constant 625 : i32
    %mul3A_178 = arith.muli %arg1, %mul3A_177 : i32
    "tpu.region"() ({
      %run_scoped3A = tpu.sem_alloc : memref<!tpu.dma_semaphore, #tpu.memory_space<semaphore_mem>>
      %dma_start3A_179 = arith.constant 0 : i32
      %dma_start3A_180 = arith.constant 0 : i32
      %dma_start3A_181 = tpu.memref_slice %arg5[%add3A, %dma_start3A_179, %dma_start3A_180] : memref<32x625x64xf32, #tpu.memory_space<hbm>> -> memref<1x625x64xf32, #tpu.memory_space<hbm>>
      %dma_start3A_182 = tpu.memref_squeeze %dma_start3A_181 : memref<1x625x64xf32, #tpu.memory_space<hbm>> -> memref<625x64xf32, #tpu.memory_space<hbm>>
      %dma_start3A_183 = arith.constant 0 : i32
      %dma_start3A_184 = tpu.memref_slice %arg16[%mul3A_178, %dma_start3A_183] : memref<10016x64xf32, #tpu.memory_space<vmem_shared>> -> memref<625x64xf32, #tpu.memory_space<vmem_shared>>
      tpu.enqueue_dma source(%dma_start3A_184 : memref<625x64xf32, #tpu.memory_space<vmem_shared>>) target(%dma_start3A_182 : memref<625x64xf32, #tpu.memory_space<hbm>>) target_semaphore(%run_scoped3A : memref<!tpu.dma_semaphore, #tpu.memory_space<semaphore_mem>>)
      %dma_wait3A_185 = arith.constant 0 : i32
      %dma_wait3A_186 = arith.constant 0 : i32
      %dma_wait3A_187 = tpu.memref_slice %arg5[%add3A, %dma_wait3A_185, %dma_wait3A_186] : memref<32x625x64xf32, #tpu.memory_space<hbm>> -> memref<1x625x64xf32, #tpu.memory_space<hbm>>
      %dma_wait3A_188 = tpu.memref_squeeze %dma_wait3A_187 : memref<1x625x64xf32, #tpu.memory_space<hbm>> -> memref<625x64xf32, #tpu.memory_space<hbm>>
      %dma_wait3A_189 = arith.constant 0 : i32
      %dma_wait3A_190 = tpu.memref_slice %arg16[%mul3A_178, %dma_wait3A_189] : memref<10016x64xf32, #tpu.memory_space<vmem_shared>> -> memref<625x64xf32, #tpu.memory_space<vmem_shared>>
      tpu.wait_dma2 semaphore(%run_scoped3A : memref<!tpu.dma_semaphore, #tpu.memory_space<semaphore_mem>>) src(%dma_wait3A_190 : memref<625x64xf32, #tpu.memory_space<vmem_shared>>) dst(%dma_wait3A_188 : memref<625x64xf32, #tpu.memory_space<hbm>>)
      tpu.yield
    }) : () -> ()
    return
  }
}

#map = affine_map<(d0, d1) -> (0, 0, 0)>
#map1 = affine_map<(d0, d1) -> (0, 0)>
module attributes {stable_mosaic.version = 14 : i64} {
  func.func @k(%arg0: i32, %arg1: i32, %arg2: memref<32x80x125xi32, #tpu.memory_space<hbm>>, %arg3: memref<32x80x125xi32, #tpu.memory_space<hbm>>, %arg4: memref<10000x64xf32, #tpu.memory_space<hbm>>, %arg5: memref<32x625x64xf32, #tpu.memory_space<hbm>>, %arg6: memref<80x125xi32, #tpu.memory_space<vmem>>, %arg7: memref<80x125xi32, #tpu.memory_space<vmem>>, %arg8: memref<125x64xf32, #tpu.memory_space<vmem>>, %arg9: memref<125x64xf32, #tpu.memory_space<vmem>>, %arg10: memref<125x64xf32, #tpu.memory_space<vmem>>, %arg11: memref<125x64xf32, #tpu.memory_space<vmem>>, %arg12: memref<125x64xf32, #tpu.memory_space<vmem>>, %arg13: memref<125x64xf32, #tpu.memory_space<vmem>>, %arg14: memref<125x64xf32, #tpu.memory_space<vmem>>, %arg15: memref<125x64xf32, #tpu.memory_space<vmem>>, %arg16: memref<10016x64xf32, #tpu.memory_space<vmem_shared>>, %arg17: memref<!tpu.dma_semaphore, #tpu.memory_space<semaphore_mem>>, %arg18: memref<!tpu.dma_semaphore, #tpu.memory_space<semaphore_mem>>, %arg19: memref<!tpu.dma_semaphore, #tpu.memory_space<semaphore_mem>>, %arg20: memref<!tpu.dma_semaphore, #tpu.memory_space<semaphore_mem>>, %arg21: memref<!tpu.dma_semaphore, #tpu.memory_space<semaphore_mem>>, %arg22: memref<!tpu.dma_semaphore, #tpu.memory_space<semaphore_mem>>, %arg23: memref<!tpu.dma_semaphore, #tpu.memory_space<semaphore_mem>>, %arg24: memref<!tpu.dma_semaphore, #tpu.memory_space<semaphore_mem>>, %arg25: memref<!tpu.dma_semaphore, #tpu.memory_space<semaphore_mem>>, %arg26: memref<!tpu.dma_semaphore, #tpu.memory_space<semaphore_mem>>, %arg27: memref<!tpu.dma_semaphore, #tpu.memory_space<semaphore_mem>>, %arg28: memref<!tpu.dma_semaphore, #tpu.memory_space<semaphore_mem>>, %arg29: memref<!tpu.dma_semaphore, #tpu.memory_space<semaphore_mem>>, %arg30: memref<!tpu.dma_semaphore, #tpu.memory_space<semaphore_mem>>, %arg31: memref<!tpu.dma_semaphore, #tpu.memory_space<semaphore_mem>>, %arg32: memref<!tpu.dma_semaphore, #tpu.memory_space<semaphore_mem>>, %arg33: memref<!tpu.dma_semaphore, #tpu.memory_space<semaphore_mem>>) attributes {dimension_semantics = [#tpu.dimension_semantics<core_parallel>, #tpu.dimension_semantics<subcore_parallel>], iteration_bounds = array<i64: 2, 16>, scalar_prefetch = 0 : i64, scratch_operands = 28 : i64, tpu.core_type = #tpu.core_type<sc_vector_subcore>, window_params = [{transform_indices = #map}, {transform_indices = #map}, {transform_indices = #map1}, {transform_indices = #map}]} {
    %mul3A = arith.constant 16 : i32
    %mul3A_0 = arith.muli %arg0, %mul3A : i32
    %add3A = arith.addi %mul3A_0, %arg1 : i32
    %dma_start3A = arith.constant 0 : i32
    %dma_start3A_1 = arith.constant 0 : i32
    %dma_start3A_2 = tpu.memref_slice %arg2[%add3A, %dma_start3A, %dma_start3A_1] : memref<32x80x125xi32, #tpu.memory_space<hbm>> -> memref<1x80x125xi32, #tpu.memory_space<hbm>>
    %dma_start3A_3 = tpu.memref_squeeze %dma_start3A_2 : memref<1x80x125xi32, #tpu.memory_space<hbm>> -> memref<80x125xi32, #tpu.memory_space<hbm>>
    %dma_start3A_4 = arith.constant 0 : i32
    %dma_start3A_5 = arith.constant 0 : i32
    %dma_start3A_6 = tpu.memref_slice %arg2[%add3A, %dma_start3A_4, %dma_start3A_5] : memref<32x80x125xi32, #tpu.memory_space<hbm>> -> memref<1x80x125xi32, #tpu.memory_space<hbm>>
    %dma_start3A_7 = tpu.memref_squeeze %dma_start3A_6 : memref<1x80x125xi32, #tpu.memory_space<hbm>> -> memref<80x125xi32, #tpu.memory_space<hbm>>
    tpu.enqueue_dma source(%dma_start3A_7 : memref<80x125xi32, #tpu.memory_space<hbm>>) target(%arg6 : memref<80x125xi32, #tpu.memory_space<vmem>>) target_semaphore(%arg33 : memref<!tpu.dma_semaphore, #tpu.memory_space<semaphore_mem>>)
    %dma_start3A_8 = arith.constant 0 : i32
    %dma_start3A_9 = arith.constant 0 : i32
    %dma_start3A_10 = tpu.memref_slice %arg3[%add3A, %dma_start3A_8, %dma_start3A_9] : memref<32x80x125xi32, #tpu.memory_space<hbm>> -> memref<1x80x125xi32, #tpu.memory_space<hbm>>
    %dma_start3A_11 = tpu.memref_squeeze %dma_start3A_10 : memref<1x80x125xi32, #tpu.memory_space<hbm>> -> memref<80x125xi32, #tpu.memory_space<hbm>>
    %dma_start3A_12 = arith.constant 0 : i32
    %dma_start3A_13 = arith.constant 0 : i32
    %dma_start3A_14 = tpu.memref_slice %arg3[%add3A, %dma_start3A_12, %dma_start3A_13] : memref<32x80x125xi32, #tpu.memory_space<hbm>> -> memref<1x80x125xi32, #tpu.memory_space<hbm>>
    %dma_start3A_15 = tpu.memref_squeeze %dma_start3A_14 : memref<1x80x125xi32, #tpu.memory_space<hbm>> -> memref<80x125xi32, #tpu.memory_space<hbm>>
    tpu.enqueue_dma source(%dma_start3A_15 : memref<80x125xi32, #tpu.memory_space<hbm>>) target(%arg7 : memref<80x125xi32, #tpu.memory_space<vmem>>) target_semaphore(%arg33 : memref<!tpu.dma_semaphore, #tpu.memory_space<semaphore_mem>>)
    %scan3A = arith.constant 0 : i32
    %scan3A_16 = arith.constant 0 : i32
    %scan3A_17 = arith.constant 125 : i32
    %scan3A_18 = arith.addi %scan3A_16, %scan3A_17 : i32
    %scan3A_19 = arith.constant 1 : i32
    %scan3A_20 = scf.for %scan3A_179 = %scan3A_16 to %scan3A_18 step %scan3A_19 iter_args(%scan3A_180 = %scan3A) -> (i32)  : i32 {
      %scan3A_181 = arith.constant 0 : i32
      %scan3A_182 = arith.constant 0 : i32
      %scan3A_183 = arith.constant 4 : i32
      %scan3A_184 = arith.addi %scan3A_182, %scan3A_183 : i32
      %scan3A_185 = arith.constant 1 : i32
      %scan3A_186 = scf.for %scan3A_188 = %scan3A_182 to %scan3A_184 step %scan3A_185 iter_args(%scan3A_189 = %scan3A_181) -> (i32)  : i32 {
        %broadcast_in_dim3A = arith.constant 0.000000e+00 : f32
        %broadcast_in_dim3A_190 = vector.broadcast %broadcast_in_dim3A : f32 to vector<16xf32>
        %mul3A_191 = arith.constant 16 : i32
        %mul3A_192 = arith.muli %scan3A_188, %mul3A_191 : i32
        %swap3A = arith.index_cast %scan3A_179 : i32 to index
        %swap3A_193 = arith.index_cast %mul3A_192 : i32 to index
        %swap3A_194 = tpu.vector_load %arg15[%swap3A, %swap3A_193] {strides = array<i32>} : memref<125x64xf32, #tpu.memory_space<vmem>>, vector<1x16xf32>,
        %swap3A_195 = vector.shape_cast %swap3A_194 : vector<1x16xf32> to vector<16xf32>
        %swap3A_196 = vector.shape_cast %broadcast_in_dim3A_190 : vector<16xf32> to vector<1x16xf32>
        tpu.vector_store %arg15[%swap3A, %swap3A_193], %swap3A_196 {strides = array<i32>} : memref<125x64xf32, #tpu.memory_space<vmem>>, vector<1x16xf32>,
        %scan3A_197 = arith.constant 0 : i32
        scf.yield %scan3A_197 : i32
      }
      %scan3A_187 = arith.constant 4 : i32
      scf.yield %scan3A_186 : i32
    }
    %scan3A_21 = arith.constant 125 : i32
    %dma_wait3A = arith.constant 0 : i32
    %dma_wait3A_22 = arith.constant 0 : i32
    %dma_wait3A_23 = tpu.memref_slice %arg2[%add3A, %dma_wait3A, %dma_wait3A_22] : memref<32x80x125xi32, #tpu.memory_space<hbm>> -> memref<1x80x125xi32, #tpu.memory_space<hbm>>
    %dma_wait3A_24 = tpu.memref_squeeze %dma_wait3A_23 : memref<1x80x125xi32, #tpu.memory_space<hbm>> -> memref<80x125xi32, #tpu.memory_space<hbm>>
    %dma_wait3A_25 = arith.constant 0 : i32
    %dma_wait3A_26 = arith.constant 0 : i32
    %dma_wait3A_27 = tpu.memref_slice %arg2[%add3A, %dma_wait3A_25, %dma_wait3A_26] : memref<32x80x125xi32, #tpu.memory_space<hbm>> -> memref<1x80x125xi32, #tpu.memory_space<hbm>>
    %dma_wait3A_28 = tpu.memref_squeeze %dma_wait3A_27 : memref<1x80x125xi32, #tpu.memory_space<hbm>> -> memref<80x125xi32, #tpu.memory_space<hbm>>
    tpu.wait_dma2 semaphore(%arg33 : memref<!tpu.dma_semaphore, #tpu.memory_space<semaphore_mem>>) src(%dma_wait3A_28 : memref<80x125xi32, #tpu.memory_space<hbm>>) dst(%arg6 : memref<80x125xi32, #tpu.memory_space<vmem>>)
    %dma_wait3A_29 = arith.constant 0 : i32
    %dma_wait3A_30 = arith.constant 0 : i32
    %dma_wait3A_31 = tpu.memref_slice %arg3[%add3A, %dma_wait3A_29, %dma_wait3A_30] : memref<32x80x125xi32, #tpu.memory_space<hbm>> -> memref<1x80x125xi32, #tpu.memory_space<hbm>>
    %dma_wait3A_32 = tpu.memref_squeeze %dma_wait3A_31 : memref<1x80x125xi32, #tpu.memory_space<hbm>> -> memref<80x125xi32, #tpu.memory_space<hbm>>
    %dma_wait3A_33 = arith.constant 0 : i32
    %dma_wait3A_34 = arith.constant 0 : i32
    %dma_wait3A_35 = tpu.memref_slice %arg3[%add3A, %dma_wait3A_33, %dma_wait3A_34] : memref<32x80x125xi32, #tpu.memory_space<hbm>> -> memref<1x80x125xi32, #tpu.memory_space<hbm>>
    %dma_wait3A_36 = tpu.memref_squeeze %dma_wait3A_35 : memref<1x80x125xi32, #tpu.memory_space<hbm>> -> memref<80x125xi32, #tpu.memory_space<hbm>>
    tpu.wait_dma2 semaphore(%arg33 : memref<!tpu.dma_semaphore, #tpu.memory_space<semaphore_mem>>) src(%dma_wait3A_36 : memref<80x125xi32, #tpu.memory_space<hbm>>) dst(%arg7 : memref<80x125xi32, #tpu.memory_space<vmem>>)
    %dma_start3A_37 = arith.constant 0 : i32
    %dma_start3A_38 = arith.constant 0 : i32
    %dma_start3A_39 = tpu.memref_slice %arg6[%dma_start3A_37, %dma_start3A_38] : memref<80x125xi32, #tpu.memory_space<vmem>> -> memref<1x125xi32, #tpu.memory_space<vmem>>
    %dma_start3A_40 = tpu.memref_squeeze %dma_start3A_39 : memref<1x125xi32, #tpu.memory_space<vmem>> -> memref<125xi32, #tpu.memory_space<vmem>>
    %dma_start3A_41 = arith.constant 0 : i32
    %dma_start3A_42 = arith.constant 0 : i32
    %dma_start3A_43 = tpu.memref_slice %arg4[%dma_start3A_41, %dma_start3A_42] : memref<10000x64xf32, #tpu.memory_space<hbm>> -> memref<10000x64xf32, #tpu.memory_space<hbm>>
    tpu.enqueue_indirect_dma source(%dma_start3A_43 : memref<10000x64xf32, #tpu.memory_space<hbm>>) target(%arg8 : memref<125x64xf32, #tpu.memory_space<vmem>>) offsets(%dma_start3A_40 : memref<125xi32, #tpu.memory_space<vmem>>) semaphore(%arg17 : memref<!tpu.dma_semaphore, #tpu.memory_space<semaphore_mem>>)
    %dma_start3A_44 = arith.constant 1 : i32
    %dma_start3A_45 = arith.constant 0 : i32
    %dma_start3A_46 = tpu.memref_slice %arg6[%dma_start3A_44, %dma_start3A_45] : memref<80x125xi32, #tpu.memory_space<vmem>> -> memref<1x125xi32, #tpu.memory_space<vmem>>
    %dma_start3A_47 = tpu.memref_squeeze %dma_start3A_46 : memref<1x125xi32, #tpu.memory_space<vmem>> -> memref<125xi32, #tpu.memory_space<vmem>>
    %dma_start3A_48 = arith.constant 0 : i32
    %dma_start3A_49 = arith.constant 0 : i32
    %dma_start3A_50 = tpu.memref_slice %arg4[%dma_start3A_48, %dma_start3A_49] : memref<10000x64xf32, #tpu.memory_space<hbm>> -> memref<10000x64xf32, #tpu.memory_space<hbm>>
    tpu.enqueue_indirect_dma source(%dma_start3A_50 : memref<10000x64xf32, #tpu.memory_space<hbm>>) target(%arg9 : memref<125x64xf32, #tpu.memory_space<vmem>>) offsets(%dma_start3A_47 : memref<125xi32, #tpu.memory_space<vmem>>) semaphore(%arg18 : memref<!tpu.dma_semaphore, #tpu.memory_space<semaphore_mem>>)
    %dma_start3A_51 = arith.constant 2 : i32
    %dma_start3A_52 = arith.constant 0 : i32
    %dma_start3A_53 = tpu.memref_slice %arg6[%dma_start3A_51, %dma_start3A_52] : memref<80x125xi32, #tpu.memory_space<vmem>> -> memref<1x125xi32, #tpu.memory_space<vmem>>
    %dma_start3A_54 = tpu.memref_squeeze %dma_start3A_53 : memref<1x125xi32, #tpu.memory_space<vmem>> -> memref<125xi32, #tpu.memory_space<vmem>>
    %dma_start3A_55 = arith.constant 0 : i32
    %dma_start3A_56 = arith.constant 0 : i32
    %dma_start3A_57 = tpu.memref_slice %arg4[%dma_start3A_55, %dma_start3A_56] : memref<10000x64xf32, #tpu.memory_space<hbm>> -> memref<10000x64xf32, #tpu.memory_space<hbm>>
    tpu.enqueue_indirect_dma source(%dma_start3A_57 : memref<10000x64xf32, #tpu.memory_space<hbm>>) target(%arg10 : memref<125x64xf32, #tpu.memory_space<vmem>>) offsets(%dma_start3A_54 : memref<125xi32, #tpu.memory_space<vmem>>) semaphore(%arg19 : memref<!tpu.dma_semaphore, #tpu.memory_space<semaphore_mem>>)
    %dma_start3A_58 = arith.constant 3 : i32
    %dma_start3A_59 = arith.constant 0 : i32
    %dma_start3A_60 = tpu.memref_slice %arg6[%dma_start3A_58, %dma_start3A_59] : memref<80x125xi32, #tpu.memory_space<vmem>> -> memref<1x125xi32, #tpu.memory_space<vmem>>
    %dma_start3A_61 = tpu.memref_squeeze %dma_start3A_60 : memref<1x125xi32, #tpu.memory_space<vmem>> -> memref<125xi32, #tpu.memory_space<vmem>>
    %dma_start3A_62 = arith.constant 0 : i32
    %dma_start3A_63 = arith.constant 0 : i32
    %dma_start3A_64 = tpu.memref_slice %arg4[%dma_start3A_62, %dma_start3A_63] : memref<10000x64xf32, #tpu.memory_space<hbm>> -> memref<10000x64xf32, #tpu.memory_space<hbm>>
    tpu.enqueue_indirect_dma source(%dma_start3A_64 : memref<10000x64xf32, #tpu.memory_space<hbm>>) target(%arg11 : memref<125x64xf32, #tpu.memory_space<vmem>>) offsets(%dma_start3A_61 : memref<125xi32, #tpu.memory_space<vmem>>) semaphore(%arg20 : memref<!tpu.dma_semaphore, #tpu.memory_space<semaphore_mem>>)
    %dma_start3A_65 = arith.constant 4 : i32
    %dma_start3A_66 = arith.constant 0 : i32
    %dma_start3A_67 = tpu.memref_slice %arg6[%dma_start3A_65, %dma_start3A_66] : memref<80x125xi32, #tpu.memory_space<vmem>> -> memref<1x125xi32, #tpu.memory_space<vmem>>
    %dma_start3A_68 = tpu.memref_squeeze %dma_start3A_67 : memref<1x125xi32, #tpu.memory_space<vmem>> -> memref<125xi32, #tpu.memory_space<vmem>>
    %dma_start3A_69 = arith.constant 0 : i32
    %dma_start3A_70 = arith.constant 0 : i32
    %dma_start3A_71 = tpu.memref_slice %arg4[%dma_start3A_69, %dma_start3A_70] : memref<10000x64xf32, #tpu.memory_space<hbm>> -> memref<10000x64xf32, #tpu.memory_space<hbm>>
    tpu.enqueue_indirect_dma source(%dma_start3A_71 : memref<10000x64xf32, #tpu.memory_space<hbm>>) target(%arg12 : memref<125x64xf32, #tpu.memory_space<vmem>>) offsets(%dma_start3A_68 : memref<125xi32, #tpu.memory_space<vmem>>) semaphore(%arg21 : memref<!tpu.dma_semaphore, #tpu.memory_space<semaphore_mem>>)
    %dma_start3A_72 = arith.constant 5 : i32
    %dma_start3A_73 = arith.constant 0 : i32
    %dma_start3A_74 = tpu.memref_slice %arg6[%dma_start3A_72, %dma_start3A_73] : memref<80x125xi32, #tpu.memory_space<vmem>> -> memref<1x125xi32, #tpu.memory_space<vmem>>
    %dma_start3A_75 = tpu.memref_squeeze %dma_start3A_74 : memref<1x125xi32, #tpu.memory_space<vmem>> -> memref<125xi32, #tpu.memory_space<vmem>>
    %dma_start3A_76 = arith.constant 0 : i32
    %dma_start3A_77 = arith.constant 0 : i32
    %dma_start3A_78 = tpu.memref_slice %arg4[%dma_start3A_76, %dma_start3A_77] : memref<10000x64xf32, #tpu.memory_space<hbm>> -> memref<10000x64xf32, #tpu.memory_space<hbm>>
    tpu.enqueue_indirect_dma source(%dma_start3A_78 : memref<10000x64xf32, #tpu.memory_space<hbm>>) target(%arg13 : memref<125x64xf32, #tpu.memory_space<vmem>>) offsets(%dma_start3A_75 : memref<125xi32, #tpu.memory_space<vmem>>) semaphore(%arg22 : memref<!tpu.dma_semaphore, #tpu.memory_space<semaphore_mem>>)
    %dma_start3A_79 = arith.constant 6 : i32
    %dma_start3A_80 = arith.constant 0 : i32
    %dma_start3A_81 = tpu.memref_slice %arg6[%dma_start3A_79, %dma_start3A_80] : memref<80x125xi32, #tpu.memory_space<vmem>> -> memref<1x125xi32, #tpu.memory_space<vmem>>
    %dma_start3A_82 = tpu.memref_squeeze %dma_start3A_81 : memref<1x125xi32, #tpu.memory_space<vmem>> -> memref<125xi32, #tpu.memory_space<vmem>>
    %dma_start3A_83 = arith.constant 0 : i32
    %dma_start3A_84 = arith.constant 0 : i32
    %dma_start3A_85 = tpu.memref_slice %arg4[%dma_start3A_83, %dma_start3A_84] : memref<10000x64xf32, #tpu.memory_space<hbm>> -> memref<10000x64xf32, #tpu.memory_space<hbm>>
    tpu.enqueue_indirect_dma source(%dma_start3A_85 : memref<10000x64xf32, #tpu.memory_space<hbm>>) target(%arg14 : memref<125x64xf32, #tpu.memory_space<vmem>>) offsets(%dma_start3A_82 : memref<125xi32, #tpu.memory_space<vmem>>) semaphore(%arg23 : memref<!tpu.dma_semaphore, #tpu.memory_space<semaphore_mem>>)
    %mul3A_86 = arith.constant 625 : i32
    %mul3A_87 = arith.muli %arg1, %mul3A_86 : i32
    %add3A_88 = arith.constant 0 : i32
    %add3A_89 = arith.addi %mul3A_87, %add3A_88 : i32
    "tpu.region"() ({
      %run_scoped3A = tpu.sem_alloc : memref<!tpu.dma_semaphore, #tpu.memory_space<semaphore_mem>>
      %dma_start3A_179 = arith.constant 0 : i32
      %dma_start3A_180 = tpu.memref_slice %arg16[%add3A_89, %dma_start3A_179] : memref<10016x64xf32, #tpu.memory_space<vmem_shared>> -> memref<125x64xf32, #tpu.memory_space<vmem_shared>>
      %dma_start3A_181 = arith.constant 0 : i32
      %dma_start3A_182 = tpu.memref_slice %arg16[%add3A_89, %dma_start3A_181] : memref<10016x64xf32, #tpu.memory_space<vmem_shared>> -> memref<125x64xf32, #tpu.memory_space<vmem_shared>>
      tpu.enqueue_dma source(%arg15 : memref<125x64xf32, #tpu.memory_space<vmem>>) target(%dma_start3A_182 : memref<125x64xf32, #tpu.memory_space<vmem_shared>>) target_semaphore(%run_scoped3A : memref<!tpu.dma_semaphore, #tpu.memory_space<semaphore_mem>>)
      %dma_wait3A_183 = arith.constant 0 : i32
      %dma_wait3A_184 = tpu.memref_slice %arg16[%add3A_89, %dma_wait3A_183] : memref<10016x64xf32, #tpu.memory_space<vmem_shared>> -> memref<125x64xf32, #tpu.memory_space<vmem_shared>>
      %dma_wait3A_185 = arith.constant 0 : i32
      %dma_wait3A_186 = tpu.memref_slice %arg16[%add3A_89, %dma_wait3A_185] : memref<10016x64xf32, #tpu.memory_space<vmem_shared>> -> memref<125x64xf32, #tpu.memory_space<vmem_shared>>
      tpu.wait_dma2 semaphore(%run_scoped3A : memref<!tpu.dma_semaphore, #tpu.memory_space<semaphore_mem>>) src(%arg15 : memref<125x64xf32, #tpu.memory_space<vmem>>) dst(%dma_wait3A_186 : memref<125x64xf32, #tpu.memory_space<vmem_shared>>)
      tpu.yield
    }) : () -> ()
    %mul3A_90 = arith.constant 625 : i32
    %mul3A_91 = arith.muli %arg1, %mul3A_90 : i32
    %add3A_92 = arith.constant 125 : i32
    %add3A_93 = arith.addi %mul3A_91, %add3A_92 : i32
    "tpu.region"() ({
      %run_scoped3A = tpu.sem_alloc : memref<!tpu.dma_semaphore, #tpu.memory_space<semaphore_mem>>
      %dma_start3A_179 = arith.constant 0 : i32
      %dma_start3A_180 = tpu.memref_slice %arg16[%add3A_93, %dma_start3A_179] : memref<10016x64xf32, #tpu.memory_space<vmem_shared>> -> memref<125x64xf32, #tpu.memory_space<vmem_shared>>
      %dma_start3A_181 = arith.constant 0 : i32
      %dma_start3A_182 = tpu.memref_slice %arg16[%add3A_93, %dma_start3A_181] : memref<10016x64xf32, #tpu.memory_space<vmem_shared>> -> memref<125x64xf32, #tpu.memory_space<vmem_shared>>
      tpu.enqueue_dma source(%arg15 : memref<125x64xf32, #tpu.memory_space<vmem>>) target(%dma_start3A_182 : memref<125x64xf32, #tpu.memory_space<vmem_shared>>) target_semaphore(%run_scoped3A : memref<!tpu.dma_semaphore, #tpu.memory_space<semaphore_mem>>)
      %dma_wait3A_183 = arith.constant 0 : i32
      %dma_wait3A_184 = tpu.memref_slice %arg16[%add3A_93, %dma_wait3A_183] : memref<10016x64xf32, #tpu.memory_space<vmem_shared>> -> memref<125x64xf32, #tpu.memory_space<vmem_shared>>
      %dma_wait3A_185 = arith.constant 0 : i32
      %dma_wait3A_186 = tpu.memref_slice %arg16[%add3A_93, %dma_wait3A_185] : memref<10016x64xf32, #tpu.memory_space<vmem_shared>> -> memref<125x64xf32, #tpu.memory_space<vmem_shared>>
      tpu.wait_dma2 semaphore(%run_scoped3A : memref<!tpu.dma_semaphore, #tpu.memory_space<semaphore_mem>>) src(%arg15 : memref<125x64xf32, #tpu.memory_space<vmem>>) dst(%dma_wait3A_186 : memref<125x64xf32, #tpu.memory_space<vmem_shared>>)
      tpu.yield
    }) : () -> ()
    %mul3A_94 = arith.constant 625 : i32
    %mul3A_95 = arith.muli %arg1, %mul3A_94 : i32
    %add3A_96 = arith.constant 250 : i32
    %add3A_97 = arith.addi %mul3A_95, %add3A_96 : i32
    "tpu.region"() ({
      %run_scoped3A = tpu.sem_alloc : memref<!tpu.dma_semaphore, #tpu.memory_space<semaphore_mem>>
      %dma_start3A_179 = arith.constant 0 : i32
      %dma_start3A_180 = tpu.memref_slice %arg16[%add3A_97, %dma_start3A_179] : memref<10016x64xf32, #tpu.memory_space<vmem_shared>> -> memref<125x64xf32, #tpu.memory_space<vmem_shared>>
      %dma_start3A_181 = arith.constant 0 : i32
      %dma_start3A_182 = tpu.memref_slice %arg16[%add3A_97, %dma_start3A_181] : memref<10016x64xf32, #tpu.memory_space<vmem_shared>> -> memref<125x64xf32, #tpu.memory_space<vmem_shared>>
      tpu.enqueue_dma source(%arg15 : memref<125x64xf32, #tpu.memory_space<vmem>>) target(%dma_start3A_182 : memref<125x64xf32, #tpu.memory_space<vmem_shared>>) target_semaphore(%run_scoped3A : memref<!tpu.dma_semaphore, #tpu.memory_space<semaphore_mem>>)
      %dma_wait3A_183 = arith.constant 0 : i32
      %dma_wait3A_184 = tpu.memref_slice %arg16[%add3A_97, %dma_wait3A_183] : memref<10016x64xf32, #tpu.memory_space<vmem_shared>> -> memref<125x64xf32, #tpu.memory_space<vmem_shared>>
      %dma_wait3A_185 = arith.constant 0 : i32
      %dma_wait3A_186 = tpu.memref_slice %arg16[%add3A_97, %dma_wait3A_185] : memref<10016x64xf32, #tpu.memory_space<vmem_shared>> -> memref<125x64xf32, #tpu.memory_space<vmem_shared>>
      tpu.wait_dma2 semaphore(%run_scoped3A : memref<!tpu.dma_semaphore, #tpu.memory_space<semaphore_mem>>) src(%arg15 : memref<125x64xf32, #tpu.memory_space<vmem>>) dst(%dma_wait3A_186 : memref<125x64xf32, #tpu.memory_space<vmem_shared>>)
      tpu.yield
    }) : () -> ()
    %mul3A_98 = arith.constant 625 : i32
    %mul3A_99 = arith.muli %arg1, %mul3A_98 : i32
    %add3A_100 = arith.constant 375 : i32
    %add3A_101 = arith.addi %mul3A_99, %add3A_100 : i32
    "tpu.region"() ({
      %run_scoped3A = tpu.sem_alloc : memref<!tpu.dma_semaphore, #tpu.memory_space<semaphore_mem>>
      %dma_start3A_179 = arith.constant 0 : i32
      %dma_start3A_180 = tpu.memref_slice %arg16[%add3A_101, %dma_start3A_179] : memref<10016x64xf32, #tpu.memory_space<vmem_shared>> -> memref<125x64xf32, #tpu.memory_space<vmem_shared>>
      %dma_start3A_181 = arith.constant 0 : i32
      %dma_start3A_182 = tpu.memref_slice %arg16[%add3A_101, %dma_start3A_181] : memref<10016x64xf32, #tpu.memory_space<vmem_shared>> -> memref<125x64xf32, #tpu.memory_space<vmem_shared>>
      tpu.enqueue_dma source(%arg15 : memref<125x64xf32, #tpu.memory_space<vmem>>) target(%dma_start3A_182 : memref<125x64xf32, #tpu.memory_space<vmem_shared>>) target_semaphore(%run_scoped3A : memref<!tpu.dma_semaphore, #tpu.memory_space<semaphore_mem>>)
      %dma_wait3A_183 = arith.constant 0 : i32
      %dma_wait3A_184 = tpu.memref_slice %arg16[%add3A_101, %dma_wait3A_183] : memref<10016x64xf32, #tpu.memory_space<vmem_shared>> -> memref<125x64xf32, #tpu.memory_space<vmem_shared>>
      %dma_wait3A_185 = arith.constant 0 : i32
      %dma_wait3A_186 = tpu.memref_slice %arg16[%add3A_101, %dma_wait3A_185] : memref<10016x64xf32, #tpu.memory_space<vmem_shared>> -> memref<125x64xf32, #tpu.memory_space<vmem_shared>>
      tpu.wait_dma2 semaphore(%run_scoped3A : memref<!tpu.dma_semaphore, #tpu.memory_space<semaphore_mem>>) src(%arg15 : memref<125x64xf32, #tpu.memory_space<vmem>>) dst(%dma_wait3A_186 : memref<125x64xf32, #tpu.memory_space<vmem_shared>>)
      tpu.yield
    }) : () -> ()
    %mul3A_102 = arith.constant 625 : i32
    %mul3A_103 = arith.muli %arg1, %mul3A_102 : i32
    %add3A_104 = arith.constant 500 : i32
    %add3A_105 = arith.addi %mul3A_103, %add3A_104 : i32
    "tpu.region"() ({
      %run_scoped3A = tpu.sem_alloc : memref<!tpu.dma_semaphore, #tpu.memory_space<semaphore_mem>>
      %dma_start3A_179 = arith.constant 0 : i32
      %dma_start3A_180 = tpu.memref_slice %arg16[%add3A_105, %dma_start3A_179] : memref<10016x64xf32, #tpu.memory_space<vmem_shared>> -> memref<125x64xf32, #tpu.memory_space<vmem_shared>>
      %dma_start3A_181 = arith.constant 0 : i32
      %dma_start3A_182 = tpu.memref_slice %arg16[%add3A_105, %dma_start3A_181] : memref<10016x64xf32, #tpu.memory_space<vmem_shared>> -> memref<125x64xf32, #tpu.memory_space<vmem_shared>>
      tpu.enqueue_dma source(%arg15 : memref<125x64xf32, #tpu.memory_space<vmem>>) target(%dma_start3A_182 : memref<125x64xf32, #tpu.memory_space<vmem_shared>>) target_semaphore(%run_scoped3A : memref<!tpu.dma_semaphore, #tpu.memory_space<semaphore_mem>>)
      %dma_wait3A_183 = arith.constant 0 : i32
      %dma_wait3A_184 = tpu.memref_slice %arg16[%add3A_105, %dma_wait3A_183] : memref<10016x64xf32, #tpu.memory_space<vmem_shared>> -> memref<125x64xf32, #tpu.memory_space<vmem_shared>>
      %dma_wait3A_185 = arith.constant 0 : i32
      %dma_wait3A_186 = tpu.memref_slice %arg16[%add3A_105, %dma_wait3A_185] : memref<10016x64xf32, #tpu.memory_space<vmem_shared>> -> memref<125x64xf32, #tpu.memory_space<vmem_shared>>
      tpu.wait_dma2 semaphore(%run_scoped3A : memref<!tpu.dma_semaphore, #tpu.memory_space<semaphore_mem>>) src(%arg15 : memref<125x64xf32, #tpu.memory_space<vmem>>) dst(%dma_wait3A_186 : memref<125x64xf32, #tpu.memory_space<vmem_shared>>)
      tpu.yield
    }) : () -> ()
    %dma_start3A_106 = arith.constant 7 : i32
    %dma_start3A_107 = arith.constant 0 : i32
    %dma_start3A_108 = tpu.memref_slice %arg6[%dma_start3A_106, %dma_start3A_107] : memref<80x125xi32, #tpu.memory_space<vmem>> -> memref<1x125xi32, #tpu.memory_space<vmem>>
    %dma_start3A_109 = tpu.memref_squeeze %dma_start3A_108 : memref<1x125xi32, #tpu.memory_space<vmem>> -> memref<125xi32, #tpu.memory_space<vmem>>
    %dma_start3A_110 = arith.constant 0 : i32
    %dma_start3A_111 = arith.constant 0 : i32
    %dma_start3A_112 = tpu.memref_slice %arg4[%dma_start3A_110, %dma_start3A_111] : memref<10000x64xf32, #tpu.memory_space<hbm>> -> memref<10000x64xf32, #tpu.memory_space<hbm>>
    tpu.enqueue_indirect_dma source(%dma_start3A_112 : memref<10000x64xf32, #tpu.memory_space<hbm>>) target(%arg15 : memref<125x64xf32, #tpu.memory_space<vmem>>) offsets(%dma_start3A_109 : memref<125xi32, #tpu.memory_space<vmem>>) semaphore(%arg24 : memref<!tpu.dma_semaphore, #tpu.memory_space<semaphore_mem>>)
    %barrier3A = arith.constant 0 : index
    tpu.barrier barrier_id(%barrier3A)
    %scan3A_113 = arith.constant 0 : i32
    %scan3A_114 = arith.constant 0 : i32
    %scan3A_115 = arith.constant 10 : i32
    %scan3A_116 = arith.addi %scan3A_114, %scan3A_115 : i32
    %scan3A_117 = arith.constant 1 : i32
    %scan3A_118 = scf.for %scan3A_179 = %scan3A_114 to %scan3A_116 step %scan3A_117 iter_args(%scan3A_180 = %scan3A_113) -> (i32)  : i32 {
      %mul3A_181 = arith.constant 8 : i32
      %mul3A_182 = arith.muli %scan3A_179, %mul3A_181 : i32
      %add3A_183 = arith.constant 0 : i32
      %add3A_184 = arith.addi %mul3A_182, %add3A_183 : i32
      %dma_wait3A_185 = arith.constant 0 : i32
      %dma_wait3A_186 = tpu.memref_slice %arg6[%add3A_184, %dma_wait3A_185] : memref<80x125xi32, #tpu.memory_space<vmem>> -> memref<1x125xi32, #tpu.memory_space<vmem>>
      %dma_wait3A_187 = tpu.memref_squeeze %dma_wait3A_186 : memref<1x125xi32, #tpu.memory_space<vmem>> -> memref<125xi32, #tpu.memory_space<vmem>>
      %dma_wait3A_188 = arith.constant 0 : i32
      %dma_wait3A_189 = arith.constant 0 : i32
      %dma_wait3A_190 = tpu.memref_slice %arg4[%dma_wait3A_188, %dma_wait3A_189] : memref<10000x64xf32, #tpu.memory_space<hbm>> -> memref<10000x64xf32, #tpu.memory_space<hbm>>
      tpu.wait_indirect_dma semaphore(%arg17 : memref<!tpu.dma_semaphore, #tpu.memory_space<semaphore_mem>>) src(%dma_wait3A_190 : memref<10000x64xf32, #tpu.memory_space<hbm>>) dst(%arg8 : memref<125x64xf32, #tpu.memory_space<vmem>>)
      %dma_start3A_191 = arith.constant 0 : i32
      %dma_start3A_192 = tpu.memref_slice %arg7[%add3A_184, %dma_start3A_191] : memref<80x125xi32, #tpu.memory_space<vmem>> -> memref<1x125xi32, #tpu.memory_space<vmem>>
      %dma_start3A_193 = tpu.memref_squeeze %dma_start3A_192 : memref<1x125xi32, #tpu.memory_space<vmem>> -> memref<125xi32, #tpu.memory_space<vmem>>
      %dma_start3A_194 = arith.constant 0 : i32
      %dma_start3A_195 = arith.constant 0 : i32
      %dma_start3A_196 = tpu.memref_slice %arg16[%dma_start3A_194, %dma_start3A_195] : memref<10016x64xf32, #tpu.memory_space<vmem_shared>> -> memref<10016x64xf32, #tpu.memory_space<vmem_shared>>
      tpu.enqueue_indirect_dma source(%arg8 : memref<125x64xf32, #tpu.memory_space<vmem>>) target(%dma_start3A_196 : memref<10016x64xf32, #tpu.memory_space<vmem_shared>>) offsets(%dma_start3A_193 : memref<125xi32, #tpu.memory_space<vmem>>) semaphore(%arg25 : memref<!tpu.dma_semaphore, #tpu.memory_space<semaphore_mem>>) {add = true}
      %add3A_197 = arith.constant 1 : i32
      %add3A_198 = arith.addi %mul3A_182, %add3A_197 : i32
      %dma_wait3A_199 = arith.constant 0 : i32
      %dma_wait3A_200 = tpu.memref_slice %arg6[%add3A_198, %dma_wait3A_199] : memref<80x125xi32, #tpu.memory_space<vmem>> -> memref<1x125xi32, #tpu.memory_space<vmem>>
      %dma_wait3A_201 = tpu.memref_squeeze %dma_wait3A_200 : memref<1x125xi32, #tpu.memory_space<vmem>> -> memref<125xi32, #tpu.memory_space<vmem>>
      %dma_wait3A_202 = arith.constant 0 : i32
      %dma_wait3A_203 = arith.constant 0 : i32
      %dma_wait3A_204 = tpu.memref_slice %arg4[%dma_wait3A_202, %dma_wait3A_203] : memref<10000x64xf32, #tpu.memory_space<hbm>> -> memref<10000x64xf32, #tpu.memory_space<hbm>>
      tpu.wait_indirect_dma semaphore(%arg18 : memref<!tpu.dma_semaphore, #tpu.memory_space<semaphore_mem>>) src(%dma_wait3A_204 : memref<10000x64xf32, #tpu.memory_space<hbm>>) dst(%arg9 : memref<125x64xf32, #tpu.memory_space<vmem>>)
      %dma_start3A_205 = arith.constant 0 : i32
      %dma_start3A_206 = tpu.memref_slice %arg7[%add3A_198, %dma_start3A_205] : memref<80x125xi32, #tpu.memory_space<vmem>> -> memref<1x125xi32, #tpu.memory_space<vmem>>
      %dma_start3A_207 = tpu.memref_squeeze %dma_start3A_206 : memref<1x125xi32, #tpu.memory_space<vmem>> -> memref<125xi32, #tpu.memory_space<vmem>>
      %dma_start3A_208 = arith.constant 0 : i32
      %dma_start3A_209 = arith.constant 0 : i32
      %dma_start3A_210 = tpu.memref_slice %arg16[%dma_start3A_208, %dma_start3A_209] : memref<10016x64xf32, #tpu.memory_space<vmem_shared>> -> memref<10016x64xf32, #tpu.memory_space<vmem_shared>>
      tpu.enqueue_indirect_dma source(%arg9 : memref<125x64xf32, #tpu.memory_space<vmem>>) target(%dma_start3A_210 : memref<10016x64xf32, #tpu.memory_space<vmem_shared>>) offsets(%dma_start3A_207 : memref<125xi32, #tpu.memory_space<vmem>>) semaphore(%arg26 : memref<!tpu.dma_semaphore, #tpu.memory_space<semaphore_mem>>) {add = true}
      %add3A_211 = arith.constant 2 : i32
      %add3A_212 = arith.addi %mul3A_182, %add3A_211 : i32
      %dma_wait3A_213 = arith.constant 0 : i32
      %dma_wait3A_214 = tpu.memref_slice %arg6[%add3A_212, %dma_wait3A_213] : memref<80x125xi32, #tpu.memory_space<vmem>> -> memref<1x125xi32, #tpu.memory_space<vmem>>
      %dma_wait3A_215 = tpu.memref_squeeze %dma_wait3A_214 : memref<1x125xi32, #tpu.memory_space<vmem>> -> memref<125xi32, #tpu.memory_space<vmem>>
      %dma_wait3A_216 = arith.constant 0 : i32
      %dma_wait3A_217 = arith.constant 0 : i32
      %dma_wait3A_218 = tpu.memref_slice %arg4[%dma_wait3A_216, %dma_wait3A_217] : memref<10000x64xf32, #tpu.memory_space<hbm>> -> memref<10000x64xf32, #tpu.memory_space<hbm>>
      tpu.wait_indirect_dma semaphore(%arg19 : memref<!tpu.dma_semaphore, #tpu.memory_space<semaphore_mem>>) src(%dma_wait3A_218 : memref<10000x64xf32, #tpu.memory_space<hbm>>) dst(%arg10 : memref<125x64xf32, #tpu.memory_space<vmem>>)
      %dma_start3A_219 = arith.constant 0 : i32
      %dma_start3A_220 = tpu.memref_slice %arg7[%add3A_212, %dma_start3A_219] : memref<80x125xi32, #tpu.memory_space<vmem>> -> memref<1x125xi32, #tpu.memory_space<vmem>>
      %dma_start3A_221 = tpu.memref_squeeze %dma_start3A_220 : memref<1x125xi32, #tpu.memory_space<vmem>> -> memref<125xi32, #tpu.memory_space<vmem>>
      %dma_start3A_222 = arith.constant 0 : i32
      %dma_start3A_223 = arith.constant 0 : i32
      %dma_start3A_224 = tpu.memref_slice %arg16[%dma_start3A_222, %dma_start3A_223] : memref<10016x64xf32, #tpu.memory_space<vmem_shared>> -> memref<10016x64xf32, #tpu.memory_space<vmem_shared>>
      tpu.enqueue_indirect_dma source(%arg10 : memref<125x64xf32, #tpu.memory_space<vmem>>) target(%dma_start3A_224 : memref<10016x64xf32, #tpu.memory_space<vmem_shared>>) offsets(%dma_start3A_221 : memref<125xi32, #tpu.memory_space<vmem>>) semaphore(%arg27 : memref<!tpu.dma_semaphore, #tpu.memory_space<semaphore_mem>>) {add = true}
      %add3A_225 = arith.constant 3 : i32
      %add3A_226 = arith.addi %mul3A_182, %add3A_225 : i32
      %dma_wait3A_227 = arith.constant 0 : i32
      %dma_wait3A_228 = tpu.memref_slice %arg6[%add3A_226, %dma_wait3A_227] : memref<80x125xi32, #tpu.memory_space<vmem>> -> memref<1x125xi32, #tpu.memory_space<vmem>>
      %dma_wait3A_229 = tpu.memref_squeeze %dma_wait3A_228 : memref<1x125xi32, #tpu.memory_space<vmem>> -> memref<125xi32, #tpu.memory_space<vmem>>
      %dma_wait3A_230 = arith.constant 0 : i32
      %dma_wait3A_231 = arith.constant 0 : i32
      %dma_wait3A_232 = tpu.memref_slice %arg4[%dma_wait3A_230, %dma_wait3A_231] : memref<10000x64xf32, #tpu.memory_space<hbm>> -> memref<10000x64xf32, #tpu.memory_space<hbm>>
      tpu.wait_indirect_dma semaphore(%arg20 : memref<!tpu.dma_semaphore, #tpu.memory_space<semaphore_mem>>) src(%dma_wait3A_232 : memref<10000x64xf32, #tpu.memory_space<hbm>>) dst(%arg11 : memref<125x64xf32, #tpu.memory_space<vmem>>)
      %dma_start3A_233 = arith.constant 0 : i32
      %dma_start3A_234 = tpu.memref_slice %arg7[%add3A_226, %dma_start3A_233] : memref<80x125xi32, #tpu.memory_space<vmem>> -> memref<1x125xi32, #tpu.memory_space<vmem>>
      %dma_start3A_235 = tpu.memref_squeeze %dma_start3A_234 : memref<1x125xi32, #tpu.memory_space<vmem>> -> memref<125xi32, #tpu.memory_space<vmem>>
      %dma_start3A_236 = arith.constant 0 : i32
      %dma_start3A_237 = arith.constant 0 : i32
      %dma_start3A_238 = tpu.memref_slice %arg16[%dma_start3A_236, %dma_start3A_237] : memref<10016x64xf32, #tpu.memory_space<vmem_shared>> -> memref<10016x64xf32, #tpu.memory_space<vmem_shared>>
      tpu.enqueue_indirect_dma source(%arg11 : memref<125x64xf32, #tpu.memory_space<vmem>>) target(%dma_start3A_238 : memref<10016x64xf32, #tpu.memory_space<vmem_shared>>) offsets(%dma_start3A_235 : memref<125xi32, #tpu.memory_space<vmem>>) semaphore(%arg28 : memref<!tpu.dma_semaphore, #tpu.memory_space<semaphore_mem>>) {add = true}
      %add3A_239 = arith.constant 4 : i32
      %add3A_240 = arith.addi %mul3A_182, %add3A_239 : i32
      %dma_wait3A_241 = arith.constant 0 : i32
      %dma_wait3A_242 = tpu.memref_slice %arg6[%add3A_240, %dma_wait3A_241] : memref<80x125xi32, #tpu.memory_space<vmem>> -> memref<1x125xi32, #tpu.memory_space<vmem>>
      %dma_wait3A_243 = tpu.memref_squeeze %dma_wait3A_242 : memref<1x125xi32, #tpu.memory_space<vmem>> -> memref<125xi32, #tpu.memory_space<vmem>>
      %dma_wait3A_244 = arith.constant 0 : i32
      %dma_wait3A_245 = arith.constant 0 : i32
      %dma_wait3A_246 = tpu.memref_slice %arg4[%dma_wait3A_244, %dma_wait3A_245] : memref<10000x64xf32, #tpu.memory_space<hbm>> -> memref<10000x64xf32, #tpu.memory_space<hbm>>
      tpu.wait_indirect_dma semaphore(%arg21 : memref<!tpu.dma_semaphore, #tpu.memory_space<semaphore_mem>>) src(%dma_wait3A_246 : memref<10000x64xf32, #tpu.memory_space<hbm>>) dst(%arg12 : memref<125x64xf32, #tpu.memory_space<vmem>>)
      %dma_start3A_247 = arith.constant 0 : i32
      %dma_start3A_248 = tpu.memref_slice %arg7[%add3A_240, %dma_start3A_247] : memref<80x125xi32, #tpu.memory_space<vmem>> -> memref<1x125xi32, #tpu.memory_space<vmem>>
      %dma_start3A_249 = tpu.memref_squeeze %dma_start3A_248 : memref<1x125xi32, #tpu.memory_space<vmem>> -> memref<125xi32, #tpu.memory_space<vmem>>
      %dma_start3A_250 = arith.constant 0 : i32
      %dma_start3A_251 = arith.constant 0 : i32
      %dma_start3A_252 = tpu.memref_slice %arg16[%dma_start3A_250, %dma_start3A_251] : memref<10016x64xf32, #tpu.memory_space<vmem_shared>> -> memref<10016x64xf32, #tpu.memory_space<vmem_shared>>
      tpu.enqueue_indirect_dma source(%arg12 : memref<125x64xf32, #tpu.memory_space<vmem>>) target(%dma_start3A_252 : memref<10016x64xf32, #tpu.memory_space<vmem_shared>>) offsets(%dma_start3A_249 : memref<125xi32, #tpu.memory_space<vmem>>) semaphore(%arg29 : memref<!tpu.dma_semaphore, #tpu.memory_space<semaphore_mem>>) {add = true}
      %add3A_253 = arith.constant 5 : i32
      %add3A_254 = arith.addi %mul3A_182, %add3A_253 : i32
      %dma_wait3A_255 = arith.constant 0 : i32
      %dma_wait3A_256 = tpu.memref_slice %arg6[%add3A_254, %dma_wait3A_255] : memref<80x125xi32, #tpu.memory_space<vmem>> -> memref<1x125xi32, #tpu.memory_space<vmem>>
      %dma_wait3A_257 = tpu.memref_squeeze %dma_wait3A_256 : memref<1x125xi32, #tpu.memory_space<vmem>> -> memref<125xi32, #tpu.memory_space<vmem>>
      %dma_wait3A_258 = arith.constant 0 : i32
      %dma_wait3A_259 = arith.constant 0 : i32
      %dma_wait3A_260 = tpu.memref_slice %arg4[%dma_wait3A_258, %dma_wait3A_259] : memref<10000x64xf32, #tpu.memory_space<hbm>> -> memref<10000x64xf32, #tpu.memory_space<hbm>>
      tpu.wait_indirect_dma semaphore(%arg22 : memref<!tpu.dma_semaphore, #tpu.memory_space<semaphore_mem>>) src(%dma_wait3A_260 : memref<10000x64xf32, #tpu.memory_space<hbm>>) dst(%arg13 : memref<125x64xf32, #tpu.memory_space<vmem>>)
      %dma_start3A_261 = arith.constant 0 : i32
      %dma_start3A_262 = tpu.memref_slice %arg7[%add3A_254, %dma_start3A_261] : memref<80x125xi32, #tpu.memory_space<vmem>> -> memref<1x125xi32, #tpu.memory_space<vmem>>
      %dma_start3A_263 = tpu.memref_squeeze %dma_start3A_262 : memref<1x125xi32, #tpu.memory_space<vmem>> -> memref<125xi32, #tpu.memory_space<vmem>>
      %dma_start3A_264 = arith.constant 0 : i32
      %dma_start3A_265 = arith.constant 0 : i32
      %dma_start3A_266 = tpu.memref_slice %arg16[%dma_start3A_264, %dma_start3A_265] : memref<10016x64xf32, #tpu.memory_space<vmem_shared>> -> memref<10016x64xf32, #tpu.memory_space<vmem_shared>>
      tpu.enqueue_indirect_dma source(%arg13 : memref<125x64xf32, #tpu.memory_space<vmem>>) target(%dma_start3A_266 : memref<10016x64xf32, #tpu.memory_space<vmem_shared>>) offsets(%dma_start3A_263 : memref<125xi32, #tpu.memory_space<vmem>>) semaphore(%arg30 : memref<!tpu.dma_semaphore, #tpu.memory_space<semaphore_mem>>) {add = true}
      %add3A_267 = arith.constant 6 : i32
      %add3A_268 = arith.addi %mul3A_182, %add3A_267 : i32
      %dma_wait3A_269 = arith.constant 0 : i32
      %dma_wait3A_270 = tpu.memref_slice %arg6[%add3A_268, %dma_wait3A_269] : memref<80x125xi32, #tpu.memory_space<vmem>> -> memref<1x125xi32, #tpu.memory_space<vmem>>
      %dma_wait3A_271 = tpu.memref_squeeze %dma_wait3A_270 : memref<1x125xi32, #tpu.memory_space<vmem>> -> memref<125xi32, #tpu.memory_space<vmem>>
      %dma_wait3A_272 = arith.constant 0 : i32
      %dma_wait3A_273 = arith.constant 0 : i32
      %dma_wait3A_274 = tpu.memref_slice %arg4[%dma_wait3A_272, %dma_wait3A_273] : memref<10000x64xf32, #tpu.memory_space<hbm>> -> memref<10000x64xf32, #tpu.memory_space<hbm>>
      tpu.wait_indirect_dma semaphore(%arg23 : memref<!tpu.dma_semaphore, #tpu.memory_space<semaphore_mem>>) src(%dma_wait3A_274 : memref<10000x64xf32, #tpu.memory_space<hbm>>) dst(%arg14 : memref<125x64xf32, #tpu.memory_space<vmem>>)
      %dma_start3A_275 = arith.constant 0 : i32
      %dma_start3A_276 = tpu.memref_slice %arg7[%add3A_268, %dma_start3A_275] : memref<80x125xi32, #tpu.memory_space<vmem>> -> memref<1x125xi32, #tpu.memory_space<vmem>>
      %dma_start3A_277 = tpu.memref_squeeze %dma_start3A_276 : memref<1x125xi32, #tpu.memory_space<vmem>> -> memref<125xi32, #tpu.memory_space<vmem>>
      %dma_start3A_278 = arith.constant 0 : i32
      %dma_start3A_279 = arith.constant 0 : i32
      %dma_start3A_280 = tpu.memref_slice %arg16[%dma_start3A_278, %dma_start3A_279] : memref<10016x64xf32, #tpu.memory_space<vmem_shared>> -> memref<10016x64xf32, #tpu.memory_space<vmem_shared>>
      tpu.enqueue_indirect_dma source(%arg14 : memref<125x64xf32, #tpu.memory_space<vmem>>) target(%dma_start3A_280 : memref<10016x64xf32, #tpu.memory_space<vmem_shared>>) offsets(%dma_start3A_277 : memref<125xi32, #tpu.memory_space<vmem>>) semaphore(%arg31 : memref<!tpu.dma_semaphore, #tpu.memory_space<semaphore_mem>>) {add = true}
      %add3A_281 = arith.constant 7 : i32
      %add3A_282 = arith.addi %mul3A_182, %add3A_281 : i32
      %dma_wait3A_283 = arith.constant 0 : i32
      %dma_wait3A_284 = tpu.memref_slice %arg6[%add3A_282, %dma_wait3A_283] : memref<80x125xi32, #tpu.memory_space<vmem>> -> memref<1x125xi32, #tpu.memory_space<vmem>>
      %dma_wait3A_285 = tpu.memref_squeeze %dma_wait3A_284 : memref<1x125xi32, #tpu.memory_space<vmem>> -> memref<125xi32, #tpu.memory_space<vmem>>
      %dma_wait3A_286 = arith.constant 0 : i32
      %dma_wait3A_287 = arith.constant 0 : i32
      %dma_wait3A_288 = tpu.memref_slice %arg4[%dma_wait3A_286, %dma_wait3A_287] : memref<10000x64xf32, #tpu.memory_space<hbm>> -> memref<10000x64xf32, #tpu.memory_space<hbm>>
      tpu.wait_indirect_dma semaphore(%arg24 : memref<!tpu.dma_semaphore, #tpu.memory_space<semaphore_mem>>) src(%dma_wait3A_288 : memref<10000x64xf32, #tpu.memory_space<hbm>>) dst(%arg15 : memref<125x64xf32, #tpu.memory_space<vmem>>)
      %dma_start3A_289 = arith.constant 0 : i32
      %dma_start3A_290 = tpu.memref_slice %arg7[%add3A_282, %dma_start3A_289] : memref<80x125xi32, #tpu.memory_space<vmem>> -> memref<1x125xi32, #tpu.memory_space<vmem>>
      %dma_start3A_291 = tpu.memref_squeeze %dma_start3A_290 : memref<1x125xi32, #tpu.memory_space<vmem>> -> memref<125xi32, #tpu.memory_space<vmem>>
      %dma_start3A_292 = arith.constant 0 : i32
      %dma_start3A_293 = arith.constant 0 : i32
      %dma_start3A_294 = tpu.memref_slice %arg16[%dma_start3A_292, %dma_start3A_293] : memref<10016x64xf32, #tpu.memory_space<vmem_shared>> -> memref<10016x64xf32, #tpu.memory_space<vmem_shared>>
      tpu.enqueue_indirect_dma source(%arg15 : memref<125x64xf32, #tpu.memory_space<vmem>>) target(%dma_start3A_294 : memref<10016x64xf32, #tpu.memory_space<vmem_shared>>) offsets(%dma_start3A_291 : memref<125xi32, #tpu.memory_space<vmem>>) semaphore(%arg32 : memref<!tpu.dma_semaphore, #tpu.memory_space<semaphore_mem>>) {add = true}
      %add3A_295 = arith.constant 0 : i32
      %add3A_296 = arith.addi %mul3A_182, %add3A_295 : i32
      %lt3A = arith.constant 9 : i32
      %lt3A_297 = arith.cmpi slt, %scan3A_179, %lt3A : i32
      %convert_element_type3A = arith.extui %lt3A_297 : i1 to i32
      %cond3A = arith.constant 0 : i32
      %cond3A_298 = arith.cmpi ne, %convert_element_type3A, %cond3A : i32
      scf.if %cond3A_298 {
        %dma_wait3A_349 = arith.constant 0 : i32
        %dma_wait3A_350 = tpu.memref_slice %arg7[%add3A_296, %dma_wait3A_349] : memref<80x125xi32, #tpu.memory_space<vmem>> -> memref<1x125xi32, #tpu.memory_space<vmem>>
        %dma_wait3A_351 = tpu.memref_squeeze %dma_wait3A_350 : memref<1x125xi32, #tpu.memory_space<vmem>> -> memref<125xi32, #tpu.memory_space<vmem>>
        %dma_wait3A_352 = arith.constant 0 : i32
        %dma_wait3A_353 = arith.constant 0 : i32
        %dma_wait3A_354 = tpu.memref_slice %arg16[%dma_wait3A_352, %dma_wait3A_353] : memref<10016x64xf32, #tpu.memory_space<vmem_shared>> -> memref<10016x64xf32, #tpu.memory_space<vmem_shared>>
        tpu.wait_indirect_dma semaphore(%arg25 : memref<!tpu.dma_semaphore, #tpu.memory_space<semaphore_mem>>) src(%arg8 : memref<125x64xf32, #tpu.memory_space<vmem>>) dst(%dma_wait3A_354 : memref<10016x64xf32, #tpu.memory_space<vmem_shared>>)
        %add3A_355 = arith.constant 8 : i32
        %add3A_356 = arith.addi %add3A_296, %add3A_355 : i32
        %dma_start3A_357 = arith.constant 0 : i32
        %dma_start3A_358 = tpu.memref_slice %arg6[%add3A_356, %dma_start3A_357] : memref<80x125xi32, #tpu.memory_space<vmem>> -> memref<1x125xi32, #tpu.memory_space<vmem>>
        %dma_start3A_359 = tpu.memref_squeeze %dma_start3A_358 : memref<1x125xi32, #tpu.memory_space<vmem>> -> memref<125xi32, #tpu.memory_space<vmem>>
        %dma_start3A_360 = arith.constant 0 : i32
        %dma_start3A_361 = arith.constant 0 : i32
        %dma_start3A_362 = tpu.memref_slice %arg4[%dma_start3A_360, %dma_start3A_361] : memref<10000x64xf32, #tpu.memory_space<hbm>> -> memref<10000x64xf32, #tpu.memory_space<hbm>>
        tpu.enqueue_indirect_dma source(%dma_start3A_362 : memref<10000x64xf32, #tpu.memory_space<hbm>>) target(%arg8 : memref<125x64xf32, #tpu.memory_space<vmem>>) offsets(%dma_start3A_359 : memref<125xi32, #tpu.memory_space<vmem>>) semaphore(%arg17 : memref<!tpu.dma_semaphore, #tpu.memory_space<semaphore_mem>>)
      } else {
      }
      %add3A_299 = arith.constant 1 : i32
      %add3A_300 = arith.addi %mul3A_182, %add3A_299 : i32
      %lt3A_301 = arith.constant 9 : i32
      %lt3A_302 = arith.cmpi slt, %scan3A_179, %lt3A_301 : i32
      %convert_element_type3A_303 = arith.extui %lt3A_302 : i1 to i32
      %cond3A_304 = arith.constant 0 : i32
      %cond3A_305 = arith.cmpi ne, %convert_element_type3A_303, %cond3A_304 : i32
      scf.if %cond3A_305 {
        %dma_wait3A_349 = arith.constant 0 : i32
        %dma_wait3A_350 = tpu.memref_slice %arg7[%add3A_300, %dma_wait3A_349] : memref<80x125xi32, #tpu.memory_space<vmem>> -> memref<1x125xi32, #tpu.memory_space<vmem>>
        %dma_wait3A_351 = tpu.memref_squeeze %dma_wait3A_350 : memref<1x125xi32, #tpu.memory_space<vmem>> -> memref<125xi32, #tpu.memory_space<vmem>>
        %dma_wait3A_352 = arith.constant 0 : i32
        %dma_wait3A_353 = arith.constant 0 : i32
        %dma_wait3A_354 = tpu.memref_slice %arg16[%dma_wait3A_352, %dma_wait3A_353] : memref<10016x64xf32, #tpu.memory_space<vmem_shared>> -> memref<10016x64xf32, #tpu.memory_space<vmem_shared>>
        tpu.wait_indirect_dma semaphore(%arg26 : memref<!tpu.dma_semaphore, #tpu.memory_space<semaphore_mem>>) src(%arg9 : memref<125x64xf32, #tpu.memory_space<vmem>>) dst(%dma_wait3A_354 : memref<10016x64xf32, #tpu.memory_space<vmem_shared>>)
        %add3A_355 = arith.constant 8 : i32
        %add3A_356 = arith.addi %add3A_300, %add3A_355 : i32
        %dma_start3A_357 = arith.constant 0 : i32
        %dma_start3A_358 = tpu.memref_slice %arg6[%add3A_356, %dma_start3A_357] : memref<80x125xi32, #tpu.memory_space<vmem>> -> memref<1x125xi32, #tpu.memory_space<vmem>>
        %dma_start3A_359 = tpu.memref_squeeze %dma_start3A_358 : memref<1x125xi32, #tpu.memory_space<vmem>> -> memref<125xi32, #tpu.memory_space<vmem>>
        %dma_start3A_360 = arith.constant 0 : i32
        %dma_start3A_361 = arith.constant 0 : i32
        %dma_start3A_362 = tpu.memref_slice %arg4[%dma_start3A_360, %dma_start3A_361] : memref<10000x64xf32, #tpu.memory_space<hbm>> -> memref<10000x64xf32, #tpu.memory_space<hbm>>
        tpu.enqueue_indirect_dma source(%dma_start3A_362 : memref<10000x64xf32, #tpu.memory_space<hbm>>) target(%arg9 : memref<125x64xf32, #tpu.memory_space<vmem>>) offsets(%dma_start3A_359 : memref<125xi32, #tpu.memory_space<vmem>>) semaphore(%arg18 : memref<!tpu.dma_semaphore, #tpu.memory_space<semaphore_mem>>)
      } else {
      }
      %add3A_306 = arith.constant 2 : i32
      %add3A_307 = arith.addi %mul3A_182, %add3A_306 : i32
      %lt3A_308 = arith.constant 9 : i32
      %lt3A_309 = arith.cmpi slt, %scan3A_179, %lt3A_308 : i32
      %convert_element_type3A_310 = arith.extui %lt3A_309 : i1 to i32
      %cond3A_311 = arith.constant 0 : i32
      %cond3A_312 = arith.cmpi ne, %convert_element_type3A_310, %cond3A_311 : i32
      scf.if %cond3A_312 {
        %dma_wait3A_349 = arith.constant 0 : i32
        %dma_wait3A_350 = tpu.memref_slice %arg7[%add3A_307, %dma_wait3A_349] : memref<80x125xi32, #tpu.memory_space<vmem>> -> memref<1x125xi32, #tpu.memory_space<vmem>>
        %dma_wait3A_351 = tpu.memref_squeeze %dma_wait3A_350 : memref<1x125xi32, #tpu.memory_space<vmem>> -> memref<125xi32, #tpu.memory_space<vmem>>
        %dma_wait3A_352 = arith.constant 0 : i32
        %dma_wait3A_353 = arith.constant 0 : i32
        %dma_wait3A_354 = tpu.memref_slice %arg16[%dma_wait3A_352, %dma_wait3A_353] : memref<10016x64xf32, #tpu.memory_space<vmem_shared>> -> memref<10016x64xf32, #tpu.memory_space<vmem_shared>>
        tpu.wait_indirect_dma semaphore(%arg27 : memref<!tpu.dma_semaphore, #tpu.memory_space<semaphore_mem>>) src(%arg10 : memref<125x64xf32, #tpu.memory_space<vmem>>) dst(%dma_wait3A_354 : memref<10016x64xf32, #tpu.memory_space<vmem_shared>>)
        %add3A_355 = arith.constant 8 : i32
        %add3A_356 = arith.addi %add3A_307, %add3A_355 : i32
        %dma_start3A_357 = arith.constant 0 : i32
        %dma_start3A_358 = tpu.memref_slice %arg6[%add3A_356, %dma_start3A_357] : memref<80x125xi32, #tpu.memory_space<vmem>> -> memref<1x125xi32, #tpu.memory_space<vmem>>
        %dma_start3A_359 = tpu.memref_squeeze %dma_start3A_358 : memref<1x125xi32, #tpu.memory_space<vmem>> -> memref<125xi32, #tpu.memory_space<vmem>>
        %dma_start3A_360 = arith.constant 0 : i32
        %dma_start3A_361 = arith.constant 0 : i32
        %dma_start3A_362 = tpu.memref_slice %arg4[%dma_start3A_360, %dma_start3A_361] : memref<10000x64xf32, #tpu.memory_space<hbm>> -> memref<10000x64xf32, #tpu.memory_space<hbm>>
        tpu.enqueue_indirect_dma source(%dma_start3A_362 : memref<10000x64xf32, #tpu.memory_space<hbm>>) target(%arg10 : memref<125x64xf32, #tpu.memory_space<vmem>>) offsets(%dma_start3A_359 : memref<125xi32, #tpu.memory_space<vmem>>) semaphore(%arg19 : memref<!tpu.dma_semaphore, #tpu.memory_space<semaphore_mem>>)
      } else {
      }
      %add3A_313 = arith.constant 3 : i32
      %add3A_314 = arith.addi %mul3A_182, %add3A_313 : i32
      %lt3A_315 = arith.constant 9 : i32
      %lt3A_316 = arith.cmpi slt, %scan3A_179, %lt3A_315 : i32
      %convert_element_type3A_317 = arith.extui %lt3A_316 : i1 to i32
      %cond3A_318 = arith.constant 0 : i32
      %cond3A_319 = arith.cmpi ne, %convert_element_type3A_317, %cond3A_318 : i32
      scf.if %cond3A_319 {
        %dma_wait3A_349 = arith.constant 0 : i32
        %dma_wait3A_350 = tpu.memref_slice %arg7[%add3A_314, %dma_wait3A_349] : memref<80x125xi32, #tpu.memory_space<vmem>> -> memref<1x125xi32, #tpu.memory_space<vmem>>
        %dma_wait3A_351 = tpu.memref_squeeze %dma_wait3A_350 : memref<1x125xi32, #tpu.memory_space<vmem>> -> memref<125xi32, #tpu.memory_space<vmem>>
        %dma_wait3A_352 = arith.constant 0 : i32
        %dma_wait3A_353 = arith.constant 0 : i32
        %dma_wait3A_354 = tpu.memref_slice %arg16[%dma_wait3A_352, %dma_wait3A_353] : memref<10016x64xf32, #tpu.memory_space<vmem_shared>> -> memref<10016x64xf32, #tpu.memory_space<vmem_shared>>
        tpu.wait_indirect_dma semaphore(%arg28 : memref<!tpu.dma_semaphore, #tpu.memory_space<semaphore_mem>>) src(%arg11 : memref<125x64xf32, #tpu.memory_space<vmem>>) dst(%dma_wait3A_354 : memref<10016x64xf32, #tpu.memory_space<vmem_shared>>)
        %add3A_355 = arith.constant 8 : i32
        %add3A_356 = arith.addi %add3A_314, %add3A_355 : i32
        %dma_start3A_357 = arith.constant 0 : i32
        %dma_start3A_358 = tpu.memref_slice %arg6[%add3A_356, %dma_start3A_357] : memref<80x125xi32, #tpu.memory_space<vmem>> -> memref<1x125xi32, #tpu.memory_space<vmem>>
        %dma_start3A_359 = tpu.memref_squeeze %dma_start3A_358 : memref<1x125xi32, #tpu.memory_space<vmem>> -> memref<125xi32, #tpu.memory_space<vmem>>
        %dma_start3A_360 = arith.constant 0 : i32
        %dma_start3A_361 = arith.constant 0 : i32
        %dma_start3A_362 = tpu.memref_slice %arg4[%dma_start3A_360, %dma_start3A_361] : memref<10000x64xf32, #tpu.memory_space<hbm>> -> memref<10000x64xf32, #tpu.memory_space<hbm>>
        tpu.enqueue_indirect_dma source(%dma_start3A_362 : memref<10000x64xf32, #tpu.memory_space<hbm>>) target(%arg11 : memref<125x64xf32, #tpu.memory_space<vmem>>) offsets(%dma_start3A_359 : memref<125xi32, #tpu.memory_space<vmem>>) semaphore(%arg20 : memref<!tpu.dma_semaphore, #tpu.memory_space<semaphore_mem>>)
      } else {
      }
      %add3A_320 = arith.constant 4 : i32
      %add3A_321 = arith.addi %mul3A_182, %add3A_320 : i32
      %lt3A_322 = arith.constant 9 : i32
      %lt3A_323 = arith.cmpi slt, %scan3A_179, %lt3A_322 : i32
      %convert_element_type3A_324 = arith.extui %lt3A_323 : i1 to i32
      %cond3A_325 = arith.constant 0 : i32
      %cond3A_326 = arith.cmpi ne, %convert_element_type3A_324, %cond3A_325 : i32
      scf.if %cond3A_326 {
        %dma_wait3A_349 = arith.constant 0 : i32
        %dma_wait3A_350 = tpu.memref_slice %arg7[%add3A_321, %dma_wait3A_349] : memref<80x125xi32, #tpu.memory_space<vmem>> -> memref<1x125xi32, #tpu.memory_space<vmem>>
        %dma_wait3A_351 = tpu.memref_squeeze %dma_wait3A_350 : memref<1x125xi32, #tpu.memory_space<vmem>> -> memref<125xi32, #tpu.memory_space<vmem>>
        %dma_wait3A_352 = arith.constant 0 : i32
        %dma_wait3A_353 = arith.constant 0 : i32
        %dma_wait3A_354 = tpu.memref_slice %arg16[%dma_wait3A_352, %dma_wait3A_353] : memref<10016x64xf32, #tpu.memory_space<vmem_shared>> -> memref<10016x64xf32, #tpu.memory_space<vmem_shared>>
        tpu.wait_indirect_dma semaphore(%arg29 : memref<!tpu.dma_semaphore, #tpu.memory_space<semaphore_mem>>) src(%arg12 : memref<125x64xf32, #tpu.memory_space<vmem>>) dst(%dma_wait3A_354 : memref<10016x64xf32, #tpu.memory_space<vmem_shared>>)
        %add3A_355 = arith.constant 8 : i32
        %add3A_356 = arith.addi %add3A_321, %add3A_355 : i32
        %dma_start3A_357 = arith.constant 0 : i32
        %dma_start3A_358 = tpu.memref_slice %arg6[%add3A_356, %dma_start3A_357] : memref<80x125xi32, #tpu.memory_space<vmem>> -> memref<1x125xi32, #tpu.memory_space<vmem>>
        %dma_start3A_359 = tpu.memref_squeeze %dma_start3A_358 : memref<1x125xi32, #tpu.memory_space<vmem>> -> memref<125xi32, #tpu.memory_space<vmem>>
        %dma_start3A_360 = arith.constant 0 : i32
        %dma_start3A_361 = arith.constant 0 : i32
        %dma_start3A_362 = tpu.memref_slice %arg4[%dma_start3A_360, %dma_start3A_361] : memref<10000x64xf32, #tpu.memory_space<hbm>> -> memref<10000x64xf32, #tpu.memory_space<hbm>>
        tpu.enqueue_indirect_dma source(%dma_start3A_362 : memref<10000x64xf32, #tpu.memory_space<hbm>>) target(%arg12 : memref<125x64xf32, #tpu.memory_space<vmem>>) offsets(%dma_start3A_359 : memref<125xi32, #tpu.memory_space<vmem>>) semaphore(%arg21 : memref<!tpu.dma_semaphore, #tpu.memory_space<semaphore_mem>>)
      } else {
      }
      %add3A_327 = arith.constant 5 : i32
      %add3A_328 = arith.addi %mul3A_182, %add3A_327 : i32
      %lt3A_329 = arith.constant 9 : i32
      %lt3A_330 = arith.cmpi slt, %scan3A_179, %lt3A_329 : i32
      %convert_element_type3A_331 = arith.extui %lt3A_330 : i1 to i32
      %cond3A_332 = arith.constant 0 : i32
      %cond3A_333 = arith.cmpi ne, %convert_element_type3A_331, %cond3A_332 : i32
      scf.if %cond3A_333 {
        %dma_wait3A_349 = arith.constant 0 : i32
        %dma_wait3A_350 = tpu.memref_slice %arg7[%add3A_328, %dma_wait3A_349] : memref<80x125xi32, #tpu.memory_space<vmem>> -> memref<1x125xi32, #tpu.memory_space<vmem>>
        %dma_wait3A_351 = tpu.memref_squeeze %dma_wait3A_350 : memref<1x125xi32, #tpu.memory_space<vmem>> -> memref<125xi32, #tpu.memory_space<vmem>>
        %dma_wait3A_352 = arith.constant 0 : i32
        %dma_wait3A_353 = arith.constant 0 : i32
        %dma_wait3A_354 = tpu.memref_slice %arg16[%dma_wait3A_352, %dma_wait3A_353] : memref<10016x64xf32, #tpu.memory_space<vmem_shared>> -> memref<10016x64xf32, #tpu.memory_space<vmem_shared>>
        tpu.wait_indirect_dma semaphore(%arg30 : memref<!tpu.dma_semaphore, #tpu.memory_space<semaphore_mem>>) src(%arg13 : memref<125x64xf32, #tpu.memory_space<vmem>>) dst(%dma_wait3A_354 : memref<10016x64xf32, #tpu.memory_space<vmem_shared>>)
        %add3A_355 = arith.constant 8 : i32
        %add3A_356 = arith.addi %add3A_328, %add3A_355 : i32
        %dma_start3A_357 = arith.constant 0 : i32
        %dma_start3A_358 = tpu.memref_slice %arg6[%add3A_356, %dma_start3A_357] : memref<80x125xi32, #tpu.memory_space<vmem>> -> memref<1x125xi32, #tpu.memory_space<vmem>>
        %dma_start3A_359 = tpu.memref_squeeze %dma_start3A_358 : memref<1x125xi32, #tpu.memory_space<vmem>> -> memref<125xi32, #tpu.memory_space<vmem>>
        %dma_start3A_360 = arith.constant 0 : i32
        %dma_start3A_361 = arith.constant 0 : i32
        %dma_start3A_362 = tpu.memref_slice %arg4[%dma_start3A_360, %dma_start3A_361] : memref<10000x64xf32, #tpu.memory_space<hbm>> -> memref<10000x64xf32, #tpu.memory_space<hbm>>
        tpu.enqueue_indirect_dma source(%dma_start3A_362 : memref<10000x64xf32, #tpu.memory_space<hbm>>) target(%arg13 : memref<125x64xf32, #tpu.memory_space<vmem>>) offsets(%dma_start3A_359 : memref<125xi32, #tpu.memory_space<vmem>>) semaphore(%arg22 : memref<!tpu.dma_semaphore, #tpu.memory_space<semaphore_mem>>)
      } else {
      }
      %add3A_334 = arith.constant 6 : i32
      %add3A_335 = arith.addi %mul3A_182, %add3A_334 : i32
      %lt3A_336 = arith.constant 9 : i32
      %lt3A_337 = arith.cmpi slt, %scan3A_179, %lt3A_336 : i32
      %convert_element_type3A_338 = arith.extui %lt3A_337 : i1 to i32
      %cond3A_339 = arith.constant 0 : i32
      %cond3A_340 = arith.cmpi ne, %convert_element_type3A_338, %cond3A_339 : i32
      scf.if %cond3A_340 {
        %dma_wait3A_349 = arith.constant 0 : i32
        %dma_wait3A_350 = tpu.memref_slice %arg7[%add3A_335, %dma_wait3A_349] : memref<80x125xi32, #tpu.memory_space<vmem>> -> memref<1x125xi32, #tpu.memory_space<vmem>>
        %dma_wait3A_351 = tpu.memref_squeeze %dma_wait3A_350 : memref<1x125xi32, #tpu.memory_space<vmem>> -> memref<125xi32, #tpu.memory_space<vmem>>
        %dma_wait3A_352 = arith.constant 0 : i32
        %dma_wait3A_353 = arith.constant 0 : i32
        %dma_wait3A_354 = tpu.memref_slice %arg16[%dma_wait3A_352, %dma_wait3A_353] : memref<10016x64xf32, #tpu.memory_space<vmem_shared>> -> memref<10016x64xf32, #tpu.memory_space<vmem_shared>>
        tpu.wait_indirect_dma semaphore(%arg31 : memref<!tpu.dma_semaphore, #tpu.memory_space<semaphore_mem>>) src(%arg14 : memref<125x64xf32, #tpu.memory_space<vmem>>) dst(%dma_wait3A_354 : memref<10016x64xf32, #tpu.memory_space<vmem_shared>>)
        %add3A_355 = arith.constant 8 : i32
        %add3A_356 = arith.addi %add3A_335, %add3A_355 : i32
        %dma_start3A_357 = arith.constant 0 : i32
        %dma_start3A_358 = tpu.memref_slice %arg6[%add3A_356, %dma_start3A_357] : memref<80x125xi32, #tpu.memory_space<vmem>> -> memref<1x125xi32, #tpu.memory_space<vmem>>
        %dma_start3A_359 = tpu.memref_squeeze %dma_start3A_358 : memref<1x125xi32, #tpu.memory_space<vmem>> -> memref<125xi32, #tpu.memory_space<vmem>>
        %dma_start3A_360 = arith.constant 0 : i32
        %dma_start3A_361 = arith.constant 0 : i32
        %dma_start3A_362 = tpu.memref_slice %arg4[%dma_start3A_360, %dma_start3A_361] : memref<10000x64xf32, #tpu.memory_space<hbm>> -> memref<10000x64xf32, #tpu.memory_space<hbm>>
        tpu.enqueue_indirect_dma source(%dma_start3A_362 : memref<10000x64xf32, #tpu.memory_space<hbm>>) target(%arg14 : memref<125x64xf32, #tpu.memory_space<vmem>>) offsets(%dma_start3A_359 : memref<125xi32, #tpu.memory_space<vmem>>) semaphore(%arg23 : memref<!tpu.dma_semaphore, #tpu.memory_space<semaphore_mem>>)
      } else {
      }
      %add3A_341 = arith.constant 7 : i32
      %add3A_342 = arith.addi %mul3A_182, %add3A_341 : i32
      %lt3A_343 = arith.constant 9 : i32
      %lt3A_344 = arith.cmpi slt, %scan3A_179, %lt3A_343 : i32
      %convert_element_type3A_345 = arith.extui %lt3A_344 : i1 to i32
      %cond3A_346 = arith.constant 0 : i32
      %cond3A_347 = arith.cmpi ne, %convert_element_type3A_345, %cond3A_346 : i32
      scf.if %cond3A_347 {
        %dma_wait3A_349 = arith.constant 0 : i32
        %dma_wait3A_350 = tpu.memref_slice %arg7[%add3A_342, %dma_wait3A_349] : memref<80x125xi32, #tpu.memory_space<vmem>> -> memref<1x125xi32, #tpu.memory_space<vmem>>
        %dma_wait3A_351 = tpu.memref_squeeze %dma_wait3A_350 : memref<1x125xi32, #tpu.memory_space<vmem>> -> memref<125xi32, #tpu.memory_space<vmem>>
        %dma_wait3A_352 = arith.constant 0 : i32
        %dma_wait3A_353 = arith.constant 0 : i32
        %dma_wait3A_354 = tpu.memref_slice %arg16[%dma_wait3A_352, %dma_wait3A_353] : memref<10016x64xf32, #tpu.memory_space<vmem_shared>> -> memref<10016x64xf32, #tpu.memory_space<vmem_shared>>
        tpu.wait_indirect_dma semaphore(%arg32 : memref<!tpu.dma_semaphore, #tpu.memory_space<semaphore_mem>>) src(%arg15 : memref<125x64xf32, #tpu.memory_space<vmem>>) dst(%dma_wait3A_354 : memref<10016x64xf32, #tpu.memory_space<vmem_shared>>)
        %add3A_355 = arith.constant 8 : i32
        %add3A_356 = arith.addi %add3A_342, %add3A_355 : i32
        %dma_start3A_357 = arith.constant 0 : i32
        %dma_start3A_358 = tpu.memref_slice %arg6[%add3A_356, %dma_start3A_357] : memref<80x125xi32, #tpu.memory_space<vmem>> -> memref<1x125xi32, #tpu.memory_space<vmem>>
        %dma_start3A_359 = tpu.memref_squeeze %dma_start3A_358 : memref<1x125xi32, #tpu.memory_space<vmem>> -> memref<125xi32, #tpu.memory_space<vmem>>
        %dma_start3A_360 = arith.constant 0 : i32
        %dma_start3A_361 = arith.constant 0 : i32
        %dma_start3A_362 = tpu.memref_slice %arg4[%dma_start3A_360, %dma_start3A_361] : memref<10000x64xf32, #tpu.memory_space<hbm>> -> memref<10000x64xf32, #tpu.memory_space<hbm>>
        tpu.enqueue_indirect_dma source(%dma_start3A_362 : memref<10000x64xf32, #tpu.memory_space<hbm>>) target(%arg15 : memref<125x64xf32, #tpu.memory_space<vmem>>) offsets(%dma_start3A_359 : memref<125xi32, #tpu.memory_space<vmem>>) semaphore(%arg24 : memref<!tpu.dma_semaphore, #tpu.memory_space<semaphore_mem>>)
      } else {
      }
      %scan3A_348 = arith.constant 0 : i32
      scf.yield %scan3A_348 : i32
    }
    %scan3A_119 = arith.constant 10 : i32
    %dma_wait3A_120 = arith.constant 72 : i32
    %dma_wait3A_121 = arith.constant 0 : i32
    %dma_wait3A_122 = tpu.memref_slice %arg7[%dma_wait3A_120, %dma_wait3A_121] : memref<80x125xi32, #tpu.memory_space<vmem>> -> memref<1x125xi32, #tpu.memory_space<vmem>>
    %dma_wait3A_123 = tpu.memref_squeeze %dma_wait3A_122 : memref<1x125xi32, #tpu.memory_space<vmem>> -> memref<125xi32, #tpu.memory_space<vmem>>
    %dma_wait3A_124 = arith.constant 0 : i32
    %dma_wait3A_125 = arith.constant 0 : i32
    %dma_wait3A_126 = tpu.memref_slice %arg16[%dma_wait3A_124, %dma_wait3A_125] : memref<10016x64xf32, #tpu.memory_space<vmem_shared>> -> memref<10016x64xf32, #tpu.memory_space<vmem_shared>>
    tpu.wait_indirect_dma semaphore(%arg25 : memref<!tpu.dma_semaphore, #tpu.memory_space<semaphore_mem>>) src(%arg8 : memref<125x64xf32, #tpu.memory_space<vmem>>) dst(%dma_wait3A_126 : memref<10016x64xf32, #tpu.memory_space<vmem_shared>>)
    %dma_wait3A_127 = arith.constant 73 : i32
    %dma_wait3A_128 = arith.constant 0 : i32
    %dma_wait3A_129 = tpu.memref_slice %arg7[%dma_wait3A_127, %dma_wait3A_128] : memref<80x125xi32, #tpu.memory_space<vmem>> -> memref<1x125xi32, #tpu.memory_space<vmem>>
    %dma_wait3A_130 = tpu.memref_squeeze %dma_wait3A_129 : memref<1x125xi32, #tpu.memory_space<vmem>> -> memref<125xi32, #tpu.memory_space<vmem>>
    %dma_wait3A_131 = arith.constant 0 : i32
    %dma_wait3A_132 = arith.constant 0 : i32
    %dma_wait3A_133 = tpu.memref_slice %arg16[%dma_wait3A_131, %dma_wait3A_132] : memref<10016x64xf32, #tpu.memory_space<vmem_shared>> -> memref<10016x64xf32, #tpu.memory_space<vmem_shared>>
    tpu.wait_indirect_dma semaphore(%arg26 : memref<!tpu.dma_semaphore, #tpu.memory_space<semaphore_mem>>) src(%arg9 : memref<125x64xf32, #tpu.memory_space<vmem>>) dst(%dma_wait3A_133 : memref<10016x64xf32, #tpu.memory_space<vmem_shared>>)
    %dma_wait3A_134 = arith.constant 74 : i32
    %dma_wait3A_135 = arith.constant 0 : i32
    %dma_wait3A_136 = tpu.memref_slice %arg7[%dma_wait3A_134, %dma_wait3A_135] : memref<80x125xi32, #tpu.memory_space<vmem>> -> memref<1x125xi32, #tpu.memory_space<vmem>>
    %dma_wait3A_137 = tpu.memref_squeeze %dma_wait3A_136 : memref<1x125xi32, #tpu.memory_space<vmem>> -> memref<125xi32, #tpu.memory_space<vmem>>
    %dma_wait3A_138 = arith.constant 0 : i32
    %dma_wait3A_139 = arith.constant 0 : i32
    %dma_wait3A_140 = tpu.memref_slice %arg16[%dma_wait3A_138, %dma_wait3A_139] : memref<10016x64xf32, #tpu.memory_space<vmem_shared>> -> memref<10016x64xf32, #tpu.memory_space<vmem_shared>>
    tpu.wait_indirect_dma semaphore(%arg27 : memref<!tpu.dma_semaphore, #tpu.memory_space<semaphore_mem>>) src(%arg10 : memref<125x64xf32, #tpu.memory_space<vmem>>) dst(%dma_wait3A_140 : memref<10016x64xf32, #tpu.memory_space<vmem_shared>>)
    %dma_wait3A_141 = arith.constant 75 : i32
    %dma_wait3A_142 = arith.constant 0 : i32
    %dma_wait3A_143 = tpu.memref_slice %arg7[%dma_wait3A_141, %dma_wait3A_142] : memref<80x125xi32, #tpu.memory_space<vmem>> -> memref<1x125xi32, #tpu.memory_space<vmem>>
    %dma_wait3A_144 = tpu.memref_squeeze %dma_wait3A_143 : memref<1x125xi32, #tpu.memory_space<vmem>> -> memref<125xi32, #tpu.memory_space<vmem>>
    %dma_wait3A_145 = arith.constant 0 : i32
    %dma_wait3A_146 = arith.constant 0 : i32
    %dma_wait3A_147 = tpu.memref_slice %arg16[%dma_wait3A_145, %dma_wait3A_146] : memref<10016x64xf32, #tpu.memory_space<vmem_shared>> -> memref<10016x64xf32, #tpu.memory_space<vmem_shared>>
    tpu.wait_indirect_dma semaphore(%arg28 : memref<!tpu.dma_semaphore, #tpu.memory_space<semaphore_mem>>) src(%arg11 : memref<125x64xf32, #tpu.memory_space<vmem>>) dst(%dma_wait3A_147 : memref<10016x64xf32, #tpu.memory_space<vmem_shared>>)
    %dma_wait3A_148 = arith.constant 76 : i32
    %dma_wait3A_149 = arith.constant 0 : i32
    %dma_wait3A_150 = tpu.memref_slice %arg7[%dma_wait3A_148, %dma_wait3A_149] : memref<80x125xi32, #tpu.memory_space<vmem>> -> memref<1x125xi32, #tpu.memory_space<vmem>>
    %dma_wait3A_151 = tpu.memref_squeeze %dma_wait3A_150 : memref<1x125xi32, #tpu.memory_space<vmem>> -> memref<125xi32, #tpu.memory_space<vmem>>
    %dma_wait3A_152 = arith.constant 0 : i32
    %dma_wait3A_153 = arith.constant 0 : i32
    %dma_wait3A_154 = tpu.memref_slice %arg16[%dma_wait3A_152, %dma_wait3A_153] : memref<10016x64xf32, #tpu.memory_space<vmem_shared>> -> memref<10016x64xf32, #tpu.memory_space<vmem_shared>>
    tpu.wait_indirect_dma semaphore(%arg29 : memref<!tpu.dma_semaphore, #tpu.memory_space<semaphore_mem>>) src(%arg12 : memref<125x64xf32, #tpu.memory_space<vmem>>) dst(%dma_wait3A_154 : memref<10016x64xf32, #tpu.memory_space<vmem_shared>>)
    %dma_wait3A_155 = arith.constant 77 : i32
    %dma_wait3A_156 = arith.constant 0 : i32
    %dma_wait3A_157 = tpu.memref_slice %arg7[%dma_wait3A_155, %dma_wait3A_156] : memref<80x125xi32, #tpu.memory_space<vmem>> -> memref<1x125xi32, #tpu.memory_space<vmem>>
    %dma_wait3A_158 = tpu.memref_squeeze %dma_wait3A_157 : memref<1x125xi32, #tpu.memory_space<vmem>> -> memref<125xi32, #tpu.memory_space<vmem>>
    %dma_wait3A_159 = arith.constant 0 : i32
    %dma_wait3A_160 = arith.constant 0 : i32
    %dma_wait3A_161 = tpu.memref_slice %arg16[%dma_wait3A_159, %dma_wait3A_160] : memref<10016x64xf32, #tpu.memory_space<vmem_shared>> -> memref<10016x64xf32, #tpu.memory_space<vmem_shared>>
    tpu.wait_indirect_dma semaphore(%arg30 : memref<!tpu.dma_semaphore, #tpu.memory_space<semaphore_mem>>) src(%arg13 : memref<125x64xf32, #tpu.memory_space<vmem>>) dst(%dma_wait3A_161 : memref<10016x64xf32, #tpu.memory_space<vmem_shared>>)
    %dma_wait3A_162 = arith.constant 78 : i32
    %dma_wait3A_163 = arith.constant 0 : i32
    %dma_wait3A_164 = tpu.memref_slice %arg7[%dma_wait3A_162, %dma_wait3A_163] : memref<80x125xi32, #tpu.memory_space<vmem>> -> memref<1x125xi32, #tpu.memory_space<vmem>>
    %dma_wait3A_165 = tpu.memref_squeeze %dma_wait3A_164 : memref<1x125xi32, #tpu.memory_space<vmem>> -> memref<125xi32, #tpu.memory_space<vmem>>
    %dma_wait3A_166 = arith.constant 0 : i32
    %dma_wait3A_167 = arith.constant 0 : i32
    %dma_wait3A_168 = tpu.memref_slice %arg16[%dma_wait3A_166, %dma_wait3A_167] : memref<10016x64xf32, #tpu.memory_space<vmem_shared>> -> memref<10016x64xf32, #tpu.memory_space<vmem_shared>>
    tpu.wait_indirect_dma semaphore(%arg31 : memref<!tpu.dma_semaphore, #tpu.memory_space<semaphore_mem>>) src(%arg14 : memref<125x64xf32, #tpu.memory_space<vmem>>) dst(%dma_wait3A_168 : memref<10016x64xf32, #tpu.memory_space<vmem_shared>>)
    %dma_wait3A_169 = arith.constant 79 : i32
    %dma_wait3A_170 = arith.constant 0 : i32
    %dma_wait3A_171 = tpu.memref_slice %arg7[%dma_wait3A_169, %dma_wait3A_170] : memref<80x125xi32, #tpu.memory_space<vmem>> -> memref<1x125xi32, #tpu.memory_space<vmem>>
    %dma_wait3A_172 = tpu.memref_squeeze %dma_wait3A_171 : memref<1x125xi32, #tpu.memory_space<vmem>> -> memref<125xi32, #tpu.memory_space<vmem>>
    %dma_wait3A_173 = arith.constant 0 : i32
    %dma_wait3A_174 = arith.constant 0 : i32
    %dma_wait3A_175 = tpu.memref_slice %arg16[%dma_wait3A_173, %dma_wait3A_174] : memref<10016x64xf32, #tpu.memory_space<vmem_shared>> -> memref<10016x64xf32, #tpu.memory_space<vmem_shared>>
    tpu.wait_indirect_dma semaphore(%arg32 : memref<!tpu.dma_semaphore, #tpu.memory_space<semaphore_mem>>) src(%arg15 : memref<125x64xf32, #tpu.memory_space<vmem>>) dst(%dma_wait3A_175 : memref<10016x64xf32, #tpu.memory_space<vmem_shared>>)
    %barrier3A_176 = arith.constant 0 : index
    tpu.barrier barrier_id(%barrier3A_176)
    %mul3A_177 = arith.constant 625 : i32
    %mul3A_178 = arith.muli %arg1, %mul3A_177 : i32
    "tpu.region"() ({
      %run_scoped3A = tpu.sem_alloc : memref<!tpu.dma_semaphore, #tpu.memory_space<semaphore_mem>>
      %dma_start3A_179 = arith.constant 0 : i32
      %dma_start3A_180 = arith.constant 0 : i32
      %dma_start3A_181 = tpu.memref_slice %arg5[%add3A, %dma_start3A_179, %dma_start3A_180] : memref<32x625x64xf32, #tpu.memory_space<hbm>> -> memref<1x625x64xf32, #tpu.memory_space<hbm>>
      %dma_start3A_182 = tpu.memref_squeeze %dma_start3A_181 : memref<1x625x64xf32, #tpu.memory_space<hbm>> -> memref<625x64xf32, #tpu.memory_space<hbm>>
      %dma_start3A_183 = arith.constant 0 : i32
      %dma_start3A_184 = tpu.memref_slice %arg16[%mul3A_178, %dma_start3A_183] : memref<10016x64xf32, #tpu.memory_space<vmem_shared>> -> memref<625x64xf32, #tpu.memory_space<vmem_shared>>
      tpu.enqueue_dma source(%dma_start3A_184 : memref<625x64xf32, #tpu.memory_space<vmem_shared>>) target(%dma_start3A_182 : memref<625x64xf32, #tpu.memory_space<hbm>>) target_semaphore(%run_scoped3A : memref<!tpu.dma_semaphore, #tpu.memory_space<semaphore_mem>>)
      %dma_wait3A_185 = arith.constant 0 : i32
      %dma_wait3A_186 = arith.constant 0 : i32
      %dma_wait3A_187 = tpu.memref_slice %arg5[%add3A, %dma_wait3A_185, %dma_wait3A_186] : memref<32x625x64xf32, #tpu.memory_space<hbm>> -> memref<1x625x64xf32, #tpu.memory_space<hbm>>
      %dma_wait3A_188 = tpu.memref_squeeze %dma_wait3A_187 : memref<1x625x64xf32, #tpu.memory_space<hbm>> -> memref<625x64xf32, #tpu.memory_space<hbm>>
      %dma_wait3A_189 = arith.constant 0 : i32
      %dma_wait3A_190 = tpu.memref_slice %arg16[%mul3A_178, %dma_wait3A_189] : memref<10016x64xf32, #tpu.memory_space<vmem_shared>> -> memref<625x64xf32, #tpu.memory_space<vmem_shared>>
      tpu.wait_dma2 semaphore(%run_scoped3A : memref<!tpu.dma_semaphore, #tpu.memory_space<semaphore_mem>>) src(%dma_wait3A_190 : memref<625x64xf32, #tpu.memory_space<vmem_shared>>) dst(%dma_wait3A_188 : memref<625x64xf32, #tpu.memory_space<hbm>>)
      tpu.yield
    }) : () -> ()
    return
  }
}

#map = affine_map<(d0, d1) -> (0, 0, 0)>
#map1 = affine_map<(d0, d1) -> (0, 0)>
module attributes {stable_mosaic.version = 14 : i64} {
  func.func @k(%arg0: i32, %arg1: i32, %arg2: memref<32x80x125xi32, #tpu.memory_space<hbm>>, %arg3: memref<32x80x125xi32, #tpu.memory_space<hbm>>, %arg4: memref<10000x64xf32, #tpu.memory_space<hbm>>, %arg5: memref<32x625x64xf32, #tpu.memory_space<hbm>>, %arg6: memref<80x125xi32, #tpu.memory_space<vmem>>, %arg7: memref<80x125xi32, #tpu.memory_space<vmem>>, %arg8: memref<125x64xf32, #tpu.memory_space<vmem>>, %arg9: memref<125x64xf32, #tpu.memory_space<vmem>>, %arg10: memref<125x64xf32, #tpu.memory_space<vmem>>, %arg11: memref<125x64xf32, #tpu.memory_space<vmem>>, %arg12: memref<125x64xf32, #tpu.memory_space<vmem>>, %arg13: memref<125x64xf32, #tpu.memory_space<vmem>>, %arg14: memref<125x64xf32, #tpu.memory_space<vmem>>, %arg15: memref<125x64xf32, #tpu.memory_space<vmem>>, %arg16: memref<10016x64xf32, #tpu.memory_space<vmem_shared>>, %arg17: memref<!tpu.dma_semaphore, #tpu.memory_space<semaphore_mem>>, %arg18: memref<!tpu.dma_semaphore, #tpu.memory_space<semaphore_mem>>, %arg19: memref<!tpu.dma_semaphore, #tpu.memory_space<semaphore_mem>>, %arg20: memref<!tpu.dma_semaphore, #tpu.memory_space<semaphore_mem>>, %arg21: memref<!tpu.dma_semaphore, #tpu.memory_space<semaphore_mem>>, %arg22: memref<!tpu.dma_semaphore, #tpu.memory_space<semaphore_mem>>, %arg23: memref<!tpu.dma_semaphore, #tpu.memory_space<semaphore_mem>>, %arg24: memref<!tpu.dma_semaphore, #tpu.memory_space<semaphore_mem>>, %arg25: memref<!tpu.dma_semaphore, #tpu.memory_space<semaphore_mem>>, %arg26: memref<!tpu.dma_semaphore, #tpu.memory_space<semaphore_mem>>, %arg27: memref<!tpu.dma_semaphore, #tpu.memory_space<semaphore_mem>>, %arg28: memref<!tpu.dma_semaphore, #tpu.memory_space<semaphore_mem>>, %arg29: memref<!tpu.dma_semaphore, #tpu.memory_space<semaphore_mem>>, %arg30: memref<!tpu.dma_semaphore, #tpu.memory_space<semaphore_mem>>, %arg31: memref<!tpu.dma_semaphore, #tpu.memory_space<semaphore_mem>>, %arg32: memref<!tpu.dma_semaphore, #tpu.memory_space<semaphore_mem>>, %arg33: memref<!tpu.dma_semaphore, #tpu.memory_space<semaphore_mem>>) attributes {dimension_semantics = [#tpu.dimension_semantics<core_parallel>, #tpu.dimension_semantics<subcore_parallel>], iteration_bounds = array<i64: 2, 16>, scalar_prefetch = 0 : i64, scratch_operands = 28 : i64, tpu.core_type = #tpu.core_type<sc_vector_subcore>, window_params = [{transform_indices = #map}, {transform_indices = #map}, {transform_indices = #map1}, {transform_indices = #map}]} {
    %mul3A = arith.constant 16 : i32
    %mul3A_0 = arith.muli %arg0, %mul3A : i32
    %add3A = arith.addi %mul3A_0, %arg1 : i32
    %dma_start3A = arith.constant 0 : i32
    %dma_start3A_1 = arith.constant 0 : i32
    %dma_start3A_2 = tpu.memref_slice %arg2[%add3A, %dma_start3A, %dma_start3A_1] : memref<32x80x125xi32, #tpu.memory_space<hbm>> -> memref<1x80x125xi32, #tpu.memory_space<hbm>>
    %dma_start3A_3 = tpu.memref_squeeze %dma_start3A_2 : memref<1x80x125xi32, #tpu.memory_space<hbm>> -> memref<80x125xi32, #tpu.memory_space<hbm>>
    %dma_start3A_4 = arith.constant 0 : i32
    %dma_start3A_5 = arith.constant 0 : i32
    %dma_start3A_6 = tpu.memref_slice %arg2[%add3A, %dma_start3A_4, %dma_start3A_5] : memref<32x80x125xi32, #tpu.memory_space<hbm>> -> memref<1x80x125xi32, #tpu.memory_space<hbm>>
    %dma_start3A_7 = tpu.memref_squeeze %dma_start3A_6 : memref<1x80x125xi32, #tpu.memory_space<hbm>> -> memref<80x125xi32, #tpu.memory_space<hbm>>
    tpu.enqueue_dma source(%dma_start3A_7 : memref<80x125xi32, #tpu.memory_space<hbm>>) target(%arg6 : memref<80x125xi32, #tpu.memory_space<vmem>>) target_semaphore(%arg33 : memref<!tpu.dma_semaphore, #tpu.memory_space<semaphore_mem>>)
    %dma_start3A_8 = arith.constant 0 : i32
    %dma_start3A_9 = arith.constant 0 : i32
    %dma_start3A_10 = tpu.memref_slice %arg3[%add3A, %dma_start3A_8, %dma_start3A_9] : memref<32x80x125xi32, #tpu.memory_space<hbm>> -> memref<1x80x125xi32, #tpu.memory_space<hbm>>
    %dma_start3A_11 = tpu.memref_squeeze %dma_start3A_10 : memref<1x80x125xi32, #tpu.memory_space<hbm>> -> memref<80x125xi32, #tpu.memory_space<hbm>>
    %dma_start3A_12 = arith.constant 0 : i32
    %dma_start3A_13 = arith.constant 0 : i32
    %dma_start3A_14 = tpu.memref_slice %arg3[%add3A, %dma_start3A_12, %dma_start3A_13] : memref<32x80x125xi32, #tpu.memory_space<hbm>> -> memref<1x80x125xi32, #tpu.memory_space<hbm>>
    %dma_start3A_15 = tpu.memref_squeeze %dma_start3A_14 : memref<1x80x125xi32, #tpu.memory_space<hbm>> -> memref<80x125xi32, #tpu.memory_space<hbm>>
    tpu.enqueue_dma source(%dma_start3A_15 : memref<80x125xi32, #tpu.memory_space<hbm>>) target(%arg7 : memref<80x125xi32, #tpu.memory_space<vmem>>) target_semaphore(%arg33 : memref<!tpu.dma_semaphore, #tpu.memory_space<semaphore_mem>>)
    %scan3A = arith.constant 0 : i32
    %scan3A_16 = arith.constant 0 : i32
    %scan3A_17 = arith.constant 125 : i32
    %scan3A_18 = arith.addi %scan3A_16, %scan3A_17 : i32
    %scan3A_19 = arith.constant 1 : i32
    %scan3A_20 = scf.for %scan3A_179 = %scan3A_16 to %scan3A_18 step %scan3A_19 iter_args(%scan3A_180 = %scan3A) -> (i32)  : i32 {
      %scan3A_181 = arith.constant 0 : i32
      %scan3A_182 = arith.constant 0 : i32
      %scan3A_183 = arith.constant 4 : i32
      %scan3A_184 = arith.addi %scan3A_182, %scan3A_183 : i32
      %scan3A_185 = arith.constant 1 : i32
      %scan3A_186 = scf.for %scan3A_188 = %scan3A_182 to %scan3A_184 step %scan3A_185 iter_args(%scan3A_189 = %scan3A_181) -> (i32)  : i32 {
        %broadcast_in_dim3A = arith.constant 0.000000e+00 : f32
        %broadcast_in_dim3A_190 = vector.broadcast %broadcast_in_dim3A : f32 to vector<16xf32>
        %mul3A_191 = arith.constant 16 : i32
        %mul3A_192 = arith.muli %scan3A_188, %mul3A_191 : i32
        %swap3A = arith.index_cast %scan3A_179 : i32 to index
        %swap3A_193 = arith.index_cast %mul3A_192 : i32 to index
        %swap3A_194 = tpu.vector_load %arg15[%swap3A, %swap3A_193] {strides = array<i32>} : memref<125x64xf32, #tpu.memory_space<vmem>>, vector<1x16xf32>,
        %swap3A_195 = vector.shape_cast %swap3A_194 : vector<1x16xf32> to vector<16xf32>
        %swap3A_196 = vector.shape_cast %broadcast_in_dim3A_190 : vector<16xf32> to vector<1x16xf32>
        tpu.vector_store %arg15[%swap3A, %swap3A_193], %swap3A_196 {strides = array<i32>} : memref<125x64xf32, #tpu.memory_space<vmem>>, vector<1x16xf32>,
        %scan3A_197 = arith.constant 0 : i32
        scf.yield %scan3A_197 : i32
      }
      %scan3A_187 = arith.constant 4 : i32
      scf.yield %scan3A_186 : i32
    }
    %scan3A_21 = arith.constant 125 : i32
    %dma_wait3A = arith.constant 0 : i32
    %dma_wait3A_22 = arith.constant 0 : i32
    %dma_wait3A_23 = tpu.memref_slice %arg2[%add3A, %dma_wait3A, %dma_wait3A_22] : memref<32x80x125xi32, #tpu.memory_space<hbm>> -> memref<1x80x125xi32, #tpu.memory_space<hbm>>
    %dma_wait3A_24 = tpu.memref_squeeze %dma_wait3A_23 : memref<1x80x125xi32, #tpu.memory_space<hbm>> -> memref<80x125xi32, #tpu.memory_space<hbm>>
    %dma_wait3A_25 = arith.constant 0 : i32
    %dma_wait3A_26 = arith.constant 0 : i32
    %dma_wait3A_27 = tpu.memref_slice %arg2[%add3A, %dma_wait3A_25, %dma_wait3A_26] : memref<32x80x125xi32, #tpu.memory_space<hbm>> -> memref<1x80x125xi32, #tpu.memory_space<hbm>>
    %dma_wait3A_28 = tpu.memref_squeeze %dma_wait3A_27 : memref<1x80x125xi32, #tpu.memory_space<hbm>> -> memref<80x125xi32, #tpu.memory_space<hbm>>
    tpu.wait_dma2 semaphore(%arg33 : memref<!tpu.dma_semaphore, #tpu.memory_space<semaphore_mem>>) src(%dma_wait3A_28 : memref<80x125xi32, #tpu.memory_space<hbm>>) dst(%arg6 : memref<80x125xi32, #tpu.memory_space<vmem>>)
    %dma_wait3A_29 = arith.constant 0 : i32
    %dma_wait3A_30 = arith.constant 0 : i32
    %dma_wait3A_31 = tpu.memref_slice %arg3[%add3A, %dma_wait3A_29, %dma_wait3A_30] : memref<32x80x125xi32, #tpu.memory_space<hbm>> -> memref<1x80x125xi32, #tpu.memory_space<hbm>>
    %dma_wait3A_32 = tpu.memref_squeeze %dma_wait3A_31 : memref<1x80x125xi32, #tpu.memory_space<hbm>> -> memref<80x125xi32, #tpu.memory_space<hbm>>
    %dma_wait3A_33 = arith.constant 0 : i32
    %dma_wait3A_34 = arith.constant 0 : i32
    %dma_wait3A_35 = tpu.memref_slice %arg3[%add3A, %dma_wait3A_33, %dma_wait3A_34] : memref<32x80x125xi32, #tpu.memory_space<hbm>> -> memref<1x80x125xi32, #tpu.memory_space<hbm>>
    %dma_wait3A_36 = tpu.memref_squeeze %dma_wait3A_35 : memref<1x80x125xi32, #tpu.memory_space<hbm>> -> memref<80x125xi32, #tpu.memory_space<hbm>>
    tpu.wait_dma2 semaphore(%arg33 : memref<!tpu.dma_semaphore, #tpu.memory_space<semaphore_mem>>) src(%dma_wait3A_36 : memref<80x125xi32, #tpu.memory_space<hbm>>) dst(%arg7 : memref<80x125xi32, #tpu.memory_space<vmem>>)
    %dma_start3A_37 = arith.constant 0 : i32
    %dma_start3A_38 = arith.constant 0 : i32
    %dma_start3A_39 = tpu.memref_slice %arg6[%dma_start3A_37, %dma_start3A_38] : memref<80x125xi32, #tpu.memory_space<vmem>> -> memref<1x125xi32, #tpu.memory_space<vmem>>
    %dma_start3A_40 = tpu.memref_squeeze %dma_start3A_39 : memref<1x125xi32, #tpu.memory_space<vmem>> -> memref<125xi32, #tpu.memory_space<vmem>>
    %dma_start3A_41 = arith.constant 0 : i32
    %dma_start3A_42 = arith.constant 0 : i32
    %dma_start3A_43 = tpu.memref_slice %arg4[%dma_start3A_41, %dma_start3A_42] : memref<10000x64xf32, #tpu.memory_space<hbm>> -> memref<10000x64xf32, #tpu.memory_space<hbm>>
    tpu.enqueue_indirect_dma source(%dma_start3A_43 : memref<10000x64xf32, #tpu.memory_space<hbm>>) target(%arg8 : memref<125x64xf32, #tpu.memory_space<vmem>>) offsets(%dma_start3A_40 : memref<125xi32, #tpu.memory_space<vmem>>) semaphore(%arg17 : memref<!tpu.dma_semaphore, #tpu.memory_space<semaphore_mem>>)
    %dma_start3A_44 = arith.constant 1 : i32
    %dma_start3A_45 = arith.constant 0 : i32
    %dma_start3A_46 = tpu.memref_slice %arg6[%dma_start3A_44, %dma_start3A_45] : memref<80x125xi32, #tpu.memory_space<vmem>> -> memref<1x125xi32, #tpu.memory_space<vmem>>
    %dma_start3A_47 = tpu.memref_squeeze %dma_start3A_46 : memref<1x125xi32, #tpu.memory_space<vmem>> -> memref<125xi32, #tpu.memory_space<vmem>>
    %dma_start3A_48 = arith.constant 0 : i32
    %dma_start3A_49 = arith.constant 0 : i32
    %dma_start3A_50 = tpu.memref_slice %arg4[%dma_start3A_48, %dma_start3A_49] : memref<10000x64xf32, #tpu.memory_space<hbm>> -> memref<10000x64xf32, #tpu.memory_space<hbm>>
    tpu.enqueue_indirect_dma source(%dma_start3A_50 : memref<10000x64xf32, #tpu.memory_space<hbm>>) target(%arg9 : memref<125x64xf32, #tpu.memory_space<vmem>>) offsets(%dma_start3A_47 : memref<125xi32, #tpu.memory_space<vmem>>) semaphore(%arg18 : memref<!tpu.dma_semaphore, #tpu.memory_space<semaphore_mem>>)
    %dma_start3A_51 = arith.constant 2 : i32
    %dma_start3A_52 = arith.constant 0 : i32
    %dma_start3A_53 = tpu.memref_slice %arg6[%dma_start3A_51, %dma_start3A_52] : memref<80x125xi32, #tpu.memory_space<vmem>> -> memref<1x125xi32, #tpu.memory_space<vmem>>
    %dma_start3A_54 = tpu.memref_squeeze %dma_start3A_53 : memref<1x125xi32, #tpu.memory_space<vmem>> -> memref<125xi32, #tpu.memory_space<vmem>>
    %dma_start3A_55 = arith.constant 0 : i32
    %dma_start3A_56 = arith.constant 0 : i32
    %dma_start3A_57 = tpu.memref_slice %arg4[%dma_start3A_55, %dma_start3A_56] : memref<10000x64xf32, #tpu.memory_space<hbm>> -> memref<10000x64xf32, #tpu.memory_space<hbm>>
    tpu.enqueue_indirect_dma source(%dma_start3A_57 : memref<10000x64xf32, #tpu.memory_space<hbm>>) target(%arg10 : memref<125x64xf32, #tpu.memory_space<vmem>>) offsets(%dma_start3A_54 : memref<125xi32, #tpu.memory_space<vmem>>) semaphore(%arg19 : memref<!tpu.dma_semaphore, #tpu.memory_space<semaphore_mem>>)
    %dma_start3A_58 = arith.constant 3 : i32
    %dma_start3A_59 = arith.constant 0 : i32
    %dma_start3A_60 = tpu.memref_slice %arg6[%dma_start3A_58, %dma_start3A_59] : memref<80x125xi32, #tpu.memory_space<vmem>> -> memref<1x125xi32, #tpu.memory_space<vmem>>
    %dma_start3A_61 = tpu.memref_squeeze %dma_start3A_60 : memref<1x125xi32, #tpu.memory_space<vmem>> -> memref<125xi32, #tpu.memory_space<vmem>>
    %dma_start3A_62 = arith.constant 0 : i32
    %dma_start3A_63 = arith.constant 0 : i32
    %dma_start3A_64 = tpu.memref_slice %arg4[%dma_start3A_62, %dma_start3A_63] : memref<10000x64xf32, #tpu.memory_space<hbm>> -> memref<10000x64xf32, #tpu.memory_space<hbm>>
    tpu.enqueue_indirect_dma source(%dma_start3A_64 : memref<10000x64xf32, #tpu.memory_space<hbm>>) target(%arg11 : memref<125x64xf32, #tpu.memory_space<vmem>>) offsets(%dma_start3A_61 : memref<125xi32, #tpu.memory_space<vmem>>) semaphore(%arg20 : memref<!tpu.dma_semaphore, #tpu.memory_space<semaphore_mem>>)
    %dma_start3A_65 = arith.constant 4 : i32
    %dma_start3A_66 = arith.constant 0 : i32
    %dma_start3A_67 = tpu.memref_slice %arg6[%dma_start3A_65, %dma_start3A_66] : memref<80x125xi32, #tpu.memory_space<vmem>> -> memref<1x125xi32, #tpu.memory_space<vmem>>
    %dma_start3A_68 = tpu.memref_squeeze %dma_start3A_67 : memref<1x125xi32, #tpu.memory_space<vmem>> -> memref<125xi32, #tpu.memory_space<vmem>>
    %dma_start3A_69 = arith.constant 0 : i32
    %dma_start3A_70 = arith.constant 0 : i32
    %dma_start3A_71 = tpu.memref_slice %arg4[%dma_start3A_69, %dma_start3A_70] : memref<10000x64xf32, #tpu.memory_space<hbm>> -> memref<10000x64xf32, #tpu.memory_space<hbm>>
    tpu.enqueue_indirect_dma source(%dma_start3A_71 : memref<10000x64xf32, #tpu.memory_space<hbm>>) target(%arg12 : memref<125x64xf32, #tpu.memory_space<vmem>>) offsets(%dma_start3A_68 : memref<125xi32, #tpu.memory_space<vmem>>) semaphore(%arg21 : memref<!tpu.dma_semaphore, #tpu.memory_space<semaphore_mem>>)
    %dma_start3A_72 = arith.constant 5 : i32
    %dma_start3A_73 = arith.constant 0 : i32
    %dma_start3A_74 = tpu.memref_slice %arg6[%dma_start3A_72, %dma_start3A_73] : memref<80x125xi32, #tpu.memory_space<vmem>> -> memref<1x125xi32, #tpu.memory_space<vmem>>
    %dma_start3A_75 = tpu.memref_squeeze %dma_start3A_74 : memref<1x125xi32, #tpu.memory_space<vmem>> -> memref<125xi32, #tpu.memory_space<vmem>>
    %dma_start3A_76 = arith.constant 0 : i32
    %dma_start3A_77 = arith.constant 0 : i32
    %dma_start3A_78 = tpu.memref_slice %arg4[%dma_start3A_76, %dma_start3A_77] : memref<10000x64xf32, #tpu.memory_space<hbm>> -> memref<10000x64xf32, #tpu.memory_space<hbm>>
    tpu.enqueue_indirect_dma source(%dma_start3A_78 : memref<10000x64xf32, #tpu.memory_space<hbm>>) target(%arg13 : memref<125x64xf32, #tpu.memory_space<vmem>>) offsets(%dma_start3A_75 : memref<125xi32, #tpu.memory_space<vmem>>) semaphore(%arg22 : memref<!tpu.dma_semaphore, #tpu.memory_space<semaphore_mem>>)
    %dma_start3A_79 = arith.constant 6 : i32
    %dma_start3A_80 = arith.constant 0 : i32
    %dma_start3A_81 = tpu.memref_slice %arg6[%dma_start3A_79, %dma_start3A_80] : memref<80x125xi32, #tpu.memory_space<vmem>> -> memref<1x125xi32, #tpu.memory_space<vmem>>
    %dma_start3A_82 = tpu.memref_squeeze %dma_start3A_81 : memref<1x125xi32, #tpu.memory_space<vmem>> -> memref<125xi32, #tpu.memory_space<vmem>>
    %dma_start3A_83 = arith.constant 0 : i32
    %dma_start3A_84 = arith.constant 0 : i32
    %dma_start3A_85 = tpu.memref_slice %arg4[%dma_start3A_83, %dma_start3A_84] : memref<10000x64xf32, #tpu.memory_space<hbm>> -> memref<10000x64xf32, #tpu.memory_space<hbm>>
    tpu.enqueue_indirect_dma source(%dma_start3A_85 : memref<10000x64xf32, #tpu.memory_space<hbm>>) target(%arg14 : memref<125x64xf32, #tpu.memory_space<vmem>>) offsets(%dma_start3A_82 : memref<125xi32, #tpu.memory_space<vmem>>) semaphore(%arg23 : memref<!tpu.dma_semaphore, #tpu.memory_space<semaphore_mem>>)
    %mul3A_86 = arith.constant 625 : i32
    %mul3A_87 = arith.muli %arg1, %mul3A_86 : i32
    %add3A_88 = arith.constant 0 : i32
    %add3A_89 = arith.addi %mul3A_87, %add3A_88 : i32
    "tpu.region"() ({
      %run_scoped3A = tpu.sem_alloc : memref<!tpu.dma_semaphore, #tpu.memory_space<semaphore_mem>>
      %dma_start3A_179 = arith.constant 0 : i32
      %dma_start3A_180 = tpu.memref_slice %arg16[%add3A_89, %dma_start3A_179] : memref<10016x64xf32, #tpu.memory_space<vmem_shared>> -> memref<125x64xf32, #tpu.memory_space<vmem_shared>>
      %dma_start3A_181 = arith.constant 0 : i32
      %dma_start3A_182 = tpu.memref_slice %arg16[%add3A_89, %dma_start3A_181] : memref<10016x64xf32, #tpu.memory_space<vmem_shared>> -> memref<125x64xf32, #tpu.memory_space<vmem_shared>>
      tpu.enqueue_dma source(%arg15 : memref<125x64xf32, #tpu.memory_space<vmem>>) target(%dma_start3A_182 : memref<125x64xf32, #tpu.memory_space<vmem_shared>>) target_semaphore(%run_scoped3A : memref<!tpu.dma_semaphore, #tpu.memory_space<semaphore_mem>>)
      %dma_wait3A_183 = arith.constant 0 : i32
      %dma_wait3A_184 = tpu.memref_slice %arg16[%add3A_89, %dma_wait3A_183] : memref<10016x64xf32, #tpu.memory_space<vmem_shared>> -> memref<125x64xf32, #tpu.memory_space<vmem_shared>>
      %dma_wait3A_185 = arith.constant 0 : i32
      %dma_wait3A_186 = tpu.memref_slice %arg16[%add3A_89, %dma_wait3A_185] : memref<10016x64xf32, #tpu.memory_space<vmem_shared>> -> memref<125x64xf32, #tpu.memory_space<vmem_shared>>
      tpu.wait_dma2 semaphore(%run_scoped3A : memref<!tpu.dma_semaphore, #tpu.memory_space<semaphore_mem>>) src(%arg15 : memref<125x64xf32, #tpu.memory_space<vmem>>) dst(%dma_wait3A_186 : memref<125x64xf32, #tpu.memory_space<vmem_shared>>)
      tpu.yield
    }) : () -> ()
    %mul3A_90 = arith.constant 625 : i32
    %mul3A_91 = arith.muli %arg1, %mul3A_90 : i32
    %add3A_92 = arith.constant 125 : i32
    %add3A_93 = arith.addi %mul3A_91, %add3A_92 : i32
    "tpu.region"() ({
      %run_scoped3A = tpu.sem_alloc : memref<!tpu.dma_semaphore, #tpu.memory_space<semaphore_mem>>
      %dma_start3A_179 = arith.constant 0 : i32
      %dma_start3A_180 = tpu.memref_slice %arg16[%add3A_93, %dma_start3A_179] : memref<10016x64xf32, #tpu.memory_space<vmem_shared>> -> memref<125x64xf32, #tpu.memory_space<vmem_shared>>
      %dma_start3A_181 = arith.constant 0 : i32
      %dma_start3A_182 = tpu.memref_slice %arg16[%add3A_93, %dma_start3A_181] : memref<10016x64xf32, #tpu.memory_space<vmem_shared>> -> memref<125x64xf32, #tpu.memory_space<vmem_shared>>
      tpu.enqueue_dma source(%arg15 : memref<125x64xf32, #tpu.memory_space<vmem>>) target(%dma_start3A_182 : memref<125x64xf32, #tpu.memory_space<vmem_shared>>) target_semaphore(%run_scoped3A : memref<!tpu.dma_semaphore, #tpu.memory_space<semaphore_mem>>)
      %dma_wait3A_183 = arith.constant 0 : i32
      %dma_wait3A_184 = tpu.memref_slice %arg16[%add3A_93, %dma_wait3A_183] : memref<10016x64xf32, #tpu.memory_space<vmem_shared>> -> memref<125x64xf32, #tpu.memory_space<vmem_shared>>
      %dma_wait3A_185 = arith.constant 0 : i32
      %dma_wait3A_186 = tpu.memref_slice %arg16[%add3A_93, %dma_wait3A_185] : memref<10016x64xf32, #tpu.memory_space<vmem_shared>> -> memref<125x64xf32, #tpu.memory_space<vmem_shared>>
      tpu.wait_dma2 semaphore(%run_scoped3A : memref<!tpu.dma_semaphore, #tpu.memory_space<semaphore_mem>>) src(%arg15 : memref<125x64xf32, #tpu.memory_space<vmem>>) dst(%dma_wait3A_186 : memref<125x64xf32, #tpu.memory_space<vmem_shared>>)
      tpu.yield
    }) : () -> ()
    %mul3A_94 = arith.constant 625 : i32
    %mul3A_95 = arith.muli %arg1, %mul3A_94 : i32
    %add3A_96 = arith.constant 250 : i32
    %add3A_97 = arith.addi %mul3A_95, %add3A_96 : i32
    "tpu.region"() ({
      %run_scoped3A = tpu.sem_alloc : memref<!tpu.dma_semaphore, #tpu.memory_space<semaphore_mem>>
      %dma_start3A_179 = arith.constant 0 : i32
      %dma_start3A_180 = tpu.memref_slice %arg16[%add3A_97, %dma_start3A_179] : memref<10016x64xf32, #tpu.memory_space<vmem_shared>> -> memref<125x64xf32, #tpu.memory_space<vmem_shared>>
      %dma_start3A_181 = arith.constant 0 : i32
      %dma_start3A_182 = tpu.memref_slice %arg16[%add3A_97, %dma_start3A_181] : memref<10016x64xf32, #tpu.memory_space<vmem_shared>> -> memref<125x64xf32, #tpu.memory_space<vmem_shared>>
      tpu.enqueue_dma source(%arg15 : memref<125x64xf32, #tpu.memory_space<vmem>>) target(%dma_start3A_182 : memref<125x64xf32, #tpu.memory_space<vmem_shared>>) target_semaphore(%run_scoped3A : memref<!tpu.dma_semaphore, #tpu.memory_space<semaphore_mem>>)
      %dma_wait3A_183 = arith.constant 0 : i32
      %dma_wait3A_184 = tpu.memref_slice %arg16[%add3A_97, %dma_wait3A_183] : memref<10016x64xf32, #tpu.memory_space<vmem_shared>> -> memref<125x64xf32, #tpu.memory_space<vmem_shared>>
      %dma_wait3A_185 = arith.constant 0 : i32
      %dma_wait3A_186 = tpu.memref_slice %arg16[%add3A_97, %dma_wait3A_185] : memref<10016x64xf32, #tpu.memory_space<vmem_shared>> -> memref<125x64xf32, #tpu.memory_space<vmem_shared>>
      tpu.wait_dma2 semaphore(%run_scoped3A : memref<!tpu.dma_semaphore, #tpu.memory_space<semaphore_mem>>) src(%arg15 : memref<125x64xf32, #tpu.memory_space<vmem>>) dst(%dma_wait3A_186 : memref<125x64xf32, #tpu.memory_space<vmem_shared>>)
      tpu.yield
    }) : () -> ()
    %mul3A_98 = arith.constant 625 : i32
    %mul3A_99 = arith.muli %arg1, %mul3A_98 : i32
    %add3A_100 = arith.constant 375 : i32
    %add3A_101 = arith.addi %mul3A_99, %add3A_100 : i32
    "tpu.region"() ({
      %run_scoped3A = tpu.sem_alloc : memref<!tpu.dma_semaphore, #tpu.memory_space<semaphore_mem>>
      %dma_start3A_179 = arith.constant 0 : i32
      %dma_start3A_180 = tpu.memref_slice %arg16[%add3A_101, %dma_start3A_179] : memref<10016x64xf32, #tpu.memory_space<vmem_shared>> -> memref<125x64xf32, #tpu.memory_space<vmem_shared>>
      %dma_start3A_181 = arith.constant 0 : i32
      %dma_start3A_182 = tpu.memref_slice %arg16[%add3A_101, %dma_start3A_181] : memref<10016x64xf32, #tpu.memory_space<vmem_shared>> -> memref<125x64xf32, #tpu.memory_space<vmem_shared>>
      tpu.enqueue_dma source(%arg15 : memref<125x64xf32, #tpu.memory_space<vmem>>) target(%dma_start3A_182 : memref<125x64xf32, #tpu.memory_space<vmem_shared>>) target_semaphore(%run_scoped3A : memref<!tpu.dma_semaphore, #tpu.memory_space<semaphore_mem>>)
      %dma_wait3A_183 = arith.constant 0 : i32
      %dma_wait3A_184 = tpu.memref_slice %arg16[%add3A_101, %dma_wait3A_183] : memref<10016x64xf32, #tpu.memory_space<vmem_shared>> -> memref<125x64xf32, #tpu.memory_space<vmem_shared>>
      %dma_wait3A_185 = arith.constant 0 : i32
      %dma_wait3A_186 = tpu.memref_slice %arg16[%add3A_101, %dma_wait3A_185] : memref<10016x64xf32, #tpu.memory_space<vmem_shared>> -> memref<125x64xf32, #tpu.memory_space<vmem_shared>>
      tpu.wait_dma2 semaphore(%run_scoped3A : memref<!tpu.dma_semaphore, #tpu.memory_space<semaphore_mem>>) src(%arg15 : memref<125x64xf32, #tpu.memory_space<vmem>>) dst(%dma_wait3A_186 : memref<125x64xf32, #tpu.memory_space<vmem_shared>>)
      tpu.yield
    }) : () -> ()
    %mul3A_102 = arith.constant 625 : i32
    %mul3A_103 = arith.muli %arg1, %mul3A_102 : i32
    %add3A_104 = arith.constant 500 : i32
    %add3A_105 = arith.addi %mul3A_103, %add3A_104 : i32
    "tpu.region"() ({
      %run_scoped3A = tpu.sem_alloc : memref<!tpu.dma_semaphore, #tpu.memory_space<semaphore_mem>>
      %dma_start3A_179 = arith.constant 0 : i32
      %dma_start3A_180 = tpu.memref_slice %arg16[%add3A_105, %dma_start3A_179] : memref<10016x64xf32, #tpu.memory_space<vmem_shared>> -> memref<125x64xf32, #tpu.memory_space<vmem_shared>>
      %dma_start3A_181 = arith.constant 0 : i32
      %dma_start3A_182 = tpu.memref_slice %arg16[%add3A_105, %dma_start3A_181] : memref<10016x64xf32, #tpu.memory_space<vmem_shared>> -> memref<125x64xf32, #tpu.memory_space<vmem_shared>>
      tpu.enqueue_dma source(%arg15 : memref<125x64xf32, #tpu.memory_space<vmem>>) target(%dma_start3A_182 : memref<125x64xf32, #tpu.memory_space<vmem_shared>>) target_semaphore(%run_scoped3A : memref<!tpu.dma_semaphore, #tpu.memory_space<semaphore_mem>>)
      %dma_wait3A_183 = arith.constant 0 : i32
      %dma_wait3A_184 = tpu.memref_slice %arg16[%add3A_105, %dma_wait3A_183] : memref<10016x64xf32, #tpu.memory_space<vmem_shared>> -> memref<125x64xf32, #tpu.memory_space<vmem_shared>>
      %dma_wait3A_185 = arith.constant 0 : i32
      %dma_wait3A_186 = tpu.memref_slice %arg16[%add3A_105, %dma_wait3A_185] : memref<10016x64xf32, #tpu.memory_space<vmem_shared>> -> memref<125x64xf32, #tpu.memory_space<vmem_shared>>
      tpu.wait_dma2 semaphore(%run_scoped3A : memref<!tpu.dma_semaphore, #tpu.memory_space<semaphore_mem>>) src(%arg15 : memref<125x64xf32, #tpu.memory_space<vmem>>) dst(%dma_wait3A_186 : memref<125x64xf32, #tpu.memory_space<vmem_shared>>)
      tpu.yield
    }) : () -> ()
    %dma_start3A_106 = arith.constant 7 : i32
    %dma_start3A_107 = arith.constant 0 : i32
    %dma_start3A_108 = tpu.memref_slice %arg6[%dma_start3A_106, %dma_start3A_107] : memref<80x125xi32, #tpu.memory_space<vmem>> -> memref<1x125xi32, #tpu.memory_space<vmem>>
    %dma_start3A_109 = tpu.memref_squeeze %dma_start3A_108 : memref<1x125xi32, #tpu.memory_space<vmem>> -> memref<125xi32, #tpu.memory_space<vmem>>
    %dma_start3A_110 = arith.constant 0 : i32
    %dma_start3A_111 = arith.constant 0 : i32
    %dma_start3A_112 = tpu.memref_slice %arg4[%dma_start3A_110, %dma_start3A_111] : memref<10000x64xf32, #tpu.memory_space<hbm>> -> memref<10000x64xf32, #tpu.memory_space<hbm>>
    tpu.enqueue_indirect_dma source(%dma_start3A_112 : memref<10000x64xf32, #tpu.memory_space<hbm>>) target(%arg15 : memref<125x64xf32, #tpu.memory_space<vmem>>) offsets(%dma_start3A_109 : memref<125xi32, #tpu.memory_space<vmem>>) semaphore(%arg24 : memref<!tpu.dma_semaphore, #tpu.memory_space<semaphore_mem>>)
    %barrier3A = arith.constant 0 : index
    tpu.barrier barrier_id(%barrier3A)
    %scan3A_113 = arith.constant 0 : i32
    %scan3A_114 = arith.constant 0 : i32
    %scan3A_115 = arith.constant 10 : i32
    %scan3A_116 = arith.addi %scan3A_114, %scan3A_115 : i32
    %scan3A_117 = arith.constant 1 : i32
    %scan3A_118 = scf.for %scan3A_179 = %scan3A_114 to %scan3A_116 step %scan3A_117 iter_args(%scan3A_180 = %scan3A_113) -> (i32)  : i32 {
      %mul3A_181 = arith.constant 8 : i32
      %mul3A_182 = arith.muli %scan3A_179, %mul3A_181 : i32
      %add3A_183 = arith.constant 0 : i32
      %add3A_184 = arith.addi %mul3A_182, %add3A_183 : i32
      %dma_wait3A_185 = arith.constant 0 : i32
      %dma_wait3A_186 = tpu.memref_slice %arg6[%add3A_184, %dma_wait3A_185] : memref<80x125xi32, #tpu.memory_space<vmem>> -> memref<1x125xi32, #tpu.memory_space<vmem>>
      %dma_wait3A_187 = tpu.memref_squeeze %dma_wait3A_186 : memref<1x125xi32, #tpu.memory_space<vmem>> -> memref<125xi32, #tpu.memory_space<vmem>>
      %dma_wait3A_188 = arith.constant 0 : i32
      %dma_wait3A_189 = arith.constant 0 : i32
      %dma_wait3A_190 = tpu.memref_slice %arg4[%dma_wait3A_188, %dma_wait3A_189] : memref<10000x64xf32, #tpu.memory_space<hbm>> -> memref<10000x64xf32, #tpu.memory_space<hbm>>
      tpu.wait_indirect_dma semaphore(%arg17 : memref<!tpu.dma_semaphore, #tpu.memory_space<semaphore_mem>>) src(%dma_wait3A_190 : memref<10000x64xf32, #tpu.memory_space<hbm>>) dst(%arg8 : memref<125x64xf32, #tpu.memory_space<vmem>>)
      %dma_start3A_191 = arith.constant 0 : i32
      %dma_start3A_192 = tpu.memref_slice %arg7[%add3A_184, %dma_start3A_191] : memref<80x125xi32, #tpu.memory_space<vmem>> -> memref<1x125xi32, #tpu.memory_space<vmem>>
      %dma_start3A_193 = tpu.memref_squeeze %dma_start3A_192 : memref<1x125xi32, #tpu.memory_space<vmem>> -> memref<125xi32, #tpu.memory_space<vmem>>
      %dma_start3A_194 = arith.constant 0 : i32
      %dma_start3A_195 = arith.constant 0 : i32
      %dma_start3A_196 = tpu.memref_slice %arg16[%dma_start3A_194, %dma_start3A_195] : memref<10016x64xf32, #tpu.memory_space<vmem_shared>> -> memref<10016x64xf32, #tpu.memory_space<vmem_shared>>
      tpu.enqueue_indirect_dma source(%arg8 : memref<125x64xf32, #tpu.memory_space<vmem>>) target(%dma_start3A_196 : memref<10016x64xf32, #tpu.memory_space<vmem_shared>>) offsets(%dma_start3A_193 : memref<125xi32, #tpu.memory_space<vmem>>) semaphore(%arg25 : memref<!tpu.dma_semaphore, #tpu.memory_space<semaphore_mem>>) {add = true}
      %add3A_197 = arith.constant 1 : i32
      %add3A_198 = arith.addi %mul3A_182, %add3A_197 : i32
      %dma_wait3A_199 = arith.constant 0 : i32
      %dma_wait3A_200 = tpu.memref_slice %arg6[%add3A_198, %dma_wait3A_199] : memref<80x125xi32, #tpu.memory_space<vmem>> -> memref<1x125xi32, #tpu.memory_space<vmem>>
      %dma_wait3A_201 = tpu.memref_squeeze %dma_wait3A_200 : memref<1x125xi32, #tpu.memory_space<vmem>> -> memref<125xi32, #tpu.memory_space<vmem>>
      %dma_wait3A_202 = arith.constant 0 : i32
      %dma_wait3A_203 = arith.constant 0 : i32
      %dma_wait3A_204 = tpu.memref_slice %arg4[%dma_wait3A_202, %dma_wait3A_203] : memref<10000x64xf32, #tpu.memory_space<hbm>> -> memref<10000x64xf32, #tpu.memory_space<hbm>>
      tpu.wait_indirect_dma semaphore(%arg18 : memref<!tpu.dma_semaphore, #tpu.memory_space<semaphore_mem>>) src(%dma_wait3A_204 : memref<10000x64xf32, #tpu.memory_space<hbm>>) dst(%arg9 : memref<125x64xf32, #tpu.memory_space<vmem>>)
      %dma_start3A_205 = arith.constant 0 : i32
      %dma_start3A_206 = tpu.memref_slice %arg7[%add3A_198, %dma_start3A_205] : memref<80x125xi32, #tpu.memory_space<vmem>> -> memref<1x125xi32, #tpu.memory_space<vmem>>
      %dma_start3A_207 = tpu.memref_squeeze %dma_start3A_206 : memref<1x125xi32, #tpu.memory_space<vmem>> -> memref<125xi32, #tpu.memory_space<vmem>>
      %dma_start3A_208 = arith.constant 0 : i32
      %dma_start3A_209 = arith.constant 0 : i32
      %dma_start3A_210 = tpu.memref_slice %arg16[%dma_start3A_208, %dma_start3A_209] : memref<10016x64xf32, #tpu.memory_space<vmem_shared>> -> memref<10016x64xf32, #tpu.memory_space<vmem_shared>>
      tpu.enqueue_indirect_dma source(%arg9 : memref<125x64xf32, #tpu.memory_space<vmem>>) target(%dma_start3A_210 : memref<10016x64xf32, #tpu.memory_space<vmem_shared>>) offsets(%dma_start3A_207 : memref<125xi32, #tpu.memory_space<vmem>>) semaphore(%arg26 : memref<!tpu.dma_semaphore, #tpu.memory_space<semaphore_mem>>) {add = true}
      %add3A_211 = arith.constant 2 : i32
      %add3A_212 = arith.addi %mul3A_182, %add3A_211 : i32
      %dma_wait3A_213 = arith.constant 0 : i32
      %dma_wait3A_214 = tpu.memref_slice %arg6[%add3A_212, %dma_wait3A_213] : memref<80x125xi32, #tpu.memory_space<vmem>> -> memref<1x125xi32, #tpu.memory_space<vmem>>
      %dma_wait3A_215 = tpu.memref_squeeze %dma_wait3A_214 : memref<1x125xi32, #tpu.memory_space<vmem>> -> memref<125xi32, #tpu.memory_space<vmem>>
      %dma_wait3A_216 = arith.constant 0 : i32
      %dma_wait3A_217 = arith.constant 0 : i32
      %dma_wait3A_218 = tpu.memref_slice %arg4[%dma_wait3A_216, %dma_wait3A_217] : memref<10000x64xf32, #tpu.memory_space<hbm>> -> memref<10000x64xf32, #tpu.memory_space<hbm>>
      tpu.wait_indirect_dma semaphore(%arg19 : memref<!tpu.dma_semaphore, #tpu.memory_space<semaphore_mem>>) src(%dma_wait3A_218 : memref<10000x64xf32, #tpu.memory_space<hbm>>) dst(%arg10 : memref<125x64xf32, #tpu.memory_space<vmem>>)
      %dma_start3A_219 = arith.constant 0 : i32
      %dma_start3A_220 = tpu.memref_slice %arg7[%add3A_212, %dma_start3A_219] : memref<80x125xi32, #tpu.memory_space<vmem>> -> memref<1x125xi32, #tpu.memory_space<vmem>>
      %dma_start3A_221 = tpu.memref_squeeze %dma_start3A_220 : memref<1x125xi32, #tpu.memory_space<vmem>> -> memref<125xi32, #tpu.memory_space<vmem>>
      %dma_start3A_222 = arith.constant 0 : i32
      %dma_start3A_223 = arith.constant 0 : i32
      %dma_start3A_224 = tpu.memref_slice %arg16[%dma_start3A_222, %dma_start3A_223] : memref<10016x64xf32, #tpu.memory_space<vmem_shared>> -> memref<10016x64xf32, #tpu.memory_space<vmem_shared>>
      tpu.enqueue_indirect_dma source(%arg10 : memref<125x64xf32, #tpu.memory_space<vmem>>) target(%dma_start3A_224 : memref<10016x64xf32, #tpu.memory_space<vmem_shared>>) offsets(%dma_start3A_221 : memref<125xi32, #tpu.memory_space<vmem>>) semaphore(%arg27 : memref<!tpu.dma_semaphore, #tpu.memory_space<semaphore_mem>>) {add = true}
      %add3A_225 = arith.constant 3 : i32
      %add3A_226 = arith.addi %mul3A_182, %add3A_225 : i32
      %dma_wait3A_227 = arith.constant 0 : i32
      %dma_wait3A_228 = tpu.memref_slice %arg6[%add3A_226, %dma_wait3A_227] : memref<80x125xi32, #tpu.memory_space<vmem>> -> memref<1x125xi32, #tpu.memory_space<vmem>>
      %dma_wait3A_229 = tpu.memref_squeeze %dma_wait3A_228 : memref<1x125xi32, #tpu.memory_space<vmem>> -> memref<125xi32, #tpu.memory_space<vmem>>
      %dma_wait3A_230 = arith.constant 0 : i32
      %dma_wait3A_231 = arith.constant 0 : i32
      %dma_wait3A_232 = tpu.memref_slice %arg4[%dma_wait3A_230, %dma_wait3A_231] : memref<10000x64xf32, #tpu.memory_space<hbm>> -> memref<10000x64xf32, #tpu.memory_space<hbm>>
      tpu.wait_indirect_dma semaphore(%arg20 : memref<!tpu.dma_semaphore, #tpu.memory_space<semaphore_mem>>) src(%dma_wait3A_232 : memref<10000x64xf32, #tpu.memory_space<hbm>>) dst(%arg11 : memref<125x64xf32, #tpu.memory_space<vmem>>)
      %dma_start3A_233 = arith.constant 0 : i32
      %dma_start3A_234 = tpu.memref_slice %arg7[%add3A_226, %dma_start3A_233] : memref<80x125xi32, #tpu.memory_space<vmem>> -> memref<1x125xi32, #tpu.memory_space<vmem>>
      %dma_start3A_235 = tpu.memref_squeeze %dma_start3A_234 : memref<1x125xi32, #tpu.memory_space<vmem>> -> memref<125xi32, #tpu.memory_space<vmem>>
      %dma_start3A_236 = arith.constant 0 : i32
      %dma_start3A_237 = arith.constant 0 : i32
      %dma_start3A_238 = tpu.memref_slice %arg16[%dma_start3A_236, %dma_start3A_237] : memref<10016x64xf32, #tpu.memory_space<vmem_shared>> -> memref<10016x64xf32, #tpu.memory_space<vmem_shared>>
      tpu.enqueue_indirect_dma source(%arg11 : memref<125x64xf32, #tpu.memory_space<vmem>>) target(%dma_start3A_238 : memref<10016x64xf32, #tpu.memory_space<vmem_shared>>) offsets(%dma_start3A_235 : memref<125xi32, #tpu.memory_space<vmem>>) semaphore(%arg28 : memref<!tpu.dma_semaphore, #tpu.memory_space<semaphore_mem>>) {add = true}
      %add3A_239 = arith.constant 4 : i32
      %add3A_240 = arith.addi %mul3A_182, %add3A_239 : i32
      %dma_wait3A_241 = arith.constant 0 : i32
      %dma_wait3A_242 = tpu.memref_slice %arg6[%add3A_240, %dma_wait3A_241] : memref<80x125xi32, #tpu.memory_space<vmem>> -> memref<1x125xi32, #tpu.memory_space<vmem>>
      %dma_wait3A_243 = tpu.memref_squeeze %dma_wait3A_242 : memref<1x125xi32, #tpu.memory_space<vmem>> -> memref<125xi32, #tpu.memory_space<vmem>>
      %dma_wait3A_244 = arith.constant 0 : i32
      %dma_wait3A_245 = arith.constant 0 : i32
      %dma_wait3A_246 = tpu.memref_slice %arg4[%dma_wait3A_244, %dma_wait3A_245] : memref<10000x64xf32, #tpu.memory_space<hbm>> -> memref<10000x64xf32, #tpu.memory_space<hbm>>
      tpu.wait_indirect_dma semaphore(%arg21 : memref<!tpu.dma_semaphore, #tpu.memory_space<semaphore_mem>>) src(%dma_wait3A_246 : memref<10000x64xf32, #tpu.memory_space<hbm>>) dst(%arg12 : memref<125x64xf32, #tpu.memory_space<vmem>>)
      %dma_start3A_247 = arith.constant 0 : i32
      %dma_start3A_248 = tpu.memref_slice %arg7[%add3A_240, %dma_start3A_247] : memref<80x125xi32, #tpu.memory_space<vmem>> -> memref<1x125xi32, #tpu.memory_space<vmem>>
      %dma_start3A_249 = tpu.memref_squeeze %dma_start3A_248 : memref<1x125xi32, #tpu.memory_space<vmem>> -> memref<125xi32, #tpu.memory_space<vmem>>
      %dma_start3A_250 = arith.constant 0 : i32
      %dma_start3A_251 = arith.constant 0 : i32
      %dma_start3A_252 = tpu.memref_slice %arg16[%dma_start3A_250, %dma_start3A_251] : memref<10016x64xf32, #tpu.memory_space<vmem_shared>> -> memref<10016x64xf32, #tpu.memory_space<vmem_shared>>
      tpu.enqueue_indirect_dma source(%arg12 : memref<125x64xf32, #tpu.memory_space<vmem>>) target(%dma_start3A_252 : memref<10016x64xf32, #tpu.memory_space<vmem_shared>>) offsets(%dma_start3A_249 : memref<125xi32, #tpu.memory_space<vmem>>) semaphore(%arg29 : memref<!tpu.dma_semaphore, #tpu.memory_space<semaphore_mem>>) {add = true}
      %add3A_253 = arith.constant 5 : i32
      %add3A_254 = arith.addi %mul3A_182, %add3A_253 : i32
      %dma_wait3A_255 = arith.constant 0 : i32
      %dma_wait3A_256 = tpu.memref_slice %arg6[%add3A_254, %dma_wait3A_255] : memref<80x125xi32, #tpu.memory_space<vmem>> -> memref<1x125xi32, #tpu.memory_space<vmem>>
      %dma_wait3A_257 = tpu.memref_squeeze %dma_wait3A_256 : memref<1x125xi32, #tpu.memory_space<vmem>> -> memref<125xi32, #tpu.memory_space<vmem>>
      %dma_wait3A_258 = arith.constant 0 : i32
      %dma_wait3A_259 = arith.constant 0 : i32
      %dma_wait3A_260 = tpu.memref_slice %arg4[%dma_wait3A_258, %dma_wait3A_259] : memref<10000x64xf32, #tpu.memory_space<hbm>> -> memref<10000x64xf32, #tpu.memory_space<hbm>>
      tpu.wait_indirect_dma semaphore(%arg22 : memref<!tpu.dma_semaphore, #tpu.memory_space<semaphore_mem>>) src(%dma_wait3A_260 : memref<10000x64xf32, #tpu.memory_space<hbm>>) dst(%arg13 : memref<125x64xf32, #tpu.memory_space<vmem>>)
      %dma_start3A_261 = arith.constant 0 : i32
      %dma_start3A_262 = tpu.memref_slice %arg7[%add3A_254, %dma_start3A_261] : memref<80x125xi32, #tpu.memory_space<vmem>> -> memref<1x125xi32, #tpu.memory_space<vmem>>
      %dma_start3A_263 = tpu.memref_squeeze %dma_start3A_262 : memref<1x125xi32, #tpu.memory_space<vmem>> -> memref<125xi32, #tpu.memory_space<vmem>>
      %dma_start3A_264 = arith.constant 0 : i32
      %dma_start3A_265 = arith.constant 0 : i32
      %dma_start3A_266 = tpu.memref_slice %arg16[%dma_start3A_264, %dma_start3A_265] : memref<10016x64xf32, #tpu.memory_space<vmem_shared>> -> memref<10016x64xf32, #tpu.memory_space<vmem_shared>>
      tpu.enqueue_indirect_dma source(%arg13 : memref<125x64xf32, #tpu.memory_space<vmem>>) target(%dma_start3A_266 : memref<10016x64xf32, #tpu.memory_space<vmem_shared>>) offsets(%dma_start3A_263 : memref<125xi32, #tpu.memory_space<vmem>>) semaphore(%arg30 : memref<!tpu.dma_semaphore, #tpu.memory_space<semaphore_mem>>) {add = true}
      %add3A_267 = arith.constant 6 : i32
      %add3A_268 = arith.addi %mul3A_182, %add3A_267 : i32
      %dma_wait3A_269 = arith.constant 0 : i32
      %dma_wait3A_270 = tpu.memref_slice %arg6[%add3A_268, %dma_wait3A_269] : memref<80x125xi32, #tpu.memory_space<vmem>> -> memref<1x125xi32, #tpu.memory_space<vmem>>
      %dma_wait3A_271 = tpu.memref_squeeze %dma_wait3A_270 : memref<1x125xi32, #tpu.memory_space<vmem>> -> memref<125xi32, #tpu.memory_space<vmem>>
      %dma_wait3A_272 = arith.constant 0 : i32
      %dma_wait3A_273 = arith.constant 0 : i32
      %dma_wait3A_274 = tpu.memref_slice %arg4[%dma_wait3A_272, %dma_wait3A_273] : memref<10000x64xf32, #tpu.memory_space<hbm>> -> memref<10000x64xf32, #tpu.memory_space<hbm>>
      tpu.wait_indirect_dma semaphore(%arg23 : memref<!tpu.dma_semaphore, #tpu.memory_space<semaphore_mem>>) src(%dma_wait3A_274 : memref<10000x64xf32, #tpu.memory_space<hbm>>) dst(%arg14 : memref<125x64xf32, #tpu.memory_space<vmem>>)
      %dma_start3A_275 = arith.constant 0 : i32
      %dma_start3A_276 = tpu.memref_slice %arg7[%add3A_268, %dma_start3A_275] : memref<80x125xi32, #tpu.memory_space<vmem>> -> memref<1x125xi32, #tpu.memory_space<vmem>>
      %dma_start3A_277 = tpu.memref_squeeze %dma_start3A_276 : memref<1x125xi32, #tpu.memory_space<vmem>> -> memref<125xi32, #tpu.memory_space<vmem>>
      %dma_start3A_278 = arith.constant 0 : i32
      %dma_start3A_279 = arith.constant 0 : i32
      %dma_start3A_280 = tpu.memref_slice %arg16[%dma_start3A_278, %dma_start3A_279] : memref<10016x64xf32, #tpu.memory_space<vmem_shared>> -> memref<10016x64xf32, #tpu.memory_space<vmem_shared>>
      tpu.enqueue_indirect_dma source(%arg14 : memref<125x64xf32, #tpu.memory_space<vmem>>) target(%dma_start3A_280 : memref<10016x64xf32, #tpu.memory_space<vmem_shared>>) offsets(%dma_start3A_277 : memref<125xi32, #tpu.memory_space<vmem>>) semaphore(%arg31 : memref<!tpu.dma_semaphore, #tpu.memory_space<semaphore_mem>>) {add = true}
      %add3A_281 = arith.constant 7 : i32
      %add3A_282 = arith.addi %mul3A_182, %add3A_281 : i32
      %dma_wait3A_283 = arith.constant 0 : i32
      %dma_wait3A_284 = tpu.memref_slice %arg6[%add3A_282, %dma_wait3A_283] : memref<80x125xi32, #tpu.memory_space<vmem>> -> memref<1x125xi32, #tpu.memory_space<vmem>>
      %dma_wait3A_285 = tpu.memref_squeeze %dma_wait3A_284 : memref<1x125xi32, #tpu.memory_space<vmem>> -> memref<125xi32, #tpu.memory_space<vmem>>
      %dma_wait3A_286 = arith.constant 0 : i32
      %dma_wait3A_287 = arith.constant 0 : i32
      %dma_wait3A_288 = tpu.memref_slice %arg4[%dma_wait3A_286, %dma_wait3A_287] : memref<10000x64xf32, #tpu.memory_space<hbm>> -> memref<10000x64xf32, #tpu.memory_space<hbm>>
      tpu.wait_indirect_dma semaphore(%arg24 : memref<!tpu.dma_semaphore, #tpu.memory_space<semaphore_mem>>) src(%dma_wait3A_288 : memref<10000x64xf32, #tpu.memory_space<hbm>>) dst(%arg15 : memref<125x64xf32, #tpu.memory_space<vmem>>)
      %dma_start3A_289 = arith.constant 0 : i32
      %dma_start3A_290 = tpu.memref_slice %arg7[%add3A_282, %dma_start3A_289] : memref<80x125xi32, #tpu.memory_space<vmem>> -> memref<1x125xi32, #tpu.memory_space<vmem>>
      %dma_start3A_291 = tpu.memref_squeeze %dma_start3A_290 : memref<1x125xi32, #tpu.memory_space<vmem>> -> memref<125xi32, #tpu.memory_space<vmem>>
      %dma_start3A_292 = arith.constant 0 : i32
      %dma_start3A_293 = arith.constant 0 : i32
      %dma_start3A_294 = tpu.memref_slice %arg16[%dma_start3A_292, %dma_start3A_293] : memref<10016x64xf32, #tpu.memory_space<vmem_shared>> -> memref<10016x64xf32, #tpu.memory_space<vmem_shared>>
      tpu.enqueue_indirect_dma source(%arg15 : memref<125x64xf32, #tpu.memory_space<vmem>>) target(%dma_start3A_294 : memref<10016x64xf32, #tpu.memory_space<vmem_shared>>) offsets(%dma_start3A_291 : memref<125xi32, #tpu.memory_space<vmem>>) semaphore(%arg32 : memref<!tpu.dma_semaphore, #tpu.memory_space<semaphore_mem>>) {add = true}
      %add3A_295 = arith.constant 0 : i32
      %add3A_296 = arith.addi %mul3A_182, %add3A_295 : i32
      %lt3A = arith.constant 9 : i32
      %lt3A_297 = arith.cmpi slt, %scan3A_179, %lt3A : i32
      %convert_element_type3A = arith.extui %lt3A_297 : i1 to i32
      %cond3A = arith.constant 0 : i32
      %cond3A_298 = arith.cmpi ne, %convert_element_type3A, %cond3A : i32
      scf.if %cond3A_298 {
        %dma_wait3A_349 = arith.constant 0 : i32
        %dma_wait3A_350 = tpu.memref_slice %arg7[%add3A_296, %dma_wait3A_349] : memref<80x125xi32, #tpu.memory_space<vmem>> -> memref<1x125xi32, #tpu.memory_space<vmem>>
        %dma_wait3A_351 = tpu.memref_squeeze %dma_wait3A_350 : memref<1x125xi32, #tpu.memory_space<vmem>> -> memref<125xi32, #tpu.memory_space<vmem>>
        %dma_wait3A_352 = arith.constant 0 : i32
        %dma_wait3A_353 = arith.constant 0 : i32
        %dma_wait3A_354 = tpu.memref_slice %arg16[%dma_wait3A_352, %dma_wait3A_353] : memref<10016x64xf32, #tpu.memory_space<vmem_shared>> -> memref<10016x64xf32, #tpu.memory_space<vmem_shared>>
        tpu.wait_indirect_dma semaphore(%arg25 : memref<!tpu.dma_semaphore, #tpu.memory_space<semaphore_mem>>) src(%arg8 : memref<125x64xf32, #tpu.memory_space<vmem>>) dst(%dma_wait3A_354 : memref<10016x64xf32, #tpu.memory_space<vmem_shared>>)
        %add3A_355 = arith.constant 8 : i32
        %add3A_356 = arith.addi %add3A_296, %add3A_355 : i32
        %dma_start3A_357 = arith.constant 0 : i32
        %dma_start3A_358 = tpu.memref_slice %arg6[%add3A_356, %dma_start3A_357] : memref<80x125xi32, #tpu.memory_space<vmem>> -> memref<1x125xi32, #tpu.memory_space<vmem>>
        %dma_start3A_359 = tpu.memref_squeeze %dma_start3A_358 : memref<1x125xi32, #tpu.memory_space<vmem>> -> memref<125xi32, #tpu.memory_space<vmem>>
        %dma_start3A_360 = arith.constant 0 : i32
        %dma_start3A_361 = arith.constant 0 : i32
        %dma_start3A_362 = tpu.memref_slice %arg4[%dma_start3A_360, %dma_start3A_361] : memref<10000x64xf32, #tpu.memory_space<hbm>> -> memref<10000x64xf32, #tpu.memory_space<hbm>>
        tpu.enqueue_indirect_dma source(%dma_start3A_362 : memref<10000x64xf32, #tpu.memory_space<hbm>>) target(%arg8 : memref<125x64xf32, #tpu.memory_space<vmem>>) offsets(%dma_start3A_359 : memref<125xi32, #tpu.memory_space<vmem>>) semaphore(%arg17 : memref<!tpu.dma_semaphore, #tpu.memory_space<semaphore_mem>>)
      } else {
      }
      %add3A_299 = arith.constant 1 : i32
      %add3A_300 = arith.addi %mul3A_182, %add3A_299 : i32
      %lt3A_301 = arith.constant 9 : i32
      %lt3A_302 = arith.cmpi slt, %scan3A_179, %lt3A_301 : i32
      %convert_element_type3A_303 = arith.extui %lt3A_302 : i1 to i32
      %cond3A_304 = arith.constant 0 : i32
      %cond3A_305 = arith.cmpi ne, %convert_element_type3A_303, %cond3A_304 : i32
      scf.if %cond3A_305 {
        %dma_wait3A_349 = arith.constant 0 : i32
        %dma_wait3A_350 = tpu.memref_slice %arg7[%add3A_300, %dma_wait3A_349] : memref<80x125xi32, #tpu.memory_space<vmem>> -> memref<1x125xi32, #tpu.memory_space<vmem>>
        %dma_wait3A_351 = tpu.memref_squeeze %dma_wait3A_350 : memref<1x125xi32, #tpu.memory_space<vmem>> -> memref<125xi32, #tpu.memory_space<vmem>>
        %dma_wait3A_352 = arith.constant 0 : i32
        %dma_wait3A_353 = arith.constant 0 : i32
        %dma_wait3A_354 = tpu.memref_slice %arg16[%dma_wait3A_352, %dma_wait3A_353] : memref<10016x64xf32, #tpu.memory_space<vmem_shared>> -> memref<10016x64xf32, #tpu.memory_space<vmem_shared>>
        tpu.wait_indirect_dma semaphore(%arg26 : memref<!tpu.dma_semaphore, #tpu.memory_space<semaphore_mem>>) src(%arg9 : memref<125x64xf32, #tpu.memory_space<vmem>>) dst(%dma_wait3A_354 : memref<10016x64xf32, #tpu.memory_space<vmem_shared>>)
        %add3A_355 = arith.constant 8 : i32
        %add3A_356 = arith.addi %add3A_300, %add3A_355 : i32
        %dma_start3A_357 = arith.constant 0 : i32
        %dma_start3A_358 = tpu.memref_slice %arg6[%add3A_356, %dma_start3A_357] : memref<80x125xi32, #tpu.memory_space<vmem>> -> memref<1x125xi32, #tpu.memory_space<vmem>>
        %dma_start3A_359 = tpu.memref_squeeze %dma_start3A_358 : memref<1x125xi32, #tpu.memory_space<vmem>> -> memref<125xi32, #tpu.memory_space<vmem>>
        %dma_start3A_360 = arith.constant 0 : i32
        %dma_start3A_361 = arith.constant 0 : i32
        %dma_start3A_362 = tpu.memref_slice %arg4[%dma_start3A_360, %dma_start3A_361] : memref<10000x64xf32, #tpu.memory_space<hbm>> -> memref<10000x64xf32, #tpu.memory_space<hbm>>
        tpu.enqueue_indirect_dma source(%dma_start3A_362 : memref<10000x64xf32, #tpu.memory_space<hbm>>) target(%arg9 : memref<125x64xf32, #tpu.memory_space<vmem>>) offsets(%dma_start3A_359 : memref<125xi32, #tpu.memory_space<vmem>>) semaphore(%arg18 : memref<!tpu.dma_semaphore, #tpu.memory_space<semaphore_mem>>)
      } else {
      }
      %add3A_306 = arith.constant 2 : i32
      %add3A_307 = arith.addi %mul3A_182, %add3A_306 : i32
      %lt3A_308 = arith.constant 9 : i32
      %lt3A_309 = arith.cmpi slt, %scan3A_179, %lt3A_308 : i32
      %convert_element_type3A_310 = arith.extui %lt3A_309 : i1 to i32
      %cond3A_311 = arith.constant 0 : i32
      %cond3A_312 = arith.cmpi ne, %convert_element_type3A_310, %cond3A_311 : i32
      scf.if %cond3A_312 {
        %dma_wait3A_349 = arith.constant 0 : i32
        %dma_wait3A_350 = tpu.memref_slice %arg7[%add3A_307, %dma_wait3A_349] : memref<80x125xi32, #tpu.memory_space<vmem>> -> memref<1x125xi32, #tpu.memory_space<vmem>>
        %dma_wait3A_351 = tpu.memref_squeeze %dma_wait3A_350 : memref<1x125xi32, #tpu.memory_space<vmem>> -> memref<125xi32, #tpu.memory_space<vmem>>
        %dma_wait3A_352 = arith.constant 0 : i32
        %dma_wait3A_353 = arith.constant 0 : i32
        %dma_wait3A_354 = tpu.memref_slice %arg16[%dma_wait3A_352, %dma_wait3A_353] : memref<10016x64xf32, #tpu.memory_space<vmem_shared>> -> memref<10016x64xf32, #tpu.memory_space<vmem_shared>>
        tpu.wait_indirect_dma semaphore(%arg27 : memref<!tpu.dma_semaphore, #tpu.memory_space<semaphore_mem>>) src(%arg10 : memref<125x64xf32, #tpu.memory_space<vmem>>) dst(%dma_wait3A_354 : memref<10016x64xf32, #tpu.memory_space<vmem_shared>>)
        %add3A_355 = arith.constant 8 : i32
        %add3A_356 = arith.addi %add3A_307, %add3A_355 : i32
        %dma_start3A_357 = arith.constant 0 : i32
        %dma_start3A_358 = tpu.memref_slice %arg6[%add3A_356, %dma_start3A_357] : memref<80x125xi32, #tpu.memory_space<vmem>> -> memref<1x125xi32, #tpu.memory_space<vmem>>
        %dma_start3A_359 = tpu.memref_squeeze %dma_start3A_358 : memref<1x125xi32, #tpu.memory_space<vmem>> -> memref<125xi32, #tpu.memory_space<vmem>>
        %dma_start3A_360 = arith.constant 0 : i32
        %dma_start3A_361 = arith.constant 0 : i32
        %dma_start3A_362 = tpu.memref_slice %arg4[%dma_start3A_360, %dma_start3A_361] : memref<10000x64xf32, #tpu.memory_space<hbm>> -> memref<10000x64xf32, #tpu.memory_space<hbm>>
        tpu.enqueue_indirect_dma source(%dma_start3A_362 : memref<10000x64xf32, #tpu.memory_space<hbm>>) target(%arg10 : memref<125x64xf32, #tpu.memory_space<vmem>>) offsets(%dma_start3A_359 : memref<125xi32, #tpu.memory_space<vmem>>) semaphore(%arg19 : memref<!tpu.dma_semaphore, #tpu.memory_space<semaphore_mem>>)
      } else {
      }
      %add3A_313 = arith.constant 3 : i32
      %add3A_314 = arith.addi %mul3A_182, %add3A_313 : i32
      %lt3A_315 = arith.constant 9 : i32
      %lt3A_316 = arith.cmpi slt, %scan3A_179, %lt3A_315 : i32
      %convert_element_type3A_317 = arith.extui %lt3A_316 : i1 to i32
      %cond3A_318 = arith.constant 0 : i32
      %cond3A_319 = arith.cmpi ne, %convert_element_type3A_317, %cond3A_318 : i32
      scf.if %cond3A_319 {
        %dma_wait3A_349 = arith.constant 0 : i32
        %dma_wait3A_350 = tpu.memref_slice %arg7[%add3A_314, %dma_wait3A_349] : memref<80x125xi32, #tpu.memory_space<vmem>> -> memref<1x125xi32, #tpu.memory_space<vmem>>
        %dma_wait3A_351 = tpu.memref_squeeze %dma_wait3A_350 : memref<1x125xi32, #tpu.memory_space<vmem>> -> memref<125xi32, #tpu.memory_space<vmem>>
        %dma_wait3A_352 = arith.constant 0 : i32
        %dma_wait3A_353 = arith.constant 0 : i32
        %dma_wait3A_354 = tpu.memref_slice %arg16[%dma_wait3A_352, %dma_wait3A_353] : memref<10016x64xf32, #tpu.memory_space<vmem_shared>> -> memref<10016x64xf32, #tpu.memory_space<vmem_shared>>
        tpu.wait_indirect_dma semaphore(%arg28 : memref<!tpu.dma_semaphore, #tpu.memory_space<semaphore_mem>>) src(%arg11 : memref<125x64xf32, #tpu.memory_space<vmem>>) dst(%dma_wait3A_354 : memref<10016x64xf32, #tpu.memory_space<vmem_shared>>)
        %add3A_355 = arith.constant 8 : i32
        %add3A_356 = arith.addi %add3A_314, %add3A_355 : i32
        %dma_start3A_357 = arith.constant 0 : i32
        %dma_start3A_358 = tpu.memref_slice %arg6[%add3A_356, %dma_start3A_357] : memref<80x125xi32, #tpu.memory_space<vmem>> -> memref<1x125xi32, #tpu.memory_space<vmem>>
        %dma_start3A_359 = tpu.memref_squeeze %dma_start3A_358 : memref<1x125xi32, #tpu.memory_space<vmem>> -> memref<125xi32, #tpu.memory_space<vmem>>
        %dma_start3A_360 = arith.constant 0 : i32
        %dma_start3A_361 = arith.constant 0 : i32
        %dma_start3A_362 = tpu.memref_slice %arg4[%dma_start3A_360, %dma_start3A_361] : memref<10000x64xf32, #tpu.memory_space<hbm>> -> memref<10000x64xf32, #tpu.memory_space<hbm>>
        tpu.enqueue_indirect_dma source(%dma_start3A_362 : memref<10000x64xf32, #tpu.memory_space<hbm>>) target(%arg11 : memref<125x64xf32, #tpu.memory_space<vmem>>) offsets(%dma_start3A_359 : memref<125xi32, #tpu.memory_space<vmem>>) semaphore(%arg20 : memref<!tpu.dma_semaphore, #tpu.memory_space<semaphore_mem>>)
      } else {
      }
      %add3A_320 = arith.constant 4 : i32
      %add3A_321 = arith.addi %mul3A_182, %add3A_320 : i32
      %lt3A_322 = arith.constant 9 : i32
      %lt3A_323 = arith.cmpi slt, %scan3A_179, %lt3A_322 : i32
      %convert_element_type3A_324 = arith.extui %lt3A_323 : i1 to i32
      %cond3A_325 = arith.constant 0 : i32
      %cond3A_326 = arith.cmpi ne, %convert_element_type3A_324, %cond3A_325 : i32
      scf.if %cond3A_326 {
        %dma_wait3A_349 = arith.constant 0 : i32
        %dma_wait3A_350 = tpu.memref_slice %arg7[%add3A_321, %dma_wait3A_349] : memref<80x125xi32, #tpu.memory_space<vmem>> -> memref<1x125xi32, #tpu.memory_space<vmem>>
        %dma_wait3A_351 = tpu.memref_squeeze %dma_wait3A_350 : memref<1x125xi32, #tpu.memory_space<vmem>> -> memref<125xi32, #tpu.memory_space<vmem>>
        %dma_wait3A_352 = arith.constant 0 : i32
        %dma_wait3A_353 = arith.constant 0 : i32
        %dma_wait3A_354 = tpu.memref_slice %arg16[%dma_wait3A_352, %dma_wait3A_353] : memref<10016x64xf32, #tpu.memory_space<vmem_shared>> -> memref<10016x64xf32, #tpu.memory_space<vmem_shared>>
        tpu.wait_indirect_dma semaphore(%arg29 : memref<!tpu.dma_semaphore, #tpu.memory_space<semaphore_mem>>) src(%arg12 : memref<125x64xf32, #tpu.memory_space<vmem>>) dst(%dma_wait3A_354 : memref<10016x64xf32, #tpu.memory_space<vmem_shared>>)
        %add3A_355 = arith.constant 8 : i32
        %add3A_356 = arith.addi %add3A_321, %add3A_355 : i32
        %dma_start3A_357 = arith.constant 0 : i32
        %dma_start3A_358 = tpu.memref_slice %arg6[%add3A_356, %dma_start3A_357] : memref<80x125xi32, #tpu.memory_space<vmem>> -> memref<1x125xi32, #tpu.memory_space<vmem>>
        %dma_start3A_359 = tpu.memref_squeeze %dma_start3A_358 : memref<1x125xi32, #tpu.memory_space<vmem>> -> memref<125xi32, #tpu.memory_space<vmem>>
        %dma_start3A_360 = arith.constant 0 : i32
        %dma_start3A_361 = arith.constant 0 : i32
        %dma_start3A_362 = tpu.memref_slice %arg4[%dma_start3A_360, %dma_start3A_361] : memref<10000x64xf32, #tpu.memory_space<hbm>> -> memref<10000x64xf32, #tpu.memory_space<hbm>>
        tpu.enqueue_indirect_dma source(%dma_start3A_362 : memref<10000x64xf32, #tpu.memory_space<hbm>>) target(%arg12 : memref<125x64xf32, #tpu.memory_space<vmem>>) offsets(%dma_start3A_359 : memref<125xi32, #tpu.memory_space<vmem>>) semaphore(%arg21 : memref<!tpu.dma_semaphore, #tpu.memory_space<semaphore_mem>>)
      } else {
      }
      %add3A_327 = arith.constant 5 : i32
      %add3A_328 = arith.addi %mul3A_182, %add3A_327 : i32
      %lt3A_329 = arith.constant 9 : i32
      %lt3A_330 = arith.cmpi slt, %scan3A_179, %lt3A_329 : i32
      %convert_element_type3A_331 = arith.extui %lt3A_330 : i1 to i32
      %cond3A_332 = arith.constant 0 : i32
      %cond3A_333 = arith.cmpi ne, %convert_element_type3A_331, %cond3A_332 : i32
      scf.if %cond3A_333 {
        %dma_wait3A_349 = arith.constant 0 : i32
        %dma_wait3A_350 = tpu.memref_slice %arg7[%add3A_328, %dma_wait3A_349] : memref<80x125xi32, #tpu.memory_space<vmem>> -> memref<1x125xi32, #tpu.memory_space<vmem>>
        %dma_wait3A_351 = tpu.memref_squeeze %dma_wait3A_350 : memref<1x125xi32, #tpu.memory_space<vmem>> -> memref<125xi32, #tpu.memory_space<vmem>>
        %dma_wait3A_352 = arith.constant 0 : i32
        %dma_wait3A_353 = arith.constant 0 : i32
        %dma_wait3A_354 = tpu.memref_slice %arg16[%dma_wait3A_352, %dma_wait3A_353] : memref<10016x64xf32, #tpu.memory_space<vmem_shared>> -> memref<10016x64xf32, #tpu.memory_space<vmem_shared>>
        tpu.wait_indirect_dma semaphore(%arg30 : memref<!tpu.dma_semaphore, #tpu.memory_space<semaphore_mem>>) src(%arg13 : memref<125x64xf32, #tpu.memory_space<vmem>>) dst(%dma_wait3A_354 : memref<10016x64xf32, #tpu.memory_space<vmem_shared>>)
        %add3A_355 = arith.constant 8 : i32
        %add3A_356 = arith.addi %add3A_328, %add3A_355 : i32
        %dma_start3A_357 = arith.constant 0 : i32
        %dma_start3A_358 = tpu.memref_slice %arg6[%add3A_356, %dma_start3A_357] : memref<80x125xi32, #tpu.memory_space<vmem>> -> memref<1x125xi32, #tpu.memory_space<vmem>>
        %dma_start3A_359 = tpu.memref_squeeze %dma_start3A_358 : memref<1x125xi32, #tpu.memory_space<vmem>> -> memref<125xi32, #tpu.memory_space<vmem>>
        %dma_start3A_360 = arith.constant 0 : i32
        %dma_start3A_361 = arith.constant 0 : i32
        %dma_start3A_362 = tpu.memref_slice %arg4[%dma_start3A_360, %dma_start3A_361] : memref<10000x64xf32, #tpu.memory_space<hbm>> -> memref<10000x64xf32, #tpu.memory_space<hbm>>
        tpu.enqueue_indirect_dma source(%dma_start3A_362 : memref<10000x64xf32, #tpu.memory_space<hbm>>) target(%arg13 : memref<125x64xf32, #tpu.memory_space<vmem>>) offsets(%dma_start3A_359 : memref<125xi32, #tpu.memory_space<vmem>>) semaphore(%arg22 : memref<!tpu.dma_semaphore, #tpu.memory_space<semaphore_mem>>)
      } else {
      }
      %add3A_334 = arith.constant 6 : i32
      %add3A_335 = arith.addi %mul3A_182, %add3A_334 : i32
      %lt3A_336 = arith.constant 9 : i32
      %lt3A_337 = arith.cmpi slt, %scan3A_179, %lt3A_336 : i32
      %convert_element_type3A_338 = arith.extui %lt3A_337 : i1 to i32
      %cond3A_339 = arith.constant 0 : i32
      %cond3A_340 = arith.cmpi ne, %convert_element_type3A_338, %cond3A_339 : i32
      scf.if %cond3A_340 {
        %dma_wait3A_349 = arith.constant 0 : i32
        %dma_wait3A_350 = tpu.memref_slice %arg7[%add3A_335, %dma_wait3A_349] : memref<80x125xi32, #tpu.memory_space<vmem>> -> memref<1x125xi32, #tpu.memory_space<vmem>>
        %dma_wait3A_351 = tpu.memref_squeeze %dma_wait3A_350 : memref<1x125xi32, #tpu.memory_space<vmem>> -> memref<125xi32, #tpu.memory_space<vmem>>
        %dma_wait3A_352 = arith.constant 0 : i32
        %dma_wait3A_353 = arith.constant 0 : i32
        %dma_wait3A_354 = tpu.memref_slice %arg16[%dma_wait3A_352, %dma_wait3A_353] : memref<10016x64xf32, #tpu.memory_space<vmem_shared>> -> memref<10016x64xf32, #tpu.memory_space<vmem_shared>>
        tpu.wait_indirect_dma semaphore(%arg31 : memref<!tpu.dma_semaphore, #tpu.memory_space<semaphore_mem>>) src(%arg14 : memref<125x64xf32, #tpu.memory_space<vmem>>) dst(%dma_wait3A_354 : memref<10016x64xf32, #tpu.memory_space<vmem_shared>>)
        %add3A_355 = arith.constant 8 : i32
        %add3A_356 = arith.addi %add3A_335, %add3A_355 : i32
        %dma_start3A_357 = arith.constant 0 : i32
        %dma_start3A_358 = tpu.memref_slice %arg6[%add3A_356, %dma_start3A_357] : memref<80x125xi32, #tpu.memory_space<vmem>> -> memref<1x125xi32, #tpu.memory_space<vmem>>
        %dma_start3A_359 = tpu.memref_squeeze %dma_start3A_358 : memref<1x125xi32, #tpu.memory_space<vmem>> -> memref<125xi32, #tpu.memory_space<vmem>>
        %dma_start3A_360 = arith.constant 0 : i32
        %dma_start3A_361 = arith.constant 0 : i32
        %dma_start3A_362 = tpu.memref_slice %arg4[%dma_start3A_360, %dma_start3A_361] : memref<10000x64xf32, #tpu.memory_space<hbm>> -> memref<10000x64xf32, #tpu.memory_space<hbm>>
        tpu.enqueue_indirect_dma source(%dma_start3A_362 : memref<10000x64xf32, #tpu.memory_space<hbm>>) target(%arg14 : memref<125x64xf32, #tpu.memory_space<vmem>>) offsets(%dma_start3A_359 : memref<125xi32, #tpu.memory_space<vmem>>) semaphore(%arg23 : memref<!tpu.dma_semaphore, #tpu.memory_space<semaphore_mem>>)
      } else {
      }
      %add3A_341 = arith.constant 7 : i32
      %add3A_342 = arith.addi %mul3A_182, %add3A_341 : i32
      %lt3A_343 = arith.constant 9 : i32
      %lt3A_344 = arith.cmpi slt, %scan3A_179, %lt3A_343 : i32
      %convert_element_type3A_345 = arith.extui %lt3A_344 : i1 to i32
      %cond3A_346 = arith.constant 0 : i32
      %cond3A_347 = arith.cmpi ne, %convert_element_type3A_345, %cond3A_346 : i32
      scf.if %cond3A_347 {
        %dma_wait3A_349 = arith.constant 0 : i32
        %dma_wait3A_350 = tpu.memref_slice %arg7[%add3A_342, %dma_wait3A_349] : memref<80x125xi32, #tpu.memory_space<vmem>> -> memref<1x125xi32, #tpu.memory_space<vmem>>
        %dma_wait3A_351 = tpu.memref_squeeze %dma_wait3A_350 : memref<1x125xi32, #tpu.memory_space<vmem>> -> memref<125xi32, #tpu.memory_space<vmem>>
        %dma_wait3A_352 = arith.constant 0 : i32
        %dma_wait3A_353 = arith.constant 0 : i32
        %dma_wait3A_354 = tpu.memref_slice %arg16[%dma_wait3A_352, %dma_wait3A_353] : memref<10016x64xf32, #tpu.memory_space<vmem_shared>> -> memref<10016x64xf32, #tpu.memory_space<vmem_shared>>
        tpu.wait_indirect_dma semaphore(%arg32 : memref<!tpu.dma_semaphore, #tpu.memory_space<semaphore_mem>>) src(%arg15 : memref<125x64xf32, #tpu.memory_space<vmem>>) dst(%dma_wait3A_354 : memref<10016x64xf32, #tpu.memory_space<vmem_shared>>)
        %add3A_355 = arith.constant 8 : i32
        %add3A_356 = arith.addi %add3A_342, %add3A_355 : i32
        %dma_start3A_357 = arith.constant 0 : i32
        %dma_start3A_358 = tpu.memref_slice %arg6[%add3A_356, %dma_start3A_357] : memref<80x125xi32, #tpu.memory_space<vmem>> -> memref<1x125xi32, #tpu.memory_space<vmem>>
        %dma_start3A_359 = tpu.memref_squeeze %dma_start3A_358 : memref<1x125xi32, #tpu.memory_space<vmem>> -> memref<125xi32, #tpu.memory_space<vmem>>
        %dma_start3A_360 = arith.constant 0 : i32
        %dma_start3A_361 = arith.constant 0 : i32
        %dma_start3A_362 = tpu.memref_slice %arg4[%dma_start3A_360, %dma_start3A_361] : memref<10000x64xf32, #tpu.memory_space<hbm>> -> memref<10000x64xf32, #tpu.memory_space<hbm>>
        tpu.enqueue_indirect_dma source(%dma_start3A_362 : memref<10000x64xf32, #tpu.memory_space<hbm>>) target(%arg15 : memref<125x64xf32, #tpu.memory_space<vmem>>) offsets(%dma_start3A_359 : memref<125xi32, #tpu.memory_space<vmem>>) semaphore(%arg24 : memref<!tpu.dma_semaphore, #tpu.memory_space<semaphore_mem>>)
      } else {
      }
      %scan3A_348 = arith.constant 0 : i32
      scf.yield %scan3A_348 : i32
    }
    %scan3A_119 = arith.constant 10 : i32
    %dma_wait3A_120 = arith.constant 72 : i32
    %dma_wait3A_121 = arith.constant 0 : i32
    %dma_wait3A_122 = tpu.memref_slice %arg7[%dma_wait3A_120, %dma_wait3A_121] : memref<80x125xi32, #tpu.memory_space<vmem>> -> memref<1x125xi32, #tpu.memory_space<vmem>>
    %dma_wait3A_123 = tpu.memref_squeeze %dma_wait3A_122 : memref<1x125xi32, #tpu.memory_space<vmem>> -> memref<125xi32, #tpu.memory_space<vmem>>
    %dma_wait3A_124 = arith.constant 0 : i32
    %dma_wait3A_125 = arith.constant 0 : i32
    %dma_wait3A_126 = tpu.memref_slice %arg16[%dma_wait3A_124, %dma_wait3A_125] : memref<10016x64xf32, #tpu.memory_space<vmem_shared>> -> memref<10016x64xf32, #tpu.memory_space<vmem_shared>>
    tpu.wait_indirect_dma semaphore(%arg25 : memref<!tpu.dma_semaphore, #tpu.memory_space<semaphore_mem>>) src(%arg8 : memref<125x64xf32, #tpu.memory_space<vmem>>) dst(%dma_wait3A_126 : memref<10016x64xf32, #tpu.memory_space<vmem_shared>>)
    %dma_wait3A_127 = arith.constant 73 : i32
    %dma_wait3A_128 = arith.constant 0 : i32
    %dma_wait3A_129 = tpu.memref_slice %arg7[%dma_wait3A_127, %dma_wait3A_128] : memref<80x125xi32, #tpu.memory_space<vmem>> -> memref<1x125xi32, #tpu.memory_space<vmem>>
    %dma_wait3A_130 = tpu.memref_squeeze %dma_wait3A_129 : memref<1x125xi32, #tpu.memory_space<vmem>> -> memref<125xi32, #tpu.memory_space<vmem>>
    %dma_wait3A_131 = arith.constant 0 : i32
    %dma_wait3A_132 = arith.constant 0 : i32
    %dma_wait3A_133 = tpu.memref_slice %arg16[%dma_wait3A_131, %dma_wait3A_132] : memref<10016x64xf32, #tpu.memory_space<vmem_shared>> -> memref<10016x64xf32, #tpu.memory_space<vmem_shared>>
    tpu.wait_indirect_dma semaphore(%arg26 : memref<!tpu.dma_semaphore, #tpu.memory_space<semaphore_mem>>) src(%arg9 : memref<125x64xf32, #tpu.memory_space<vmem>>) dst(%dma_wait3A_133 : memref<10016x64xf32, #tpu.memory_space<vmem_shared>>)
    %dma_wait3A_134 = arith.constant 74 : i32
    %dma_wait3A_135 = arith.constant 0 : i32
    %dma_wait3A_136 = tpu.memref_slice %arg7[%dma_wait3A_134, %dma_wait3A_135] : memref<80x125xi32, #tpu.memory_space<vmem>> -> memref<1x125xi32, #tpu.memory_space<vmem>>
    %dma_wait3A_137 = tpu.memref_squeeze %dma_wait3A_136 : memref<1x125xi32, #tpu.memory_space<vmem>> -> memref<125xi32, #tpu.memory_space<vmem>>
    %dma_wait3A_138 = arith.constant 0 : i32
    %dma_wait3A_139 = arith.constant 0 : i32
    %dma_wait3A_140 = tpu.memref_slice %arg16[%dma_wait3A_138, %dma_wait3A_139] : memref<10016x64xf32, #tpu.memory_space<vmem_shared>> -> memref<10016x64xf32, #tpu.memory_space<vmem_shared>>
    tpu.wait_indirect_dma semaphore(%arg27 : memref<!tpu.dma_semaphore, #tpu.memory_space<semaphore_mem>>) src(%arg10 : memref<125x64xf32, #tpu.memory_space<vmem>>) dst(%dma_wait3A_140 : memref<10016x64xf32, #tpu.memory_space<vmem_shared>>)
    %dma_wait3A_141 = arith.constant 75 : i32
    %dma_wait3A_142 = arith.constant 0 : i32
    %dma_wait3A_143 = tpu.memref_slice %arg7[%dma_wait3A_141, %dma_wait3A_142] : memref<80x125xi32, #tpu.memory_space<vmem>> -> memref<1x125xi32, #tpu.memory_space<vmem>>
    %dma_wait3A_144 = tpu.memref_squeeze %dma_wait3A_143 : memref<1x125xi32, #tpu.memory_space<vmem>> -> memref<125xi32, #tpu.memory_space<vmem>>
    %dma_wait3A_145 = arith.constant 0 : i32
    %dma_wait3A_146 = arith.constant 0 : i32
    %dma_wait3A_147 = tpu.memref_slice %arg16[%dma_wait3A_145, %dma_wait3A_146] : memref<10016x64xf32, #tpu.memory_space<vmem_shared>> -> memref<10016x64xf32, #tpu.memory_space<vmem_shared>>
    tpu.wait_indirect_dma semaphore(%arg28 : memref<!tpu.dma_semaphore, #tpu.memory_space<semaphore_mem>>) src(%arg11 : memref<125x64xf32, #tpu.memory_space<vmem>>) dst(%dma_wait3A_147 : memref<10016x64xf32, #tpu.memory_space<vmem_shared>>)
    %dma_wait3A_148 = arith.constant 76 : i32
    %dma_wait3A_149 = arith.constant 0 : i32
    %dma_wait3A_150 = tpu.memref_slice %arg7[%dma_wait3A_148, %dma_wait3A_149] : memref<80x125xi32, #tpu.memory_space<vmem>> -> memref<1x125xi32, #tpu.memory_space<vmem>>
    %dma_wait3A_151 = tpu.memref_squeeze %dma_wait3A_150 : memref<1x125xi32, #tpu.memory_space<vmem>> -> memref<125xi32, #tpu.memory_space<vmem>>
    %dma_wait3A_152 = arith.constant 0 : i32
    %dma_wait3A_153 = arith.constant 0 : i32
    %dma_wait3A_154 = tpu.memref_slice %arg16[%dma_wait3A_152, %dma_wait3A_153] : memref<10016x64xf32, #tpu.memory_space<vmem_shared>> -> memref<10016x64xf32, #tpu.memory_space<vmem_shared>>
    tpu.wait_indirect_dma semaphore(%arg29 : memref<!tpu.dma_semaphore, #tpu.memory_space<semaphore_mem>>) src(%arg12 : memref<125x64xf32, #tpu.memory_space<vmem>>) dst(%dma_wait3A_154 : memref<10016x64xf32, #tpu.memory_space<vmem_shared>>)
    %dma_wait3A_155 = arith.constant 77 : i32
    %dma_wait3A_156 = arith.constant 0 : i32
    %dma_wait3A_157 = tpu.memref_slice %arg7[%dma_wait3A_155, %dma_wait3A_156] : memref<80x125xi32, #tpu.memory_space<vmem>> -> memref<1x125xi32, #tpu.memory_space<vmem>>
    %dma_wait3A_158 = tpu.memref_squeeze %dma_wait3A_157 : memref<1x125xi32, #tpu.memory_space<vmem>> -> memref<125xi32, #tpu.memory_space<vmem>>
    %dma_wait3A_159 = arith.constant 0 : i32
    %dma_wait3A_160 = arith.constant 0 : i32
    %dma_wait3A_161 = tpu.memref_slice %arg16[%dma_wait3A_159, %dma_wait3A_160] : memref<10016x64xf32, #tpu.memory_space<vmem_shared>> -> memref<10016x64xf32, #tpu.memory_space<vmem_shared>>
    tpu.wait_indirect_dma semaphore(%arg30 : memref<!tpu.dma_semaphore, #tpu.memory_space<semaphore_mem>>) src(%arg13 : memref<125x64xf32, #tpu.memory_space<vmem>>) dst(%dma_wait3A_161 : memref<10016x64xf32, #tpu.memory_space<vmem_shared>>)
    %dma_wait3A_162 = arith.constant 78 : i32
    %dma_wait3A_163 = arith.constant 0 : i32
    %dma_wait3A_164 = tpu.memref_slice %arg7[%dma_wait3A_162, %dma_wait3A_163] : memref<80x125xi32, #tpu.memory_space<vmem>> -> memref<1x125xi32, #tpu.memory_space<vmem>>
    %dma_wait3A_165 = tpu.memref_squeeze %dma_wait3A_164 : memref<1x125xi32, #tpu.memory_space<vmem>> -> memref<125xi32, #tpu.memory_space<vmem>>
    %dma_wait3A_166 = arith.constant 0 : i32
    %dma_wait3A_167 = arith.constant 0 : i32
    %dma_wait3A_168 = tpu.memref_slice %arg16[%dma_wait3A_166, %dma_wait3A_167] : memref<10016x64xf32, #tpu.memory_space<vmem_shared>> -> memref<10016x64xf32, #tpu.memory_space<vmem_shared>>
    tpu.wait_indirect_dma semaphore(%arg31 : memref<!tpu.dma_semaphore, #tpu.memory_space<semaphore_mem>>) src(%arg14 : memref<125x64xf32, #tpu.memory_space<vmem>>) dst(%dma_wait3A_168 : memref<10016x64xf32, #tpu.memory_space<vmem_shared>>)
    %dma_wait3A_169 = arith.constant 79 : i32
    %dma_wait3A_170 = arith.constant 0 : i32
    %dma_wait3A_171 = tpu.memref_slice %arg7[%dma_wait3A_169, %dma_wait3A_170] : memref<80x125xi32, #tpu.memory_space<vmem>> -> memref<1x125xi32, #tpu.memory_space<vmem>>
    %dma_wait3A_172 = tpu.memref_squeeze %dma_wait3A_171 : memref<1x125xi32, #tpu.memory_space<vmem>> -> memref<125xi32, #tpu.memory_space<vmem>>
    %dma_wait3A_173 = arith.constant 0 : i32
    %dma_wait3A_174 = arith.constant 0 : i32
    %dma_wait3A_175 = tpu.memref_slice %arg16[%dma_wait3A_173, %dma_wait3A_174] : memref<10016x64xf32, #tpu.memory_space<vmem_shared>> -> memref<10016x64xf32, #tpu.memory_space<vmem_shared>>
    tpu.wait_indirect_dma semaphore(%arg32 : memref<!tpu.dma_semaphore, #tpu.memory_space<semaphore_mem>>) src(%arg15 : memref<125x64xf32, #tpu.memory_space<vmem>>) dst(%dma_wait3A_175 : memref<10016x64xf32, #tpu.memory_space<vmem_shared>>)
    %barrier3A_176 = arith.constant 0 : index
    tpu.barrier barrier_id(%barrier3A_176)
    %mul3A_177 = arith.constant 625 : i32
    %mul3A_178 = arith.muli %arg1, %mul3A_177 : i32
    "tpu.region"() ({
      %run_scoped3A = tpu.sem_alloc : memref<!tpu.dma_semaphore, #tpu.memory_space<semaphore_mem>>
      %dma_start3A_179 = arith.constant 0 : i32
      %dma_start3A_180 = arith.constant 0 : i32
      %dma_start3A_181 = tpu.memref_slice %arg5[%add3A, %dma_start3A_179, %dma_start3A_180] : memref<32x625x64xf32, #tpu.memory_space<hbm>> -> memref<1x625x64xf32, #tpu.memory_space<hbm>>
      %dma_start3A_182 = tpu.memref_squeeze %dma_start3A_181 : memref<1x625x64xf32, #tpu.memory_space<hbm>> -> memref<625x64xf32, #tpu.memory_space<hbm>>
      %dma_start3A_183 = arith.constant 0 : i32
      %dma_start3A_184 = tpu.memref_slice %arg16[%mul3A_178, %dma_start3A_183] : memref<10016x64xf32, #tpu.memory_space<vmem_shared>> -> memref<625x64xf32, #tpu.memory_space<vmem_shared>>
      tpu.enqueue_dma source(%dma_start3A_184 : memref<625x64xf32, #tpu.memory_space<vmem_shared>>) target(%dma_start3A_182 : memref<625x64xf32, #tpu.memory_space<hbm>>) target_semaphore(%run_scoped3A : memref<!tpu.dma_semaphore, #tpu.memory_space<semaphore_mem>>)
      %dma_wait3A_185 = arith.constant 0 : i32
      %dma_wait3A_186 = arith.constant 0 : i32
      %dma_wait3A_187 = tpu.memref_slice %arg5[%add3A, %dma_wait3A_185, %dma_wait3A_186] : memref<32x625x64xf32, #tpu.memory_space<hbm>> -> memref<1x625x64xf32, #tpu.memory_space<hbm>>
      %dma_wait3A_188 = tpu.memref_squeeze %dma_wait3A_187 : memref<1x625x64xf32, #tpu.memory_space<hbm>> -> memref<625x64xf32, #tpu.memory_space<hbm>>
      %dma_wait3A_189 = arith.constant 0 : i32
      %dma_wait3A_190 = tpu.memref_slice %arg16[%mul3A_178, %dma_wait3A_189] : memref<10016x64xf32, #tpu.memory_space<vmem_shared>> -> memref<625x64xf32, #tpu.memory_space<vmem_shared>>
      tpu.wait_dma2 semaphore(%run_scoped3A : memref<!tpu.dma_semaphore, #tpu.memory_space<semaphore_mem>>) src(%dma_wait3A_190 : memref<625x64xf32, #tpu.memory_space<vmem_shared>>) dst(%dma_wait3A_188 : memref<625x64xf32, #tpu.memory_space<hbm>>)
      tpu.yield
    }) : () -> ()
    return
  }
}

module attributes {stable_mosaic.version = 14 : i64} {
  func.func @body(%arg0: i32, %arg1: memref<2000x128xf32, #tpu.memory_space<vmem>>, %arg2: memref<128x64xf32, #tpu.memory_space<vmem>>, %arg3: memref<2000x16xf32, #tpu.memory_space<vmem>>, %arg4: memref<2000x16xf32, #tpu.memory_space<vmem>>, %arg5: memref<2000x64xf32, #tpu.memory_space<vmem>>) attributes {dimension_semantics = [#tpu.dimension_semantics<arbitrary>], iteration_bounds = array<i64: 5>, scalar_prefetch = 0 : i64, scratch_operands = 0 : i64, tpu.core_type = #tpu.core_type<tc>, window_params = [{transform_indices = @transform_0, window_bounds = array<i64: 2000, 128>}, {pipeline_mode = #tpu.pipeline_mode<synchronous>, transform_indices = @transform_1, window_bounds = array<i64: 128, 64>}, {transform_indices = @transform_2, window_bounds = array<i64: 2000, 16>}, {transform_indices = @transform_3, window_bounds = array<i64: 2000, 16>}, {transform_indices = @transform_4, window_bounds = array<i64: 2000, 64>}]} {
    %get3A = arith.constant 0 : index
    %get3A_0 = arith.constant 0 : index
    %get3A_1 = vector.load %arg3[%get3A, %get3A_0] : memref<2000x16xf32, #tpu.memory_space<vmem>>, vector<2000x1xf32>
    %get3A_2 = arith.constant 0 : index
    %get3A_3 = arith.constant 0 : index
    %get3A_4 = vector.load %arg4[%get3A_2, %get3A_3] : memref<2000x16xf32, #tpu.memory_space<vmem>>, vector<2000x1xf32>
    %add3A = arith.addf %get3A_1, %get3A_4 : vector<2000x1xf32>
    %add3A_5 = arith.constant 1.000000e+00 : f32
    %add3A_6 = vector.broadcast %add3A_5 : f32 to vector<2000x1xf32>
    %add3A_7 = arith.addf %add3A, %add3A_6 : vector<2000x1xf32>
    %rsqrt3A = math.rsqrt %add3A_7 : vector<2000x1xf32>
    %get3A_8 = arith.constant 0 : index
    %get3A_9 = arith.constant 0 : index
    %get3A_10 = vector.load %arg1[%get3A_8, %get3A_9] : memref<2000x128xf32, #tpu.memory_space<vmem>>, vector<2000x128xf32>
    %get3A_11 = arith.constant 0 : index
    %get3A_12 = arith.constant 0 : index
    %get3A_13 = vector.load %arg2[%get3A_11, %get3A_12] : memref<128x64xf32, #tpu.memory_space<vmem>>, vector<128x64xf32>
    %dot_general3A = arith.constant dense<0.000000e+00> : vector<2000x64xf32>
    %dot_general3A_14 = tpu.matmul %get3A_10, %get3A_13, %dot_general3A {dimension_numbers = #tpu.dot_dimension_numbers<[1], [0], [0], [1], [0, 0, 1, 1], [], []>, transpose_lhs_hint = false} : vector<2000x128xf32>, vector<128x64xf32>, vector<2000x64xf32> -> vector<2000x64xf32>
    %mul3A = vector.broadcast %rsqrt3A : vector<2000x1xf32> to vector<2000x64xf32>
    %mul3A_15 = arith.mulf %dot_general3A_14, %mul3A : vector<2000x64xf32>
    %swap3A = arith.constant 0 : index
    %swap3A_16 = arith.constant 0 : index
    %swap3A_17 = vector.load %arg5[%swap3A, %swap3A_16] : memref<2000x64xf32, #tpu.memory_space<vmem>>, vector<2000x64xf32>
    tpu.vector_store %arg5[%swap3A, %swap3A_16], %mul3A_15 {strides = array<i32>} : memref<2000x64xf32, #tpu.memory_space<vmem>>, vector<2000x64xf32>,
    return
  }
  func.func @transform_0(%arg0: i32) -> (i32, i32) {
    %c0_i32 = arith.constant 0 : i32
    %c0_i32_0 = arith.constant 0 : i32
    return %arg0, %c0_i32 : i32, i32
  }
  func.func @transform_1(%arg0: i32) -> (i32, i32) {
    %c0_i32 = arith.constant 0 : i32
    %c0_i32_0 = arith.constant 0 : i32
    %c0_i32_1 = arith.constant 0 : i32
    return %c0_i32, %c0_i32_0 : i32, i32
  }
  func.func @transform_2(%arg0: i32) -> (i32, i32) {
    %c0_i32 = arith.constant 0 : i32
    %c0_i32_0 = arith.constant 0 : i32
    return %arg0, %c0_i32 : i32, i32
  }
  func.func @transform_3(%arg0: i32) -> (i32, i32) {
    %add3A = arith.constant 5 : i32
    %add3A_0 = arith.addi %arg0, %add3A : i32
    %c0_i32 = arith.constant 0 : i32
    %c0_i32_1 = arith.constant 0 : i32
    return %add3A_0, %c0_i32 : i32, i32
  }
  func.func @transform_4(%arg0: i32) -> (i32, i32) {
    %c0_i32 = arith.constant 0 : i32
    %c0_i32_0 = arith.constant 0 : i32
    return %arg0, %c0_i32 : i32, i32
  }
}

module attributes {stable_mosaic.version = 14 : i64} {
  func.func @body(%arg0: i32, %arg1: memref<2000x64xf32, #tpu.memory_space<vmem>>, %arg2: memref<2000x64xf32, #tpu.memory_space<vmem>>, %arg3: memref<2000x64xf32, #tpu.memory_space<vmem>>, %arg4: memref<2000x16xf32, #tpu.memory_space<vmem>>, %arg5: memref<2000x16xf32, #tpu.memory_space<vmem>>, %arg6: memref<1x64xf32, #tpu.memory_space<vmem>>, %arg7: memref<64x64xf32, #tpu.memory_space<vmem>>, %arg8: memref<2000x64xf32, #tpu.memory_space<vmem>>) attributes {dimension_semantics = [#tpu.dimension_semantics<arbitrary>], iteration_bounds = array<i64: 5>, scalar_prefetch = 0 : i64, scratch_operands = 0 : i64, tpu.core_type = #tpu.core_type<tc>, window_params = [{transform_indices = @transform_0, window_bounds = array<i64: 2000, 64>}, {transform_indices = @transform_1, window_bounds = array<i64: 2000, 64>}, {transform_indices = @transform_2, window_bounds = array<i64: 2000, 64>}, {transform_indices = @transform_3, window_bounds = array<i64: 2000, 16>}, {transform_indices = @transform_4, window_bounds = array<i64: 2000, 16>}, {pipeline_mode = #tpu.pipeline_mode<synchronous>, transform_indices = @transform_5, window_bounds = array<i64: 1, 64>}, {pipeline_mode = #tpu.pipeline_mode<synchronous>, transform_indices = @transform_6, window_bounds = array<i64: 64, 64>}, {transform_indices = @transform_7, window_bounds = array<i64: 2000, 64>}]} {
    %get3A = arith.constant 0 : index
    %get3A_0 = arith.constant 0 : index
    %get3A_1 = vector.load %arg4[%get3A, %get3A_0] : memref<2000x16xf32, #tpu.memory_space<vmem>>, vector<2000x1xf32>
    %get3A_2 = arith.constant 0 : index
    %get3A_3 = arith.constant 0 : index
    %get3A_4 = vector.load %arg5[%get3A_2, %get3A_3] : memref<2000x16xf32, #tpu.memory_space<vmem>>, vector<2000x1xf32>
    %add3A = arith.addf %get3A_1, %get3A_4 : vector<2000x1xf32>
    %add3A_5 = arith.constant 1.000000e+00 : f32
    %add3A_6 = vector.broadcast %add3A_5 : f32 to vector<2000x1xf32>
    %add3A_7 = arith.addf %add3A, %add3A_6 : vector<2000x1xf32>
    %rsqrt3A = math.rsqrt %add3A_7 : vector<2000x1xf32>
    %get3A_8 = arith.constant 0 : index
    %get3A_9 = arith.constant 0 : index
    %get3A_10 = vector.load %arg1[%get3A_8, %get3A_9] : memref<2000x64xf32, #tpu.memory_space<vmem>>, vector<2000x64xf32>
    %get3A_11 = arith.constant 0 : index
    %get3A_12 = arith.constant 0 : index
    %get3A_13 = vector.load %arg2[%get3A_11, %get3A_12] : memref<2000x64xf32, #tpu.memory_space<vmem>>, vector<2000x64xf32>
    %add3A_14 = arith.addf %get3A_10, %get3A_13 : vector<2000x64xf32>
    %get3A_15 = arith.constant 0 : index
    %get3A_16 = arith.constant 0 : index
    %get3A_17 = vector.load %arg3[%get3A_15, %get3A_16] : memref<2000x64xf32, #tpu.memory_space<vmem>>, vector<2000x64xf32>
    %add3A_18 = arith.addf %add3A_14, %get3A_17 : vector<2000x64xf32>
    %mul3A = vector.broadcast %rsqrt3A : vector<2000x1xf32> to vector<2000x64xf32>
    %mul3A_19 = arith.mulf %add3A_18, %mul3A : vector<2000x64xf32>
    %get3A_20 = arith.constant 0 : index
    %get3A_21 = arith.constant 0 : index
    %get3A_22 = vector.load %arg6[%get3A_20, %get3A_21] : memref<1x64xf32, #tpu.memory_space<vmem>>, vector<1x64xf32>
    %add3A_23 = vector.broadcast %get3A_22 : vector<1x64xf32> to vector<2000x64xf32>
    %add3A_24 = arith.addf %mul3A_19, %add3A_23 : vector<2000x64xf32>
    %max3A = arith.constant 0.000000e+00 : f32
    %max3A_25 = vector.broadcast %max3A : f32 to vector<2000x64xf32>
    %max3A_26 = arith.maximumf %add3A_24, %max3A_25 : vector<2000x64xf32>
    %get3A_27 = arith.constant 0 : index
    %get3A_28 = arith.constant 0 : index
    %get3A_29 = vector.load %arg7[%get3A_27, %get3A_28] : memref<64x64xf32, #tpu.memory_space<vmem>>, vector<64x64xf32>
    %dot_general3A = arith.constant dense<0.000000e+00> : vector<2000x64xf32>
    %dot_general3A_30 = tpu.matmul %max3A_26, %get3A_29, %dot_general3A {dimension_numbers = #tpu.dot_dimension_numbers<[1], [0], [0], [1], [0, 0, 1, 1], [], []>, transpose_lhs_hint = false} : vector<2000x64xf32>, vector<64x64xf32>, vector<2000x64xf32> -> vector<2000x64xf32>
    %mul3A_31 = vector.broadcast %rsqrt3A : vector<2000x1xf32> to vector<2000x64xf32>
    %mul3A_32 = arith.mulf %dot_general3A_30, %mul3A_31 : vector<2000x64xf32>
    %swap3A = arith.constant 0 : index
    %swap3A_33 = arith.constant 0 : index
    %swap3A_34 = vector.load %arg8[%swap3A, %swap3A_33] : memref<2000x64xf32, #tpu.memory_space<vmem>>, vector<2000x64xf32>
    tpu.vector_store %arg8[%swap3A, %swap3A_33], %mul3A_32 {strides = array<i32>} : memref<2000x64xf32, #tpu.memory_space<vmem>>, vector<2000x64xf32>,
    return
  }
  func.func @transform_0(%arg0: i32) -> (i32, i32) {
    %c0_i32 = arith.constant 0 : i32
    %c0_i32_0 = arith.constant 0 : i32
    return %arg0, %c0_i32 : i32, i32
  }
  func.func @transform_1(%arg0: i32) -> (i32, i32) {
    %add3A = arith.constant 5 : i32
    %add3A_0 = arith.addi %arg0, %add3A : i32
    %c0_i32 = arith.constant 0 : i32
    %c0_i32_1 = arith.constant 0 : i32
    return %add3A_0, %c0_i32 : i32, i32
  }
  func.func @transform_2(%arg0: i32) -> (i32, i32) {
    %c0_i32 = arith.constant 0 : i32
    %c0_i32_0 = arith.constant 0 : i32
    return %arg0, %c0_i32 : i32, i32
  }
  func.func @transform_3(%arg0: i32) -> (i32, i32) {
    %c0_i32 = arith.constant 0 : i32
    %c0_i32_0 = arith.constant 0 : i32
    return %arg0, %c0_i32 : i32, i32
  }
  func.func @transform_4(%arg0: i32) -> (i32, i32) {
    %add3A = arith.constant 5 : i32
    %add3A_0 = arith.addi %arg0, %add3A : i32
    %c0_i32 = arith.constant 0 : i32
    %c0_i32_1 = arith.constant 0 : i32
    return %add3A_0, %c0_i32 : i32, i32
  }
  func.func @transform_5(%arg0: i32) -> (i32, i32) {
    %c0_i32 = arith.constant 0 : i32
    %c0_i32_0 = arith.constant 0 : i32
    %c0_i32_1 = arith.constant 0 : i32
    return %c0_i32, %c0_i32_0 : i32, i32
  }
  func.func @transform_6(%arg0: i32) -> (i32, i32) {
    %c0_i32 = arith.constant 0 : i32
    %c0_i32_0 = arith.constant 0 : i32
    %c0_i32_1 = arith.constant 0 : i32
    return %c0_i32, %c0_i32_0 : i32, i32
  }
  func.func @transform_7(%arg0: i32) -> (i32, i32) {
    %c0_i32 = arith.constant 0 : i32
    %c0_i32_0 = arith.constant 0 : i32
    return %arg0, %c0_i32 : i32, i32
  }
}

module attributes {stable_mosaic.version = 14 : i64} {
  func.func @body(%arg0: i32, %arg1: memref<2000x64xf32, #tpu.memory_space<vmem>>, %arg2: memref<2000x64xf32, #tpu.memory_space<vmem>>, %arg3: memref<2000x64xf32, #tpu.memory_space<vmem>>, %arg4: memref<2000x16xf32, #tpu.memory_space<vmem>>, %arg5: memref<2000x16xf32, #tpu.memory_space<vmem>>, %arg6: memref<1x64xf32, #tpu.memory_space<vmem>>, %arg7: memref<2000x64xf32, #tpu.memory_space<vmem>>) attributes {dimension_semantics = [#tpu.dimension_semantics<arbitrary>], iteration_bounds = array<i64: 5>, scalar_prefetch = 0 : i64, scratch_operands = 0 : i64, tpu.core_type = #tpu.core_type<tc>, window_params = [{transform_indices = @transform_0, window_bounds = array<i64: 2000, 64>}, {transform_indices = @transform_1, window_bounds = array<i64: 2000, 64>}, {transform_indices = @transform_2, window_bounds = array<i64: 2000, 64>}, {transform_indices = @transform_3, window_bounds = array<i64: 2000, 16>}, {transform_indices = @transform_4, window_bounds = array<i64: 2000, 16>}, {pipeline_mode = #tpu.pipeline_mode<synchronous>, transform_indices = @transform_5, window_bounds = array<i64: 1, 64>}, {transform_indices = @transform_6, window_bounds = array<i64: 2000, 64>}]} {
    %get3A = arith.constant 0 : index
    %get3A_0 = arith.constant 0 : index
    %get3A_1 = vector.load %arg4[%get3A, %get3A_0] : memref<2000x16xf32, #tpu.memory_space<vmem>>, vector<2000x1xf32>
    %get3A_2 = arith.constant 0 : index
    %get3A_3 = arith.constant 0 : index
    %get3A_4 = vector.load %arg5[%get3A_2, %get3A_3] : memref<2000x16xf32, #tpu.memory_space<vmem>>, vector<2000x1xf32>
    %add3A = arith.addf %get3A_1, %get3A_4 : vector<2000x1xf32>
    %add3A_5 = arith.constant 1.000000e+00 : f32
    %add3A_6 = vector.broadcast %add3A_5 : f32 to vector<2000x1xf32>
    %add3A_7 = arith.addf %add3A, %add3A_6 : vector<2000x1xf32>
    %rsqrt3A = math.rsqrt %add3A_7 : vector<2000x1xf32>
    %get3A_8 = arith.constant 0 : index
    %get3A_9 = arith.constant 0 : index
    %get3A_10 = vector.load %arg1[%get3A_8, %get3A_9] : memref<2000x64xf32, #tpu.memory_space<vmem>>, vector<2000x64xf32>
    %get3A_11 = arith.constant 0 : index
    %get3A_12 = arith.constant 0 : index
    %get3A_13 = vector.load %arg2[%get3A_11, %get3A_12] : memref<2000x64xf32, #tpu.memory_space<vmem>>, vector<2000x64xf32>
    %add3A_14 = arith.addf %get3A_10, %get3A_13 : vector<2000x64xf32>
    %get3A_15 = arith.constant 0 : index
    %get3A_16 = arith.constant 0 : index
    %get3A_17 = vector.load %arg3[%get3A_15, %get3A_16] : memref<2000x64xf32, #tpu.memory_space<vmem>>, vector<2000x64xf32>
    %add3A_18 = arith.addf %add3A_14, %get3A_17 : vector<2000x64xf32>
    %mul3A = vector.broadcast %rsqrt3A : vector<2000x1xf32> to vector<2000x64xf32>
    %mul3A_19 = arith.mulf %add3A_18, %mul3A : vector<2000x64xf32>
    %get3A_20 = arith.constant 0 : index
    %get3A_21 = arith.constant 0 : index
    %get3A_22 = vector.load %arg6[%get3A_20, %get3A_21] : memref<1x64xf32, #tpu.memory_space<vmem>>, vector<1x64xf32>
    %add3A_23 = vector.broadcast %get3A_22 : vector<1x64xf32> to vector<2000x64xf32>
    %add3A_24 = arith.addf %mul3A_19, %add3A_23 : vector<2000x64xf32>
    %swap3A = arith.constant 0 : index
    %swap3A_25 = arith.constant 0 : index
    %swap3A_26 = vector.load %arg7[%swap3A, %swap3A_25] : memref<2000x64xf32, #tpu.memory_space<vmem>>, vector<2000x64xf32>
    tpu.vector_store %arg7[%swap3A, %swap3A_25], %add3A_24 {strides = array<i32>} : memref<2000x64xf32, #tpu.memory_space<vmem>>, vector<2000x64xf32>,
    return
  }
  func.func @transform_0(%arg0: i32) -> (i32, i32) {
    %c0_i32 = arith.constant 0 : i32
    %c0_i32_0 = arith.constant 0 : i32
    return %arg0, %c0_i32 : i32, i32
  }
  func.func @transform_1(%arg0: i32) -> (i32, i32) {
    %add3A = arith.constant 5 : i32
    %add3A_0 = arith.addi %arg0, %add3A : i32
    %c0_i32 = arith.constant 0 : i32
    %c0_i32_1 = arith.constant 0 : i32
    return %add3A_0, %c0_i32 : i32, i32
  }
  func.func @transform_2(%arg0: i32) -> (i32, i32) {
    %c0_i32 = arith.constant 0 : i32
    %c0_i32_0 = arith.constant 0 : i32
    return %arg0, %c0_i32 : i32, i32
  }
  func.func @transform_3(%arg0: i32) -> (i32, i32) {
    %c0_i32 = arith.constant 0 : i32
    %c0_i32_0 = arith.constant 0 : i32
    return %arg0, %c0_i32 : i32, i32
  }
  func.func @transform_4(%arg0: i32) -> (i32, i32) {
    %add3A = arith.constant 5 : i32
    %add3A_0 = arith.addi %arg0, %add3A : i32
    %c0_i32 = arith.constant 0 : i32
    %c0_i32_1 = arith.constant 0 : i32
    return %add3A_0, %c0_i32 : i32, i32
  }
  func.func @transform_5(%arg0: i32) -> (i32, i32) {
    %c0_i32 = arith.constant 0 : i32
    %c0_i32_0 = arith.constant 0 : i32
    %c0_i32_1 = arith.constant 0 : i32
    return %c0_i32, %c0_i32_0 : i32, i32
  }
  func.func @transform_6(%arg0: i32) -> (i32, i32) {
    %c0_i32 = arith.constant 0 : i32
    %c0_i32_0 = arith.constant 0 : i32
    return %arg0, %c0_i32 : i32, i32
  }
}

</mosaic_0001>

<sc_bundles>
// kernel: kernel.10.cloned.1.call-start
scs
__scs_entry_jumppad:
0x0: {  	(pc) =	sbr.rel $0x88, $3  }
0x1: {  	(tag) =	ssettag $0x0;
	lr =	simm.s32 $0x1  }
0x2: {  	[smem:$0x3F99] =	sst lr;
	_ =	strace $0xD0000000  }
0x3: {  	_ = 	snop  }
0x4: {  	_ = 	snop  }
0x5: {  	_ = 	snop  }
0x6: {  	_ = 	snop  }
0x7: {  	_ = 	snop  }
__scs_overlays_trampoline_lowered:
0x8: {  	[smem:$0x3FA8] =	sst s0  }
0x9: {  	[smem:$0x3FA9] =	sst s1  }
0xa: {  	[smem:$0x3FAA] =	sst s2  }
0xb: {  	[smem:$0x3FAB] =	sst s3  }
0xc: {  	[smem:$0x3FAC] =	sst s4  }
0xd: {  	[smem:$0x3FAD] =	sst s5  }
0xe: {  	[smem:$0x3FAE] =	sst s6  }
0xf: {  	[smem:$0x3FAF] =	sst s7  }
0x10: {  	[smem:$0x3FB0] =	sst s8  }
0x11: {  	[smem:$0x3FB1] =	sst s9;
	s0 =	simm.s32 @!p0 $0x0  }
0x12: {  	s1 =	sld [smem:$0x3F97];
	s0 =	simm.s32 @p0 $0x1  }
0x13: {  	[smem:$0x3FB2] =	sst s0;
	s0 =	simm.s32 @!p1 $0x0  }
0x14: {  	s2 =	sld [smem:$0x3F96];
	s0 =	simm.s32 @p1 $0x1  }
0x15: {  	[smem:$0x3FB3] =	sst s0;
	s0 =	simm.s32 @!p2 $0x0  }
0x16: {  	s3 =	sld [smem:$0x3FDB];
	s0 =	simm.s32 @p2 $0x1  }
0x17: {  	s4 =	simm.s32 $0x1BF5;
	[smem:$0x3FB5] =	sst s0  }
0x18: {  	s0 =	sld [smem:$0x3F98];
	_ =	swait.ge [sflag:s4], $0x0  }
0x19: {  	s7 =	sld [smem:$0x3F99]  }
0x1a: {  	s8 =	sadd.s32 $0xFFFFE003, lr  }
0x1b: {  	s9 =	sadd.s32 $0xFFFFFEF7, lr;
	s5 =	simm.s32 $0xFFFFFFFF;
	p2 =	slt.u32 s8, $0xFFFFF086  }
0x1c: {  	p1 =	slt.u32 s9, $0xF7A;
	s5 =	simm.s32 @!p2 $0x0  }
0x1d: {  	s5 =	simm.s32 @p1 $0x1;
	p0 =	seq.s32 s7, s2  }
0x1e: {  	s7 =	smul.u32 @!p0 $0xF7A, s2;
	p2 =	seq.s32 @!p0 s5, $0x0  }
0x1f: {  	s9 =	smul.u32 $0xF7A, s1;
	s8 =	simm.s32 @!p0 $0x1BF5;
	p2 =	por !p2, p0  }
0x20: {  	[sflag:s8] =	ssyncset.s32 @!p0 $0xFFFFF086;
	s6 =	sadd.s32 @!p0 s3, s7;
	s7 =	simm.s32 @!p0 $0x108  }
0x21: {  	s3 =	sadd.s32 s3, s9;
	s6 =	sadd.s32 @!p0 $0x88, s6;
	s7 =	simm.s32 @p2 $0x1082  }
0x22: {  	[simem:s7], [sflag:s8] =	dma.local @!p0 [hbm:s6], $0xF7A  }
0x23: {  	s9 =	sor.u32 $0xD0000000, s2;
	s6 =	simm.s32 $0x108;
	_ =	swait.ge @!p0 [sflag:s8], $0x0  }
0x24: {  	s3 =	sadd.s32 $0x88, s3;
	s6 =	simm.s32 @!p1 $0x1082;
	[sflag:s4] =	ssyncset.s32 $0xFFFFF086  }
0x25: {  	[simem:s6], [sflag:s4] =	dma.local [hbm:s3], $0xF7A  }
0x26: {  	[smem:$0x3F99] =	sst s1;
	(tag) =	ssettag s2;
	_ =	strace s9  }
0x27: {  	s1 =	sld [smem:$0x3FA9]  }
0x28: {  	s2 =	sld [smem:$0x3FAA]  }
0x29: {  	s4 =	sld [smem:$0x3FAC]  }
0x2a: {  	p0 =	seq.s32 s5, $0x0;
	s5 =	sld [smem:$0x3FAD]  }
0x2b: {  	s6 =	sld [smem:$0x3FAE]  }
0x2c: {  	s7 =	sld [smem:$0x3FAF]  }
0x2d: {  	s3 =	simm.s32 $0x108;
	s8 =	sld [smem:$0x3FB0]  }
0x2e: {  	s3 =	simm.s32 @!p0 $0x1082;
	s9 =	sld [smem:$0x3FB1]  }
0x2f: {  	lr =	sadd.s32 s0, s3;
	s0 =	sld [smem:$0x3FA8]  }
0x30: {  	s3 =	sld [smem:$0x3FAB]  }
0x31: {  	[smem:$0x3FB4] =	sst s10  }
0x32: {  	s10 =	sld [smem:$0x3FB2];
	_ =	sdelay $0x3  }
0x33: {  	p0 =	seq.s32 s10, $0x1;
	s10 =	sld [smem:$0x3FB4];
	_ =	sdelay $0x3  }
0x34: {  	[smem:$0x3FB4] =	sst s10  }
0x35: {  	s10 =	sld [smem:$0x3FB3];
	_ =	sdelay $0x3  }
0x36: {  	p1 =	seq.s32 s10, $0x1;
	s10 =	sld [smem:$0x3FB4];
	_ =	sdelay $0x3  }
0x37: {  	[smem:$0x3FB4] =	sst s10  }
0x38: {  	s10 =	sld [smem:$0x3FB5]  }
0x39: {  	_ = 	snop;
	(pc) =	sbr.ind lr, $3  }
0x3a: {  	_ = 	snop  }
0x3b: {  	_ = 	snop  }
0x3c: {  	p2 =	seq.s32 s10, $0x1;
	s10 =	sld [smem:$0x3FB4]  }
0x3d: {  	_ =	shalt  }
0x3e: {  	_ =	shalt  }
0x3f: {  	_ =	shalt  }
0x40: {  	_ =	shalt  }
0x41: {  	_ =	shalt  }
0x42: {  	_ =	shalt  }
0x43: {  	_ =	shalt  }
0x44: {  	_ =	shalt  }
0x45: {  	_ =	shalt  }
0x46: {  	_ =	shalt  }
0x47: {  	_ =	shalt  }
0x48: {  	_ =	shalt  }
0x49: {  	_ =	shalt  }
0x4a: {  	_ =	shalt  }
0x4b: {  	_ =	shalt  }
0x4c: {  	_ =	shalt  }
0x4d: {  	_ =	shalt  }
0x4e: {  	_ =	shalt  }
0x4f: {  	_ =	shalt  }
0x50: {  	_ =	shalt  }
0x51: {  	_ =	shalt  }
0x52: {  	_ =	shalt  }
0x53: {  	_ =	shalt  }
0x54: {  	_ =	shalt  }
0x55: {  	_ =	shalt  }
0x56: {  	_ =	shalt  }
0x57: {  	_ =	shalt  }
0x58: {  	_ =	shalt  }
0x59: {  	_ =	shalt  }
0x5a: {  	_ =	shalt  }
0x5b: {  	_ =	shalt  }
0x5c: {  	_ =	shalt  }
0x5d: {  	_ =	shalt  }
0x5e: {  	_ =	shalt  }
0x5f: {  	_ =	shalt  }
0x60: {  	_ =	shalt  }
0x61: {  	_ =	shalt  }
0x62: {  	_ =	shalt  }
0x63: {  	_ =	shalt  }
0x64: {  	_ =	shalt  }
0x65: {  	_ =	shalt  }
0x66: {  	_ =	shalt  }
0x67: {  	_ =	shalt  }
0x68: {  	_ =	shalt  }
0x69: {  	_ =	shalt  }
0x6a: {  	_ =	shalt  }
0x6b: {  	_ =	shalt  }
0x6c: {  	_ =	shalt  }
0x6d: {  	_ =	shalt  }
0x6e: {  	_ =	shalt  }
0x6f: {  	_ =	shalt  }
0x70: {  	_ =	shalt  }
0x71: {  	_ =	shalt  }
0x72: {  	_ =	shalt  }
0x73: {  	_ =	shalt  }
0x74: {  	_ =	shalt  }
0x75: {  	_ =	shalt  }
0x76: {  	_ =	shalt  }
0x77: {  	_ =	shalt  }
0x78: {  	_ =	shalt  }
0x79: {  	_ =	shalt  }
0x7a: {  	_ =	shalt  }
0x7b: {  	_ =	shalt  }
0x7c: {  	_ =	shalt  }
0x7d: {  	_ =	shalt  }
0x7e: {  	_ =	shalt  }
0x7f: {  	_ =	shalt  }
0x80: {  	_ =	shalt  }
0x81: {  	_ =	shalt  }
0x82: {  	_ =	shalt  }
0x83: {  	_ =	shalt  }
0x84: {  	_ =	shalt  }
0x85: {  	_ =	shalt  }
0x86: {  	_ =	shalt  }
0x87: {  	_ =	shalt  }
.Lfunc_end0:
.L_simem_size_0:
called_computation_lowered:
.L_overlay_start_0:
0x88: {  	s2 =	sld [smem:$0x3FD9]  }
0x89: {  	s3 =	sld [smem:$0x3FFE];
	_ =	sdelay $0x1  }
0x8a: {  	s1 =	srdreg.scid  }
0x8b: {  	s0 =	sand.u32 $0x1, s1  }
0x8c: {  	s17 =	sshll.u32 s0, $0xA;
	s2 =	sadd.s32 s3, s2  }
0x8d: {  	s2 =	sadd.s32 s2, s17  }
0x8e: {  	[smem:$0x3FC0] =	sst s2  }
0x8f: {  	_ = 	snop  }
0x90: {  	s2 =	sld [smem:$0x3FD0];
	(tm) =	ssettm $0x1  }
0x91: {  	s18 =	sld [smem:$0x3FFB];
	_ =	sdelay $0x3  }
0x92: {  	_ =	strace s18  }
0x93: {  	s3 =	sld [smem:$0x3FFC];
	_ =	sdelay $0x3  }
0x94: {  	_ =	strace s3  }
0x95: {  	s3 =	sld [smem:$0x3FFD];
	_ =	sdelay $0x3  }
0x96: {  	_ =	strace s3  }
0x97: {  	_ =	strace $0x8FFFFFFF  }
0x98: {  	s19 =	sld [smem:$0x3FDB];
	_ =	sdelay $0x1  }
0x99: {  	s4 =	simm.s32 $_scs_section_size  }
0x9a: {  	s5 =	simm.s32 $_size__tile_overlayer_lowered;
	s6 =	simm.s32 $_tile_overlayer_lowered  }
0x9b: {  	s22 =	simm.s32 $0x1BFF;
	s21 =	sshll.u32 s6, $0x1;
	s3 =	sadd.s32 s4, s19  }
0x9c: {  	s7 =	simm.s32 $0x0;
	s20 =	sshll.u32 s5, $0x1;
	s5 =	sadd.s32 s21, s3  }
0x9d: {  	[timem:s7], [sflag:s22] =	dma.local [hbm:s5], s20  }
0x9e: {  	_ =	swait.ge [sflag:s22], s20  }
0x9f: {  	s4 =	ssub.s32 $0x0, s20;
	[sflag:s22] =	ssyncset.done $0x0  }
0xa0: {  	[sflag:s22] =	ssyncadd.s32 s4;
	_ =	sdelay $0x1  }
0xa1: {  	s23 =	simm.s32 $0x1B8B  }
0xa2: {  	_ =	swait.ge [sflag:s23], $0x1  }
0xa3: {  	[sflag:s23] =	ssyncset.done $0x0  }
0xa4: {  	s25 =	simm.s32 $0x1B8E;
	s24 =	sld [smem:$0x3FFE];
	[sflag:s23] =	ssyncadd.s32 $0xFFFFFFFF  }
0xa5: {  	s26 =	simm.s32 $execute0_lowered;
	[smem:$0x3FD2] =	sst s25  }
0xa6: {  	s5 =	sshll.u32 s26, $0x1;
	_ =	strace $0x80000046;
	[dreg:$0x1] =	wrdreg $0xFFFFFFFF  }
0xa7: {  	s28 =	simm.s32 $_size_execute0_lowered;
	s3 =	sadd.s32 s3, s5;
	[dreg:$0x0] =	wrdreg $0x0  }
0xa8: {  	s5 =	sshll.u32 s28, $0x1;
	[dreg:$0x2] =	wrdreg s3  }
0xa9: {  	[dreg:$0x3] =	wrdreg s5  }
0xaa: {  	[dreg:$0x4] =	wrdreg $0xC0  }
0xab: {  	_ =	task [dreg:s7], $0x5FFFF  }
0xac: {  	[dreg:$0x1] =	wrdreg $0xFFFFFFFF  }
0xad: {  	[dreg:$0x0] =	wrdreg $0x60  }
0xae: {  	[dreg:$0x2] =	wrdreg s24  }
0xaf: {  	[dreg:$0x3] =	wrdreg s2  }
0xb0: {  	[dreg:$0x4] =	wrdreg $0x37A00  }
0xb1: {  	[dreg:$0x5] =	wrdreg $0x9  }
0xb2: {  	_ =	task.clear_ibuf [dreg:s7], $0x6FFFF;
	_ =	strace $0x90000046  }
0xb3: {  	s29 =	simm.s32 $0x9;
	_ =	strace $0x80000048  }
0xb4: {  	_ =	swait.ge [sflag:s29], $0x1  }
0xb5: {  	[sflag:s29] =	ssyncadd.s32 $0xFFFFFFFF  }
0xb6: {  	_ =	strace $0x90000048  }
0xb7: {  	_ =	sfence  }
0xb8: {  	s30 =	sld [smem:$0x0];
	_ =	sdelay $0x2  }
0xb9: {  	s31 =	sshll.u32 s1, $0xD;
	s1 =	sshrl.u32 s1, $0x2  }
0xba: {  	s3 =	sand.u32 $0x4000, s31;
	s1 =	sadd.s32 s1, s30  }
0xbb: {  	s0 =	sor.u32 s3, s0;
	s1 =	sshll.u32 s1, $0x11  }
0xbc: {  	s0 =	sor.u32 s1, s0  }
0xbd: {  	s0 =	sadd.s32 $0x8F2B, s0  }
0xbe: {  	[sflag:s0] =	ssyncadd.remote.s32 $0x1  }
0xbf: {  	_ =	sfence.sel $0xFFFF  }
0xc0: {  	[dreg:$0x0] =	wrdreg $0xFFFFFFFF;
	(pc) =	sbr.abs _section_cstart, $3  }
0xc1: {  	[dreg:$0x1] =	wrdreg $0xFFFFFFFF  }
0xc2: {  	_ =	task.clear_ibuf [dreg:s7], $0x2FFFF;
	_ =	strace $0x9FFFFFFF  }
0xc3: {  	(tm) =	ssettm $0x7FFFFFFF  }
tec
execute0_lowered:
.L_overlay_start_1:
0x0: {  	(tag) =	ssettag $0x1  }
0x1: {  	s4 =	rddreg [dreg:$0x0]  }
0x2: {  	s10 =	rddreg [dreg:$0x1];
	s0 =	srdreg.scid  }
0x3: {  	s2 =	rddreg [dreg:$0x2];
	s1 =	stileid.u32  }
0x4: {  	s3 =	simm.s32 $0x0;
	s13 =	simm.s32 $0x3;
	s14 =	simm.s32 $0x2  }
0x5: {  	s15 =	simm.s32 $0x7D;
	s16 =	simm.s32 $0x2800;
	s17 =	simm.s32 $0x1  }
0x6: {  	s20 =	simm.s32 $0x0;
	s5 =	sand.u32 $0x1, s0;
	s0 =	rddreg [dreg:$0x3]  }
0x7: {  	s31 =	smul.u32 $0x9C40, s1;
	[smem:$0x7FF] =	sst s3;
	s6 =	sshll.u32 s5, $0x4  }
0x8: {  	s18 =	sshll.u32 s1, $0x6;
	s5 =	ssub.s32 $0x2, s5;
	s7 =	sor.u32 s1, s6  }
0x9: {  	_ =	strace $0x80000047;
	s9 =	sshrl.u32 s5, $0x1;
	s8 =	smul.u32 $0x500, s7  }
0xa: {  	s18 =	sor.u32 $0x1C03, s18;
	s11 =	ssub.s32 s5, s9;
	s12 =	smul.u32 $0x4E2, s7  }
0xb: {  	s6 =	sshrl.u32 s31, $0x2;
	s11 =	smax.u32 s11, $0x1;
	s8 =	sadd.s32 s8, s4  }
0xc: {  	s4 =	sadd.s32 s6, s2;
	s10 =	sadd.s32 s10, s12;
	s12 =	simm.s32 $0x2FD0  }
0xd: {  	s5 =	sadd.s32 $0x1E00, s8;
	s6 =	sadd.s32 $0x7D0, s4;
	s7 =	sadd.s32 $0xFA0, s4  }
0xe: {  	v0 =	vimm.f32 $1.000000000e+00;
	v1 =	vimm.f32 $0.0e+00;
	s8 =	sadd.s32 $0x1770, s4;
	s9 =	sadd.s32 $0x1F40, s4;
	s19 =	sshrl.u32 s4, $0x3  }
.LBB2_1:
0xf: {  	[tilespmem:s3], [sflag:$0x2] =	stream.linear.gather [hbm4b:s5+s3], $0x2800, $0x38;
	[tilespmem:$0x5EC0] =	vst v63  }
0x10: {  	s21 =	simm.s32 $0x0  }
.LBB2_2:
0x11: {  	p0 =	sne.s32 s21, $0x1F00  }
.Ltmp0:
0x12: {  	_ = 	snop;
	(pc) =	sbr.rel @p0 .LBB2_2-.Ltmp0, $3  }
0x13: {  	_ =	sdelay $0x1  }
0x14: {  	s22 =	sshra.s32 s21, $0x2  }
0x15: {  	s21 =	sadd.s32 $0x40, s21;
	[tilespmem:s22+$0x2800] =	vst v0  }
0x16: {  	s21 =	simm.s32 $0x40;
	s22 =	simm.s32 $0x0  }
.LBB2_4:
0x17: {  	p0 =	sne.s32 s21, $0x1F00;
	[tilespmem:s22+$0x2FD0] =	vst v1;
	s22 =	smov.u32 s21;
	s21 =	sadd.s32 $0x40, s21  }
.Ltmp1:
0x18: {  	(pc) =	sbr.rel @p0 .LBB2_4-.Ltmp1, $2  }
0x19: {  	_ =	sdelay $0x2  }
0x1a: {  	s22 =	sshra.s32 s22, $0x2  }
0x1b: {  	[tilespmem:s22+$0x2FD0] =	vst v1  }
0x1c: {  	[spmem:s4] =	stream.linear.scatter [tilespmem:s12], [sflag:$0x3], $0x7D0, $0x38;
	[tilespmem:$0x5EC0] =	vst v63  }
0x1d: {  	_ =	swait.ge [sflag:s13], $0x7D0  }
0x1e: {  	[sflag:s13] =	ssyncset.done $0x0  }
0x1f: {  	[sflag:s13] =	ssyncadd.s32 $0xFFFFF830  }
0x20: {  	[spmem:s6] =	stream.linear.scatter [tilespmem:s12], [sflag:$0x3], $0x7D0, $0x38;
	[tilespmem:$0x5EC0] =	vst v63  }
0x21: {  	_ =	swait.ge [sflag:s13], $0x7D0  }
0x22: {  	[sflag:s13] =	ssyncset.done $0x0  }
0x23: {  	[sflag:s13] =	ssyncadd.s32 $0xFFFFF830  }
0x24: {  	[spmem:s7] =	stream.linear.scatter [tilespmem:s12], [sflag:$0x3], $0x7D0, $0x38;
	[tilespmem:$0x5EC0] =	vst v63  }
0x25: {  	_ =	swait.ge [sflag:s13], $0x7D0  }
0x26: {  	[sflag:s13] =	ssyncset.done $0x0  }
0x27: {  	[sflag:s13] =	ssyncadd.s32 $0xFFFFF830  }
0x28: {  	[spmem:s8] =	stream.linear.scatter [tilespmem:s12], [sflag:$0x3], $0x7D0, $0x38;
	[tilespmem:$0x5EC0] =	vst v63  }
0x29: {  	_ =	swait.ge [sflag:s13], $0x7D0  }
0x2a: {  	[sflag:s13] =	ssyncset.done $0x0  }
0x2b: {  	[sflag:s13] =	ssyncadd.s32 $0xFFFFF830  }
0x2c: {  	[spmem:s9] =	stream.linear.scatter [tilespmem:s12], [sflag:$0x3], $0x7D0, $0x38;
	[tilespmem:$0x5EC0] =	vst v63  }
0x2d: {  	_ =	swait.ge [sflag:s13], $0x7D0  }
0x2e: {  	[sflag:s13] =	ssyncset.done $0x0  }
0x2f: {  	[sflag:s13] =	ssyncadd.s32 $0xFFFFF830  }
0x30: {  	_ =	swait.ge [sflag:s14], $0x2800  }
0x31: {  	[sflag:s14] =	ssyncset.done $0x0  }
0x32: {  	p0 =	por $0x1, $0x1;
	[sflag:s14] =	ssyncadd.s32 $0xFFFFD800  }
0x33: {  	s21 =	simm.s32 $0x0;
	s23 =	simm.s32 @!p0 $0x1;
	[bflag:$0x0] =	sbarrier.arrive $0xFFFF  }
0x34: {  	[spmem:s2] =	stream.indirect.scatter.add.f32 [tilespmem:s16], [sflag:$0x1], $0x10, s21, s15, $0xb8;
	[tilespmem:$0x5EC0] =	vst v63  }
0x35: {  	_ =	swait.ge @!p0 [sflag:s23], $0x7D0  }
0x36: {  	s22 =	simm.s32 $0x1;
	[sflag:s23] =	ssyncset.done @!p0 $0x0  }
.LBB2_6:
0x37: {  	[sflag:s23] =	ssyncadd.s32 @!p0 $0xFFFFF830  }
0x38: {  	s21 =	sadd.s32 $0x80, s21;
	s23 =	smov.u32 s22;
	s22 =	sadd.s32 $0x1, s22  }
0x39: {  	p1 =	sne.s32 s22, $0x50  }
0x3a: {  	[spmem:s2] =	stream.indirect.scatter.add.f32 [tilespmem:s16], [sflag:$0x1], $0x10, s21, s15, $0xb8;
	[tilespmem:$0x5EC0] =	vst v63  }
.Ltmp2:
0x3b: {  	_ = 	snop;
	(pc) =	sbr.rel @p1 .LBB2_6-.Ltmp2, $4  }
0x3c: {  	p0 =	slt.u32 s23, $0x8  }
0x3d: {  	s23 =	simm.s32 @!p0 $0x1  }
0x3e: {  	_ =	swait.ge @!p0 [sflag:s23], $0x7D0  }
0x3f: {  	[sflag:s23] =	ssyncset.done @!p0 $0x0  }
0x40: {  	[sflag:s23] =	ssyncadd.s32 @!p0 $0xFFFFF830  }
0x41: {  	_ =	swait.ge [sflag:s17], $0x7D0  }
0x42: {  	[sflag:s17] =	ssyncset.done $0x0  }
0x43: {  	[sflag:s17] =	ssyncadd.s32 $0xFFFFF830  }
0x44: {  	_ =	swait.ge [sflag:s17], $0x7D0  }
0x45: {  	[sflag:s17] =	ssyncset.done $0x0  }
0x46: {  	[sflag:s17] =	ssyncadd.s32 $0xFFFFF830  }
0x47: {  	_ =	swait.ge [sflag:s17], $0x7D0  }
0x48: {  	[sflag:s17] =	ssyncset.done $0x0  }
0x49: {  	[sflag:s17] =	ssyncadd.s32 $0xFFFFF830  }
0x4a: {  	_ =	swait.ge [sflag:s17], $0x7D0  }
0x4b: {  	[sflag:s17] =	ssyncset.done $0x0  }
0x4c: {  	[sflag:s17] =	ssyncadd.s32 $0xFFFFF830  }
0x4d: {  	_ =	swait.ge [sflag:s17], $0x7D0  }
0x4e: {  	[sflag:s17] =	ssyncset.done $0x0  }
0x4f: {  	[sflag:s17] =	ssyncadd.s32 $0xFFFFF830  }
0x50: {  	_ =	swait.ge [sflag:s17], $0x7D0  }
0x51: {  	[sflag:s17] =	ssyncset.done $0x0  }
0x52: {  	[sflag:s17] =	ssyncadd.s32 $0xFFFFF830  }
0x53: {  	_ =	swait.ge [sflag:s17], $0x7D0  }
0x54: {  	[sflag:s17] =	ssyncset.done $0x0  }
0x55: {  	[sflag:s17] =	ssyncadd.s32 $0xFFFFF830  }
0x56: {  	_ =	swait.ge [sflag:s17], $0x7D0  }
0x57: {  	s20 =	sadd.s32 $0x1, s20;
	[sflag:s17] =	ssyncset.done $0x0  }
0x58: {  	p0 =	sne.s32 s20, s11;
	[sflag:s17] =	ssyncadd.s32 $0xFFFFF830  }
.Ltmp3:
0x59: {  	[bflag:$0x0] =	sbarrier.arrive $0xFFFF;
	(pc) =	sbr.rel @p0 .LBB2_1-.Ltmp3, $4  }
0x5a: {  	[hbm:s10], [sflag:s18] =	dma.local [spmem:s19], $0x4E2  }
0x5b: {  	_ =	swait.ge [sflag:s13], $0x4E2  }
0x5c: {  	[sflag:s13] =	ssyncset.done $0x0  }
0x5d: {  	[sflag:s13] =	ssyncadd.s32 $0xFFFFFB1E  }
0x5e: {  	_ =	sfence.sel $0x180000  }
0x5f: {  	[bflag:$0x0] =	sbarrier.arrive $0xFFFF  }
0x60: {  	p0 =	sne.s32 s1, $0x0;
	_ =	strace $0x90000047  }
0x61: {  	s0 =	sadd.s32 @!p0 $0x100000, s0;
	[bflag:$0x2] =	sbarrier.arrive $0xFFFF  }
0x62: {  	[sflag:s0] =	ssyncadd.tile.s32 @!p0 $0x1;
	_ =	shalt  }
.Lfunc_end2:
_tile_overlayer_lowered:
.L_overlay_start_2:
0x63: {  	(tag) =	ssettag $0x2  }
0x64: {  	s0 =	rddreg [dreg:$0x0];
	s2 =	stileid.u32  }
0x65: {  	s1 =	rddreg [dreg:$0x1];
	p0 =	sne.s32 s2, $0x0  }
0x66: {  	s3 =	rddreg [dreg:$0x2];
	[bflag:$0x3] =	sbarrier.arrive $0xFFFF;
	s2 =	simm.s32 @!p0 $0x1C03  }
0x67: {  	[timem:s3], [sflag:s2] =	dma.local @!p0 [hbm:s0], s1  }
0x68: {  	s0 =	simm.s32 @!p0 $0x3  }
0x69: {  	_ =	swait.ge @!p0 [sflag:s0], s1  }
0x6a: {  	s1 =	ssub.s32 @!p0 $0x0, s1;
	[sflag:s0] =	ssyncset.done @!p0 $0x0  }
0x6b: {  	[sflag:s0] =	ssyncadd.s32 @!p0 s1  }
0x6c: {  	[bflag:$0x3] =	sbarrier.arrive $0xFFFF  }
0x6d: {  	_ =	shalt  }

// kernel: kernel.13.cloned.1.call-start
scs
__scs_entry_jumppad:
0x0: {  	(pc) =	sbr.rel $0x88, $3  }
0x1: {  	(tag) =	ssettag $0x0;
	lr =	simm.s32 $0x1  }
0x2: {  	[smem:$0x3F99] =	sst lr;
	_ =	strace $0xD0000000  }
0x3: {  	_ = 	snop  }
0x4: {  	_ = 	snop  }
0x5: {  	_ = 	snop  }
0x6: {  	_ = 	snop  }
0x7: {  	_ = 	snop  }
__scs_overlays_trampoline_lowered:
0x8: {  	[smem:$0x3FA8] =	sst s0  }
0x9: {  	[smem:$0x3FA9] =	sst s1  }
0xa: {  	[smem:$0x3FAA] =	sst s2  }
0xb: {  	[smem:$0x3FAB] =	sst s3  }
0xc: {  	[smem:$0x3FAC] =	sst s4  }
0xd: {  	[smem:$0x3FAD] =	sst s5  }
0xe: {  	[smem:$0x3FAE] =	sst s6  }
0xf: {  	[smem:$0x3FAF] =	sst s7  }
0x10: {  	[smem:$0x3FB0] =	sst s8  }
0x11: {  	[smem:$0x3FB1] =	sst s9;
	s0 =	simm.s32 @!p0 $0x0  }
0x12: {  	s1 =	sld [smem:$0x3F97];
	s0 =	simm.s32 @p0 $0x1  }
0x13: {  	[smem:$0x3FB2] =	sst s0;
	s0 =	simm.s32 @!p1 $0x0  }
0x14: {  	s2 =	sld [smem:$0x3F96];
	s0 =	simm.s32 @p1 $0x1  }
0x15: {  	[smem:$0x3FB3] =	sst s0;
	s0 =	simm.s32 @!p2 $0x0  }
0x16: {  	s3 =	sld [smem:$0x3FDB];
	s0 =	simm.s32 @p2 $0x1  }
0x17: {  	s4 =	simm.s32 $0x1BF5;
	[smem:$0x3FB5] =	sst s0  }
0x18: {  	s0 =	sld [smem:$0x3F98];
	_ =	swait.ge [sflag:s4], $0x0  }
0x19: {  	s7 =	sld [smem:$0x3F99]  }
0x1a: {  	s8 =	sadd.s32 $0xFFFFE003, lr  }
0x1b: {  	s9 =	sadd.s32 $0xFFFFFEF7, lr;
	s5 =	simm.s32 $0xFFFFFFFF;
	p2 =	slt.u32 s8, $0xFFFFF086  }
0x1c: {  	p1 =	slt.u32 s9, $0xF7A;
	s5 =	simm.s32 @!p2 $0x0  }
0x1d: {  	s5 =	simm.s32 @p1 $0x1;
	p0 =	seq.s32 s7, s2  }
0x1e: {  	s7 =	smul.u32 @!p0 $0xF7A, s2;
	p2 =	seq.s32 @!p0 s5, $0x0  }
0x1f: {  	s9 =	smul.u32 $0xF7A, s1;
	s8 =	simm.s32 @!p0 $0x1BF5;
	p2 =	por !p2, p0  }
0x20: {  	[sflag:s8] =	ssyncset.s32 @!p0 $0xFFFFF086;
	s6 =	sadd.s32 @!p0 s3, s7;
	s7 =	simm.s32 @!p0 $0x108  }
0x21: {  	s3 =	sadd.s32 s3, s9;
	s6 =	sadd.s32 @!p0 $0x88, s6;
	s7 =	simm.s32 @p2 $0x1082  }
0x22: {  	[simem:s7], [sflag:s8] =	dma.local @!p0 [hbm:s6], $0xF7A  }
0x23: {  	s9 =	sor.u32 $0xD0000000, s2;
	s6 =	simm.s32 $0x108;
	_ =	swait.ge @!p0 [sflag:s8], $0x0  }
0x24: {  	s3 =	sadd.s32 $0x88, s3;
	s6 =	simm.s32 @!p1 $0x1082;
	[sflag:s4] =	ssyncset.s32 $0xFFFFF086  }
0x25: {  	[simem:s6], [sflag:s4] =	dma.local [hbm:s3], $0xF7A  }
0x26: {  	[smem:$0x3F99] =	sst s1;
	(tag) =	ssettag s2;
	_ =	strace s9  }
0x27: {  	s1 =	sld [smem:$0x3FA9]  }
0x28: {  	s2 =	sld [smem:$0x3FAA]  }
0x29: {  	s4 =	sld [smem:$0x3FAC]  }
0x2a: {  	p0 =	seq.s32 s5, $0x0;
	s5 =	sld [smem:$0x3FAD]  }
0x2b: {  	s6 =	sld [smem:$0x3FAE]  }
0x2c: {  	s7 =	sld [smem:$0x3FAF]  }
0x2d: {  	s3 =	simm.s32 $0x108;
	s8 =	sld [smem:$0x3FB0]  }
0x2e: {  	s3 =	simm.s32 @!p0 $0x1082;
	s9 =	sld [smem:$0x3FB1]  }
0x2f: {  	lr =	sadd.s32 s0, s3;
	s0 =	sld [smem:$0x3FA8]  }
0x30: {  	s3 =	sld [smem:$0x3FAB]  }
0x31: {  	[smem:$0x3FB4] =	sst s10  }
0x32: {  	s10 =	sld [smem:$0x3FB2];
	_ =	sdelay $0x3  }
0x33: {  	p0 =	seq.s32 s10, $0x1;
	s10 =	sld [smem:$0x3FB4];
	_ =	sdelay $0x3  }
0x34: {  	[smem:$0x3FB4] =	sst s10  }
0x35: {  	s10 =	sld [smem:$0x3FB3];
	_ =	sdelay $0x3  }
0x36: {  	p1 =	seq.s32 s10, $0x1;
	s10 =	sld [smem:$0x3FB4];
	_ =	sdelay $0x3  }
0x37: {  	[smem:$0x3FB4] =	sst s10  }
0x38: {  	s10 =	sld [smem:$0x3FB5]  }
0x39: {  	_ = 	snop;
	(pc) =	sbr.ind lr, $3  }
0x3a: {  	_ = 	snop  }
0x3b: {  	_ = 	snop  }
0x3c: {  	p2 =	seq.s32 s10, $0x1;
	s10 =	sld [smem:$0x3FB4]  }
0x3d: {  	_ =	shalt  }
0x3e: {  	_ =	shalt  }
0x3f: {  	_ =	shalt  }
0x40: {  	_ =	shalt  }
0x41: {  	_ =	shalt  }
0x42: {  	_ =	shalt  }
0x43: {  	_ =	shalt  }
0x44: {  	_ =	shalt  }
0x45: {  	_ =	shalt  }
0x46: {  	_ =	shalt  }
0x47: {  	_ =	shalt  }
0x48: {  	_ =	shalt  }
0x49: {  	_ =	shalt  }
0x4a: {  	_ =	shalt  }
0x4b: {  	_ =	shalt  }
0x4c: {  	_ =	shalt  }
0x4d: {  	_ =	shalt  }
0x4e: {  	_ =	shalt  }
0x4f: {  	_ =	shalt  }
0x50: {  	_ =	shalt  }
0x51: {  	_ =	shalt  }
0x52: {  	_ =	shalt  }
0x53: {  	_ =	shalt  }
0x54: {  	_ =	shalt  }
0x55: {  	_ =	shalt  }
0x56: {  	_ =	shalt  }
0x57: {  	_ =	shalt  }
0x58: {  	_ =	shalt  }
0x59: {  	_ =	shalt  }
0x5a: {  	_ =	shalt  }
0x5b: {  	_ =	shalt  }
0x5c: {  	_ =	shalt  }
0x5d: {  	_ =	shalt  }
0x5e: {  	_ =	shalt  }
0x5f: {  	_ =	shalt  }
0x60: {  	_ =	shalt  }
0x61: {  	_ =	shalt  }
0x62: {  	_ =	shalt  }
0x63: {  	_ =	shalt  }
0x64: {  	_ =	shalt  }
0x65: {  	_ =	shalt  }
0x66: {  	_ =	shalt  }
0x67: {  	_ =	shalt  }
0x68: {  	_ =	shalt  }
0x69: {  	_ =	shalt  }
0x6a: {  	_ =	shalt  }
0x6b: {  	_ =	shalt  }
0x6c: {  	_ =	shalt  }
0x6d: {  	_ =	shalt  }
0x6e: {  	_ =	shalt  }
0x6f: {  	_ =	shalt  }
0x70: {  	_ =	shalt  }
0x71: {  	_ =	shalt  }
0x72: {  	_ =	shalt  }
0x73: {  	_ =	shalt  }
0x74: {  	_ =	shalt  }
0x75: {  	_ =	shalt  }
0x76: {  	_ =	shalt  }
0x77: {  	_ =	shalt  }
0x78: {  	_ =	shalt  }
0x79: {  	_ =	shalt  }
0x7a: {  	_ =	shalt  }
0x7b: {  	_ =	shalt  }
0x7c: {  	_ =	shalt  }
0x7d: {  	_ =	shalt  }
0x7e: {  	_ =	shalt  }
0x7f: {  	_ =	shalt  }
0x80: {  	_ =	shalt  }
0x81: {  	_ =	shalt  }
0x82: {  	_ =	shalt  }
0x83: {  	_ =	shalt  }
0x84: {  	_ =	shalt  }
0x85: {  	_ =	shalt  }
0x86: {  	_ =	shalt  }
0x87: {  	_ =	shalt  }
.Lfunc_end0:
.L_simem_size_0:
called_computation.1_lowered:
.L_overlay_start_0:
0x88: {  	s2 =	sld [smem:$0x3FD9]  }
0x89: {  	s3 =	sld [smem:$0x3FFE];
	_ =	sdelay $0x1  }
0x8a: {  	s1 =	srdreg.scid  }
0x8b: {  	s0 =	sand.u32 $0x1, s1  }
0x8c: {  	s17 =	sshll.u32 s0, $0xA;
	s2 =	sadd.s32 s3, s2  }
0x8d: {  	s2 =	sadd.s32 s2, s17  }
0x8e: {  	[smem:$0x3FC0] =	sst s2  }
0x8f: {  	_ = 	snop  }
0x90: {  	s2 =	sld [smem:$0x3FD0];
	(tm) =	ssettm $0x1  }
0x91: {  	s18 =	sld [smem:$0x3FFB];
	_ =	sdelay $0x3  }
0x92: {  	_ =	strace s18  }
0x93: {  	s3 =	sld [smem:$0x3FFC];
	_ =	sdelay $0x3  }
0x94: {  	_ =	strace s3  }
0x95: {  	s3 =	sld [smem:$0x3FFD];
	_ =	sdelay $0x3  }
0x96: {  	_ =	strace s3  }
0x97: {  	_ =	strace $0x8FFFFFFF  }
0x98: {  	s19 =	sld [smem:$0x3FDB];
	_ =	sdelay $0x1  }
0x99: {  	s4 =	simm.s32 $_scs_section_size  }
0x9a: {  	s5 =	simm.s32 $_size__tile_overlayer_lowered;
	s6 =	simm.s32 $_tile_overlayer_lowered  }
0x9b: {  	s22 =	simm.s32 $0x1BFF;
	s21 =	sshll.u32 s6, $0x1;
	s3 =	sadd.s32 s4, s19  }
0x9c: {  	s7 =	simm.s32 $0x0;
	s20 =	sshll.u32 s5, $0x1;
	s5 =	sadd.s32 s21, s3  }
0x9d: {  	[timem:s7], [sflag:s22] =	dma.local [hbm:s5], s20  }
0x9e: {  	_ =	swait.ge [sflag:s22], s20  }
0x9f: {  	s4 =	ssub.s32 $0x0, s20;
	[sflag:s22] =	ssyncset.done $0x0  }
0xa0: {  	[sflag:s22] =	ssyncadd.s32 s4;
	_ =	sdelay $0x1  }
0xa1: {  	s23 =	simm.s32 $0x1B8B  }
0xa2: {  	_ =	swait.ge [sflag:s23], $0x1  }
0xa3: {  	[sflag:s23] =	ssyncset.done $0x0  }
0xa4: {  	s25 =	simm.s32 $0x1B8E;
	s24 =	sld [smem:$0x3FFE];
	[sflag:s23] =	ssyncadd.s32 $0xFFFFFFFF  }
0xa5: {  	s26 =	simm.s32 $execute0_lowered;
	[smem:$0x3FD2] =	sst s25  }
0xa6: {  	s5 =	sshll.u32 s26, $0x1;
	_ =	strace $0x80000049;
	[dreg:$0x1] =	wrdreg $0xFFFFFFFF  }
0xa7: {  	s28 =	simm.s32 $_size_execute0_lowered;
	s3 =	sadd.s32 s3, s5;
	[dreg:$0x0] =	wrdreg $0x0  }
0xa8: {  	s5 =	sshll.u32 s28, $0x1;
	[dreg:$0x2] =	wrdreg s3  }
0xa9: {  	[dreg:$0x3] =	wrdreg s5  }
0xaa: {  	[dreg:$0x4] =	wrdreg $0xC0  }
0xab: {  	_ =	task [dreg:s7], $0x5FFFF  }
0xac: {  	[dreg:$0x1] =	wrdreg $0xFFFFFFFF  }
0xad: {  	[dreg:$0x0] =	wrdreg $0x60  }
0xae: {  	[dreg:$0x2] =	wrdreg s24  }
0xaf: {  	[dreg:$0x3] =	wrdreg s2  }
0xb0: {  	[dreg:$0x4] =	wrdreg $0x14A000  }
0xb1: {  	[dreg:$0x5] =	wrdreg $0x9  }
0xb2: {  	_ =	task.clear_ibuf [dreg:s7], $0x6FFFF;
	_ =	strace $0x90000049  }
0xb3: {  	s29 =	simm.s32 $0x9;
	_ =	strace $0x8000004B  }
0xb4: {  	_ =	swait.ge [sflag:s29], $0x1  }
0xb5: {  	[sflag:s29] =	ssyncadd.s32 $0xFFFFFFFF  }
0xb6: {  	_ =	strace $0x9000004B  }
0xb7: {  	_ =	sfence  }
0xb8: {  	s30 =	sld [smem:$0x0];
	_ =	sdelay $0x2  }
0xb9: {  	s31 =	sshll.u32 s1, $0xD;
	s1 =	sshrl.u32 s1, $0x2  }
0xba: {  	s3 =	sand.u32 $0x4000, s31;
	s1 =	sadd.s32 s1, s30  }
0xbb: {  	s0 =	sor.u32 s3, s0;
	s1 =	sshll.u32 s1, $0x11  }
0xbc: {  	s0 =	sor.u32 s1, s0  }
0xbd: {  	s0 =	sadd.s32 $0x8F2B, s0  }
0xbe: {  	[sflag:s0] =	ssyncadd.remote.s32 $0x1  }
0xbf: {  	_ =	sfence.sel $0xFFFF  }
0xc0: {  	[dreg:$0x0] =	wrdreg $0xFFFFFFFF;
	(pc) =	sbr.abs _section_cstart, $3  }
0xc1: {  	[dreg:$0x1] =	wrdreg $0xFFFFFFFF  }
0xc2: {  	_ =	task.clear_ibuf [dreg:s7], $0x2FFFF;
	_ =	strace $0x9FFFFFFF  }
0xc3: {  	(tm) =	ssettm $0x7FFFFFFF  }
tec
execute0_lowered:
.L_overlay_start_1:
0x0: {  	(tag) =	ssettag $0x1  }
0x1: {  	s0 =	srdreg.scid;
	s1 =	rddreg [dreg:$0x0]  }
0x2: {  	s6 =	stileid.u32;
	s2 =	rddreg [dreg:$0x1];
	s7 =	simm.s32 $0x0  }
0x3: {  	s16 =	simm.s32 $0x7D;
	s17 =	simm.s32 $0x5000;
	s19 =	simm.s32 $0x6F40  }
0x4: {  	s28 =	simm.s32 $0xEC40;
	s30 =	simm.s32 $0x10B80;
	s31 =	simm.s32 $0x12AC0  }
0x5: {  	s18 =	simm.s32 $0x1;
	s20 =	simm.s32 $0x2;
	s29 =	simm.s32 $0x7  }
0x6: {  	s14 =	simm.s32 $0x8;
	s8 =	simm.s32 $0xC;
	s9 =	simm.s32 $0xD  }
0x7: {  	s10 =	simm.s32 $0xE;
	s11 =	simm.s32 $0xF;
	s0 =	sand.u32 $0x1, s0  }
0x8: {  	[smem:$0x7FF] =	sst s7;
	s3 =	sshll.u32 s0, $0x4;
	s0 =	ssub.s32 $0x2, s0  }
0x9: {  	s4 =	sor.u32 s6, s3;
	s6 =	smul.u32 $0x27100, s6;
	s21 =	sshrl.u32 s0, $0x1  }
0xa: {  	s3 =	rddreg [dreg:$0x2];
	s5 =	smul.u32 $0x500, s4;
	s0 =	ssub.s32 s0, s21  }
0xb: {  	_ =	strace $0x8000004A;
	s6 =	sshrl.u32 s6, $0x2;
	s0 =	smax.u32 s0, $0x1  }
0xc: {  	s5 =	sadd.s32 s5, s1;
	s23 =	sadd.s32 s6, s3;
	[dreg:$0xc] =	wrdreg s0  }
0xd: {  	s12 =	simm.s32 $0x10;
	s22 =	sadd.s32 $0xBE00, s5;
	[dreg:$0x5] =	wrdreg s23  }
0xe: {  	s13 =	simm.s32 $0x0;
	s5 =	sadd.s32 $0x1E00, s5;
	[dreg:$0x4] =	wrdreg s22  }
0xf: {  	s7 =	simm.s32 $0xB;
	s24 =	sadd.s32 $0x1F40, s23;
	[dreg:$0x6] =	wrdreg s5  }
0x10: {  	s4 =	smul.u32 $0x1388, s4;
	s25 =	sadd.s32 $0x3E80, s23;
	[dreg:$0x7] =	wrdreg s24  }
0x11: {  	s21 =	simm.s32 $0x8E80;
	s26 =	sadd.s32 $0x5DC0, s23;
	[dreg:$0x8] =	wrdreg s25  }
0x12: {  	s1 =	sadd.s32 s4, s1;
	s4 =	sadd.s32 $0x7D00, s23;
	[dreg:$0x9] =	wrdreg s26  }
0x13: {  	s0 =	simm.s32 $0x3;
	s1 =	sadd.s32 $0x64000, s1;
	[dreg:$0xa] =	wrdreg s4  }
0x14: {  	s23 =	simm.s32 $0xADC0;
	[dreg:$0xb] =	wrdreg s1;
	s25 =	simm.s32 $0xCD00  }
0x15: {  	s1 =	simm.s32 $0x12;
	s22 =	simm.s32 $0x4;
	s24 =	simm.s32 $0x5  }
0x16: {  	v0 =	vimm.f32 $0.0e+00;
	s26 =	simm.s32 $0x6;
	s4 =	simm.s32 $0x9;
	s5 =	simm.s32 $0xA  }
.LBB2_1:
0x17: {  	[dreg:$0xd] =	wrdreg s13  }
0x18: {  	s6 =	simm.s32 $0x0;
	s15 =	rddreg [dreg:$0x4]  }
0x19: {  	[tilespmem:s6], [sflag:$0x11] =	stream.linear.gather [hbm4b:s15+s6], $0x2800, $0x38;
	[tilespmem:$0x1E680] =	vst v63  }
0x1a: {  	s13 =	rddreg [dreg:$0x6];
	s15 =	simm.s32 $0x2800  }
0x1b: {  	[tilespmem:s15], [sflag:$0x11] =	stream.linear.gather [hbm4b:s13+s6], $0x2800, $0x38;
	[tilespmem:$0x1E680] =	vst v63  }
0x1c: {  	s15 =	simm.s32 $0x100;
	s6 =	simm.s32 $0x0  }
.LBB2_2:
0x1d: {  	p0 =	sne.s32 s15, $0x7C00;
	[tilespmem:s6+$0x12AF0] =	vst v0;
	s13 =	smov.u32 s15;
	s15 =	sadd.s32 $0x100, s15  }
.Ltmp0:
0x1e: {  	[tilespmem:s6+$0x12AE0] =	vst v0;
	(pc) =	sbr.rel @p0 .LBB2_2-.Ltmp0, $3  }
0x1f: {  	[tilespmem:s6+$0x12AC0] =	vst v0  }
0x20: {  	[tilespmem:s6+$0x12AD0] =	vst v0;
	_ =	sdelay $0x1  }
0x21: {  	s6 =	sshra.s32 s13, $0x2  }
0x22: {  	[tilespmem:s6+$0x12AF0] =	vst v0  }
0x23: {  	[tilespmem:s6+$0x12AE0] =	vst v0  }
0x24: {  	[tilespmem:s6+$0x12AC0] =	vst v0  }
0x25: {  	[tilespmem:s6+$0x12AD0] =	vst v0;
	s15 =	simm.s32 $0x11  }
0x26: {  	_ =	swait.ge [sflag:s15], $0x2800  }
0x27: {  	[sflag:s15] =	ssyncset.done $0x0  }
0x28: {  	[sflag:s15] =	ssyncadd.s32 $0xFFFFD800  }
0x29: {  	_ =	swait.ge [sflag:s15], $0x2800  }
0x2a: {  	[sflag:s15] =	ssyncset.done $0x0  }
0x2b: {  	s13 =	simm.s32 $0x0;
	[sflag:s15] =	ssyncadd.s32 $0xFFFFD800  }
0x2c: {  	[tilespmem:s17], [sflag:$0x1] =	stream.indirect.gather [hbm4b:s2+s16], $0x40, s13, s16, $0xb8;
	[tilespmem:$0x1E680] =	vst v63  }
0x2d: {  	s15 =	simm.s32 $0x80  }
0x2e: {  	[tilespmem:s19], [sflag:$0x2] =	stream.indirect.gather [hbm4b:s2+s16], $0x40, s15, s16, $0xb8;
	[tilespmem:$0x1E680] =	vst v63  }
0x2f: {  	s13 =	simm.s32 $0x100  }
0x30: {  	[tilespmem:s21], [sflag:$0x3] =	stream.indirect.gather [hbm4b:s2+s16], $0x40, s13, s16, $0xb8;
	[tilespmem:$0x1E680] =	vst v63  }
0x31: {  	s15 =	simm.s32 $0x180  }
0x32: {  	[tilespmem:s23], [sflag:$0x4] =	stream.indirect.gather [hbm4b:s2+s16], $0x40, s15, s16, $0xb8;
	[tilespmem:$0x1E680] =	vst v63  }
0x33: {  	s13 =	simm.s32 $0x200  }
0x34: {  	[tilespmem:s25], [sflag:$0x5] =	stream.indirect.gather [hbm4b:s2+s16], $0x40, s13, s16, $0xb8;
	[tilespmem:$0x1E680] =	vst v63  }
0x35: {  	s15 =	simm.s32 $0x280  }
0x36: {  	[tilespmem:s28], [sflag:$0x6] =	stream.indirect.gather [hbm4b:s2+s16], $0x40, s15, s16, $0xb8;
	[tilespmem:$0x1E680] =	vst v63  }
0x37: {  	s13 =	simm.s32 $0x300  }
0x38: {  	[tilespmem:s30], [sflag:$0x7] =	stream.indirect.gather [hbm4b:s2+s16], $0x40, s13, s16, $0xb8;
	[tilespmem:$0x1E680] =	vst v63  }
0x39: {  	s15 =	rddreg [dreg:$0x5]  }
0x3a: {  	[spmem:s15] =	stream.linear.scatter [tilespmem:s31], [sflag:$0x12], $0x1F40, $0x38;
	[tilespmem:$0x1E680] =	vst v63  }
0x3b: {  	_ =	swait.ge [sflag:s1], $0x1F40  }
0x3c: {  	[sflag:s1] =	ssyncset.done $0x0  }
0x3d: {  	s13 =	rddreg [dreg:$0x7];
	[sflag:s1] =	ssyncadd.s32 $0xFFFFE0C0  }
0x3e: {  	[spmem:s13] =	stream.linear.scatter [tilespmem:s31], [sflag:$0x12], $0x1F40, $0x38;
	[tilespmem:$0x1E680] =	vst v63  }
0x3f: {  	_ =	swait.ge [sflag:s1], $0x1F40  }
0x40: {  	[sflag:s1] =	ssyncset.done $0x0  }
0x41: {  	s15 =	rddreg [dreg:$0x8];
	[sflag:s1] =	ssyncadd.s32 $0xFFFFE0C0  }
0x42: {  	[spmem:s15] =	stream.linear.scatter [tilespmem:s31], [sflag:$0x12], $0x1F40, $0x38;
	[tilespmem:$0x1E680] =	vst v63  }
0x43: {  	_ =	swait.ge [sflag:s1], $0x1F40  }
0x44: {  	[sflag:s1] =	ssyncset.done $0x0  }
0x45: {  	s13 =	rddreg [dreg:$0x9];
	[sflag:s1] =	ssyncadd.s32 $0xFFFFE0C0  }
0x46: {  	[spmem:s13] =	stream.linear.scatter [tilespmem:s31], [sflag:$0x12], $0x1F40, $0x38;
	[tilespmem:$0x1E680] =	vst v63  }
0x47: {  	_ =	swait.ge [sflag:s1], $0x1F40  }
0x48: {  	[sflag:s1] =	ssyncset.done $0x0  }
0x49: {  	s15 =	rddreg [dreg:$0xa];
	[sflag:s1] =	ssyncadd.s32 $0xFFFFE0C0  }
0x4a: {  	[spmem:s15] =	stream.linear.scatter [tilespmem:s31], [sflag:$0x12], $0x1F40, $0x38;
	[tilespmem:$0x1E680] =	vst v63  }
0x4b: {  	_ =	swait.ge [sflag:s1], $0x1F40  }
0x4c: {  	[sflag:s1] =	ssyncset.done $0x0  }
0x4d: {  	s13 =	simm.s32 $0x380;
	[sflag:s1] =	ssyncadd.s32 $0xFFFFE0C0  }
0x4e: {  	[tilespmem:s31], [sflag:$0x8] =	stream.indirect.gather [hbm4b:s2+s16], $0x40, s13, s16, $0xb8;
	[tilespmem:$0x1E680] =	vst v63  }
0x4f: {  	[bflag:$0x0] =	sbarrier.arrive $0xFFFF  }
0x50: {  	_ =	swait.ge [sflag:s18], $0x1F40  }
0x51: {  	[sflag:s18] =	ssyncset.done $0x0  }
0x52: {  	s15 =	simm.s32 $0x2800;
	[sflag:s18] =	ssyncadd.s32 $0xFFFFE0C0  }
0x53: {  	[spmem:s3] =	stream.indirect.scatter.add.f32 [tilespmem:s17], [sflag:$0x9], $0x40, s15, s16, $0xb8;
	[tilespmem:$0x1E680] =	vst v63  }
0x54: {  	_ =	swait.ge [sflag:s20], $0x1F40  }
0x55: {  	[sflag:s20] =	ssyncset.done $0x0  }
0x56: {  	s13 =	simm.s32 $0x2880;
	[sflag:s20] =	ssyncadd.s32 $0xFFFFE0C0  }
0x57: {  	[spmem:s3] =	stream.indirect.scatter.add.f32 [tilespmem:s19], [sflag:$0xA], $0x40, s13, s16, $0xb8;
	[tilespmem:$0x1E680] =	vst v63  }
0x58: {  	_ =	swait.ge [sflag:s0], $0x1F40  }
0x59: {  	[sflag:s0] =	ssyncset.done $0x0  }
0x5a: {  	s15 =	simm.s32 $0x2900;
	[sflag:s0] =	ssyncadd.s32 $0xFFFFE0C0  }
0x5b: {  	[spmem:s3] =	stream.indirect.scatter.add.f32 [tilespmem:s21], [sflag:$0xB], $0x40, s15, s16, $0xb8;
	[tilespmem:$0x1E680] =	vst v63  }
0x5c: {  	_ =	swait.ge [sflag:s22], $0x1F40  }
0x5d: {  	[sflag:s22] =	ssyncset.done $0x0  }
0x5e: {  	s13 =	simm.s32 $0x2980;
	[sflag:s22] =	ssyncadd.s32 $0xFFFFE0C0  }
0x5f: {  	[spmem:s3] =	stream.indirect.scatter.add.f32 [tilespmem:s23], [sflag:$0xC], $0x40, s13, s16, $0xb8;
	[tilespmem:$0x1E680] =	vst v63  }
0x60: {  	_ =	swait.ge [sflag:s24], $0x1F40  }
0x61: {  	[sflag:s24] =	ssyncset.done $0x0  }
0x62: {  	s15 =	simm.s32 $0x2A00;
	[sflag:s24] =	ssyncadd.s32 $0xFFFFE0C0  }
0x63: {  	[spmem:s3] =	stream.indirect.scatter.add.f32 [tilespmem:s25], [sflag:$0xD], $0x40, s15, s16, $0xb8;
	[tilespmem:$0x1E680] =	vst v63  }
0x64: {  	_ =	swait.ge [sflag:s26], $0x1F40  }
0x65: {  	[sflag:s26] =	ssyncset.done $0x0  }
0x66: {  	s13 =	simm.s32 $0x2A80;
	[sflag:s26] =	ssyncadd.s32 $0xFFFFE0C0  }
0x67: {  	[spmem:s3] =	stream.indirect.scatter.add.f32 [tilespmem:s28], [sflag:$0xE], $0x40, s13, s16, $0xb8;
	[tilespmem:$0x1E680] =	vst v63  }
0x68: {  	_ =	swait.ge [sflag:s29], $0x1F40  }
0x69: {  	[sflag:s29] =	ssyncset.done $0x0  }
0x6a: {  	s15 =	simm.s32 $0x2B00;
	[sflag:s29] =	ssyncadd.s32 $0xFFFFE0C0  }
0x6b: {  	[spmem:s3] =	stream.indirect.scatter.add.f32 [tilespmem:s30], [sflag:$0xF], $0x40, s15, s16, $0xb8;
	[tilespmem:$0x1E680] =	vst v63  }
0x6c: {  	_ =	swait.ge [sflag:s14], $0x1F40  }
0x6d: {  	[sflag:s14] =	ssyncset.done $0x0  }
0x6e: {  	s13 =	simm.s32 $0x2B80;
	[sflag:s14] =	ssyncadd.s32 $0xFFFFE0C0  }
0x6f: {  	[spmem:s3] =	stream.indirect.scatter.add.f32 [tilespmem:s31], [sflag:$0x10], $0x40, s13, s16, $0xb8;
	[tilespmem:$0x1E680] =	vst v63  }
0x70: {  	_ =	swait.ge [sflag:s4], $0x1F40  }
0x71: {  	[sflag:s4] =	ssyncset.done $0x0  }
0x72: {  	s15 =	simm.s32 $0x400;
	[sflag:s4] =	ssyncadd.s32 $0xFFFFE0C0  }
0x73: {  	[tilespmem:s17], [sflag:$0x1] =	stream.indirect.gather [hbm4b:s2+s16], $0x40, s15, s16, $0xb8;
	[tilespmem:$0x1E680] =	vst v63  }
0x74: {  	_ =	swait.ge [sflag:s5], $0x1F40  }
0x75: {  	[sflag:s5] =	ssyncset.done $0x0  }
0x76: {  	s13 =	simm.s32 $0x480;
	[sflag:s5] =	ssyncadd.s32 $0xFFFFE0C0  }
0x77: {  	[tilespmem:s19], [sflag:$0x2] =	stream.indirect.gather [hbm4b:s2+s16], $0x40, s13, s16, $0xb8;
	[tilespmem:$0x1E680] =	vst v63  }
0x78: {  	_ =	swait.ge [sflag:s7], $0x1F40  }
0x79: {  	[sflag:s7] =	ssyncset.done $0x0  }
0x7a: {  	s15 =	simm.s32 $0x500;
	[sflag:s7] =	ssyncadd.s32 $0xFFFFE0C0  }
0x7b: {  	[tilespmem:s21], [sflag:$0x3] =	stream.indirect.gather [hbm4b:s2+s16], $0x40, s15, s16, $0xb8;
	[tilespmem:$0x1E680] =	vst v63  }
0x7c: {  	_ =	swait.ge [sflag:s8], $0x1F40  }
0x7d: {  	[sflag:s8] =	ssyncset.done $0x0  }
0x7e: {  	s13 =	simm.s32 $0x580;
	[sflag:s8] =	ssyncadd.s32 $0xFFFFE0C0  }
0x7f: {  	[tilespmem:s23], [sflag:$0x4] =	stream.indirect.gather [hbm4b:s2+s16], $0x40, s13, s16, $0xb8;
	[tilespmem:$0x1E680] =	vst v63  }
0x80: {  	_ =	swait.ge [sflag:s9], $0x1F40  }
0x81: {  	[sflag:s9] =	ssyncset.done $0x0  }
0x82: {  	s15 =	simm.s32 $0x600;
	[sflag:s9] =	ssyncadd.s32 $0xFFFFE0C0  }
0x83: {  	[tilespmem:s25], [sflag:$0x5] =	stream.indirect.gather [hbm4b:s2+s16], $0x40, s15, s16, $0xb8;
	[tilespmem:$0x1E680] =	vst v63  }
0x84: {  	_ =	swait.ge [sflag:s10], $0x1F40  }
0x85: {  	[sflag:s10] =	ssyncset.done $0x0  }
0x86: {  	s13 =	simm.s32 $0x680;
	[sflag:s10] =	ssyncadd.s32 $0xFFFFE0C0  }
0x87: {  	[tilespmem:s28], [sflag:$0x6] =	stream.indirect.gather [hbm4b:s2+s16], $0x40, s13, s16, $0xb8;
	[tilespmem:$0x1E680] =	vst v63  }
0x88: {  	_ =	swait.ge [sflag:s11], $0x1F40  }
0x89: {  	[sflag:s11] =	ssyncset.done $0x0  }
0x8a: {  	s15 =	simm.s32 $0x700;
	[sflag:s11] =	ssyncadd.s32 $0xFFFFE0C0  }
0x8b: {  	[tilespmem:s30], [sflag:$0x7] =	stream.indirect.gather [hbm4b:s2+s16], $0x40, s15, s16, $0xb8;
	[tilespmem:$0x1E680] =	vst v63  }
0x8c: {  	_ =	swait.ge [sflag:s12], $0x1F40  }
0x8d: {  	[sflag:s12] =	ssyncset.done $0x0  }
0x8e: {  	s6 =	simm.s32 $0x1000;
	s15 =	simm.s32 $0x780;
	[sflag:s12] =	ssyncadd.s32 $0xFFFFE0C0  }
.LBB2_4:
0x8f: {  	[tilespmem:s31], [sflag:$0x8] =	stream.indirect.gather [hbm4b:s2+s16], $0x40, s15, s16, $0xb8;
	[tilespmem:$0x1E680] =	vst v63  }
0x90: {  	s13 =	smov.u32 s6  }
0x91: {  	p0 =	sne.s32 s6, $0x8000;
	s6 =	sadd.s32 $0x1000, s6;
	_ =	swait.ge [sflag:s18], $0x1F40  }
0x92: {  	s15 =	sshra.s32 s13, $0x2;
	[sflag:s18] =	ssyncset.done $0x0  }
0x93: {  	s13 =	sadd.s32 $0x2800, s15;
	[sflag:s18] =	ssyncadd.s32 $0xFFFFE0C0  }
0x94: {  	[spmem:s3] =	stream.indirect.scatter.add.f32 [tilespmem:s17], [sflag:$0x9], $0x40, s13, s16, $0xb8;
	[tilespmem:$0x1E680] =	vst v63  }
0x95: {  	_ =	swait.ge [sflag:s20], $0x1F40  }
0x96: {  	[sflag:s20] =	ssyncset.done $0x0  }
0x97: {  	s13 =	sadd.s32 $0x2880, s15;
	[sflag:s20] =	ssyncadd.s32 $0xFFFFE0C0  }
0x98: {  	[spmem:s3] =	stream.indirect.scatter.add.f32 [tilespmem:s19], [sflag:$0xA], $0x40, s13, s16, $0xb8;
	[tilespmem:$0x1E680] =	vst v63  }
0x99: {  	_ =	swait.ge [sflag:s0], $0x1F40  }
0x9a: {  	[sflag:s0] =	ssyncset.done $0x0  }
0x9b: {  	s13 =	sadd.s32 $0x2900, s15;
	[sflag:s0] =	ssyncadd.s32 $0xFFFFE0C0  }
0x9c: {  	[spmem:s3] =	stream.indirect.scatter.add.f32 [tilespmem:s21], [sflag:$0xB], $0x40, s13, s16, $0xb8;
	[tilespmem:$0x1E680] =	vst v63  }
0x9d: {  	_ =	swait.ge [sflag:s22], $0x1F40  }
0x9e: {  	[sflag:s22] =	ssyncset.done $0x0  }
0x9f: {  	s13 =	sadd.s32 $0x2980, s15;
	[sflag:s22] =	ssyncadd.s32 $0xFFFFE0C0  }
0xa0: {  	[spmem:s3] =	stream.indirect.scatter.add.f32 [tilespmem:s23], [sflag:$0xC], $0x40, s13, s16, $0xb8;
	[tilespmem:$0x1E680] =	vst v63  }
0xa1: {  	_ =	swait.ge [sflag:s24], $0x1F40  }
0xa2: {  	[sflag:s24] =	ssyncset.done $0x0  }
0xa3: {  	s13 =	sadd.s32 $0x2A00, s15;
	[sflag:s24] =	ssyncadd.s32 $0xFFFFE0C0  }
0xa4: {  	[spmem:s3] =	stream.indirect.scatter.add.f32 [tilespmem:s25], [sflag:$0xD], $0x40, s13, s16, $0xb8;
	[tilespmem:$0x1E680] =	vst v63  }
0xa5: {  	_ =	swait.ge [sflag:s26], $0x1F40  }
0xa6: {  	[sflag:s26] =	ssyncset.done $0x0  }
0xa7: {  	s13 =	sadd.s32 $0x2A80, s15;
	[sflag:s26] =	ssyncadd.s32 $0xFFFFE0C0  }
0xa8: {  	[spmem:s3] =	stream.indirect.scatter.add.f32 [tilespmem:s28], [sflag:$0xE], $0x40, s13, s16, $0xb8;
	[tilespmem:$0x1E680] =	vst v63  }
0xa9: {  	_ =	swait.ge [sflag:s29], $0x1F40  }
0xaa: {  	[sflag:s29] =	ssyncset.done $0x0  }
0xab: {  	s13 =	sadd.s32 $0x2B00, s15;
	[sflag:s29] =	ssyncadd.s32 $0xFFFFE0C0  }
0xac: {  	[spmem:s3] =	stream.indirect.scatter.add.f32 [tilespmem:s30], [sflag:$0xF], $0x40, s13, s16, $0xb8;
	[tilespmem:$0x1E680] =	vst v63  }
0xad: {  	_ =	swait.ge [sflag:s14], $0x1F40  }
0xae: {  	[sflag:s14] =	ssyncset.done $0x0  }
0xaf: {  	s13 =	sadd.s32 $0x2B80, s15;
	[sflag:s14] =	ssyncadd.s32 $0xFFFFE0C0  }
0xb0: {  	[spmem:s3] =	stream.indirect.scatter.add.f32 [tilespmem:s31], [sflag:$0x10], $0x40, s13, s16, $0xb8;
	[tilespmem:$0x1E680] =	vst v63  }
0xb1: {  	_ =	swait.ge [sflag:s4], $0x1F40  }
0xb2: {  	[sflag:s4] =	ssyncset.done $0x0  }
0xb3: {  	s13 =	sadd.s32 $0x400, s15;
	[sflag:s4] =	ssyncadd.s32 $0xFFFFE0C0  }
0xb4: {  	[tilespmem:s17], [sflag:$0x1] =	stream.indirect.gather [hbm4b:s2+s16], $0x40, s13, s16, $0xb8;
	[tilespmem:$0x1E680] =	vst v63  }
0xb5: {  	_ =	swait.ge [sflag:s5], $0x1F40  }
0xb6: {  	[sflag:s5] =	ssyncset.done $0x0  }
0xb7: {  	s13 =	sadd.s32 $0x480, s15;
	[sflag:s5] =	ssyncadd.s32 $0xFFFFE0C0  }
0xb8: {  	[tilespmem:s19], [sflag:$0x2] =	stream.indirect.gather [hbm4b:s2+s16], $0x40, s13, s16, $0xb8;
	[tilespmem:$0x1E680] =	vst v63  }
0xb9: {  	_ =	swait.ge [sflag:s7], $0x1F40  }
0xba: {  	[sflag:s7] =	ssyncset.done $0x0  }
0xbb: {  	s13 =	sadd.s32 $0x500, s15;
	[sflag:s7] =	ssyncadd.s32 $0xFFFFE0C0  }
0xbc: {  	[tilespmem:s21], [sflag:$0x3] =	stream.indirect.gather [hbm4b:s2+s16], $0x40, s13, s16, $0xb8;
	[tilespmem:$0x1E680] =	vst v63  }
0xbd: {  	_ =	swait.ge [sflag:s8], $0x1F40  }
0xbe: {  	[sflag:s8] =	ssyncset.done $0x0  }
0xbf: {  	s13 =	sadd.s32 $0x580, s15;
	[sflag:s8] =	ssyncadd.s32 $0xFFFFE0C0  }
0xc0: {  	[tilespmem:s23], [sflag:$0x4] =	stream.indirect.gather [hbm4b:s2+s16], $0x40, s13, s16, $0xb8;
	[tilespmem:$0x1E680] =	vst v63  }
0xc1: {  	_ =	swait.ge [sflag:s9], $0x1F40  }
0xc2: {  	[sflag:s9] =	ssyncset.done $0x0  }
0xc3: {  	s13 =	sadd.s32 $0x600, s15;
	[sflag:s9] =	ssyncadd.s32 $0xFFFFE0C0  }
0xc4: {  	[tilespmem:s25], [sflag:$0x5] =	stream.indirect.gather [hbm4b:s2+s16], $0x40, s13, s16, $0xb8;
	[tilespmem:$0x1E680] =	vst v63  }
0xc5: {  	_ =	swait.ge [sflag:s10], $0x1F40  }
0xc6: {  	[sflag:s10] =	ssyncset.done $0x0  }
0xc7: {  	s13 =	sadd.s32 $0x680, s15;
	[sflag:s10] =	ssyncadd.s32 $0xFFFFE0C0  }
0xc8: {  	[tilespmem:s28], [sflag:$0x6] =	stream.indirect.gather [hbm4b:s2+s16], $0x40, s13, s16, $0xb8;
	[tilespmem:$0x1E680] =	vst v63  }
0xc9: {  	_ =	swait.ge [sflag:s11], $0x1F40  }
0xca: {  	[sflag:s11] =	ssyncset.done $0x0  }
.Ltmp1:
0xcb: {  	s13 =	sadd.s32 $0x700, s15;
	[sflag:s11] =	ssyncadd.s32 $0xFFFFE0C0;
	(pc) =	sbr.rel @p0 .LBB2_4-.Ltmp1, $4  }
0xcc: {  	[tilespmem:s30], [sflag:$0x7] =	stream.indirect.gather [hbm4b:s2+s16], $0x40, s13, s16, $0xb8;
	[tilespmem:$0x1E680] =	vst v63  }
0xcd: {  	_ =	swait.ge [sflag:s12], $0x1F40  }
0xce: {  	[sflag:s12] =	ssyncset.done $0x0  }
0xcf: {  	s15 =	sadd.s32 $0x780, s15;
	[sflag:s12] =	ssyncadd.s32 $0xFFFFE0C0  }
0xd0: {  	[tilespmem:s31], [sflag:$0x8] =	stream.indirect.gather [hbm4b:s2+s16], $0x40, s15, s16, $0xb8;
	[tilespmem:$0x1E680] =	vst v63  }
0xd1: {  	_ =	swait.ge [sflag:s18], $0x1F40  }
0xd2: {  	[sflag:s18] =	ssyncset.done $0x0  }
0xd3: {  	s6 =	simm.s32 $0x4C00;
	[sflag:s18] =	ssyncadd.s32 $0xFFFFE0C0  }
0xd4: {  	[spmem:s3] =	stream.indirect.scatter.add.f32 [tilespmem:s17], [sflag:$0x9], $0x40, s6, s16, $0xb8;
	[tilespmem:$0x1E680] =	vst v63  }
0xd5: {  	_ =	swait.ge [sflag:s20], $0x1F40  }
0xd6: {  	[sflag:s20] =	ssyncset.done $0x0  }
0xd7: {  	s13 =	simm.s32 $0x4C80;
	[sflag:s20] =	ssyncadd.s32 $0xFFFFE0C0  }
0xd8: {  	[spmem:s3] =	stream.indirect.scatter.add.f32 [tilespmem:s19], [sflag:$0xA], $0x40, s13, s16, $0xb8;
	[tilespmem:$0x1E680] =	vst v63  }
0xd9: {  	_ =	swait.ge [sflag:s0], $0x1F40  }
0xda: {  	[sflag:s0] =	ssyncset.done $0x0  }
0xdb: {  	s15 =	simm.s32 $0x4D00;
	[sflag:s0] =	ssyncadd.s32 $0xFFFFE0C0  }
0xdc: {  	[spmem:s3] =	stream.indirect.scatter.add.f32 [tilespmem:s21], [sflag:$0xB], $0x40, s15, s16, $0xb8;
	[tilespmem:$0x1E680] =	vst v63  }
0xdd: {  	_ =	swait.ge [sflag:s22], $0x1F40  }
0xde: {  	[sflag:s22] =	ssyncset.done $0x0  }
0xdf: {  	s13 =	simm.s32 $0x4D80;
	[sflag:s22] =	ssyncadd.s32 $0xFFFFE0C0  }
0xe0: {  	[spmem:s3] =	stream.indirect.scatter.add.f32 [tilespmem:s23], [sflag:$0xC], $0x40, s13, s16, $0xb8;
	[tilespmem:$0x1E680] =	vst v63  }
0xe1: {  	_ =	swait.ge [sflag:s24], $0x1F40  }
0xe2: {  	[sflag:s24] =	ssyncset.done $0x0  }
0xe3: {  	s15 =	simm.s32 $0x4E00;
	[sflag:s24] =	ssyncadd.s32 $0xFFFFE0C0  }
0xe4: {  	[spmem:s3] =	stream.indirect.scatter.add.f32 [tilespmem:s25], [sflag:$0xD], $0x40, s15, s16, $0xb8;
	[tilespmem:$0x1E680] =	vst v63  }
0xe5: {  	_ =	swait.ge [sflag:s26], $0x1F40  }
0xe6: {  	[sflag:s26] =	ssyncset.done $0x0  }
0xe7: {  	s13 =	simm.s32 $0x4E80;
	[sflag:s26] =	ssyncadd.s32 $0xFFFFE0C0  }
0xe8: {  	[spmem:s3] =	stream.indirect.scatter.add.f32 [tilespmem:s28], [sflag:$0xE], $0x40, s13, s16, $0xb8;
	[tilespmem:$0x1E680] =	vst v63  }
0xe9: {  	_ =	swait.ge [sflag:s29], $0x1F40  }
0xea: {  	[sflag:s29] =	ssyncset.done $0x0  }
0xeb: {  	s15 =	simm.s32 $0x4F00;
	[sflag:s29] =	ssyncadd.s32 $0xFFFFE0C0  }
0xec: {  	[spmem:s3] =	stream.indirect.scatter.add.f32 [tilespmem:s30], [sflag:$0xF], $0x40, s15, s16, $0xb8;
	[tilespmem:$0x1E680] =	vst v63  }
0xed: {  	_ =	swait.ge [sflag:s14], $0x1F40  }
0xee: {  	[sflag:s14] =	ssyncset.done $0x0  }
0xef: {  	s13 =	simm.s32 $0x4F80;
	[sflag:s14] =	ssyncadd.s32 $0xFFFFE0C0  }
0xf0: {  	[spmem:s3] =	stream.indirect.scatter.add.f32 [tilespmem:s31], [sflag:$0x10], $0x40, s13, s16, $0xb8;
	[tilespmem:$0x1E680] =	vst v63  }
0xf1: {  	_ =	swait.ge [sflag:s4], $0x1F40  }
0xf2: {  	[sflag:s4] =	ssyncset.done $0x0  }
0xf3: {  	[sflag:s4] =	ssyncadd.s32 $0xFFFFE0C0  }
0xf4: {  	_ =	swait.ge [sflag:s5], $0x1F40  }
0xf5: {  	[sflag:s5] =	ssyncset.done $0x0  }
0xf6: {  	[sflag:s5] =	ssyncadd.s32 $0xFFFFE0C0  }
0xf7: {  	_ =	swait.ge [sflag:s7], $0x1F40  }
0xf8: {  	[sflag:s7] =	ssyncset.done $0x0  }
0xf9: {  	[sflag:s7] =	ssyncadd.s32 $0xFFFFE0C0  }
0xfa: {  	_ =	swait.ge [sflag:s8], $0x1F40  }
0xfb: {  	[sflag:s8] =	ssyncset.done $0x0  }
0xfc: {  	[sflag:s8] =	ssyncadd.s32 $0xFFFFE0C0  }
0xfd: {  	_ =	swait.ge [sflag:s9], $0x1F40  }
0xfe: {  	[sflag:s9] =	ssyncset.done $0x0  }
0xff: {  	[sflag:s9] =	ssyncadd.s32 $0xFFFFE0C0  }
0x100: {  	_ =	swait.ge [sflag:s10], $0x1F40  }
0x101: {  	[sflag:s10] =	ssyncset.done $0x0  }
0x102: {  	[sflag:s10] =	ssyncadd.s32 $0xFFFFE0C0  }
0x103: {  	_ =	swait.ge [sflag:s11], $0x1F40  }
0x104: {  	[sflag:s11] =	ssyncset.done $0x0  }
0x105: {  	[sflag:s11] =	ssyncadd.s32 $0xFFFFE0C0  }
0x106: {  	_ =	swait.ge [sflag:s12], $0x1F40  }
0x107: {  	[sflag:s12] =	ssyncset.done $0x0  }
0x108: {  	[sflag:s12] =	ssyncadd.s32 $0xFFFFE0C0  }
0x109: {  	s15 =	stileid.u32;
	[bflag:$0x0] =	sbarrier.arrive $0xFFFF  }
0x10a: {  	s6 =	sshll.u32 s15, $0x6;
	s13 =	rddreg [dreg:$0x5]  }
0x10b: {  	s6 =	sor.u32 $0x1C12, s6;
	s15 =	rddreg [dreg:$0xb];
	s13 =	sshrl.u32 s13, $0x3  }
0x10c: {  	[hbm:s15], [sflag:s6] =	dma.local [spmem:s13], $0x1388  }
0x10d: {  	_ =	swait.ge [sflag:s1], $0x1388  }
0x10e: {  	s6 =	rddreg [dreg:$0xd]  }
0x10f: {  	s15 =	rddreg [dreg:$0xc];
	s13 =	sadd.s32 $0x1, s6  }
0x110: {  	p0 =	sne.s32 s13, s15  }
.Ltmp2:
0x111: {  	_ = 	snop;
	(pc) =	sbr.rel @p0 .LBB2_1-.Ltmp2, $3  }
0x112: {  	_ =	sdelay $0x1  }
0x113: {  	[sflag:s1] =	ssyncset.done $0x0  }
0x114: {  	[sflag:s1] =	ssyncadd.s32 $0xFFFFEC78  }
0x115: {  	_ =	sfence.sel $0x180000  }
0x116: {  	[bflag:$0x0] =	sbarrier.arrive $0xFFFF  }
0x117: {  	_ =	strace $0x9000004A  }
0x118: {  	s0 =	stileid.u32;
	[bflag:$0x2] =	sbarrier.arrive $0xFFFF  }
0x119: {  	p0 =	sne.s32 s0, $0x0;
	s0 =	rddreg [dreg:$0x3]  }
0x11a: {  	s0 =	sadd.s32 @!p0 $0x100000, s0  }
0x11b: {  	[sflag:s0] =	ssyncadd.tile.s32 @!p0 $0x1;
	_ =	shalt  }
.Lfunc_end2:
_tile_overlayer_lowered:
.L_overlay_start_2:
0x11c: {  	(tag) =	ssettag $0x2  }
0x11d: {  	s0 =	rddreg [dreg:$0x0];
	s2 =	stileid.u32  }
0x11e: {  	s1 =	rddreg [dreg:$0x1];
	p0 =	sne.s32 s2, $0x0  }
0x11f: {  	s3 =	rddreg [dreg:$0x2];
	[bflag:$0x3] =	sbarrier.arrive $0xFFFF;
	s2 =	simm.s32 @!p0 $0x1C12  }
0x120: {  	[timem:s3], [sflag:s2] =	dma.local @!p0 [hbm:s0], s1  }
0x121: {  	s0 =	simm.s32 @!p0 $0x12  }
0x122: {  	_ =	swait.ge @!p0 [sflag:s0], s1  }
0x123: {  	s1 =	ssub.s32 @!p0 $0x0, s1;
	[sflag:s0] =	ssyncset.done @!p0 $0x0  }
0x124: {  	[sflag:s0] =	ssyncadd.s32 @!p0 s1  }
0x125: {  	[bflag:$0x3] =	sbarrier.arrive $0xFFFF  }
0x126: {  	_ =	shalt  }

// kernel: kernel.16.cloned.1.call-start
scs
__scs_entry_jumppad:
0x0: {  	(pc) =	sbr.rel $0x88, $3  }
0x1: {  	(tag) =	ssettag $0x0;
	lr =	simm.s32 $0x1  }
0x2: {  	[smem:$0x3F99] =	sst lr;
	_ =	strace $0xD0000000  }
0x3: {  	_ = 	snop  }
0x4: {  	_ = 	snop  }
0x5: {  	_ = 	snop  }
0x6: {  	_ = 	snop  }
0x7: {  	_ = 	snop  }
__scs_overlays_trampoline_lowered:
0x8: {  	[smem:$0x3FA8] =	sst s0  }
0x9: {  	[smem:$0x3FA9] =	sst s1  }
0xa: {  	[smem:$0x3FAA] =	sst s2  }
0xb: {  	[smem:$0x3FAB] =	sst s3  }
0xc: {  	[smem:$0x3FAC] =	sst s4  }
0xd: {  	[smem:$0x3FAD] =	sst s5  }
0xe: {  	[smem:$0x3FAE] =	sst s6  }
0xf: {  	[smem:$0x3FAF] =	sst s7  }
0x10: {  	[smem:$0x3FB0] =	sst s8  }
0x11: {  	[smem:$0x3FB1] =	sst s9;
	s0 =	simm.s32 @!p0 $0x0  }
0x12: {  	s1 =	sld [smem:$0x3F97];
	s0 =	simm.s32 @p0 $0x1  }
0x13: {  	[smem:$0x3FB2] =	sst s0;
	s0 =	simm.s32 @!p1 $0x0  }
0x14: {  	s2 =	sld [smem:$0x3F96];
	s0 =	simm.s32 @p1 $0x1  }
0x15: {  	[smem:$0x3FB3] =	sst s0;
	s0 =	simm.s32 @!p2 $0x0  }
0x16: {  	s3 =	sld [smem:$0x3FDB];
	s0 =	simm.s32 @p2 $0x1  }
0x17: {  	s4 =	simm.s32 $0x1BF5;
	[smem:$0x3FB5] =	sst s0  }
0x18: {  	s0 =	sld [smem:$0x3F98];
	_ =	swait.ge [sflag:s4], $0x0  }
0x19: {  	s7 =	sld [smem:$0x3F99]  }
0x1a: {  	s8 =	sadd.s32 $0xFFFFE003, lr  }
0x1b: {  	s9 =	sadd.s32 $0xFFFFFEF7, lr;
	s5 =	simm.s32 $0xFFFFFFFF;
	p2 =	slt.u32 s8, $0xFFFFF086  }
0x1c: {  	p1 =	slt.u32 s9, $0xF7A;
	s5 =	simm.s32 @!p2 $0x0  }
0x1d: {  	s5 =	simm.s32 @p1 $0x1;
	p0 =	seq.s32 s7, s2  }
0x1e: {  	s7 =	smul.u32 @!p0 $0xF7A, s2;
	p2 =	seq.s32 @!p0 s5, $0x0  }
0x1f: {  	s9 =	smul.u32 $0xF7A, s1;
	s8 =	simm.s32 @!p0 $0x1BF5;
	p2 =	por !p2, p0  }
0x20: {  	[sflag:s8] =	ssyncset.s32 @!p0 $0xFFFFF086;
	s6 =	sadd.s32 @!p0 s3, s7;
	s7 =	simm.s32 @!p0 $0x108  }
0x21: {  	s3 =	sadd.s32 s3, s9;
	s6 =	sadd.s32 @!p0 $0x88, s6;
	s7 =	simm.s32 @p2 $0x1082  }
0x22: {  	[simem:s7], [sflag:s8] =	dma.local @!p0 [hbm:s6], $0xF7A  }
0x23: {  	s9 =	sor.u32 $0xD0000000, s2;
	s6 =	simm.s32 $0x108;
	_ =	swait.ge @!p0 [sflag:s8], $0x0  }
0x24: {  	s3 =	sadd.s32 $0x88, s3;
	s6 =	simm.s32 @!p1 $0x1082;
	[sflag:s4] =	ssyncset.s32 $0xFFFFF086  }
0x25: {  	[simem:s6], [sflag:s4] =	dma.local [hbm:s3], $0xF7A  }
0x26: {  	[smem:$0x3F99] =	sst s1;
	(tag) =	ssettag s2;
	_ =	strace s9  }
0x27: {  	s1 =	sld [smem:$0x3FA9]  }
0x28: {  	s2 =	sld [smem:$0x3FAA]  }
0x29: {  	s4 =	sld [smem:$0x3FAC]  }
0x2a: {  	p0 =	seq.s32 s5, $0x0;
	s5 =	sld [smem:$0x3FAD]  }
0x2b: {  	s6 =	sld [smem:$0x3FAE]  }
0x2c: {  	s7 =	sld [smem:$0x3FAF]  }
0x2d: {  	s3 =	simm.s32 $0x108;
	s8 =	sld [smem:$0x3FB0]  }
0x2e: {  	s3 =	simm.s32 @!p0 $0x1082;
	s9 =	sld [smem:$0x3FB1]  }
0x2f: {  	lr =	sadd.s32 s0, s3;
	s0 =	sld [smem:$0x3FA8]  }
0x30: {  	s3 =	sld [smem:$0x3FAB]  }
0x31: {  	[smem:$0x3FB4] =	sst s10  }
0x32: {  	s10 =	sld [smem:$0x3FB2];
	_ =	sdelay $0x3  }
0x33: {  	p0 =	seq.s32 s10, $0x1;
	s10 =	sld [smem:$0x3FB4];
	_ =	sdelay $0x3  }
0x34: {  	[smem:$0x3FB4] =	sst s10  }
0x35: {  	s10 =	sld [smem:$0x3FB3];
	_ =	sdelay $0x3  }
0x36: {  	p1 =	seq.s32 s10, $0x1;
	s10 =	sld [smem:$0x3FB4];
	_ =	sdelay $0x3  }
0x37: {  	[smem:$0x3FB4] =	sst s10  }
0x38: {  	s10 =	sld [smem:$0x3FB5]  }
0x39: {  	_ = 	snop;
	(pc) =	sbr.ind lr, $3  }
0x3a: {  	_ = 	snop  }
0x3b: {  	_ = 	snop  }
0x3c: {  	p2 =	seq.s32 s10, $0x1;
	s10 =	sld [smem:$0x3FB4]  }
0x3d: {  	_ =	shalt  }
0x3e: {  	_ =	shalt  }
0x3f: {  	_ =	shalt  }
0x40: {  	_ =	shalt  }
0x41: {  	_ =	shalt  }
0x42: {  	_ =	shalt  }
0x43: {  	_ =	shalt  }
0x44: {  	_ =	shalt  }
0x45: {  	_ =	shalt  }
0x46: {  	_ =	shalt  }
0x47: {  	_ =	shalt  }
0x48: {  	_ =	shalt  }
0x49: {  	_ =	shalt  }
0x4a: {  	_ =	shalt  }
0x4b: {  	_ =	shalt  }
0x4c: {  	_ =	shalt  }
0x4d: {  	_ =	shalt  }
0x4e: {  	_ =	shalt  }
0x4f: {  	_ =	shalt  }
0x50: {  	_ =	shalt  }
0x51: {  	_ =	shalt  }
0x52: {  	_ =	shalt  }
0x53: {  	_ =	shalt  }
0x54: {  	_ =	shalt  }
0x55: {  	_ =	shalt  }
0x56: {  	_ =	shalt  }
0x57: {  	_ =	shalt  }
0x58: {  	_ =	shalt  }
0x59: {  	_ =	shalt  }
0x5a: {  	_ =	shalt  }
0x5b: {  	_ =	shalt  }
0x5c: {  	_ =	shalt  }
0x5d: {  	_ =	shalt  }
0x5e: {  	_ =	shalt  }
0x5f: {  	_ =	shalt  }
0x60: {  	_ =	shalt  }
0x61: {  	_ =	shalt  }
0x62: {  	_ =	shalt  }
0x63: {  	_ =	shalt  }
0x64: {  	_ =	shalt  }
0x65: {  	_ =	shalt  }
0x66: {  	_ =	shalt  }
0x67: {  	_ =	shalt  }
0x68: {  	_ =	shalt  }
0x69: {  	_ =	shalt  }
0x6a: {  	_ =	shalt  }
0x6b: {  	_ =	shalt  }
0x6c: {  	_ =	shalt  }
0x6d: {  	_ =	shalt  }
0x6e: {  	_ =	shalt  }
0x6f: {  	_ =	shalt  }
0x70: {  	_ =	shalt  }
0x71: {  	_ =	shalt  }
0x72: {  	_ =	shalt  }
0x73: {  	_ =	shalt  }
0x74: {  	_ =	shalt  }
0x75: {  	_ =	shalt  }
0x76: {  	_ =	shalt  }
0x77: {  	_ =	shalt  }
0x78: {  	_ =	shalt  }
0x79: {  	_ =	shalt  }
0x7a: {  	_ =	shalt  }
0x7b: {  	_ =	shalt  }
0x7c: {  	_ =	shalt  }
0x7d: {  	_ =	shalt  }
0x7e: {  	_ =	shalt  }
0x7f: {  	_ =	shalt  }
0x80: {  	_ =	shalt  }
0x81: {  	_ =	shalt  }
0x82: {  	_ =	shalt  }
0x83: {  	_ =	shalt  }
0x84: {  	_ =	shalt  }
0x85: {  	_ =	shalt  }
0x86: {  	_ =	shalt  }
0x87: {  	_ =	shalt  }
.Lfunc_end0:
.L_simem_size_0:
called_computation.2_lowered:
.L_overlay_start_0:
0x88: {  	s2 =	sld [smem:$0x3FD9]  }
0x89: {  	s3 =	sld [smem:$0x3FFE];
	_ =	sdelay $0x1  }
0x8a: {  	s1 =	srdreg.scid  }
0x8b: {  	s0 =	sand.u32 $0x1, s1  }
0x8c: {  	s17 =	sshll.u32 s0, $0xA;
	s2 =	sadd.s32 s3, s2  }
0x8d: {  	s2 =	sadd.s32 s2, s17  }
0x8e: {  	[smem:$0x3FC0] =	sst s2  }
0x8f: {  	_ = 	snop  }
0x90: {  	s2 =	sld [smem:$0x3FD0];
	(tm) =	ssettm $0x1  }
0x91: {  	s18 =	sld [smem:$0x3FFB];
	_ =	sdelay $0x3  }
0x92: {  	_ =	strace s18  }
0x93: {  	s3 =	sld [smem:$0x3FFC];
	_ =	sdelay $0x3  }
0x94: {  	_ =	strace s3  }
0x95: {  	s3 =	sld [smem:$0x3FFD];
	_ =	sdelay $0x3  }
0x96: {  	_ =	strace s3  }
0x97: {  	_ =	strace $0x8FFFFFFF  }
0x98: {  	s19 =	sld [smem:$0x3FDB];
	_ =	sdelay $0x1  }
0x99: {  	s4 =	simm.s32 $_scs_section_size  }
0x9a: {  	s5 =	simm.s32 $_size__tile_overlayer_lowered;
	s6 =	simm.s32 $_tile_overlayer_lowered  }
0x9b: {  	s22 =	simm.s32 $0x1BFF;
	s21 =	sshll.u32 s6, $0x1;
	s3 =	sadd.s32 s4, s19  }
0x9c: {  	s7 =	simm.s32 $0x0;
	s20 =	sshll.u32 s5, $0x1;
	s5 =	sadd.s32 s21, s3  }
0x9d: {  	[timem:s7], [sflag:s22] =	dma.local [hbm:s5], s20  }
0x9e: {  	_ =	swait.ge [sflag:s22], s20  }
0x9f: {  	s4 =	ssub.s32 $0x0, s20;
	[sflag:s22] =	ssyncset.done $0x0  }
0xa0: {  	[sflag:s22] =	ssyncadd.s32 s4;
	_ =	sdelay $0x1  }
0xa1: {  	s23 =	simm.s32 $0x1B8B  }
0xa2: {  	_ =	swait.ge [sflag:s23], $0x1  }
0xa3: {  	[sflag:s23] =	ssyncset.done $0x0  }
0xa4: {  	s25 =	simm.s32 $0x1B8E;
	s24 =	sld [smem:$0x3FFE];
	[sflag:s23] =	ssyncadd.s32 $0xFFFFFFFF  }
0xa5: {  	s26 =	simm.s32 $execute0_lowered;
	[smem:$0x3FD2] =	sst s25  }
0xa6: {  	s5 =	sshll.u32 s26, $0x1;
	_ =	strace $0x8000004C;
	[dreg:$0x1] =	wrdreg $0xFFFFFFFF  }
0xa7: {  	s28 =	simm.s32 $_size_execute0_lowered;
	s3 =	sadd.s32 s3, s5;
	[dreg:$0x0] =	wrdreg $0x0  }
0xa8: {  	s5 =	sshll.u32 s28, $0x1;
	[dreg:$0x2] =	wrdreg s3  }
0xa9: {  	[dreg:$0x3] =	wrdreg s5  }
0xaa: {  	[dreg:$0x4] =	wrdreg $0xC0  }
0xab: {  	_ =	task [dreg:s7], $0x5FFFF  }
0xac: {  	[dreg:$0x1] =	wrdreg $0xFFFFFFFF  }
0xad: {  	[dreg:$0x0] =	wrdreg $0x60  }
0xae: {  	[dreg:$0x2] =	wrdreg s24  }
0xaf: {  	[dreg:$0x3] =	wrdreg s2  }
0xb0: {  	[dreg:$0x4] =	wrdreg $0x14A000  }
0xb1: {  	[dreg:$0x5] =	wrdreg $0x9  }
0xb2: {  	_ =	task.clear_ibuf [dreg:s7], $0x6FFFF;
	_ =	strace $0x9000004C  }
0xb3: {  	s29 =	simm.s32 $0x9;
	_ =	strace $0x8000004E  }
0xb4: {  	_ =	swait.ge [sflag:s29], $0x1  }
0xb5: {  	[sflag:s29] =	ssyncadd.s32 $0xFFFFFFFF  }
0xb6: {  	_ =	strace $0x9000004E  }
0xb7: {  	_ =	sfence  }
0xb8: {  	s30 =	sld [smem:$0x0];
	_ =	sdelay $0x2  }
0xb9: {  	s31 =	sshll.u32 s1, $0xD;
	s1 =	sshrl.u32 s1, $0x2  }
0xba: {  	s3 =	sand.u32 $0x4000, s31;
	s1 =	sadd.s32 s1, s30  }
0xbb: {  	s0 =	sor.u32 s3, s0;
	s1 =	sshll.u32 s1, $0x11  }
0xbc: {  	s0 =	sor.u32 s1, s0  }
0xbd: {  	s0 =	sadd.s32 $0x8F2B, s0  }
0xbe: {  	[sflag:s0] =	ssyncadd.remote.s32 $0x1  }
0xbf: {  	_ =	sfence.sel $0xFFFF  }
0xc0: {  	[dreg:$0x0] =	wrdreg $0xFFFFFFFF;
	(pc) =	sbr.abs _section_cstart, $3  }
0xc1: {  	[dreg:$0x1] =	wrdreg $0xFFFFFFFF  }
0xc2: {  	_ =	task.clear_ibuf [dreg:s7], $0x2FFFF;
	_ =	strace $0x9FFFFFFF  }
0xc3: {  	(tm) =	ssettm $0x7FFFFFFF  }
tec
execute0_lowered:
.L_overlay_start_1:
0x0: {  	(tag) =	ssettag $0x1  }
0x1: {  	s0 =	srdreg.scid;
	s1 =	rddreg [dreg:$0x0]  }
0x2: {  	s6 =	stileid.u32;
	s2 =	rddreg [dreg:$0x1];
	s7 =	simm.s32 $0x0  }
0x3: {  	s16 =	simm.s32 $0x7D;
	s17 =	simm.s32 $0x5000;
	s19 =	simm.s32 $0x6F40  }
0x4: {  	s28 =	simm.s32 $0xEC40;
	s30 =	simm.s32 $0x10B80;
	s31 =	simm.s32 $0x12AC0  }
0x5: {  	s18 =	simm.s32 $0x1;
	s20 =	simm.s32 $0x2;
	s29 =	simm.s32 $0x7  }
0x6: {  	s14 =	simm.s32 $0x8;
	s8 =	simm.s32 $0xC;
	s9 =	simm.s32 $0xD  }
0x7: {  	s10 =	simm.s32 $0xE;
	s11 =	simm.s32 $0xF;
	s0 =	sand.u32 $0x1, s0  }
0x8: {  	[smem:$0x7FF] =	sst s7;
	s3 =	sshll.u32 s0, $0x4;
	s0 =	ssub.s32 $0x2, s0  }
0x9: {  	s4 =	sor.u32 s6, s3;
	s6 =	smul.u32 $0x27100, s6;
	s21 =	sshrl.u32 s0, $0x1  }
0xa: {  	s3 =	rddreg [dreg:$0x2];
	s5 =	smul.u32 $0x500, s4;
	s0 =	ssub.s32 s0, s21  }
0xb: {  	_ =	strace $0x8000004D;
	s6 =	sshrl.u32 s6, $0x2;
	s0 =	smax.u32 s0, $0x1  }
0xc: {  	s5 =	sadd.s32 s5, s1;
	s23 =	sadd.s32 s6, s3;
	[dreg:$0xc] =	wrdreg s0  }
0xd: {  	s12 =	simm.s32 $0x10;
	s22 =	sadd.s32 $0xBE00, s5;
	[dreg:$0x5] =	wrdreg s23  }
0xe: {  	s13 =	simm.s32 $0x0;
	s5 =	sadd.s32 $0x1E00, s5;
	[dreg:$0x4] =	wrdreg s22  }
0xf: {  	s7 =	simm.s32 $0xB;
	s24 =	sadd.s32 $0x1F40, s23;
	[dreg:$0x6] =	wrdreg s5  }
0x10: {  	s4 =	smul.u32 $0x1388, s4;
	s25 =	sadd.s32 $0x3E80, s23;
	[dreg:$0x7] =	wrdreg s24  }
0x11: {  	s21 =	simm.s32 $0x8E80;
	s26 =	sadd.s32 $0x5DC0, s23;
	[dreg:$0x8] =	wrdreg s25  }
0x12: {  	s1 =	sadd.s32 s4, s1;
	s4 =	sadd.s32 $0x7D00, s23;
	[dreg:$0x9] =	wrdreg s26  }
0x13: {  	s0 =	simm.s32 $0x3;
	s1 =	sadd.s32 $0x64000, s1;
	[dreg:$0xa] =	wrdreg s4  }
0x14: {  	s23 =	simm.s32 $0xADC0;
	[dreg:$0xb] =	wrdreg s1;
	s25 =	simm.s32 $0xCD00  }
0x15: {  	s1 =	simm.s32 $0x12;
	s22 =	simm.s32 $0x4;
	s24 =	simm.s32 $0x5  }
0x16: {  	v0 =	vimm.f32 $0.0e+00;
	s26 =	simm.s32 $0x6;
	s4 =	simm.s32 $0x9;
	s5 =	simm.s32 $0xA  }
.LBB2_1:
0x17: {  	[dreg:$0xd] =	wrdreg s13  }
0x18: {  	s6 =	simm.s32 $0x0;
	s15 =	rddreg [dreg:$0x4]  }
0x19: {  	[tilespmem:s6], [sflag:$0x11] =	stream.linear.gather [hbm4b:s15+s6], $0x2800, $0x38;
	[tilespmem:$0x1E680] =	vst v63  }
0x1a: {  	s13 =	rddreg [dreg:$0x6];
	s15 =	simm.s32 $0x2800  }
0x1b: {  	[tilespmem:s15], [sflag:$0x11] =	stream.linear.gather [hbm4b:s13+s6], $0x2800, $0x38;
	[tilespmem:$0x1E680] =	vst v63  }
0x1c: {  	s15 =	simm.s32 $0x100;
	s6 =	simm.s32 $0x0  }
.LBB2_2:
0x1d: {  	p0 =	sne.s32 s15, $0x7C00;
	[tilespmem:s6+$0x12AF0] =	vst v0;
	s13 =	smov.u32 s15;
	s15 =	sadd.s32 $0x100, s15  }
.Ltmp0:
0x1e: {  	[tilespmem:s6+$0x12AE0] =	vst v0;
	(pc) =	sbr.rel @p0 .LBB2_2-.Ltmp0, $3  }
0x1f: {  	[tilespmem:s6+$0x12AC0] =	vst v0  }
0x20: {  	[tilespmem:s6+$0x12AD0] =	vst v0;
	_ =	sdelay $0x1  }
0x21: {  	s6 =	sshra.s32 s13, $0x2  }
0x22: {  	[tilespmem:s6+$0x12AF0] =	vst v0  }
0x23: {  	[tilespmem:s6+$0x12AE0] =	vst v0  }
0x24: {  	[tilespmem:s6+$0x12AC0] =	vst v0  }
0x25: {  	[tilespmem:s6+$0x12AD0] =	vst v0;
	s15 =	simm.s32 $0x11  }
0x26: {  	_ =	swait.ge [sflag:s15], $0x2800  }
0x27: {  	[sflag:s15] =	ssyncset.done $0x0  }
0x28: {  	[sflag:s15] =	ssyncadd.s32 $0xFFFFD800  }
0x29: {  	_ =	swait.ge [sflag:s15], $0x2800  }
0x2a: {  	[sflag:s15] =	ssyncset.done $0x0  }
0x2b: {  	s13 =	simm.s32 $0x0;
	[sflag:s15] =	ssyncadd.s32 $0xFFFFD800  }
0x2c: {  	[tilespmem:s17], [sflag:$0x1] =	stream.indirect.gather [hbm4b:s2+s16], $0x40, s13, s16, $0xb8;
	[tilespmem:$0x1E680] =	vst v63  }
0x2d: {  	s15 =	simm.s32 $0x80  }
0x2e: {  	[tilespmem:s19], [sflag:$0x2] =	stream.indirect.gather [hbm4b:s2+s16], $0x40, s15, s16, $0xb8;
	[tilespmem:$0x1E680] =	vst v63  }
0x2f: {  	s13 =	simm.s32 $0x100  }
0x30: {  	[tilespmem:s21], [sflag:$0x3] =	stream.indirect.gather [hbm4b:s2+s16], $0x40, s13, s16, $0xb8;
	[tilespmem:$0x1E680] =	vst v63  }
0x31: {  	s15 =	simm.s32 $0x180  }
0x32: {  	[tilespmem:s23], [sflag:$0x4] =	stream.indirect.gather [hbm4b:s2+s16], $0x40, s15, s16, $0xb8;
	[tilespmem:$0x1E680] =	vst v63  }
0x33: {  	s13 =	simm.s32 $0x200  }
0x34: {  	[tilespmem:s25], [sflag:$0x5] =	stream.indirect.gather [hbm4b:s2+s16], $0x40, s13, s16, $0xb8;
	[tilespmem:$0x1E680] =	vst v63  }
0x35: {  	s15 =	simm.s32 $0x280  }
0x36: {  	[tilespmem:s28], [sflag:$0x6] =	stream.indirect.gather [hbm4b:s2+s16], $0x40, s15, s16, $0xb8;
	[tilespmem:$0x1E680] =	vst v63  }
0x37: {  	s13 =	simm.s32 $0x300  }
0x38: {  	[tilespmem:s30], [sflag:$0x7] =	stream.indirect.gather [hbm4b:s2+s16], $0x40, s13, s16, $0xb8;
	[tilespmem:$0x1E680] =	vst v63  }
0x39: {  	s15 =	rddreg [dreg:$0x5]  }
0x3a: {  	[spmem:s15] =	stream.linear.scatter [tilespmem:s31], [sflag:$0x12], $0x1F40, $0x38;
	[tilespmem:$0x1E680] =	vst v63  }
0x3b: {  	_ =	swait.ge [sflag:s1], $0x1F40  }
0x3c: {  	[sflag:s1] =	ssyncset.done $0x0  }
0x3d: {  	s13 =	rddreg [dreg:$0x7];
	[sflag:s1] =	ssyncadd.s32 $0xFFFFE0C0  }
0x3e: {  	[spmem:s13] =	stream.linear.scatter [tilespmem:s31], [sflag:$0x12], $0x1F40, $0x38;
	[tilespmem:$0x1E680] =	vst v63  }
0x3f: {  	_ =	swait.ge [sflag:s1], $0x1F40  }
0x40: {  	[sflag:s1] =	ssyncset.done $0x0  }
0x41: {  	s15 =	rddreg [dreg:$0x8];
	[sflag:s1] =	ssyncadd.s32 $0xFFFFE0C0  }
0x42: {  	[spmem:s15] =	stream.linear.scatter [tilespmem:s31], [sflag:$0x12], $0x1F40, $0x38;
	[tilespmem:$0x1E680] =	vst v63  }
0x43: {  	_ =	swait.ge [sflag:s1], $0x1F40  }
0x44: {  	[sflag:s1] =	ssyncset.done $0x0  }
0x45: {  	s13 =	rddreg [dreg:$0x9];
	[sflag:s1] =	ssyncadd.s32 $0xFFFFE0C0  }
0x46: {  	[spmem:s13] =	stream.linear.scatter [tilespmem:s31], [sflag:$0x12], $0x1F40, $0x38;
	[tilespmem:$0x1E680] =	vst v63  }
0x47: {  	_ =	swait.ge [sflag:s1], $0x1F40  }
0x48: {  	[sflag:s1] =	ssyncset.done $0x0  }
0x49: {  	s15 =	rddreg [dreg:$0xa];
	[sflag:s1] =	ssyncadd.s32 $0xFFFFE0C0  }
0x4a: {  	[spmem:s15] =	stream.linear.scatter [tilespmem:s31], [sflag:$0x12], $0x1F40, $0x38;
	[tilespmem:$0x1E680] =	vst v63  }
0x4b: {  	_ =	swait.ge [sflag:s1], $0x1F40  }
0x4c: {  	[sflag:s1] =	ssyncset.done $0x0  }
0x4d: {  	s13 =	simm.s32 $0x380;
	[sflag:s1] =	ssyncadd.s32 $0xFFFFE0C0  }
0x4e: {  	[tilespmem:s31], [sflag:$0x8] =	stream.indirect.gather [hbm4b:s2+s16], $0x40, s13, s16, $0xb8;
	[tilespmem:$0x1E680] =	vst v63  }
0x4f: {  	[bflag:$0x0] =	sbarrier.arrive $0xFFFF  }
0x50: {  	_ =	swait.ge [sflag:s18], $0x1F40  }
0x51: {  	[sflag:s18] =	ssyncset.done $0x0  }
0x52: {  	s15 =	simm.s32 $0x2800;
	[sflag:s18] =	ssyncadd.s32 $0xFFFFE0C0  }
0x53: {  	[spmem:s3] =	stream.indirect.scatter.add.f32 [tilespmem:s17], [sflag:$0x9], $0x40, s15, s16, $0xb8;
	[tilespmem:$0x1E680] =	vst v63  }
0x54: {  	_ =	swait.ge [sflag:s20], $0x1F40  }
0x55: {  	[sflag:s20] =	ssyncset.done $0x0  }
0x56: {  	s13 =	simm.s32 $0x2880;
	[sflag:s20] =	ssyncadd.s32 $0xFFFFE0C0  }
0x57: {  	[spmem:s3] =	stream.indirect.scatter.add.f32 [tilespmem:s19], [sflag:$0xA], $0x40, s13, s16, $0xb8;
	[tilespmem:$0x1E680] =	vst v63  }
0x58: {  	_ =	swait.ge [sflag:s0], $0x1F40  }
0x59: {  	[sflag:s0] =	ssyncset.done $0x0  }
0x5a: {  	s15 =	simm.s32 $0x2900;
	[sflag:s0] =	ssyncadd.s32 $0xFFFFE0C0  }
0x5b: {  	[spmem:s3] =	stream.indirect.scatter.add.f32 [tilespmem:s21], [sflag:$0xB], $0x40, s15, s16, $0xb8;
	[tilespmem:$0x1E680] =	vst v63  }
0x5c: {  	_ =	swait.ge [sflag:s22], $0x1F40  }
0x5d: {  	[sflag:s22] =	ssyncset.done $0x0  }
0x5e: {  	s13 =	simm.s32 $0x2980;
	[sflag:s22] =	ssyncadd.s32 $0xFFFFE0C0  }
0x5f: {  	[spmem:s3] =	stream.indirect.scatter.add.f32 [tilespmem:s23], [sflag:$0xC], $0x40, s13, s16, $0xb8;
	[tilespmem:$0x1E680] =	vst v63  }
0x60: {  	_ =	swait.ge [sflag:s24], $0x1F40  }
0x61: {  	[sflag:s24] =	ssyncset.done $0x0  }
0x62: {  	s15 =	simm.s32 $0x2A00;
	[sflag:s24] =	ssyncadd.s32 $0xFFFFE0C0  }
0x63: {  	[spmem:s3] =	stream.indirect.scatter.add.f32 [tilespmem:s25], [sflag:$0xD], $0x40, s15, s16, $0xb8;
	[tilespmem:$0x1E680] =	vst v63  }
0x64: {  	_ =	swait.ge [sflag:s26], $0x1F40  }
0x65: {  	[sflag:s26] =	ssyncset.done $0x0  }
0x66: {  	s13 =	simm.s32 $0x2A80;
	[sflag:s26] =	ssyncadd.s32 $0xFFFFE0C0  }
0x67: {  	[spmem:s3] =	stream.indirect.scatter.add.f32 [tilespmem:s28], [sflag:$0xE], $0x40, s13, s16, $0xb8;
	[tilespmem:$0x1E680] =	vst v63  }
0x68: {  	_ =	swait.ge [sflag:s29], $0x1F40  }
0x69: {  	[sflag:s29] =	ssyncset.done $0x0  }
0x6a: {  	s15 =	simm.s32 $0x2B00;
	[sflag:s29] =	ssyncadd.s32 $0xFFFFE0C0  }
0x6b: {  	[spmem:s3] =	stream.indirect.scatter.add.f32 [tilespmem:s30], [sflag:$0xF], $0x40, s15, s16, $0xb8;
	[tilespmem:$0x1E680] =	vst v63  }
0x6c: {  	_ =	swait.ge [sflag:s14], $0x1F40  }
0x6d: {  	[sflag:s14] =	ssyncset.done $0x0  }
0x6e: {  	s13 =	simm.s32 $0x2B80;
	[sflag:s14] =	ssyncadd.s32 $0xFFFFE0C0  }
0x6f: {  	[spmem:s3] =	stream.indirect.scatter.add.f32 [tilespmem:s31], [sflag:$0x10], $0x40, s13, s16, $0xb8;
	[tilespmem:$0x1E680] =	vst v63  }
0x70: {  	_ =	swait.ge [sflag:s4], $0x1F40  }
0x71: {  	[sflag:s4] =	ssyncset.done $0x0  }
0x72: {  	s15 =	simm.s32 $0x400;
	[sflag:s4] =	ssyncadd.s32 $0xFFFFE0C0  }
0x73: {  	[tilespmem:s17], [sflag:$0x1] =	stream.indirect.gather [hbm4b:s2+s16], $0x40, s15, s16, $0xb8;
	[tilespmem:$0x1E680] =	vst v63  }
0x74: {  	_ =	swait.ge [sflag:s5], $0x1F40  }
0x75: {  	[sflag:s5] =	ssyncset.done $0x0  }
0x76: {  	s13 =	simm.s32 $0x480;
	[sflag:s5] =	ssyncadd.s32 $0xFFFFE0C0  }
0x77: {  	[tilespmem:s19], [sflag:$0x2] =	stream.indirect.gather [hbm4b:s2+s16], $0x40, s13, s16, $0xb8;
	[tilespmem:$0x1E680] =	vst v63  }
0x78: {  	_ =	swait.ge [sflag:s7], $0x1F40  }
0x79: {  	[sflag:s7] =	ssyncset.done $0x0  }
0x7a: {  	s15 =	simm.s32 $0x500;
	[sflag:s7] =	ssyncadd.s32 $0xFFFFE0C0  }
0x7b: {  	[tilespmem:s21], [sflag:$0x3] =	stream.indirect.gather [hbm4b:s2+s16], $0x40, s15, s16, $0xb8;
	[tilespmem:$0x1E680] =	vst v63  }
0x7c: {  	_ =	swait.ge [sflag:s8], $0x1F40  }
0x7d: {  	[sflag:s8] =	ssyncset.done $0x0  }
0x7e: {  	s13 =	simm.s32 $0x580;
	[sflag:s8] =	ssyncadd.s32 $0xFFFFE0C0  }
0x7f: {  	[tilespmem:s23], [sflag:$0x4] =	stream.indirect.gather [hbm4b:s2+s16], $0x40, s13, s16, $0xb8;
	[tilespmem:$0x1E680] =	vst v63  }
0x80: {  	_ =	swait.ge [sflag:s9], $0x1F40  }
0x81: {  	[sflag:s9] =	ssyncset.done $0x0  }
0x82: {  	s15 =	simm.s32 $0x600;
	[sflag:s9] =	ssyncadd.s32 $0xFFFFE0C0  }
0x83: {  	[tilespmem:s25], [sflag:$0x5] =	stream.indirect.gather [hbm4b:s2+s16], $0x40, s15, s16, $0xb8;
	[tilespmem:$0x1E680] =	vst v63  }
0x84: {  	_ =	swait.ge [sflag:s10], $0x1F40  }
0x85: {  	[sflag:s10] =	ssyncset.done $0x0  }
0x86: {  	s13 =	simm.s32 $0x680;
	[sflag:s10] =	ssyncadd.s32 $0xFFFFE0C0  }
0x87: {  	[tilespmem:s28], [sflag:$0x6] =	stream.indirect.gather [hbm4b:s2+s16], $0x40, s13, s16, $0xb8;
	[tilespmem:$0x1E680] =	vst v63  }
0x88: {  	_ =	swait.ge [sflag:s11], $0x1F40  }
0x89: {  	[sflag:s11] =	ssyncset.done $0x0  }
0x8a: {  	s15 =	simm.s32 $0x700;
	[sflag:s11] =	ssyncadd.s32 $0xFFFFE0C0  }
0x8b: {  	[tilespmem:s30], [sflag:$0x7] =	stream.indirect.gather [hbm4b:s2+s16], $0x40, s15, s16, $0xb8;
	[tilespmem:$0x1E680] =	vst v63  }
0x8c: {  	_ =	swait.ge [sflag:s12], $0x1F40  }
0x8d: {  	[sflag:s12] =	ssyncset.done $0x0  }
0x8e: {  	s6 =	simm.s32 $0x1000;
	s15 =	simm.s32 $0x780;
	[sflag:s12] =	ssyncadd.s32 $0xFFFFE0C0  }
.LBB2_4:
0x8f: {  	[tilespmem:s31], [sflag:$0x8] =	stream.indirect.gather [hbm4b:s2+s16], $0x40, s15, s16, $0xb8;
	[tilespmem:$0x1E680] =	vst v63  }
0x90: {  	s13 =	smov.u32 s6  }
0x91: {  	p0 =	sne.s32 s6, $0x8000;
	s6 =	sadd.s32 $0x1000, s6;
	_ =	swait.ge [sflag:s18], $0x1F40  }
0x92: {  	s15 =	sshra.s32 s13, $0x2;
	[sflag:s18] =	ssyncset.done $0x0  }
0x93: {  	s13 =	sadd.s32 $0x2800, s15;
	[sflag:s18] =	ssyncadd.s32 $0xFFFFE0C0  }
0x94: {  	[spmem:s3] =	stream.indirect.scatter.add.f32 [tilespmem:s17], [sflag:$0x9], $0x40, s13, s16, $0xb8;
	[tilespmem:$0x1E680] =	vst v63  }
0x95: {  	_ =	swait.ge [sflag:s20], $0x1F40  }
0x96: {  	[sflag:s20] =	ssyncset.done $0x0  }
0x97: {  	s13 =	sadd.s32 $0x2880, s15;
	[sflag:s20] =	ssyncadd.s32 $0xFFFFE0C0  }
0x98: {  	[spmem:s3] =	stream.indirect.scatter.add.f32 [tilespmem:s19], [sflag:$0xA], $0x40, s13, s16, $0xb8;
	[tilespmem:$0x1E680] =	vst v63  }
0x99: {  	_ =	swait.ge [sflag:s0], $0x1F40  }
0x9a: {  	[sflag:s0] =	ssyncset.done $0x0  }
0x9b: {  	s13 =	sadd.s32 $0x2900, s15;
	[sflag:s0] =	ssyncadd.s32 $0xFFFFE0C0  }
0x9c: {  	[spmem:s3] =	stream.indirect.scatter.add.f32 [tilespmem:s21], [sflag:$0xB], $0x40, s13, s16, $0xb8;
	[tilespmem:$0x1E680] =	vst v63  }
0x9d: {  	_ =	swait.ge [sflag:s22], $0x1F40  }
0x9e: {  	[sflag:s22] =	ssyncset.done $0x0  }
0x9f: {  	s13 =	sadd.s32 $0x2980, s15;
	[sflag:s22] =	ssyncadd.s32 $0xFFFFE0C0  }
0xa0: {  	[spmem:s3] =	stream.indirect.scatter.add.f32 [tilespmem:s23], [sflag:$0xC], $0x40, s13, s16, $0xb8;
	[tilespmem:$0x1E680] =	vst v63  }
0xa1: {  	_ =	swait.ge [sflag:s24], $0x1F40  }
0xa2: {  	[sflag:s24] =	ssyncset.done $0x0  }
0xa3: {  	s13 =	sadd.s32 $0x2A00, s15;
	[sflag:s24] =	ssyncadd.s32 $0xFFFFE0C0  }
0xa4: {  	[spmem:s3] =	stream.indirect.scatter.add.f32 [tilespmem:s25], [sflag:$0xD], $0x40, s13, s16, $0xb8;
	[tilespmem:$0x1E680] =	vst v63  }
0xa5: {  	_ =	swait.ge [sflag:s26], $0x1F40  }
0xa6: {  	[sflag:s26] =	ssyncset.done $0x0  }
0xa7: {  	s13 =	sadd.s32 $0x2A80, s15;
	[sflag:s26] =	ssyncadd.s32 $0xFFFFE0C0  }
0xa8: {  	[spmem:s3] =	stream.indirect.scatter.add.f32 [tilespmem:s28], [sflag:$0xE], $0x40, s13, s16, $0xb8;
	[tilespmem:$0x1E680] =	vst v63  }
0xa9: {  	_ =	swait.ge [sflag:s29], $0x1F40  }
0xaa: {  	[sflag:s29] =	ssyncset.done $0x0  }
0xab: {  	s13 =	sadd.s32 $0x2B00, s15;
	[sflag:s29] =	ssyncadd.s32 $0xFFFFE0C0  }
0xac: {  	[spmem:s3] =	stream.indirect.scatter.add.f32 [tilespmem:s30], [sflag:$0xF], $0x40, s13, s16, $0xb8;
	[tilespmem:$0x1E680] =	vst v63  }
0xad: {  	_ =	swait.ge [sflag:s14], $0x1F40  }
0xae: {  	[sflag:s14] =	ssyncset.done $0x0  }
0xaf: {  	s13 =	sadd.s32 $0x2B80, s15;
	[sflag:s14] =	ssyncadd.s32 $0xFFFFE0C0  }
0xb0: {  	[spmem:s3] =	stream.indirect.scatter.add.f32 [tilespmem:s31], [sflag:$0x10], $0x40, s13, s16, $0xb8;
	[tilespmem:$0x1E680] =	vst v63  }
0xb1: {  	_ =	swait.ge [sflag:s4], $0x1F40  }
0xb2: {  	[sflag:s4] =	ssyncset.done $0x0  }
0xb3: {  	s13 =	sadd.s32 $0x400, s15;
	[sflag:s4] =	ssyncadd.s32 $0xFFFFE0C0  }
0xb4: {  	[tilespmem:s17], [sflag:$0x1] =	stream.indirect.gather [hbm4b:s2+s16], $0x40, s13, s16, $0xb8;
	[tilespmem:$0x1E680] =	vst v63  }
0xb5: {  	_ =	swait.ge [sflag:s5], $0x1F40  }
0xb6: {  	[sflag:s5] =	ssyncset.done $0x0  }
0xb7: {  	s13 =	sadd.s32 $0x480, s15;
	[sflag:s5] =	ssyncadd.s32 $0xFFFFE0C0  }
0xb8: {  	[tilespmem:s19], [sflag:$0x2] =	stream.indirect.gather [hbm4b:s2+s16], $0x40, s13, s16, $0xb8;
	[tilespmem:$0x1E680] =	vst v63  }
0xb9: {  	_ =	swait.ge [sflag:s7], $0x1F40  }
0xba: {  	[sflag:s7] =	ssyncset.done $0x0  }
0xbb: {  	s13 =	sadd.s32 $0x500, s15;
	[sflag:s7] =	ssyncadd.s32 $0xFFFFE0C0  }
0xbc: {  	[tilespmem:s21], [sflag:$0x3] =	stream.indirect.gather [hbm4b:s2+s16], $0x40, s13, s16, $0xb8;
	[tilespmem:$0x1E680] =	vst v63  }
0xbd: {  	_ =	swait.ge [sflag:s8], $0x1F40  }
0xbe: {  	[sflag:s8] =	ssyncset.done $0x0  }
0xbf: {  	s13 =	sadd.s32 $0x580, s15;
	[sflag:s8] =	ssyncadd.s32 $0xFFFFE0C0  }
0xc0: {  	[tilespmem:s23], [sflag:$0x4] =	stream.indirect.gather [hbm4b:s2+s16], $0x40, s13, s16, $0xb8;
	[tilespmem:$0x1E680] =	vst v63  }
0xc1: {  	_ =	swait.ge [sflag:s9], $0x1F40  }
0xc2: {  	[sflag:s9] =	ssyncset.done $0x0  }
0xc3: {  	s13 =	sadd.s32 $0x600, s15;
	[sflag:s9] =	ssyncadd.s32 $0xFFFFE0C0  }
0xc4: {  	[tilespmem:s25], [sflag:$0x5] =	stream.indirect.gather [hbm4b:s2+s16], $0x40, s13, s16, $0xb8;
	[tilespmem:$0x1E680] =	vst v63  }
0xc5: {  	_ =	swait.ge [sflag:s10], $0x1F40  }
0xc6: {  	[sflag:s10] =	ssyncset.done $0x0  }
0xc7: {  	s13 =	sadd.s32 $0x680, s15;
	[sflag:s10] =	ssyncadd.s32 $0xFFFFE0C0  }
0xc8: {  	[tilespmem:s28], [sflag:$0x6] =	stream.indirect.gather [hbm4b:s2+s16], $0x40, s13, s16, $0xb8;
	[tilespmem:$0x1E680] =	vst v63  }
0xc9: {  	_ =	swait.ge [sflag:s11], $0x1F40  }
0xca: {  	[sflag:s11] =	ssyncset.done $0x0  }
.Ltmp1:
0xcb: {  	s13 =	sadd.s32 $0x700, s15;
	[sflag:s11] =	ssyncadd.s32 $0xFFFFE0C0;
	(pc) =	sbr.rel @p0 .LBB2_4-.Ltmp1, $4  }
0xcc: {  	[tilespmem:s30], [sflag:$0x7] =	stream.indirect.gather [hbm4b:s2+s16], $0x40, s13, s16, $0xb8;
	[tilespmem:$0x1E680] =	vst v63  }
0xcd: {  	_ =	swait.ge [sflag:s12], $0x1F40  }
0xce: {  	[sflag:s12] =	ssyncset.done $0x0  }
0xcf: {  	s15 =	sadd.s32 $0x780, s15;
	[sflag:s12] =	ssyncadd.s32 $0xFFFFE0C0  }
0xd0: {  	[tilespmem:s31], [sflag:$0x8] =	stream.indirect.gather [hbm4b:s2+s16], $0x40, s15, s16, $0xb8;
	[tilespmem:$0x1E680] =	vst v63  }
0xd1: {  	_ =	swait.ge [sflag:s18], $0x1F40  }
0xd2: {  	[sflag:s18] =	ssyncset.done $0x0  }
0xd3: {  	s6 =	simm.s32 $0x4C00;
	[sflag:s18] =	ssyncadd.s32 $0xFFFFE0C0  }
0xd4: {  	[spmem:s3] =	stream.indirect.scatter.add.f32 [tilespmem:s17], [sflag:$0x9], $0x40, s6, s16, $0xb8;
	[tilespmem:$0x1E680] =	vst v63  }
0xd5: {  	_ =	swait.ge [sflag:s20], $0x1F40  }
0xd6: {  	[sflag:s20] =	ssyncset.done $0x0  }
0xd7: {  	s13 =	simm.s32 $0x4C80;
	[sflag:s20] =	ssyncadd.s32 $0xFFFFE0C0  }
0xd8: {  	[spmem:s3] =	stream.indirect.scatter.add.f32 [tilespmem:s19], [sflag:$0xA], $0x40, s13, s16, $0xb8;
	[tilespmem:$0x1E680] =	vst v63  }
0xd9: {  	_ =	swait.ge [sflag:s0], $0x1F40  }
0xda: {  	[sflag:s0] =	ssyncset.done $0x0  }
0xdb: {  	s15 =	simm.s32 $0x4D00;
	[sflag:s0] =	ssyncadd.s32 $0xFFFFE0C0  }
0xdc: {  	[spmem:s3] =	stream.indirect.scatter.add.f32 [tilespmem:s21], [sflag:$0xB], $0x40, s15, s16, $0xb8;
	[tilespmem:$0x1E680] =	vst v63  }
0xdd: {  	_ =	swait.ge [sflag:s22], $0x1F40  }
0xde: {  	[sflag:s22] =	ssyncset.done $0x0  }
0xdf: {  	s13 =	simm.s32 $0x4D80;
	[sflag:s22] =	ssyncadd.s32 $0xFFFFE0C0  }
0xe0: {  	[spmem:s3] =	stream.indirect.scatter.add.f32 [tilespmem:s23], [sflag:$0xC], $0x40, s13, s16, $0xb8;
	[tilespmem:$0x1E680] =	vst v63  }
0xe1: {  	_ =	swait.ge [sflag:s24], $0x1F40  }
0xe2: {  	[sflag:s24] =	ssyncset.done $0x0  }
0xe3: {  	s15 =	simm.s32 $0x4E00;
	[sflag:s24] =	ssyncadd.s32 $0xFFFFE0C0  }
0xe4: {  	[spmem:s3] =	stream.indirect.scatter.add.f32 [tilespmem:s25], [sflag:$0xD], $0x40, s15, s16, $0xb8;
	[tilespmem:$0x1E680] =	vst v63  }
0xe5: {  	_ =	swait.ge [sflag:s26], $0x1F40  }
0xe6: {  	[sflag:s26] =	ssyncset.done $0x0  }
0xe7: {  	s13 =	simm.s32 $0x4E80;
	[sflag:s26] =	ssyncadd.s32 $0xFFFFE0C0  }
0xe8: {  	[spmem:s3] =	stream.indirect.scatter.add.f32 [tilespmem:s28], [sflag:$0xE], $0x40, s13, s16, $0xb8;
	[tilespmem:$0x1E680] =	vst v63  }
0xe9: {  	_ =	swait.ge [sflag:s29], $0x1F40  }
0xea: {  	[sflag:s29] =	ssyncset.done $0x0  }
0xeb: {  	s15 =	simm.s32 $0x4F00;
	[sflag:s29] =	ssyncadd.s32 $0xFFFFE0C0  }
0xec: {  	[spmem:s3] =	stream.indirect.scatter.add.f32 [tilespmem:s30], [sflag:$0xF], $0x40, s15, s16, $0xb8;
	[tilespmem:$0x1E680] =	vst v63  }
0xed: {  	_ =	swait.ge [sflag:s14], $0x1F40  }
0xee: {  	[sflag:s14] =	ssyncset.done $0x0  }
0xef: {  	s13 =	simm.s32 $0x4F80;
	[sflag:s14] =	ssyncadd.s32 $0xFFFFE0C0  }
0xf0: {  	[spmem:s3] =	stream.indirect.scatter.add.f32 [tilespmem:s31], [sflag:$0x10], $0x40, s13, s16, $0xb8;
	[tilespmem:$0x1E680] =	vst v63  }
0xf1: {  	_ =	swait.ge [sflag:s4], $0x1F40  }
0xf2: {  	[sflag:s4] =	ssyncset.done $0x0  }
0xf3: {  	[sflag:s4] =	ssyncadd.s32 $0xFFFFE0C0  }
0xf4: {  	_ =	swait.ge [sflag:s5], $0x1F40  }
0xf5: {  	[sflag:s5] =	ssyncset.done $0x0  }
0xf6: {  	[sflag:s5] =	ssyncadd.s32 $0xFFFFE0C0  }
0xf7: {  	_ =	swait.ge [sflag:s7], $0x1F40  }
0xf8: {  	[sflag:s7] =	ssyncset.done $0x0  }
0xf9: {  	[sflag:s7] =	ssyncadd.s32 $0xFFFFE0C0  }
0xfa: {  	_ =	swait.ge [sflag:s8], $0x1F40  }
0xfb: {  	[sflag:s8] =	ssyncset.done $0x0  }
0xfc: {  	[sflag:s8] =	ssyncadd.s32 $0xFFFFE0C0  }
0xfd: {  	_ =	swait.ge [sflag:s9], $0x1F40  }
0xfe: {  	[sflag:s9] =	ssyncset.done $0x0  }
0xff: {  	[sflag:s9] =	ssyncadd.s32 $0xFFFFE0C0  }
0x100: {  	_ =	swait.ge [sflag:s10], $0x1F40  }
0x101: {  	[sflag:s10] =	ssyncset.done $0x0  }
0x102: {  	[sflag:s10] =	ssyncadd.s32 $0xFFFFE0C0  }
0x103: {  	_ =	swait.ge [sflag:s11], $0x1F40  }
0x104: {  	[sflag:s11] =	ssyncset.done $0x0  }
0x105: {  	[sflag:s11] =	ssyncadd.s32 $0xFFFFE0C0  }
0x106: {  	_ =	swait.ge [sflag:s12], $0x1F40  }
0x107: {  	[sflag:s12] =	ssyncset.done $0x0  }
0x108: {  	[sflag:s12] =	ssyncadd.s32 $0xFFFFE0C0  }
0x109: {  	s15 =	stileid.u32;
	[bflag:$0x0] =	sbarrier.arrive $0xFFFF  }
0x10a: {  	s6 =	sshll.u32 s15, $0x6;
	s13 =	rddreg [dreg:$0x5]  }
0x10b: {  	s6 =	sor.u32 $0x1C12, s6;
	s15 =	rddreg [dreg:$0xb];
	s13 =	sshrl.u32 s13, $0x3  }
0x10c: {  	[hbm:s15], [sflag:s6] =	dma.local [spmem:s13], $0x1388  }
0x10d: {  	_ =	swait.ge [sflag:s1], $0x1388  }
0x10e: {  	s6 =	rddreg [dreg:$0xd]  }
0x10f: {  	s15 =	rddreg [dreg:$0xc];
	s13 =	sadd.s32 $0x1, s6  }
0x110: {  	p0 =	sne.s32 s13, s15  }
.Ltmp2:
0x111: {  	_ = 	snop;
	(pc) =	sbr.rel @p0 .LBB2_1-.Ltmp2, $3  }
0x112: {  	_ =	sdelay $0x1  }
0x113: {  	[sflag:s1] =	ssyncset.done $0x0  }
0x114: {  	[sflag:s1] =	ssyncadd.s32 $0xFFFFEC78  }
0x115: {  	_ =	sfence.sel $0x180000  }
0x116: {  	[bflag:$0x0] =	sbarrier.arrive $0xFFFF  }
0x117: {  	_ =	strace $0x9000004D  }
0x118: {  	s0 =	stileid.u32;
	[bflag:$0x2] =	sbarrier.arrive $0xFFFF  }
0x119: {  	p0 =	sne.s32 s0, $0x0;
	s0 =	rddreg [dreg:$0x3]  }
0x11a: {  	s0 =	sadd.s32 @!p0 $0x100000, s0  }
0x11b: {  	[sflag:s0] =	ssyncadd.tile.s32 @!p0 $0x1;
	_ =	shalt  }
.Lfunc_end2:
_tile_overlayer_lowered:
.L_overlay_start_2:
0x11c: {  	(tag) =	ssettag $0x2  }
0x11d: {  	s0 =	rddreg [dreg:$0x0];
	s2 =	stileid.u32  }
0x11e: {  	s1 =	rddreg [dreg:$0x1];
	p0 =	sne.s32 s2, $0x0  }
0x11f: {  	s3 =	rddreg [dreg:$0x2];
	[bflag:$0x3] =	sbarrier.arrive $0xFFFF;
	s2 =	simm.s32 @!p0 $0x1C12  }
0x120: {  	[timem:s3], [sflag:s2] =	dma.local @!p0 [hbm:s0], s1  }
0x121: {  	s0 =	simm.s32 @!p0 $0x12  }
0x122: {  	_ =	swait.ge @!p0 [sflag:s0], s1  }
0x123: {  	s1 =	ssub.s32 @!p0 $0x0, s1;
	[sflag:s0] =	ssyncset.done @!p0 $0x0  }
0x124: {  	[sflag:s0] =	ssyncadd.s32 @!p0 s1  }
0x125: {  	[bflag:$0x3] =	sbarrier.arrive $0xFFFF  }
0x126: {  	_ =	shalt  }

// kernel: kernel.19.cloned.1.call-start
scs
__scs_entry_jumppad:
0x0: {  	(pc) =	sbr.rel $0x88, $3  }
0x1: {  	(tag) =	ssettag $0x0;
	lr =	simm.s32 $0x1  }
0x2: {  	[smem:$0x3F99] =	sst lr;
	_ =	strace $0xD0000000  }
0x3: {  	_ = 	snop  }
0x4: {  	_ = 	snop  }
0x5: {  	_ = 	snop  }
0x6: {  	_ = 	snop  }
0x7: {  	_ = 	snop  }
__scs_overlays_trampoline_lowered:
0x8: {  	[smem:$0x3FA8] =	sst s0  }
0x9: {  	[smem:$0x3FA9] =	sst s1  }
0xa: {  	[smem:$0x3FAA] =	sst s2  }
0xb: {  	[smem:$0x3FAB] =	sst s3  }
0xc: {  	[smem:$0x3FAC] =	sst s4  }
0xd: {  	[smem:$0x3FAD] =	sst s5  }
0xe: {  	[smem:$0x3FAE] =	sst s6  }
0xf: {  	[smem:$0x3FAF] =	sst s7  }
0x10: {  	[smem:$0x3FB0] =	sst s8  }
0x11: {  	[smem:$0x3FB1] =	sst s9;
	s0 =	simm.s32 @!p0 $0x0  }
0x12: {  	s1 =	sld [smem:$0x3F97];
	s0 =	simm.s32 @p0 $0x1  }
0x13: {  	[smem:$0x3FB2] =	sst s0;
	s0 =	simm.s32 @!p1 $0x0  }
0x14: {  	s2 =	sld [smem:$0x3F96];
	s0 =	simm.s32 @p1 $0x1  }
0x15: {  	[smem:$0x3FB3] =	sst s0;
	s0 =	simm.s32 @!p2 $0x0  }
0x16: {  	s3 =	sld [smem:$0x3FDB];
	s0 =	simm.s32 @p2 $0x1  }
0x17: {  	s4 =	simm.s32 $0x1BF5;
	[smem:$0x3FB5] =	sst s0  }
0x18: {  	s0 =	sld [smem:$0x3F98];
	_ =	swait.ge [sflag:s4], $0x0  }
0x19: {  	s7 =	sld [smem:$0x3F99]  }
0x1a: {  	s8 =	sadd.s32 $0xFFFFE003, lr  }
0x1b: {  	s9 =	sadd.s32 $0xFFFFFEF7, lr;
	s5 =	simm.s32 $0xFFFFFFFF;
	p2 =	slt.u32 s8, $0xFFFFF086  }
0x1c: {  	p1 =	slt.u32 s9, $0xF7A;
	s5 =	simm.s32 @!p2 $0x0  }
0x1d: {  	s5 =	simm.s32 @p1 $0x1;
	p0 =	seq.s32 s7, s2  }
0x1e: {  	s7 =	smul.u32 @!p0 $0xF7A, s2;
	p2 =	seq.s32 @!p0 s5, $0x0  }
0x1f: {  	s9 =	smul.u32 $0xF7A, s1;
	s8 =	simm.s32 @!p0 $0x1BF5;
	p2 =	por !p2, p0  }
0x20: {  	[sflag:s8] =	ssyncset.s32 @!p0 $0xFFFFF086;
	s6 =	sadd.s32 @!p0 s3, s7;
	s7 =	simm.s32 @!p0 $0x108  }
0x21: {  	s3 =	sadd.s32 s3, s9;
	s6 =	sadd.s32 @!p0 $0x88, s6;
	s7 =	simm.s32 @p2 $0x1082  }
0x22: {  	[simem:s7], [sflag:s8] =	dma.local @!p0 [hbm:s6], $0xF7A  }
0x23: {  	s9 =	sor.u32 $0xD0000000, s2;
	s6 =	simm.s32 $0x108;
	_ =	swait.ge @!p0 [sflag:s8], $0x0  }
0x24: {  	s3 =	sadd.s32 $0x88, s3;
	s6 =	simm.s32 @!p1 $0x1082;
	[sflag:s4] =	ssyncset.s32 $0xFFFFF086  }
0x25: {  	[simem:s6], [sflag:s4] =	dma.local [hbm:s3], $0xF7A  }
0x26: {  	[smem:$0x3F99] =	sst s1;
	(tag) =	ssettag s2;
	_ =	strace s9  }
0x27: {  	s1 =	sld [smem:$0x3FA9]  }
0x28: {  	s2 =	sld [smem:$0x3FAA]  }
0x29: {  	s4 =	sld [smem:$0x3FAC]  }
0x2a: {  	p0 =	seq.s32 s5, $0x0;
	s5 =	sld [smem:$0x3FAD]  }
0x2b: {  	s6 =	sld [smem:$0x3FAE]  }
0x2c: {  	s7 =	sld [smem:$0x3FAF]  }
0x2d: {  	s3 =	simm.s32 $0x108;
	s8 =	sld [smem:$0x3FB0]  }
0x2e: {  	s3 =	simm.s32 @!p0 $0x1082;
	s9 =	sld [smem:$0x3FB1]  }
0x2f: {  	lr =	sadd.s32 s0, s3;
	s0 =	sld [smem:$0x3FA8]  }
0x30: {  	s3 =	sld [smem:$0x3FAB]  }
0x31: {  	[smem:$0x3FB4] =	sst s10  }
0x32: {  	s10 =	sld [smem:$0x3FB2];
	_ =	sdelay $0x3  }
0x33: {  	p0 =	seq.s32 s10, $0x1;
	s10 =	sld [smem:$0x3FB4];
	_ =	sdelay $0x3  }
0x34: {  	[smem:$0x3FB4] =	sst s10  }
0x35: {  	s10 =	sld [smem:$0x3FB3];
	_ =	sdelay $0x3  }
0x36: {  	p1 =	seq.s32 s10, $0x1;
	s10 =	sld [smem:$0x3FB4];
	_ =	sdelay $0x3  }
0x37: {  	[smem:$0x3FB4] =	sst s10  }
0x38: {  	s10 =	sld [smem:$0x3FB5]  }
0x39: {  	_ = 	snop;
	(pc) =	sbr.ind lr, $3  }
0x3a: {  	_ = 	snop  }
0x3b: {  	_ = 	snop  }
0x3c: {  	p2 =	seq.s32 s10, $0x1;
	s10 =	sld [smem:$0x3FB4]  }
0x3d: {  	_ =	shalt  }
0x3e: {  	_ =	shalt  }
0x3f: {  	_ =	shalt  }
0x40: {  	_ =	shalt  }
0x41: {  	_ =	shalt  }
0x42: {  	_ =	shalt  }
0x43: {  	_ =	shalt  }
0x44: {  	_ =	shalt  }
0x45: {  	_ =	shalt  }
0x46: {  	_ =	shalt  }
0x47: {  	_ =	shalt  }
0x48: {  	_ =	shalt  }
0x49: {  	_ =	shalt  }
0x4a: {  	_ =	shalt  }
0x4b: {  	_ =	shalt  }
0x4c: {  	_ =	shalt  }
0x4d: {  	_ =	shalt  }
0x4e: {  	_ =	shalt  }
0x4f: {  	_ =	shalt  }
0x50: {  	_ =	shalt  }
0x51: {  	_ =	shalt  }
0x52: {  	_ =	shalt  }
0x53: {  	_ =	shalt  }
0x54: {  	_ =	shalt  }
0x55: {  	_ =	shalt  }
0x56: {  	_ =	shalt  }
0x57: {  	_ =	shalt  }
0x58: {  	_ =	shalt  }
0x59: {  	_ =	shalt  }
0x5a: {  	_ =	shalt  }
0x5b: {  	_ =	shalt  }
0x5c: {  	_ =	shalt  }
0x5d: {  	_ =	shalt  }
0x5e: {  	_ =	shalt  }
0x5f: {  	_ =	shalt  }
0x60: {  	_ =	shalt  }
0x61: {  	_ =	shalt  }
0x62: {  	_ =	shalt  }
0x63: {  	_ =	shalt  }
0x64: {  	_ =	shalt  }
0x65: {  	_ =	shalt  }
0x66: {  	_ =	shalt  }
0x67: {  	_ =	shalt  }
0x68: {  	_ =	shalt  }
0x69: {  	_ =	shalt  }
0x6a: {  	_ =	shalt  }
0x6b: {  	_ =	shalt  }
0x6c: {  	_ =	shalt  }
0x6d: {  	_ =	shalt  }
0x6e: {  	_ =	shalt  }
0x6f: {  	_ =	shalt  }
0x70: {  	_ =	shalt  }
0x71: {  	_ =	shalt  }
0x72: {  	_ =	shalt  }
0x73: {  	_ =	shalt  }
0x74: {  	_ =	shalt  }
0x75: {  	_ =	shalt  }
0x76: {  	_ =	shalt  }
0x77: {  	_ =	shalt  }
0x78: {  	_ =	shalt  }
0x79: {  	_ =	shalt  }
0x7a: {  	_ =	shalt  }
0x7b: {  	_ =	shalt  }
0x7c: {  	_ =	shalt  }
0x7d: {  	_ =	shalt  }
0x7e: {  	_ =	shalt  }
0x7f: {  	_ =	shalt  }
0x80: {  	_ =	shalt  }
0x81: {  	_ =	shalt  }
0x82: {  	_ =	shalt  }
0x83: {  	_ =	shalt  }
0x84: {  	_ =	shalt  }
0x85: {  	_ =	shalt  }
0x86: {  	_ =	shalt  }
0x87: {  	_ =	shalt  }
.Lfunc_end0:
.L_simem_size_0:
called_computation.3_lowered:
.L_overlay_start_0:
0x88: {  	s2 =	sld [smem:$0x3FD9]  }
0x89: {  	s3 =	sld [smem:$0x3FFE];
	_ =	sdelay $0x1  }
0x8a: {  	s1 =	srdreg.scid  }
0x8b: {  	s0 =	sand.u32 $0x1, s1  }
0x8c: {  	s17 =	sshll.u32 s0, $0xA;
	s2 =	sadd.s32 s3, s2  }
0x8d: {  	s2 =	sadd.s32 s2, s17  }
0x8e: {  	[smem:$0x3FC0] =	sst s2  }
0x8f: {  	_ = 	snop  }
0x90: {  	s2 =	sld [smem:$0x3FD0];
	(tm) =	ssettm $0x1  }
0x91: {  	s18 =	sld [smem:$0x3FFB];
	_ =	sdelay $0x3  }
0x92: {  	_ =	strace s18  }
0x93: {  	s3 =	sld [smem:$0x3FFC];
	_ =	sdelay $0x3  }
0x94: {  	_ =	strace s3  }
0x95: {  	s3 =	sld [smem:$0x3FFD];
	_ =	sdelay $0x3  }
0x96: {  	_ =	strace s3  }
0x97: {  	_ =	strace $0x8FFFFFFF  }
0x98: {  	s19 =	sld [smem:$0x3FDB];
	_ =	sdelay $0x1  }
0x99: {  	s4 =	simm.s32 $_scs_section_size  }
0x9a: {  	s5 =	simm.s32 $_size__tile_overlayer_lowered;
	s6 =	simm.s32 $_tile_overlayer_lowered  }
0x9b: {  	s22 =	simm.s32 $0x1BFF;
	s21 =	sshll.u32 s6, $0x1;
	s3 =	sadd.s32 s4, s19  }
0x9c: {  	s7 =	simm.s32 $0x0;
	s20 =	sshll.u32 s5, $0x1;
	s5 =	sadd.s32 s21, s3  }
0x9d: {  	[timem:s7], [sflag:s22] =	dma.local [hbm:s5], s20  }
0x9e: {  	_ =	swait.ge [sflag:s22], s20  }
0x9f: {  	s4 =	ssub.s32 $0x0, s20;
	[sflag:s22] =	ssyncset.done $0x0  }
0xa0: {  	[sflag:s22] =	ssyncadd.s32 s4;
	_ =	sdelay $0x1  }
0xa1: {  	s23 =	simm.s32 $0x1B8B  }
0xa2: {  	_ =	swait.ge [sflag:s23], $0x1  }
0xa3: {  	[sflag:s23] =	ssyncset.done $0x0  }
0xa4: {  	s25 =	simm.s32 $0x1B8E;
	s24 =	sld [smem:$0x3FFE];
	[sflag:s23] =	ssyncadd.s32 $0xFFFFFFFF  }
0xa5: {  	s26 =	simm.s32 $execute0_lowered;
	[smem:$0x3FD2] =	sst s25  }
0xa6: {  	s5 =	sshll.u32 s26, $0x1;
	_ =	strace $0x8000004F;
	[dreg:$0x1] =	wrdreg $0xFFFFFFFF  }
0xa7: {  	s28 =	simm.s32 $_size_execute0_lowered;
	s3 =	sadd.s32 s3, s5;
	[dreg:$0x0] =	wrdreg $0x0  }
0xa8: {  	s5 =	sshll.u32 s28, $0x1;
	[dreg:$0x2] =	wrdreg s3  }
0xa9: {  	[dreg:$0x3] =	wrdreg s5  }
0xaa: {  	[dreg:$0x4] =	wrdreg $0xC0  }
0xab: {  	_ =	task [dreg:s7], $0x5FFFF  }
0xac: {  	[dreg:$0x1] =	wrdreg $0xFFFFFFFF  }
0xad: {  	[dreg:$0x0] =	wrdreg $0x60  }
0xae: {  	[dreg:$0x2] =	wrdreg s24  }
0xaf: {  	[dreg:$0x3] =	wrdreg s2  }
0xb0: {  	[dreg:$0x4] =	wrdreg $0x14A000  }
0xb1: {  	[dreg:$0x5] =	wrdreg $0x9  }
0xb2: {  	_ =	task.clear_ibuf [dreg:s7], $0x6FFFF;
	_ =	strace $0x9000004F  }
0xb3: {  	s29 =	simm.s32 $0x9;
	_ =	strace $0x80000051  }
0xb4: {  	_ =	swait.ge [sflag:s29], $0x1  }
0xb5: {  	[sflag:s29] =	ssyncadd.s32 $0xFFFFFFFF  }
0xb6: {  	_ =	strace $0x90000051  }
0xb7: {  	_ =	sfence  }
0xb8: {  	s30 =	sld [smem:$0x0];
	_ =	sdelay $0x2  }
0xb9: {  	s31 =	sshll.u32 s1, $0xD;
	s1 =	sshrl.u32 s1, $0x2  }
0xba: {  	s3 =	sand.u32 $0x4000, s31;
	s1 =	sadd.s32 s1, s30  }
0xbb: {  	s0 =	sor.u32 s3, s0;
	s1 =	sshll.u32 s1, $0x11  }
0xbc: {  	s0 =	sor.u32 s1, s0  }
0xbd: {  	s0 =	sadd.s32 $0x8F2B, s0  }
0xbe: {  	[sflag:s0] =	ssyncadd.remote.s32 $0x1  }
0xbf: {  	_ =	sfence.sel $0xFFFF  }
0xc0: {  	[dreg:$0x0] =	wrdreg $0xFFFFFFFF;
	(pc) =	sbr.abs _section_cstart, $3  }
0xc1: {  	[dreg:$0x1] =	wrdreg $0xFFFFFFFF  }
0xc2: {  	_ =	task.clear_ibuf [dreg:s7], $0x2FFFF;
	_ =	strace $0x9FFFFFFF  }
0xc3: {  	(tm) =	ssettm $0x7FFFFFFF  }
tec
execute0_lowered:
.L_overlay_start_1:
0x0: {  	(tag) =	ssettag $0x1  }
0x1: {  	s0 =	srdreg.scid;
	s1 =	rddreg [dreg:$0x0]  }
0x2: {  	s6 =	stileid.u32;
	s2 =	rddreg [dreg:$0x1];
	s7 =	simm.s32 $0x0  }
0x3: {  	s16 =	simm.s32 $0x7D;
	s17 =	simm.s32 $0x5000;
	s19 =	simm.s32 $0x6F40  }
0x4: {  	s28 =	simm.s32 $0xEC40;
	s30 =	simm.s32 $0x10B80;
	s31 =	simm.s32 $0x12AC0  }
0x5: {  	s18 =	simm.s32 $0x1;
	s20 =	simm.s32 $0x2;
	s29 =	simm.s32 $0x7  }
0x6: {  	s14 =	simm.s32 $0x8;
	s8 =	simm.s32 $0xC;
	s9 =	simm.s32 $0xD  }
0x7: {  	s10 =	simm.s32 $0xE;
	s11 =	simm.s32 $0xF;
	s0 =	sand.u32 $0x1, s0  }
0x8: {  	[smem:$0x7FF] =	sst s7;
	s3 =	sshll.u32 s0, $0x4;
	s0 =	ssub.s32 $0x2, s0  }
0x9: {  	s4 =	sor.u32 s6, s3;
	s6 =	smul.u32 $0x27100, s6;
	s21 =	sshrl.u32 s0, $0x1  }
0xa: {  	s3 =	rddreg [dreg:$0x2];
	s5 =	smul.u32 $0x500, s4;
	s0 =	ssub.s32 s0, s21  }
0xb: {  	_ =	strace $0x80000050;
	s6 =	sshrl.u32 s6, $0x2;
	s0 =	smax.u32 s0, $0x1  }
0xc: {  	s5 =	sadd.s32 s5, s1;
	s23 =	sadd.s32 s6, s3;
	[dreg:$0xc] =	wrdreg s0  }
0xd: {  	s12 =	simm.s32 $0x10;
	s22 =	sadd.s32 $0xBE00, s5;
	[dreg:$0x5] =	wrdreg s23  }
0xe: {  	s13 =	simm.s32 $0x0;
	s5 =	sadd.s32 $0x1E00, s5;
	[dreg:$0x4] =	wrdreg s22  }
0xf: {  	s7 =	simm.s32 $0xB;
	s24 =	sadd.s32 $0x1F40, s23;
	[dreg:$0x6] =	wrdreg s5  }
0x10: {  	s4 =	smul.u32 $0x1388, s4;
	s25 =	sadd.s32 $0x3E80, s23;
	[dreg:$0x7] =	wrdreg s24  }
0x11: {  	s21 =	simm.s32 $0x8E80;
	s26 =	sadd.s32 $0x5DC0, s23;
	[dreg:$0x8] =	wrdreg s25  }
0x12: {  	s1 =	sadd.s32 s4, s1;
	s4 =	sadd.s32 $0x7D00, s23;
	[dreg:$0x9] =	wrdreg s26  }
0x13: {  	s0 =	simm.s32 $0x3;
	s1 =	sadd.s32 $0x64000, s1;
	[dreg:$0xa] =	wrdreg s4  }
0x14: {  	s23 =	simm.s32 $0xADC0;
	[dreg:$0xb] =	wrdreg s1;
	s25 =	simm.s32 $0xCD00  }
0x15: {  	s1 =	simm.s32 $0x12;
	s22 =	simm.s32 $0x4;
	s24 =	simm.s32 $0x5  }
0x16: {  	v0 =	vimm.f32 $0.0e+00;
	s26 =	simm.s32 $0x6;
	s4 =	simm.s32 $0x9;
	s5 =	simm.s32 $0xA  }
.LBB2_1:
0x17: {  	[dreg:$0xd] =	wrdreg s13  }
0x18: {  	s6 =	simm.s32 $0x0;
	s15 =	rddreg [dreg:$0x4]  }
0x19: {  	[tilespmem:s6], [sflag:$0x11] =	stream.linear.gather [hbm4b:s15+s6], $0x2800, $0x38;
	[tilespmem:$0x1E680] =	vst v63  }
0x1a: {  	s13 =	rddreg [dreg:$0x6];
	s15 =	simm.s32 $0x2800  }
0x1b: {  	[tilespmem:s15], [sflag:$0x11] =	stream.linear.gather [hbm4b:s13+s6], $0x2800, $0x38;
	[tilespmem:$0x1E680] =	vst v63  }
0x1c: {  	s15 =	simm.s32 $0x100;
	s6 =	simm.s32 $0x0  }
.LBB2_2:
0x1d: {  	p0 =	sne.s32 s15, $0x7C00;
	[tilespmem:s6+$0x12AF0] =	vst v0;
	s13 =	smov.u32 s15;
	s15 =	sadd.s32 $0x100, s15  }
.Ltmp0:
0x1e: {  	[tilespmem:s6+$0x12AE0] =	vst v0;
	(pc) =	sbr.rel @p0 .LBB2_2-.Ltmp0, $3  }
0x1f: {  	[tilespmem:s6+$0x12AC0] =	vst v0  }
0x20: {  	[tilespmem:s6+$0x12AD0] =	vst v0;
	_ =	sdelay $0x1  }
0x21: {  	s6 =	sshra.s32 s13, $0x2  }
0x22: {  	[tilespmem:s6+$0x12AF0] =	vst v0  }
0x23: {  	[tilespmem:s6+$0x12AE0] =	vst v0  }
0x24: {  	[tilespmem:s6+$0x12AC0] =	vst v0  }
0x25: {  	[tilespmem:s6+$0x12AD0] =	vst v0;
	s15 =	simm.s32 $0x11  }
0x26: {  	_ =	swait.ge [sflag:s15], $0x2800  }
0x27: {  	[sflag:s15] =	ssyncset.done $0x0  }
0x28: {  	[sflag:s15] =	ssyncadd.s32 $0xFFFFD800  }
0x29: {  	_ =	swait.ge [sflag:s15], $0x2800  }
0x2a: {  	[sflag:s15] =	ssyncset.done $0x0  }
0x2b: {  	s13 =	simm.s32 $0x0;
	[sflag:s15] =	ssyncadd.s32 $0xFFFFD800  }
0x2c: {  	[tilespmem:s17], [sflag:$0x1] =	stream.indirect.gather [hbm4b:s2+s16], $0x40, s13, s16, $0xb8;
	[tilespmem:$0x1E680] =	vst v63  }
0x2d: {  	s15 =	simm.s32 $0x80  }
0x2e: {  	[tilespmem:s19], [sflag:$0x2] =	stream.indirect.gather [hbm4b:s2+s16], $0x40, s15, s16, $0xb8;
	[tilespmem:$0x1E680] =	vst v63  }
0x2f: {  	s13 =	simm.s32 $0x100  }
0x30: {  	[tilespmem:s21], [sflag:$0x3] =	stream.indirect.gather [hbm4b:s2+s16], $0x40, s13, s16, $0xb8;
	[tilespmem:$0x1E680] =	vst v63  }
0x31: {  	s15 =	simm.s32 $0x180  }
0x32: {  	[tilespmem:s23], [sflag:$0x4] =	stream.indirect.gather [hbm4b:s2+s16], $0x40, s15, s16, $0xb8;
	[tilespmem:$0x1E680] =	vst v63  }
0x33: {  	s13 =	simm.s32 $0x200  }
0x34: {  	[tilespmem:s25], [sflag:$0x5] =	stream.indirect.gather [hbm4b:s2+s16], $0x40, s13, s16, $0xb8;
	[tilespmem:$0x1E680] =	vst v63  }
0x35: {  	s15 =	simm.s32 $0x280  }
0x36: {  	[tilespmem:s28], [sflag:$0x6] =	stream.indirect.gather [hbm4b:s2+s16], $0x40, s15, s16, $0xb8;
	[tilespmem:$0x1E680] =	vst v63  }
0x37: {  	s13 =	simm.s32 $0x300  }
0x38: {  	[tilespmem:s30], [sflag:$0x7] =	stream.indirect.gather [hbm4b:s2+s16], $0x40, s13, s16, $0xb8;
	[tilespmem:$0x1E680] =	vst v63  }
0x39: {  	s15 =	rddreg [dreg:$0x5]  }
0x3a: {  	[spmem:s15] =	stream.linear.scatter [tilespmem:s31], [sflag:$0x12], $0x1F40, $0x38;
	[tilespmem:$0x1E680] =	vst v63  }
0x3b: {  	_ =	swait.ge [sflag:s1], $0x1F40  }
0x3c: {  	[sflag:s1] =	ssyncset.done $0x0  }
0x3d: {  	s13 =	rddreg [dreg:$0x7];
	[sflag:s1] =	ssyncadd.s32 $0xFFFFE0C0  }
0x3e: {  	[spmem:s13] =	stream.linear.scatter [tilespmem:s31], [sflag:$0x12], $0x1F40, $0x38;
	[tilespmem:$0x1E680] =	vst v63  }
0x3f: {  	_ =	swait.ge [sflag:s1], $0x1F40  }
0x40: {  	[sflag:s1] =	ssyncset.done $0x0  }
0x41: {  	s15 =	rddreg [dreg:$0x8];
	[sflag:s1] =	ssyncadd.s32 $0xFFFFE0C0  }
0x42: {  	[spmem:s15] =	stream.linear.scatter [tilespmem:s31], [sflag:$0x12], $0x1F40, $0x38;
	[tilespmem:$0x1E680] =	vst v63  }
0x43: {  	_ =	swait.ge [sflag:s1], $0x1F40  }
0x44: {  	[sflag:s1] =	ssyncset.done $0x0  }
0x45: {  	s13 =	rddreg [dreg:$0x9];
	[sflag:s1] =	ssyncadd.s32 $0xFFFFE0C0  }
0x46: {  	[spmem:s13] =	stream.linear.scatter [tilespmem:s31], [sflag:$0x12], $0x1F40, $0x38;
	[tilespmem:$0x1E680] =	vst v63  }
0x47: {  	_ =	swait.ge [sflag:s1], $0x1F40  }
0x48: {  	[sflag:s1] =	ssyncset.done $0x0  }
0x49: {  	s15 =	rddreg [dreg:$0xa];
	[sflag:s1] =	ssyncadd.s32 $0xFFFFE0C0  }
0x4a: {  	[spmem:s15] =	stream.linear.scatter [tilespmem:s31], [sflag:$0x12], $0x1F40, $0x38;
	[tilespmem:$0x1E680] =	vst v63  }
0x4b: {  	_ =	swait.ge [sflag:s1], $0x1F40  }
0x4c: {  	[sflag:s1] =	ssyncset.done $0x0  }
0x4d: {  	s13 =	simm.s32 $0x380;
	[sflag:s1] =	ssyncadd.s32 $0xFFFFE0C0  }
0x4e: {  	[tilespmem:s31], [sflag:$0x8] =	stream.indirect.gather [hbm4b:s2+s16], $0x40, s13, s16, $0xb8;
	[tilespmem:$0x1E680] =	vst v63  }
0x4f: {  	[bflag:$0x0] =	sbarrier.arrive $0xFFFF  }
0x50: {  	_ =	swait.ge [sflag:s18], $0x1F40  }
0x51: {  	[sflag:s18] =	ssyncset.done $0x0  }
0x52: {  	s15 =	simm.s32 $0x2800;
	[sflag:s18] =	ssyncadd.s32 $0xFFFFE0C0  }
0x53: {  	[spmem:s3] =	stream.indirect.scatter.add.f32 [tilespmem:s17], [sflag:$0x9], $0x40, s15, s16, $0xb8;
	[tilespmem:$0x1E680] =	vst v63  }
0x54: {  	_ =	swait.ge [sflag:s20], $0x1F40  }
0x55: {  	[sflag:s20] =	ssyncset.done $0x0  }
0x56: {  	s13 =	simm.s32 $0x2880;
	[sflag:s20] =	ssyncadd.s32 $0xFFFFE0C0  }
0x57: {  	[spmem:s3] =	stream.indirect.scatter.add.f32 [tilespmem:s19], [sflag:$0xA], $0x40, s13, s16, $0xb8;
	[tilespmem:$0x1E680] =	vst v63  }
0x58: {  	_ =	swait.ge [sflag:s0], $0x1F40  }
0x59: {  	[sflag:s0] =	ssyncset.done $0x0  }
0x5a: {  	s15 =	simm.s32 $0x2900;
	[sflag:s0] =	ssyncadd.s32 $0xFFFFE0C0  }
0x5b: {  	[spmem:s3] =	stream.indirect.scatter.add.f32 [tilespmem:s21], [sflag:$0xB], $0x40, s15, s16, $0xb8;
	[tilespmem:$0x1E680] =	vst v63  }
0x5c: {  	_ =	swait.ge [sflag:s22], $0x1F40  }
0x5d: {  	[sflag:s22] =	ssyncset.done $0x0  }
0x5e: {  	s13 =	simm.s32 $0x2980;
	[sflag:s22] =	ssyncadd.s32 $0xFFFFE0C0  }
0x5f: {  	[spmem:s3] =	stream.indirect.scatter.add.f32 [tilespmem:s23], [sflag:$0xC], $0x40, s13, s16, $0xb8;
	[tilespmem:$0x1E680] =	vst v63  }
0x60: {  	_ =	swait.ge [sflag:s24], $0x1F40  }
0x61: {  	[sflag:s24] =	ssyncset.done $0x0  }
0x62: {  	s15 =	simm.s32 $0x2A00;
	[sflag:s24] =	ssyncadd.s32 $0xFFFFE0C0  }
0x63: {  	[spmem:s3] =	stream.indirect.scatter.add.f32 [tilespmem:s25], [sflag:$0xD], $0x40, s15, s16, $0xb8;
	[tilespmem:$0x1E680] =	vst v63  }
0x64: {  	_ =	swait.ge [sflag:s26], $0x1F40  }
0x65: {  	[sflag:s26] =	ssyncset.done $0x0  }
0x66: {  	s13 =	simm.s32 $0x2A80;
	[sflag:s26] =	ssyncadd.s32 $0xFFFFE0C0  }
0x67: {  	[spmem:s3] =	stream.indirect.scatter.add.f32 [tilespmem:s28], [sflag:$0xE], $0x40, s13, s16, $0xb8;
	[tilespmem:$0x1E680] =	vst v63  }
0x68: {  	_ =	swait.ge [sflag:s29], $0x1F40  }
0x69: {  	[sflag:s29] =	ssyncset.done $0x0  }
0x6a: {  	s15 =	simm.s32 $0x2B00;
	[sflag:s29] =	ssyncadd.s32 $0xFFFFE0C0  }
0x6b: {  	[spmem:s3] =	stream.indirect.scatter.add.f32 [tilespmem:s30], [sflag:$0xF], $0x40, s15, s16, $0xb8;
	[tilespmem:$0x1E680] =	vst v63  }
0x6c: {  	_ =	swait.ge [sflag:s14], $0x1F40  }
0x6d: {  	[sflag:s14] =	ssyncset.done $0x0  }
0x6e: {  	s13 =	simm.s32 $0x2B80;
	[sflag:s14] =	ssyncadd.s32 $0xFFFFE0C0  }
0x6f: {  	[spmem:s3] =	stream.indirect.scatter.add.f32 [tilespmem:s31], [sflag:$0x10], $0x40, s13, s16, $0xb8;
	[tilespmem:$0x1E680] =	vst v63  }
0x70: {  	_ =	swait.ge [sflag:s4], $0x1F40  }
0x71: {  	[sflag:s4] =	ssyncset.done $0x0  }
0x72: {  	s15 =	simm.s32 $0x400;
	[sflag:s4] =	ssyncadd.s32 $0xFFFFE0C0  }
0x73: {  	[tilespmem:s17], [sflag:$0x1] =	stream.indirect.gather [hbm4b:s2+s16], $0x40, s15, s16, $0xb8;
	[tilespmem:$0x1E680] =	vst v63  }
0x74: {  	_ =	swait.ge [sflag:s5], $0x1F40  }
0x75: {  	[sflag:s5] =	ssyncset.done $0x0  }
0x76: {  	s13 =	simm.s32 $0x480;
	[sflag:s5] =	ssyncadd.s32 $0xFFFFE0C0  }
0x77: {  	[tilespmem:s19], [sflag:$0x2] =	stream.indirect.gather [hbm4b:s2+s16], $0x40, s13, s16, $0xb8;
	[tilespmem:$0x1E680] =	vst v63  }
0x78: {  	_ =	swait.ge [sflag:s7], $0x1F40  }
0x79: {  	[sflag:s7] =	ssyncset.done $0x0  }
0x7a: {  	s15 =	simm.s32 $0x500;
	[sflag:s7] =	ssyncadd.s32 $0xFFFFE0C0  }
0x7b: {  	[tilespmem:s21], [sflag:$0x3] =	stream.indirect.gather [hbm4b:s2+s16], $0x40, s15, s16, $0xb8;
	[tilespmem:$0x1E680] =	vst v63  }
0x7c: {  	_ =	swait.ge [sflag:s8], $0x1F40  }
0x7d: {  	[sflag:s8] =	ssyncset.done $0x0  }
0x7e: {  	s13 =	simm.s32 $0x580;
	[sflag:s8] =	ssyncadd.s32 $0xFFFFE0C0  }
0x7f: {  	[tilespmem:s23], [sflag:$0x4] =	stream.indirect.gather [hbm4b:s2+s16], $0x40, s13, s16, $0xb8;
	[tilespmem:$0x1E680] =	vst v63  }
0x80: {  	_ =	swait.ge [sflag:s9], $0x1F40  }
0x81: {  	[sflag:s9] =	ssyncset.done $0x0  }
0x82: {  	s15 =	simm.s32 $0x600;
	[sflag:s9] =	ssyncadd.s32 $0xFFFFE0C0  }
0x83: {  	[tilespmem:s25], [sflag:$0x5] =	stream.indirect.gather [hbm4b:s2+s16], $0x40, s15, s16, $0xb8;
	[tilespmem:$0x1E680] =	vst v63  }
0x84: {  	_ =	swait.ge [sflag:s10], $0x1F40  }
0x85: {  	[sflag:s10] =	ssyncset.done $0x0  }
0x86: {  	s13 =	simm.s32 $0x680;
	[sflag:s10] =	ssyncadd.s32 $0xFFFFE0C0  }
0x87: {  	[tilespmem:s28], [sflag:$0x6] =	stream.indirect.gather [hbm4b:s2+s16], $0x40, s13, s16, $0xb8;
	[tilespmem:$0x1E680] =	vst v63  }
0x88: {  	_ =	swait.ge [sflag:s11], $0x1F40  }
0x89: {  	[sflag:s11] =	ssyncset.done $0x0  }
0x8a: {  	s15 =	simm.s32 $0x700;
	[sflag:s11] =	ssyncadd.s32 $0xFFFFE0C0  }
0x8b: {  	[tilespmem:s30], [sflag:$0x7] =	stream.indirect.gather [hbm4b:s2+s16], $0x40, s15, s16, $0xb8;
	[tilespmem:$0x1E680] =	vst v63  }
0x8c: {  	_ =	swait.ge [sflag:s12], $0x1F40  }
0x8d: {  	[sflag:s12] =	ssyncset.done $0x0  }
0x8e: {  	s6 =	simm.s32 $0x1000;
	s15 =	simm.s32 $0x780;
	[sflag:s12] =	ssyncadd.s32 $0xFFFFE0C0  }
.LBB2_4:
0x8f: {  	[tilespmem:s31], [sflag:$0x8] =	stream.indirect.gather [hbm4b:s2+s16], $0x40, s15, s16, $0xb8;
	[tilespmem:$0x1E680] =	vst v63  }
0x90: {  	s13 =	smov.u32 s6  }
0x91: {  	p0 =	sne.s32 s6, $0x8000;
	s6 =	sadd.s32 $0x1000, s6;
	_ =	swait.ge [sflag:s18], $0x1F40  }
0x92: {  	s15 =	sshra.s32 s13, $0x2;
	[sflag:s18] =	ssyncset.done $0x0  }
0x93: {  	s13 =	sadd.s32 $0x2800, s15;
	[sflag:s18] =	ssyncadd.s32 $0xFFFFE0C0  }
0x94: {  	[spmem:s3] =	stream.indirect.scatter.add.f32 [tilespmem:s17], [sflag:$0x9], $0x40, s13, s16, $0xb8;
	[tilespmem:$0x1E680] =	vst v63  }
0x95: {  	_ =	swait.ge [sflag:s20], $0x1F40  }
0x96: {  	[sflag:s20] =	ssyncset.done $0x0  }
0x97: {  	s13 =	sadd.s32 $0x2880, s15;
	[sflag:s20] =	ssyncadd.s32 $0xFFFFE0C0  }
0x98: {  	[spmem:s3] =	stream.indirect.scatter.add.f32 [tilespmem:s19], [sflag:$0xA], $0x40, s13, s16, $0xb8;
	[tilespmem:$0x1E680] =	vst v63  }
0x99: {  	_ =	swait.ge [sflag:s0], $0x1F40  }
0x9a: {  	[sflag:s0] =	ssyncset.done $0x0  }
0x9b: {  	s13 =	sadd.s32 $0x2900, s15;
	[sflag:s0] =	ssyncadd.s32 $0xFFFFE0C0  }
0x9c: {  	[spmem:s3] =	stream.indirect.scatter.add.f32 [tilespmem:s21], [sflag:$0xB], $0x40, s13, s16, $0xb8;
	[tilespmem:$0x1E680] =	vst v63  }
0x9d: {  	_ =	swait.ge [sflag:s22], $0x1F40  }
0x9e: {  	[sflag:s22] =	ssyncset.done $0x0  }
0x9f: {  	s13 =	sadd.s32 $0x2980, s15;
	[sflag:s22] =	ssyncadd.s32 $0xFFFFE0C0  }
0xa0: {  	[spmem:s3] =	stream.indirect.scatter.add.f32 [tilespmem:s23], [sflag:$0xC], $0x40, s13, s16, $0xb8;
	[tilespmem:$0x1E680] =	vst v63  }
0xa1: {  	_ =	swait.ge [sflag:s24], $0x1F40  }
0xa2: {  	[sflag:s24] =	ssyncset.done $0x0  }
0xa3: {  	s13 =	sadd.s32 $0x2A00, s15;
	[sflag:s24] =	ssyncadd.s32 $0xFFFFE0C0  }
0xa4: {  	[spmem:s3] =	stream.indirect.scatter.add.f32 [tilespmem:s25], [sflag:$0xD], $0x40, s13, s16, $0xb8;
	[tilespmem:$0x1E680] =	vst v63  }
0xa5: {  	_ =	swait.ge [sflag:s26], $0x1F40  }
0xa6: {  	[sflag:s26] =	ssyncset.done $0x0  }
0xa7: {  	s13 =	sadd.s32 $0x2A80, s15;
	[sflag:s26] =	ssyncadd.s32 $0xFFFFE0C0  }
0xa8: {  	[spmem:s3] =	stream.indirect.scatter.add.f32 [tilespmem:s28], [sflag:$0xE], $0x40, s13, s16, $0xb8;
	[tilespmem:$0x1E680] =	vst v63  }
0xa9: {  	_ =	swait.ge [sflag:s29], $0x1F40  }
0xaa: {  	[sflag:s29] =	ssyncset.done $0x0  }
0xab: {  	s13 =	sadd.s32 $0x2B00, s15;
	[sflag:s29] =	ssyncadd.s32 $0xFFFFE0C0  }
0xac: {  	[spmem:s3] =	stream.indirect.scatter.add.f32 [tilespmem:s30], [sflag:$0xF], $0x40, s13, s16, $0xb8;
	[tilespmem:$0x1E680] =	vst v63  }
0xad: {  	_ =	swait.ge [sflag:s14], $0x1F40  }
0xae: {  	[sflag:s14] =	ssyncset.done $0x0  }
0xaf: {  	s13 =	sadd.s32 $0x2B80, s15;
	[sflag:s14] =	ssyncadd.s32 $0xFFFFE0C0  }
0xb0: {  	[spmem:s3] =	stream.indirect.scatter.add.f32 [tilespmem:s31], [sflag:$0x10], $0x40, s13, s16, $0xb8;
	[tilespmem:$0x1E680] =	vst v63  }
0xb1: {  	_ =	swait.ge [sflag:s4], $0x1F40  }
0xb2: {  	[sflag:s4] =	ssyncset.done $0x0  }
0xb3: {  	s13 =	sadd.s32 $0x400, s15;
	[sflag:s4] =	ssyncadd.s32 $0xFFFFE0C0  }
0xb4: {  	[tilespmem:s17], [sflag:$0x1] =	stream.indirect.gather [hbm4b:s2+s16], $0x40, s13, s16, $0xb8;
	[tilespmem:$0x1E680] =	vst v63  }
0xb5: {  	_ =	swait.ge [sflag:s5], $0x1F40  }
0xb6: {  	[sflag:s5] =	ssyncset.done $0x0  }
0xb7: {  	s13 =	sadd.s32 $0x480, s15;
	[sflag:s5] =	ssyncadd.s32 $0xFFFFE0C0  }
0xb8: {  	[tilespmem:s19], [sflag:$0x2] =	stream.indirect.gather [hbm4b:s2+s16], $0x40, s13, s16, $0xb8;
	[tilespmem:$0x1E680] =	vst v63  }
0xb9: {  	_ =	swait.ge [sflag:s7], $0x1F40  }
0xba: {  	[sflag:s7] =	ssyncset.done $0x0  }
0xbb: {  	s13 =	sadd.s32 $0x500, s15;
	[sflag:s7] =	ssyncadd.s32 $0xFFFFE0C0  }
0xbc: {  	[tilespmem:s21], [sflag:$0x3] =	stream.indirect.gather [hbm4b:s2+s16], $0x40, s13, s16, $0xb8;
	[tilespmem:$0x1E680] =	vst v63  }
0xbd: {  	_ =	swait.ge [sflag:s8], $0x1F40  }
0xbe: {  	[sflag:s8] =	ssyncset.done $0x0  }
0xbf: {  	s13 =	sadd.s32 $0x580, s15;
	[sflag:s8] =	ssyncadd.s32 $0xFFFFE0C0  }
0xc0: {  	[tilespmem:s23], [sflag:$0x4] =	stream.indirect.gather [hbm4b:s2+s16], $0x40, s13, s16, $0xb8;
	[tilespmem:$0x1E680] =	vst v63  }
0xc1: {  	_ =	swait.ge [sflag:s9], $0x1F40  }
0xc2: {  	[sflag:s9] =	ssyncset.done $0x0  }
0xc3: {  	s13 =	sadd.s32 $0x600, s15;
	[sflag:s9] =	ssyncadd.s32 $0xFFFFE0C0  }
0xc4: {  	[tilespmem:s25], [sflag:$0x5] =	stream.indirect.gather [hbm4b:s2+s16], $0x40, s13, s16, $0xb8;
	[tilespmem:$0x1E680] =	vst v63  }
0xc5: {  	_ =	swait.ge [sflag:s10], $0x1F40  }
0xc6: {  	[sflag:s10] =	ssyncset.done $0x0  }
0xc7: {  	s13 =	sadd.s32 $0x680, s15;
	[sflag:s10] =	ssyncadd.s32 $0xFFFFE0C0  }
0xc8: {  	[tilespmem:s28], [sflag:$0x6] =	stream.indirect.gather [hbm4b:s2+s16], $0x40, s13, s16, $0xb8;
	[tilespmem:$0x1E680] =	vst v63  }
0xc9: {  	_ =	swait.ge [sflag:s11], $0x1F40  }
0xca: {  	[sflag:s11] =	ssyncset.done $0x0  }
.Ltmp1:
0xcb: {  	s13 =	sadd.s32 $0x700, s15;
	[sflag:s11] =	ssyncadd.s32 $0xFFFFE0C0;
	(pc) =	sbr.rel @p0 .LBB2_4-.Ltmp1, $4  }
0xcc: {  	[tilespmem:s30], [sflag:$0x7] =	stream.indirect.gather [hbm4b:s2+s16], $0x40, s13, s16, $0xb8;
	[tilespmem:$0x1E680] =	vst v63  }
0xcd: {  	_ =	swait.ge [sflag:s12], $0x1F40  }
0xce: {  	[sflag:s12] =	ssyncset.done $0x0  }
0xcf: {  	s15 =	sadd.s32 $0x780, s15;
	[sflag:s12] =	ssyncadd.s32 $0xFFFFE0C0  }
0xd0: {  	[tilespmem:s31], [sflag:$0x8] =	stream.indirect.gather [hbm4b:s2+s16], $0x40, s15, s16, $0xb8;
	[tilespmem:$0x1E680] =	vst v63  }
0xd1: {  	_ =	swait.ge [sflag:s18], $0x1F40  }
0xd2: {  	[sflag:s18] =	ssyncset.done $0x0  }
0xd3: {  	s6 =	simm.s32 $0x4C00;
	[sflag:s18] =	ssyncadd.s32 $0xFFFFE0C0  }
0xd4: {  	[spmem:s3] =	stream.indirect.scatter.add.f32 [tilespmem:s17], [sflag:$0x9], $0x40, s6, s16, $0xb8;
	[tilespmem:$0x1E680] =	vst v63  }
0xd5: {  	_ =	swait.ge [sflag:s20], $0x1F40  }
0xd6: {  	[sflag:s20] =	ssyncset.done $0x0  }
0xd7: {  	s13 =	simm.s32 $0x4C80;
	[sflag:s20] =	ssyncadd.s32 $0xFFFFE0C0  }
0xd8: {  	[spmem:s3] =	stream.indirect.scatter.add.f32 [tilespmem:s19], [sflag:$0xA], $0x40, s13, s16, $0xb8;
	[tilespmem:$0x1E680] =	vst v63  }
0xd9: {  	_ =	swait.ge [sflag:s0], $0x1F40  }
0xda: {  	[sflag:s0] =	ssyncset.done $0x0  }
0xdb: {  	s15 =	simm.s32 $0x4D00;
	[sflag:s0] =	ssyncadd.s32 $0xFFFFE0C0  }
0xdc: {  	[spmem:s3] =	stream.indirect.scatter.add.f32 [tilespmem:s21], [sflag:$0xB], $0x40, s15, s16, $0xb8;
	[tilespmem:$0x1E680] =	vst v63  }
0xdd: {  	_ =	swait.ge [sflag:s22], $0x1F40  }
0xde: {  	[sflag:s22] =	ssyncset.done $0x0  }
0xdf: {  	s13 =	simm.s32 $0x4D80;
	[sflag:s22] =	ssyncadd.s32 $0xFFFFE0C0  }
0xe0: {  	[spmem:s3] =	stream.indirect.scatter.add.f32 [tilespmem:s23], [sflag:$0xC], $0x40, s13, s16, $0xb8;
	[tilespmem:$0x1E680] =	vst v63  }
0xe1: {  	_ =	swait.ge [sflag:s24], $0x1F40  }
0xe2: {  	[sflag:s24] =	ssyncset.done $0x0  }
0xe3: {  	s15 =	simm.s32 $0x4E00;
	[sflag:s24] =	ssyncadd.s32 $0xFFFFE0C0  }
0xe4: {  	[spmem:s3] =	stream.indirect.scatter.add.f32 [tilespmem:s25], [sflag:$0xD], $0x40, s15, s16, $0xb8;
	[tilespmem:$0x1E680] =	vst v63  }
0xe5: {  	_ =	swait.ge [sflag:s26], $0x1F40  }
0xe6: {  	[sflag:s26] =	ssyncset.done $0x0  }
0xe7: {  	s13 =	simm.s32 $0x4E80;
	[sflag:s26] =	ssyncadd.s32 $0xFFFFE0C0  }
0xe8: {  	[spmem:s3] =	stream.indirect.scatter.add.f32 [tilespmem:s28], [sflag:$0xE], $0x40, s13, s16, $0xb8;
	[tilespmem:$0x1E680] =	vst v63  }
0xe9: {  	_ =	swait.ge [sflag:s29], $0x1F40  }
0xea: {  	[sflag:s29] =	ssyncset.done $0x0  }
0xeb: {  	s15 =	simm.s32 $0x4F00;
	[sflag:s29] =	ssyncadd.s32 $0xFFFFE0C0  }
0xec: {  	[spmem:s3] =	stream.indirect.scatter.add.f32 [tilespmem:s30], [sflag:$0xF], $0x40, s15, s16, $0xb8;
	[tilespmem:$0x1E680] =	vst v63  }
0xed: {  	_ =	swait.ge [sflag:s14], $0x1F40  }
0xee: {  	[sflag:s14] =	ssyncset.done $0x0  }
0xef: {  	s13 =	simm.s32 $0x4F80;
	[sflag:s14] =	ssyncadd.s32 $0xFFFFE0C0  }
0xf0: {  	[spmem:s3] =	stream.indirect.scatter.add.f32 [tilespmem:s31], [sflag:$0x10], $0x40, s13, s16, $0xb8;
	[tilespmem:$0x1E680] =	vst v63  }
0xf1: {  	_ =	swait.ge [sflag:s4], $0x1F40  }
0xf2: {  	[sflag:s4] =	ssyncset.done $0x0  }
0xf3: {  	[sflag:s4] =	ssyncadd.s32 $0xFFFFE0C0  }
0xf4: {  	_ =	swait.ge [sflag:s5], $0x1F40  }
0xf5: {  	[sflag:s5] =	ssyncset.done $0x0  }
0xf6: {  	[sflag:s5] =	ssyncadd.s32 $0xFFFFE0C0  }
0xf7: {  	_ =	swait.ge [sflag:s7], $0x1F40  }
0xf8: {  	[sflag:s7] =	ssyncset.done $0x0  }
0xf9: {  	[sflag:s7] =	ssyncadd.s32 $0xFFFFE0C0  }
0xfa: {  	_ =	swait.ge [sflag:s8], $0x1F40  }
0xfb: {  	[sflag:s8] =	ssyncset.done $0x0  }
0xfc: {  	[sflag:s8] =	ssyncadd.s32 $0xFFFFE0C0  }
0xfd: {  	_ =	swait.ge [sflag:s9], $0x1F40  }
0xfe: {  	[sflag:s9] =	ssyncset.done $0x0  }
0xff: {  	[sflag:s9] =	ssyncadd.s32 $0xFFFFE0C0  }
0x100: {  	_ =	swait.ge [sflag:s10], $0x1F40  }
0x101: {  	[sflag:s10] =	ssyncset.done $0x0  }
0x102: {  	[sflag:s10] =	ssyncadd.s32 $0xFFFFE0C0  }
0x103: {  	_ =	swait.ge [sflag:s11], $0x1F40  }
0x104: {  	[sflag:s11] =	ssyncset.done $0x0  }
0x105: {  	[sflag:s11] =	ssyncadd.s32 $0xFFFFE0C0  }
0x106: {  	_ =	swait.ge [sflag:s12], $0x1F40  }
0x107: {  	[sflag:s12] =	ssyncset.done $0x0  }
0x108: {  	[sflag:s12] =	ssyncadd.s32 $0xFFFFE0C0  }
0x109: {  	s15 =	stileid.u32;
	[bflag:$0x0] =	sbarrier.arrive $0xFFFF  }
0x10a: {  	s6 =	sshll.u32 s15, $0x6;
	s13 =	rddreg [dreg:$0x5]  }
0x10b: {  	s6 =	sor.u32 $0x1C12, s6;
	s15 =	rddreg [dreg:$0xb];
	s13 =	sshrl.u32 s13, $0x3  }
0x10c: {  	[hbm:s15], [sflag:s6] =	dma.local [spmem:s13], $0x1388  }
0x10d: {  	_ =	swait.ge [sflag:s1], $0x1388  }
0x10e: {  	s6 =	rddreg [dreg:$0xd]  }
0x10f: {  	s15 =	rddreg [dreg:$0xc];
	s13 =	sadd.s32 $0x1, s6  }
0x110: {  	p0 =	sne.s32 s13, s15  }
.Ltmp2:
0x111: {  	_ = 	snop;
	(pc) =	sbr.rel @p0 .LBB2_1-.Ltmp2, $3  }
0x112: {  	_ =	sdelay $0x1  }
0x113: {  	[sflag:s1] =	ssyncset.done $0x0  }
0x114: {  	[sflag:s1] =	ssyncadd.s32 $0xFFFFEC78  }
0x115: {  	_ =	sfence.sel $0x180000  }
0x116: {  	[bflag:$0x0] =	sbarrier.arrive $0xFFFF  }
0x117: {  	_ =	strace $0x90000050  }
0x118: {  	s0 =	stileid.u32;
	[bflag:$0x2] =	sbarrier.arrive $0xFFFF  }
0x119: {  	p0 =	sne.s32 s0, $0x0;
	s0 =	rddreg [dreg:$0x3]  }
0x11a: {  	s0 =	sadd.s32 @!p0 $0x100000, s0  }
0x11b: {  	[sflag:s0] =	ssyncadd.tile.s32 @!p0 $0x1;
	_ =	shalt  }
.Lfunc_end2:
_tile_overlayer_lowered:
.L_overlay_start_2:
0x11c: {  	(tag) =	ssettag $0x2  }
0x11d: {  	s0 =	rddreg [dreg:$0x0];
	s2 =	stileid.u32  }
0x11e: {  	s1 =	rddreg [dreg:$0x1];
	p0 =	sne.s32 s2, $0x0  }
0x11f: {  	s3 =	rddreg [dreg:$0x2];
	[bflag:$0x3] =	sbarrier.arrive $0xFFFF;
	s2 =	simm.s32 @!p0 $0x1C12  }
0x120: {  	[timem:s3], [sflag:s2] =	dma.local @!p0 [hbm:s0], s1  }
0x121: {  	s0 =	simm.s32 @!p0 $0x12  }
0x122: {  	_ =	swait.ge @!p0 [sflag:s0], s1  }
0x123: {  	s1 =	ssub.s32 @!p0 $0x0, s1;
	[sflag:s0] =	ssyncset.done @!p0 $0x0  }
0x124: {  	[sflag:s0] =	ssyncadd.s32 @!p0 s1  }
0x125: {  	[bflag:$0x3] =	sbarrier.arrive $0xFFFF  }
0x126: {  	_ =	shalt  }

</sc_bundles>
